<compile_context>
chip_gen: v7x
topology: tpu7x:2x2x1
jax: 0.10.2.dev20260603
libtpu: 0.0.44.dev20260713+nightly
codegen_flags: <defaults>
</compile_context>

<pallas_src>
import functools

import numpy as np
import jax
import jax.numpy as jnp
from jax import lax
from jax.experimental import pallas as pl
from jax.experimental.pallas import tpu as pltpu
from jax.experimental.pallas import tpu_sc as plsc

N = 10000
E = 320000
D = 128
WR = 144
NC = 2
NS = 16
NW = NC * NS
EPW = E // NW
CHUNK = 80
NCHUNK = EPW // CHUNK
ROWS_PER_SUB = N // NS
BN = 1000

f32 = jnp.float32


def _np_consts():
    P = np.zeros((128, 128), np.float32)
    for k in range(8):
        for l in range(16):
            P[(l % 4) * 32 + k * 4 + l // 4, k * 16 + l] = 1.0
    SEGREP = np.zeros((128, 16), np.float32)
    for c in range(128):
        for j in range(16):
            if c // 32 == j % 4:
                SEGREP[c, j] = 1.0
    EXPAND = np.zeros((16, 128), np.float32)
    for c in range(128):
        EXPAND[c // 32, c] = 1.0
    REP1 = np.ones((128, 16), np.float32)
    EXP2 = np.zeros((16, 128), np.float32)
    EXP2[0, :] = 1.0
    return P, P.T.copy(), SEGREP, EXPAND, REP1, EXP2


_P, _PT, _SEGREP, _EXPAND, _REP1, _EXP2 = _np_consts()



def _tc_layer1(x, W1, asf, adf, P, SEGREP):
    def body(x_ref, w_ref, as_ref, ad_ref, p_ref, seg_ref, hrow_ref, adp_ref):
        h = jnp.dot(x_ref[...], w_ref[...], preferred_element_type=f32)
        asrep = jnp.dot(h * as_ref[...], seg_ref[...], preferred_element_type=f32)
        adrep = jnp.dot(h * ad_ref[...], seg_ref[...], preferred_element_type=f32)
        hperm = jnp.dot(h, p_ref[...], preferred_element_type=f32)
        hrow_ref[...] = jnp.concatenate([hperm, asrep], axis=1)
        adp_ref[...] = adrep

    return pl.pallas_call(
        body,
        grid=(N // BN,),
        in_specs=[
            pl.BlockSpec((BN, 128), lambda i: (i, 0)),
            pl.BlockSpec((128, 128), lambda i: (0, 0)),
            pl.BlockSpec((1, 128), lambda i: (0, 0)),
            pl.BlockSpec((1, 128), lambda i: (0, 0)),
            pl.BlockSpec((128, 128), lambda i: (0, 0)),
            pl.BlockSpec((128, 16), lambda i: (0, 0)),
        ],
        out_specs=[
            pl.BlockSpec((BN, WR), lambda i: (i, 0)),
            pl.BlockSpec((BN, 16), lambda i: (i, 0)),
        ],
        out_shape=[
            jax.ShapeDtypeStruct((N, WR), f32),
            jax.ShapeDtypeStruct((N, 16), f32),
        ],
    )(x, W1, asf, adf, P, SEGREP)


def _tc_mid(acc0, acc1, b1r, W2, asf2, adf2, PT, EXPAND, REP1):
    def body(a0, a1, b1_ref, w2_ref, as2_ref, ad2_ref, pt_ref, ex_ref,
             rep_ref, hrow2_ref, adp2_ref):
        acc = a0[...] + a1[...]
        numer = jnp.dot(acc[:, :128], pt_ref[...], preferred_element_type=f32)
        den = jnp.dot(acc[:, 128:144], ex_ref[...], preferred_element_type=f32)
        out1 = numer / (den + 1e-16) + b1_ref[...]
        g = jnp.where(out1 > 0, out1, jnp.exp(out1) - 1.0)
        h2 = jnp.dot(g, w2_ref[...], preferred_element_type=f32)
        as2 = jnp.dot(h2 * as2_ref[...], rep_ref[...], preferred_element_type=f32)
        ad2 = jnp.dot(h2 * ad2_ref[...], rep_ref[...], preferred_element_type=f32)
        hrow2_ref[...] = jnp.concatenate([h2, as2], axis=1)
        adp2_ref[...] = ad2

    return pl.pallas_call(
        body,
        grid=(N // BN,),
        in_specs=[
            pl.BlockSpec((BN, WR), lambda i: (i, 0)),
            pl.BlockSpec((BN, WR), lambda i: (i, 0)),
            pl.BlockSpec((1, 128), lambda i: (0, 0)),
            pl.BlockSpec((128, 128), lambda i: (0, 0)),
            pl.BlockSpec((1, 128), lambda i: (0, 0)),
            pl.BlockSpec((1, 128), lambda i: (0, 0)),
            pl.BlockSpec((128, 128), lambda i: (0, 0)),
            pl.BlockSpec((16, 128), lambda i: (0, 0)),
            pl.BlockSpec((128, 16), lambda i: (0, 0)),
        ],
        out_specs=[
            pl.BlockSpec((BN, WR), lambda i: (i, 0)),
            pl.BlockSpec((BN, 16), lambda i: (i, 0)),
        ],
        out_shape=[
            jax.ShapeDtypeStruct((N, WR), f32),
            jax.ShapeDtypeStruct((N, 16), f32),
        ],
    )(acc0, acc1, b1r, W2, asf2, adf2, PT, EXPAND, REP1)


def _tc_final(acc0, acc1, b2r, EXP2):
    def body(a0, a1, b2_ref, ex2_ref, out_ref):
        acc = a0[...] + a1[...]
        den = jnp.dot(acc[:, 128:144], ex2_ref[...], preferred_element_type=f32)
        out_ref[...] = acc[:, :128] / (den + 1e-16) + b2_ref[...]

    return pl.pallas_call(
        body,
        grid=(N // BN,),
        in_specs=[
            pl.BlockSpec((BN, WR), lambda i: (i, 0)),
            pl.BlockSpec((BN, WR), lambda i: (i, 0)),
            pl.BlockSpec((1, 128), lambda i: (0, 0)),
            pl.BlockSpec((16, 128), lambda i: (0, 0)),
        ],
        out_specs=pl.BlockSpec((BN, 128), lambda i: (i, 0)),
        out_shape=jax.ShapeDtypeStruct((N, 128), f32),
    )(acc0, acc1, b2r, EXP2)



def _make_sc_agg():
    mesh = plsc.VectorSubcoreMesh(core_axis_name="c", subcore_axis_name="s")

    @functools.partial(
        pl.kernel,
        out_type=(jax.ShapeDtypeStruct((N, WR), f32),
                  jax.ShapeDtypeStruct((N, WR), f32)),
        mesh=mesh,
        compiler_params=pltpu.CompilerParams(use_tc_tiling_on_sc=False),
        scratch_types=[
            pltpu.VMEM((CHUNK, WR), f32),
            pltpu.VMEM((CHUNK, WR), f32),
            pltpu.VMEM((CHUNK, 16), f32),
            pltpu.VMEM((CHUNK, 16), f32),
            pltpu.VMEM((NCHUNK, CHUNK), jnp.int32),
            pltpu.VMEM((CHUNK,), jnp.int32),
            pltpu.VMEM((CHUNK,), jnp.int32),
            pltpu.VMEM((CHUNK,), jnp.int32),
            pltpu.VMEM((CHUNK,), jnp.int32),
            pltpu.VMEM_SHARED((N, WR), f32),
            pltpu.SemaphoreType.DMA,
            pltpu.SemaphoreType.DMA,
        ],
    )
    def k(hrow, adp, pidx3, zeros, acc0_out, acc1_out,
          g_bufA, g_bufB, ad_bufA, ad_bufB, pidx_all,
          sidxA, sidxB, didxA, didxB, acc, semA, semB):
        cid = lax.axis_index("c")
        sid = lax.axis_index("s")
        wid = sid * NC + cid
        zbase = sid * ROWS_PER_SUB
        pltpu.sync_copy(pidx3.at[wid], pidx_all)
        pltpu.sync_copy(zeros, acc.at[pl.ds(zbase, ROWS_PER_SUB)])
        plsc.subcore_barrier()

        def fetch(c, g_buf, ad_buf, sidx, didx, sem):
            for g in range(CHUNK // 16):
                p = pidx_all[c, pl.ds(g * 16, 16)]
                sidx[pl.ds(g * 16, 16)] = p >> 14
                didx[pl.ds(g * 16, 16)] = p & 16383
            pltpu.async_copy(hrow.at[sidx], g_buf, sem)
            pltpu.async_copy(adp.at[didx], ad_buf, sem)

        def process(c, g_buf, ad_buf, sidx, didx, sem):
            pltpu.make_async_copy(hrow.at[sidx], g_buf, sem).wait()
            pltpu.make_async_copy(adp.at[didx], ad_buf, sem).wait()

            @pl.loop(0, CHUNK, unroll=2)
            def _(e):
                a = g_buf[e, pl.ds(128, 16)]
                b = ad_buf[e, pl.ds(0, 16)]
                s = a + b
                s = jnp.maximum(s, 0.2 * s)
                w = jnp.exp(s)
                for kk in range(8):
                    v = g_buf[e, pl.ds(kk * 16, 16)]
                    g_buf[e, pl.ds(kk * 16, 16)] = v * w
                g_buf[e, pl.ds(128, 16)] = w

            pltpu.sync_copy(g_buf, acc.at[didx], add=True)

        fetch(0, g_bufA, ad_bufA, sidxA, didxA, semA)

        @pl.loop(0, (NCHUNK - 1) // 2)
        def _(j):
            c = 2 * j
            fetch(c + 1, g_bufB, ad_bufB, sidxB, didxB, semB)
            process(c, g_bufA, ad_bufA, sidxA, didxA, semA)
            fetch(c + 2, g_bufA, ad_bufA, sidxA, didxA, semA)
            process(c + 1, g_bufB, ad_bufB, sidxB, didxB, semB)

        process(NCHUNK - 1, g_bufA, ad_bufA, sidxA, didxA, semA)

        plsc.subcore_barrier()

        @pl.when(cid == 0)
        def _():
            pltpu.sync_copy(acc.at[pl.ds(zbase, ROWS_PER_SUB)],
                            acc0_out.at[pl.ds(zbase, ROWS_PER_SUB)])

        @pl.when(cid == 1)
        def _():
            pltpu.sync_copy(acc.at[pl.ds(zbase, ROWS_PER_SUB)],
                            acc1_out.at[pl.ds(zbase, ROWS_PER_SUB)])

    return k


_sc_agg = _make_sc_agg()



def kernel(x, edge_index, W1, a_src1, a_dst1, b1, W2, a_src2, a_dst2, b2):
    pidx3 = (edge_index[0] * 16384 + edge_index[1]).reshape(NW, NCHUNK, CHUNK)
    asf1 = a_src1.reshape(1, 128)
    adf1 = a_dst1.reshape(1, 128)
    asf2 = a_src2.reshape(1, 128)
    adf2 = a_dst2.reshape(1, 128)
    b1r = b1.reshape(1, 128)
    b2r = b2.reshape(1, 128)
    zeros = jnp.zeros((ROWS_PER_SUB, WR), f32)
    P = jnp.asarray(_P)
    PT = jnp.asarray(_PT)
    SEGREP = jnp.asarray(_SEGREP)
    EXPAND = jnp.asarray(_EXPAND)
    REP1 = jnp.asarray(_REP1)
    EXP2 = jnp.asarray(_EXP2)

    hrow, adp = _tc_layer1(x, W1, asf1, adf1, P, SEGREP)
    acc0, acc1 = _sc_agg(hrow, adp, pidx3, zeros)
    hrow2, adp2 = _tc_mid(acc0, acc1, b1r, W2, asf2, adf2, PT, EXPAND, REP1)
    acc0b, acc1b = _sc_agg(hrow2, adp2, pidx3, zeros)
    out = _tc_final(acc0b, acc1b, b2r, EXP2)
    return out

# --- scband reference (transcript-rebuilt; emitter-appended) ---
"""Pipeline reference for scband-gat-8624294330994 (READ-ONLY COPY).

The authoritative reference and input builder live on the scoring server;
editing this copy changes nothing except your own understanding.
"""

import jax, jax.numpy as jnp
import numpy as np

N = 10000
E = 320000
D_IN = 128
HID = 32
HEADS = 4
D_OUT = 128


def setup_inputs(seed: int = 0) -> dict:
    key = jax.random.key(seed)
    ks = jax.random.split(key, 10)
    x = jax.random.normal(ks[0], (N, D_IN), dtype=jnp.float32)
    edge_index = jax.random.randint(ks[1], (2, E), 0, N, dtype=jnp.int32)
    W1 = jax.random.normal(ks[2], (D_IN, HEADS * HID), dtype=jnp.float32) / np.sqrt(D_IN)
    a_src1 = jax.random.normal(ks[3], (HEADS, HID), dtype=jnp.float32) * 0.1
    a_dst1 = jax.random.normal(ks[4], (HEADS, HID), dtype=jnp.float32) * 0.1
    b1 = jnp.zeros((HEADS * HID,), dtype=jnp.float32)
    W2 = jax.random.normal(ks[5], (HEADS * HID, D_OUT), dtype=jnp.float32) / np.sqrt(HEADS * HID)
    a_src2 = jax.random.normal(ks[6], (1, D_OUT), dtype=jnp.float32) * 0.1
    a_dst2 = jax.random.normal(ks[7], (1, D_OUT), dtype=jnp.float32) * 0.1
    b2 = jnp.zeros((D_OUT,), dtype=jnp.float32)
    return {"x": x, "edge_index": edge_index, "W1": W1, "a_src1": a_src1, "a_dst1": a_dst1, "b1": b1, "W2": W2, "a_src2": a_src2, "a_dst2": a_dst2, "b2": b2}


def _gat_conv(x, edge_index, W, a_src, a_dst, bias, heads, out_ch, concat):
    src = edge_index[0]
    dst = edge_index[1]
    n = x.shape[0]
    h = (x @ W).reshape(n, heads, out_ch)
    alpha_src = jnp.sum(h * a_src[None, :, :], axis=-1)  # [N, H]
    alpha_dst = jnp.sum(h * a_dst[None, :, :], axis=-1)  # [N, H]
    alpha = alpha_src[src] + alpha_dst[dst]              # [E, H]
    alpha = jax.nn.leaky_relu(alpha, negative_slope=0.2)
    amax = jax.ops.segment_max(alpha, dst, num_segments=n)
    amax = jnp.where(jnp.isfinite(amax), amax, 0.0)
    alpha = jnp.exp(alpha - amax[dst])
    denom = jax.ops.segment_sum(alpha, dst, num_segments=n)
    alpha = alpha / (denom[dst] + 1e-16)
    msg = h[src] * alpha[:, :, None]                     # [E, H, C]
    out = jax.ops.segment_sum(msg, dst, num_segments=n)  # [N, H, C]
    if concat:
        out = out.reshape(n, heads * out_ch)
    else:
        out = out.mean(axis=1)
    return out + bias


def reference(x, edge_index, W1, a_src1, a_dst1, b1, W2, a_src2, a_dst2, b2):
    h = _gat_conv(x, edge_index, W1, a_src1, a_dst1, b1, HEADS, HID, True)
    h = jax.nn.elu(h)
    out = _gat_conv(h, edge_index, W2, a_src2, a_dst2, b2, 1, D_OUT, False)
    return out

if __name__ == "__main__":
    import jax
    _d = setup_inputs()
    print(jax.jit(kernel)(*tuple(_d.values())))

</pallas_src>

<mosaic_0001>
#map = affine_map<(d0, d1) -> (0, 0)>
#map1 = affine_map<(d0, d1) -> (0, 0, 0)>
module attributes {stable_mosaic.version = 14 : i64} {
  func.func @k(%arg0: i32, %arg1: i32, %arg2: memref<10000x144xf32, #tpu.memory_space<hbm>>, %arg3: memref<10000x16xf32, #tpu.memory_space<hbm>>, %arg4: memref<32x125x80xi32, #tpu.memory_space<hbm>>, %arg5: memref<625x144xf32, #tpu.memory_space<hbm>>, %arg6: memref<10000x144xf32, #tpu.memory_space<hbm>>, %arg7: memref<10000x144xf32, #tpu.memory_space<hbm>>, %arg8: memref<80x144xf32, #tpu.memory_space<vmem>>, %arg9: memref<80x144xf32, #tpu.memory_space<vmem>>, %arg10: memref<80x16xf32, #tpu.memory_space<vmem>>, %arg11: memref<80x16xf32, #tpu.memory_space<vmem>>, %arg12: memref<125x80xi32, #tpu.memory_space<vmem>>, %arg13: memref<80xi32, #tpu.memory_space<vmem>>, %arg14: memref<80xi32, #tpu.memory_space<vmem>>, %arg15: memref<80xi32, #tpu.memory_space<vmem>>, %arg16: memref<80xi32, #tpu.memory_space<vmem>>, %arg17: memref<10000x144xf32, #tpu.memory_space<vmem_shared>>, %arg18: memref<!tpu.dma_semaphore, #tpu.memory_space<semaphore_mem>>, %arg19: memref<!tpu.dma_semaphore, #tpu.memory_space<semaphore_mem>>) attributes {dimension_semantics = [#tpu.dimension_semantics<core_parallel>, #tpu.dimension_semantics<subcore_parallel>], iteration_bounds = array<i64: 2, 16>, scalar_prefetch = 0 : i64, scratch_operands = 12 : i64, tpu.core_type = #tpu.core_type<sc_vector_subcore>, window_params = [{transform_indices = #map}, {transform_indices = #map}, {transform_indices = #map1}, {transform_indices = #map}, {transform_indices = #map}, {transform_indices = #map}]} {
    %mul3A = arith.constant 2 : i32
    %mul3A_0 = arith.muli %arg1, %mul3A : i32
    %add3A = arith.addi %mul3A_0, %arg0 : i32
    %mul3A_1 = arith.constant 625 : i32
    %mul3A_2 = arith.muli %arg1, %mul3A_1 : i32
    "tpu.region"() ({
      %run_scoped3A = tpu.sem_alloc : memref<!tpu.dma_semaphore, #tpu.memory_space<semaphore_mem>>
      %dma_start3A_121 = arith.constant 0 : i32
      %dma_start3A_122 = arith.constant 0 : i32
      %dma_start3A_123 = tpu.memref_slice %arg4[%add3A, %dma_start3A_121, %dma_start3A_122] : memref<32x125x80xi32, #tpu.memory_space<hbm>> -> memref<1x125x80xi32, #tpu.memory_space<hbm>>
      %dma_start3A_124 = tpu.memref_squeeze %dma_start3A_123 : memref<1x125x80xi32, #tpu.memory_space<hbm>> -> memref<125x80xi32, #tpu.memory_space<hbm>>
      %dma_start3A_125 = arith.constant 0 : i32
      %dma_start3A_126 = arith.constant 0 : i32
      %dma_start3A_127 = tpu.memref_slice %arg4[%add3A, %dma_start3A_125, %dma_start3A_126] : memref<32x125x80xi32, #tpu.memory_space<hbm>> -> memref<1x125x80xi32, #tpu.memory_space<hbm>>
      %dma_start3A_128 = tpu.memref_squeeze %dma_start3A_127 : memref<1x125x80xi32, #tpu.memory_space<hbm>> -> memref<125x80xi32, #tpu.memory_space<hbm>>
      tpu.enqueue_dma source(%dma_start3A_128 : memref<125x80xi32, #tpu.memory_space<hbm>>) target(%arg12 : memref<125x80xi32, #tpu.memory_space<vmem>>) target_semaphore(%run_scoped3A : memref<!tpu.dma_semaphore, #tpu.memory_space<semaphore_mem>>)
      %dma_wait3A_129 = arith.constant 0 : i32
      %dma_wait3A_130 = arith.constant 0 : i32
      %dma_wait3A_131 = tpu.memref_slice %arg4[%add3A, %dma_wait3A_129, %dma_wait3A_130] : memref<32x125x80xi32, #tpu.memory_space<hbm>> -> memref<1x125x80xi32, #tpu.memory_space<hbm>>
      %dma_wait3A_132 = tpu.memref_squeeze %dma_wait3A_131 : memref<1x125x80xi32, #tpu.memory_space<hbm>> -> memref<125x80xi32, #tpu.memory_space<hbm>>
      %dma_wait3A_133 = arith.constant 0 : i32
      %dma_wait3A_134 = arith.constant 0 : i32
      %dma_wait3A_135 = tpu.memref_slice %arg4[%add3A, %dma_wait3A_133, %dma_wait3A_134] : memref<32x125x80xi32, #tpu.memory_space<hbm>> -> memref<1x125x80xi32, #tpu.memory_space<hbm>>
      %dma_wait3A_136 = tpu.memref_squeeze %dma_wait3A_135 : memref<1x125x80xi32, #tpu.memory_space<hbm>> -> memref<125x80xi32, #tpu.memory_space<hbm>>
      tpu.wait_dma2 semaphore(%run_scoped3A : memref<!tpu.dma_semaphore, #tpu.memory_space<semaphore_mem>>) src(%dma_wait3A_136 : memref<125x80xi32, #tpu.memory_space<hbm>>) dst(%arg12 : memref<125x80xi32, #tpu.memory_space<vmem>>)
      tpu.yield
    }) : () -> ()
    "tpu.region"() ({
      %run_scoped3A = tpu.sem_alloc : memref<!tpu.dma_semaphore, #tpu.memory_space<semaphore_mem>>
      %dma_start3A_121 = arith.constant 0 : i32
      %dma_start3A_122 = tpu.memref_slice %arg17[%mul3A_2, %dma_start3A_121] : memref<10000x144xf32, #tpu.memory_space<vmem_shared>> -> memref<625x144xf32, #tpu.memory_space<vmem_shared>>
      tpu.enqueue_dma source(%arg5 : memref<625x144xf32, #tpu.memory_space<hbm>>) target(%dma_start3A_122 : memref<625x144xf32, #tpu.memory_space<vmem_shared>>) target_semaphore(%run_scoped3A : memref<!tpu.dma_semaphore, #tpu.memory_space<semaphore_mem>>)
      %dma_wait3A_123 = arith.constant 0 : i32
      %dma_wait3A_124 = tpu.memref_slice %arg17[%mul3A_2, %dma_wait3A_123] : memref<10000x144xf32, #tpu.memory_space<vmem_shared>> -> memref<625x144xf32, #tpu.memory_space<vmem_shared>>
      tpu.wait_dma2 semaphore(%run_scoped3A : memref<!tpu.dma_semaphore, #tpu.memory_space<semaphore_mem>>) src(%arg5 : memref<625x144xf32, #tpu.memory_space<hbm>>) dst(%dma_wait3A_124 : memref<625x144xf32, #tpu.memory_space<vmem_shared>>)
      tpu.yield
    }) : () -> ()
    %barrier3A = arith.constant 0 : index
    tpu.barrier barrier_id(%barrier3A)
    %get3A = arith.constant 0 : i32
    %get3A_3 = arith.index_cast %get3A : i32 to index
    %get3A_4 = arith.constant 0 : index
    %get3A_5 = tpu.vector_load %arg12[%get3A_3, %get3A_4] {strides = array<i32>} : memref<125x80xi32, #tpu.memory_space<vmem>>, vector<1x16xi32>,
    %get3A_6 = vector.shape_cast %get3A_5 : vector<1x16xi32> to vector<16xi32>
    %shift_right_arithmetic3A = arith.constant 14 : i32
    %shift_right_arithmetic3A_7 = vector.broadcast %shift_right_arithmetic3A : i32 to vector<16xi32>
    %shift_right_arithmetic3A_8 = arith.shrsi %get3A_6, %shift_right_arithmetic3A_7 : vector<16xi32>
    %swap3A = arith.constant 0 : index
    %swap3A_9 = tpu.vector_load %arg13[%swap3A] {strides = array<i32>} : memref<80xi32, #tpu.memory_space<vmem>>, vector<16xi32>,
    %swap3A_10 = vector.shape_cast %swap3A_9 : vector<16xi32> to vector<16xi32>
    %swap3A_11 = vector.shape_cast %shift_right_arithmetic3A_8 : vector<16xi32> to vector<16xi32>
    tpu.vector_store %arg13[%swap3A], %swap3A_11 {strides = array<i32>} : memref<80xi32, #tpu.memory_space<vmem>>, vector<16xi32>,
    %and3A = arith.constant 16383 : i32
    %and3A_12 = vector.broadcast %and3A : i32 to vector<16xi32>
    %and3A_13 = arith.andi %get3A_6, %and3A_12 : vector<16xi32>
    %swap3A_14 = arith.constant 0 : index
    %swap3A_15 = tpu.vector_load %arg15[%swap3A_14] {strides = array<i32>} : memref<80xi32, #tpu.memory_space<vmem>>, vector<16xi32>,
    %swap3A_16 = vector.shape_cast %swap3A_15 : vector<16xi32> to vector<16xi32>
    %swap3A_17 = vector.shape_cast %and3A_13 : vector<16xi32> to vector<16xi32>
    tpu.vector_store %arg15[%swap3A_14], %swap3A_17 {strides = array<i32>} : memref<80xi32, #tpu.memory_space<vmem>>, vector<16xi32>,
    %get3A_18 = arith.constant 0 : i32
    %get3A_19 = arith.index_cast %get3A_18 : i32 to index
    %get3A_20 = arith.constant 16 : index
    %get3A_21 = tpu.vector_load %arg12[%get3A_19, %get3A_20] {strides = array<i32>} : memref<125x80xi32, #tpu.memory_space<vmem>>, vector<1x16xi32>,
    %get3A_22 = vector.shape_cast %get3A_21 : vector<1x16xi32> to vector<16xi32>
    %shift_right_arithmetic3A_23 = arith.constant 14 : i32
    %shift_right_arithmetic3A_24 = vector.broadcast %shift_right_arithmetic3A_23 : i32 to vector<16xi32>
    %shift_right_arithmetic3A_25 = arith.shrsi %get3A_22, %shift_right_arithmetic3A_24 : vector<16xi32>
    %swap3A_26 = arith.constant 16 : index
    %swap3A_27 = tpu.vector_load %arg13[%swap3A_26] {strides = array<i32>} : memref<80xi32, #tpu.memory_space<vmem>>, vector<16xi32>,
    %swap3A_28 = vector.shape_cast %swap3A_27 : vector<16xi32> to vector<16xi32>
    %swap3A_29 = vector.shape_cast %shift_right_arithmetic3A_25 : vector<16xi32> to vector<16xi32>
    tpu.vector_store %arg13[%swap3A_26], %swap3A_29 {strides = array<i32>} : memref<80xi32, #tpu.memory_space<vmem>>, vector<16xi32>,
    %and3A_30 = arith.constant 16383 : i32
    %and3A_31 = vector.broadcast %and3A_30 : i32 to vector<16xi32>
    %and3A_32 = arith.andi %get3A_22, %and3A_31 : vector<16xi32>
    %swap3A_33 = arith.constant 16 : index
    %swap3A_34 = tpu.vector_load %arg15[%swap3A_33] {strides = array<i32>} : memref<80xi32, #tpu.memory_space<vmem>>, vector<16xi32>,
    %swap3A_35 = vector.shape_cast %swap3A_34 : vector<16xi32> to vector<16xi32>
    %swap3A_36 = vector.shape_cast %and3A_32 : vector<16xi32> to vector<16xi32>
    tpu.vector_store %arg15[%swap3A_33], %swap3A_36 {strides = array<i32>} : memref<80xi32, #tpu.memory_space<vmem>>, vector<16xi32>,
    %get3A_37 = arith.constant 0 : i32
    %get3A_38 = arith.index_cast %get3A_37 : i32 to index
    %get3A_39 = arith.constant 32 : index
    %get3A_40 = tpu.vector_load %arg12[%get3A_38, %get3A_39] {strides = array<i32>} : memref<125x80xi32, #tpu.memory_space<vmem>>, vector<1x16xi32>,
    %get3A_41 = vector.shape_cast %get3A_40 : vector<1x16xi32> to vector<16xi32>
    %shift_right_arithmetic3A_42 = arith.constant 14 : i32
    %shift_right_arithmetic3A_43 = vector.broadcast %shift_right_arithmetic3A_42 : i32 to vector<16xi32>
    %shift_right_arithmetic3A_44 = arith.shrsi %get3A_41, %shift_right_arithmetic3A_43 : vector<16xi32>
    %swap3A_45 = arith.constant 32 : index
    %swap3A_46 = tpu.vector_load %arg13[%swap3A_45] {strides = array<i32>} : memref<80xi32, #tpu.memory_space<vmem>>, vector<16xi32>,
    %swap3A_47 = vector.shape_cast %swap3A_46 : vector<16xi32> to vector<16xi32>
    %swap3A_48 = vector.shape_cast %shift_right_arithmetic3A_44 : vector<16xi32> to vector<16xi32>
    tpu.vector_store %arg13[%swap3A_45], %swap3A_48 {strides = array<i32>} : memref<80xi32, #tpu.memory_space<vmem>>, vector<16xi32>,
    %and3A_49 = arith.constant 16383 : i32
    %and3A_50 = vector.broadcast %and3A_49 : i32 to vector<16xi32>
    %and3A_51 = arith.andi %get3A_41, %and3A_50 : vector<16xi32>
    %swap3A_52 = arith.constant 32 : index
    %swap3A_53 = tpu.vector_load %arg15[%swap3A_52] {strides = array<i32>} : memref<80xi32, #tpu.memory_space<vmem>>, vector<16xi32>,
    %swap3A_54 = vector.shape_cast %swap3A_53 : vector<16xi32> to vector<16xi32>
    %swap3A_55 = vector.shape_cast %and3A_51 : vector<16xi32> to vector<16xi32>
    tpu.vector_store %arg15[%swap3A_52], %swap3A_55 {strides = array<i32>} : memref<80xi32, #tpu.memory_space<vmem>>, vector<16xi32>,
    %get3A_56 = arith.constant 0 : i32
    %get3A_57 = arith.index_cast %get3A_56 : i32 to index
    %get3A_58 = arith.constant 48 : index
    %get3A_59 = tpu.vector_load %arg12[%get3A_57, %get3A_58] {strides = array<i32>} : memref<125x80xi32, #tpu.memory_space<vmem>>, vector<1x16xi32>,
    %get3A_60 = vector.shape_cast %get3A_59 : vector<1x16xi32> to vector<16xi32>
    %shift_right_arithmetic3A_61 = arith.constant 14 : i32
    %shift_right_arithmetic3A_62 = vector.broadcast %shift_right_arithmetic3A_61 : i32 to vector<16xi32>
    %shift_right_arithmetic3A_63 = arith.shrsi %get3A_60, %shift_right_arithmetic3A_62 : vector<16xi32>
    %swap3A_64 = arith.constant 48 : index
    %swap3A_65 = tpu.vector_load %arg13[%swap3A_64] {strides = array<i32>} : memref<80xi32, #tpu.memory_space<vmem>>, vector<16xi32>,
    %swap3A_66 = vector.shape_cast %swap3A_65 : vector<16xi32> to vector<16xi32>
    %swap3A_67 = vector.shape_cast %shift_right_arithmetic3A_63 : vector<16xi32> to vector<16xi32>
    tpu.vector_store %arg13[%swap3A_64], %swap3A_67 {strides = array<i32>} : memref<80xi32, #tpu.memory_space<vmem>>, vector<16xi32>,
    %and3A_68 = arith.constant 16383 : i32
    %and3A_69 = vector.broadcast %and3A_68 : i32 to vector<16xi32>
    %and3A_70 = arith.andi %get3A_60, %and3A_69 : vector<16xi32>
    %swap3A_71 = arith.constant 48 : index
    %swap3A_72 = tpu.vector_load %arg15[%swap3A_71] {strides = array<i32>} : memref<80xi32, #tpu.memory_space<vmem>>, vector<16xi32>,
    %swap3A_73 = vector.shape_cast %swap3A_72 : vector<16xi32> to vector<16xi32>
    %swap3A_74 = vector.shape_cast %and3A_70 : vector<16xi32> to vector<16xi32>
    tpu.vector_store %arg15[%swap3A_71], %swap3A_74 {strides = array<i32>} : memref<80xi32, #tpu.memory_space<vmem>>, vector<16xi32>,
    %get3A_75 = arith.constant 0 : i32
    %get3A_76 = arith.index_cast %get3A_75 : i32 to index
    %get3A_77 = arith.constant 64 : index
    %get3A_78 = tpu.vector_load %arg12[%get3A_76, %get3A_77] {strides = array<i32>} : memref<125x80xi32, #tpu.memory_space<vmem>>, vector<1x16xi32>,
    %get3A_79 = vector.shape_cast %get3A_78 : vector<1x16xi32> to vector<16xi32>
    %shift_right_arithmetic3A_80 = arith.constant 14 : i32
    %shift_right_arithmetic3A_81 = vector.broadcast %shift_right_arithmetic3A_80 : i32 to vector<16xi32>
    %shift_right_arithmetic3A_82 = arith.shrsi %get3A_79, %shift_right_arithmetic3A_81 : vector<16xi32>
    %swap3A_83 = arith.constant 64 : index
    %swap3A_84 = tpu.vector_load %arg13[%swap3A_83] {strides = array<i32>} : memref<80xi32, #tpu.memory_space<vmem>>, vector<16xi32>,
    %swap3A_85 = vector.shape_cast %swap3A_84 : vector<16xi32> to vector<16xi32>
    %swap3A_86 = vector.shape_cast %shift_right_arithmetic3A_82 : vector<16xi32> to vector<16xi32>
    tpu.vector_store %arg13[%swap3A_83], %swap3A_86 {strides = array<i32>} : memref<80xi32, #tpu.memory_space<vmem>>, vector<16xi32>,
    %and3A_87 = arith.constant 16383 : i32
    %and3A_88 = vector.broadcast %and3A_87 : i32 to vector<16xi32>
    %and3A_89 = arith.andi %get3A_79, %and3A_88 : vector<16xi32>
    %swap3A_90 = arith.constant 64 : index
    %swap3A_91 = tpu.vector_load %arg15[%swap3A_90] {strides = array<i32>} : memref<80xi32, #tpu.memory_space<vmem>>, vector<16xi32>,
    %swap3A_92 = vector.shape_cast %swap3A_91 : vector<16xi32> to vector<16xi32>
    %swap3A_93 = vector.shape_cast %and3A_89 : vector<16xi32> to vector<16xi32>
    tpu.vector_store %arg15[%swap3A_90], %swap3A_93 {strides = array<i32>} : memref<80xi32, #tpu.memory_space<vmem>>, vector<16xi32>,
    %dma_start3A = arith.constant 0 : i32
    %dma_start3A_94 = arith.constant 0 : i32
    %dma_start3A_95 = tpu.memref_slice %arg2[%dma_start3A, %dma_start3A_94] : memref<10000x144xf32, #tpu.memory_space<hbm>> -> memref<10000x144xf32, #tpu.memory_space<hbm>>
    tpu.enqueue_indirect_dma source(%dma_start3A_95 : memref<10000x144xf32, #tpu.memory_space<hbm>>) target(%arg8 : memref<80x144xf32, #tpu.memory_space<vmem>>) offsets(%arg13 : memref<80xi32, #tpu.memory_space<vmem>>) semaphore(%arg18 : memref<!tpu.dma_semaphore, #tpu.memory_space<semaphore_mem>>)
    %dma_start3A_96 = arith.constant 0 : i32
    %dma_start3A_97 = arith.constant 0 : i32
    %dma_start3A_98 = tpu.memref_slice %arg3[%dma_start3A_96, %dma_start3A_97] : memref<10000x16xf32, #tpu.memory_space<hbm>> -> memref<10000x16xf32, #tpu.memory_space<hbm>>
    tpu.enqueue_indirect_dma source(%dma_start3A_98 : memref<10000x16xf32, #tpu.memory_space<hbm>>) target(%arg10 : memref<80x16xf32, #tpu.memory_space<vmem>>) offsets(%arg15 : memref<80xi32, #tpu.memory_space<vmem>>) semaphore(%arg18 : memref<!tpu.dma_semaphore, #tpu.memory_space<semaphore_mem>>)
    %scan3A = arith.constant 0 : i32
    %scan3A_99 = arith.constant 62 : i32
    %scan3A_100 = arith.addi %scan3A, %scan3A_99 : i32
    %scan3A_101 = arith.constant 1 : i32
    scf.for %scan3A_121 = %scan3A to %scan3A_100 step %scan3A_101  : i32 {
      %mul3A_122 = arith.constant 1 : i32
      %mul3A_123 = arith.muli %scan3A_121, %mul3A_122 : i32
      %add3A_124 = arith.constant 0 : i32
      %add3A_125 = arith.addi %add3A_124, %mul3A_123 : i32
      %mul3A_126 = arith.constant 2 : i32
      %mul3A_127 = arith.muli %mul3A_126, %add3A_125 : i32
      %add3A_128 = arith.constant 1 : i32
      %add3A_129 = arith.addi %mul3A_127, %add3A_128 : i32
      %get3A_130 = arith.index_cast %add3A_129 : i32 to index
      %get3A_131 = arith.constant 0 : index
      %get3A_132 = tpu.vector_load %arg12[%get3A_130, %get3A_131] {strides = array<i32>} : memref<125x80xi32, #tpu.memory_space<vmem>>, vector<1x16xi32>,
      %get3A_133 = vector.shape_cast %get3A_132 : vector<1x16xi32> to vector<16xi32>
      %shift_right_arithmetic3A_134 = arith.constant 14 : i32
      %shift_right_arithmetic3A_135 = vector.broadcast %shift_right_arithmetic3A_134 : i32 to vector<16xi32>
      %shift_right_arithmetic3A_136 = arith.shrsi %get3A_133, %shift_right_arithmetic3A_135 : vector<16xi32>
      %swap3A_137 = arith.constant 0 : index
      %swap3A_138 = tpu.vector_load %arg14[%swap3A_137] {strides = array<i32>} : memref<80xi32, #tpu.memory_space<vmem>>, vector<16xi32>,
      %swap3A_139 = vector.shape_cast %swap3A_138 : vector<16xi32> to vector<16xi32>
      %swap3A_140 = vector.shape_cast %shift_right_arithmetic3A_136 : vector<16xi32> to vector<16xi32>
      tpu.vector_store %arg14[%swap3A_137], %swap3A_140 {strides = array<i32>} : memref<80xi32, #tpu.memory_space<vmem>>, vector<16xi32>,
      %and3A_141 = arith.constant 16383 : i32
      %and3A_142 = vector.broadcast %and3A_141 : i32 to vector<16xi32>
      %and3A_143 = arith.andi %get3A_133, %and3A_142 : vector<16xi32>
      %swap3A_144 = arith.constant 0 : index
      %swap3A_145 = tpu.vector_load %arg16[%swap3A_144] {strides = array<i32>} : memref<80xi32, #tpu.memory_space<vmem>>, vector<16xi32>,
      %swap3A_146 = vector.shape_cast %swap3A_145 : vector<16xi32> to vector<16xi32>
      %swap3A_147 = vector.shape_cast %and3A_143 : vector<16xi32> to vector<16xi32>
      tpu.vector_store %arg16[%swap3A_144], %swap3A_147 {strides = array<i32>} : memref<80xi32, #tpu.memory_space<vmem>>, vector<16xi32>,
      %get3A_148 = arith.index_cast %add3A_129 : i32 to index
      %get3A_149 = arith.constant 16 : index
      %get3A_150 = tpu.vector_load %arg12[%get3A_148, %get3A_149] {strides = array<i32>} : memref<125x80xi32, #tpu.memory_space<vmem>>, vector<1x16xi32>,
      %get3A_151 = vector.shape_cast %get3A_150 : vector<1x16xi32> to vector<16xi32>
      %shift_right_arithmetic3A_152 = arith.constant 14 : i32
      %shift_right_arithmetic3A_153 = vector.broadcast %shift_right_arithmetic3A_152 : i32 to vector<16xi32>
      %shift_right_arithmetic3A_154 = arith.shrsi %get3A_151, %shift_right_arithmetic3A_153 : vector<16xi32>
      %swap3A_155 = arith.constant 16 : index
      %swap3A_156 = tpu.vector_load %arg14[%swap3A_155] {strides = array<i32>} : memref<80xi32, #tpu.memory_space<vmem>>, vector<16xi32>,
      %swap3A_157 = vector.shape_cast %swap3A_156 : vector<16xi32> to vector<16xi32>
      %swap3A_158 = vector.shape_cast %shift_right_arithmetic3A_154 : vector<16xi32> to vector<16xi32>
      tpu.vector_store %arg14[%swap3A_155], %swap3A_158 {strides = array<i32>} : memref<80xi32, #tpu.memory_space<vmem>>, vector<16xi32>,
      %and3A_159 = arith.constant 16383 : i32
      %and3A_160 = vector.broadcast %and3A_159 : i32 to vector<16xi32>
      %and3A_161 = arith.andi %get3A_151, %and3A_160 : vector<16xi32>
      %swap3A_162 = arith.constant 16 : index
      %swap3A_163 = tpu.vector_load %arg16[%swap3A_162] {strides = array<i32>} : memref<80xi32, #tpu.memory_space<vmem>>, vector<16xi32>,
      %swap3A_164 = vector.shape_cast %swap3A_163 : vector<16xi32> to vector<16xi32>
      %swap3A_165 = vector.shape_cast %and3A_161 : vector<16xi32> to vector<16xi32>
      tpu.vector_store %arg16[%swap3A_162], %swap3A_165 {strides = array<i32>} : memref<80xi32, #tpu.memory_space<vmem>>, vector<16xi32>,
      %get3A_166 = arith.index_cast %add3A_129 : i32 to index
      %get3A_167 = arith.constant 32 : index
      %get3A_168 = tpu.vector_load %arg12[%get3A_166, %get3A_167] {strides = array<i32>} : memref<125x80xi32, #tpu.memory_space<vmem>>, vector<1x16xi32>,
      %get3A_169 = vector.shape_cast %get3A_168 : vector<1x16xi32> to vector<16xi32>
      %shift_right_arithmetic3A_170 = arith.constant 14 : i32
      %shift_right_arithmetic3A_171 = vector.broadcast %shift_right_arithmetic3A_170 : i32 to vector<16xi32>
      %shift_right_arithmetic3A_172 = arith.shrsi %get3A_169, %shift_right_arithmetic3A_171 : vector<16xi32>
      %swap3A_173 = arith.constant 32 : index
      %swap3A_174 = tpu.vector_load %arg14[%swap3A_173] {strides = array<i32>} : memref<80xi32, #tpu.memory_space<vmem>>, vector<16xi32>,
      %swap3A_175 = vector.shape_cast %swap3A_174 : vector<16xi32> to vector<16xi32>
      %swap3A_176 = vector.shape_cast %shift_right_arithmetic3A_172 : vector<16xi32> to vector<16xi32>
      tpu.vector_store %arg14[%swap3A_173], %swap3A_176 {strides = array<i32>} : memref<80xi32, #tpu.memory_space<vmem>>, vector<16xi32>,
      %and3A_177 = arith.constant 16383 : i32
      %and3A_178 = vector.broadcast %and3A_177 : i32 to vector<16xi32>
      %and3A_179 = arith.andi %get3A_169, %and3A_178 : vector<16xi32>
      %swap3A_180 = arith.constant 32 : index
      %swap3A_181 = tpu.vector_load %arg16[%swap3A_180] {strides = array<i32>} : memref<80xi32, #tpu.memory_space<vmem>>, vector<16xi32>,
      %swap3A_182 = vector.shape_cast %swap3A_181 : vector<16xi32> to vector<16xi32>
      %swap3A_183 = vector.shape_cast %and3A_179 : vector<16xi32> to vector<16xi32>
      tpu.vector_store %arg16[%swap3A_180], %swap3A_183 {strides = array<i32>} : memref<80xi32, #tpu.memory_space<vmem>>, vector<16xi32>,
      %get3A_184 = arith.index_cast %add3A_129 : i32 to index
      %get3A_185 = arith.constant 48 : index
      %get3A_186 = tpu.vector_load %arg12[%get3A_184, %get3A_185] {strides = array<i32>} : memref<125x80xi32, #tpu.memory_space<vmem>>, vector<1x16xi32>,
      %get3A_187 = vector.shape_cast %get3A_186 : vector<1x16xi32> to vector<16xi32>
      %shift_right_arithmetic3A_188 = arith.constant 14 : i32
      %shift_right_arithmetic3A_189 = vector.broadcast %shift_right_arithmetic3A_188 : i32 to vector<16xi32>
      %shift_right_arithmetic3A_190 = arith.shrsi %get3A_187, %shift_right_arithmetic3A_189 : vector<16xi32>
      %swap3A_191 = arith.constant 48 : index
      %swap3A_192 = tpu.vector_load %arg14[%swap3A_191] {strides = array<i32>} : memref<80xi32, #tpu.memory_space<vmem>>, vector<16xi32>,
      %swap3A_193 = vector.shape_cast %swap3A_192 : vector<16xi32> to vector<16xi32>
      %swap3A_194 = vector.shape_cast %shift_right_arithmetic3A_190 : vector<16xi32> to vector<16xi32>
      tpu.vector_store %arg14[%swap3A_191], %swap3A_194 {strides = array<i32>} : memref<80xi32, #tpu.memory_space<vmem>>, vector<16xi32>,
      %and3A_195 = arith.constant 16383 : i32
      %and3A_196 = vector.broadcast %and3A_195 : i32 to vector<16xi32>
      %and3A_197 = arith.andi %get3A_187, %and3A_196 : vector<16xi32>
      %swap3A_198 = arith.constant 48 : index
      %swap3A_199 = tpu.vector_load %arg16[%swap3A_198] {strides = array<i32>} : memref<80xi32, #tpu.memory_space<vmem>>, vector<16xi32>,
      %swap3A_200 = vector.shape_cast %swap3A_199 : vector<16xi32> to vector<16xi32>
      %swap3A_201 = vector.shape_cast %and3A_197 : vector<16xi32> to vector<16xi32>
      tpu.vector_store %arg16[%swap3A_198], %swap3A_201 {strides = array<i32>} : memref<80xi32, #tpu.memory_space<vmem>>, vector<16xi32>,
      %get3A_202 = arith.index_cast %add3A_129 : i32 to index
      %get3A_203 = arith.constant 64 : index
      %get3A_204 = tpu.vector_load %arg12[%get3A_202, %get3A_203] {strides = array<i32>} : memref<125x80xi32, #tpu.memory_space<vmem>>, vector<1x16xi32>,
      %get3A_205 = vector.shape_cast %get3A_204 : vector<1x16xi32> to vector<16xi32>
      %shift_right_arithmetic3A_206 = arith.constant 14 : i32
      %shift_right_arithmetic3A_207 = vector.broadcast %shift_right_arithmetic3A_206 : i32 to vector<16xi32>
      %shift_right_arithmetic3A_208 = arith.shrsi %get3A_205, %shift_right_arithmetic3A_207 : vector<16xi32>
      %swap3A_209 = arith.constant 64 : index
      %swap3A_210 = tpu.vector_load %arg14[%swap3A_209] {strides = array<i32>} : memref<80xi32, #tpu.memory_space<vmem>>, vector<16xi32>,
      %swap3A_211 = vector.shape_cast %swap3A_210 : vector<16xi32> to vector<16xi32>
      %swap3A_212 = vector.shape_cast %shift_right_arithmetic3A_208 : vector<16xi32> to vector<16xi32>
      tpu.vector_store %arg14[%swap3A_209], %swap3A_212 {strides = array<i32>} : memref<80xi32, #tpu.memory_space<vmem>>, vector<16xi32>,
      %and3A_213 = arith.constant 16383 : i32
      %and3A_214 = vector.broadcast %and3A_213 : i32 to vector<16xi32>
      %and3A_215 = arith.andi %get3A_205, %and3A_214 : vector<16xi32>
      %swap3A_216 = arith.constant 64 : index
      %swap3A_217 = tpu.vector_load %arg16[%swap3A_216] {strides = array<i32>} : memref<80xi32, #tpu.memory_space<vmem>>, vector<16xi32>,
      %swap3A_218 = vector.shape_cast %swap3A_217 : vector<16xi32> to vector<16xi32>
      %swap3A_219 = vector.shape_cast %and3A_215 : vector<16xi32> to vector<16xi32>
      tpu.vector_store %arg16[%swap3A_216], %swap3A_219 {strides = array<i32>} : memref<80xi32, #tpu.memory_space<vmem>>, vector<16xi32>,
      %dma_start3A_220 = arith.constant 0 : i32
      %dma_start3A_221 = arith.constant 0 : i32
      %dma_start3A_222 = tpu.memref_slice %arg2[%dma_start3A_220, %dma_start3A_221] : memref<10000x144xf32, #tpu.memory_space<hbm>> -> memref<10000x144xf32, #tpu.memory_space<hbm>>
      tpu.enqueue_indirect_dma source(%dma_start3A_222 : memref<10000x144xf32, #tpu.memory_space<hbm>>) target(%arg9 : memref<80x144xf32, #tpu.memory_space<vmem>>) offsets(%arg14 : memref<80xi32, #tpu.memory_space<vmem>>) semaphore(%arg19 : memref<!tpu.dma_semaphore, #tpu.memory_space<semaphore_mem>>)
      %dma_start3A_223 = arith.constant 0 : i32
      %dma_start3A_224 = arith.constant 0 : i32
      %dma_start3A_225 = tpu.memref_slice %arg3[%dma_start3A_223, %dma_start3A_224] : memref<10000x16xf32, #tpu.memory_space<hbm>> -> memref<10000x16xf32, #tpu.memory_space<hbm>>
      tpu.enqueue_indirect_dma source(%dma_start3A_225 : memref<10000x16xf32, #tpu.memory_space<hbm>>) target(%arg11 : memref<80x16xf32, #tpu.memory_space<vmem>>) offsets(%arg16 : memref<80xi32, #tpu.memory_space<vmem>>) semaphore(%arg19 : memref<!tpu.dma_semaphore, #tpu.memory_space<semaphore_mem>>)
      %dma_wait3A_226 = arith.constant 0 : i32
      %dma_wait3A_227 = arith.constant 0 : i32
      %dma_wait3A_228 = tpu.memref_slice %arg2[%dma_wait3A_226, %dma_wait3A_227] : memref<10000x144xf32, #tpu.memory_space<hbm>> -> memref<10000x144xf32, #tpu.memory_space<hbm>>
      tpu.wait_indirect_dma semaphore(%arg18 : memref<!tpu.dma_semaphore, #tpu.memory_space<semaphore_mem>>) src(%dma_wait3A_228 : memref<10000x144xf32, #tpu.memory_space<hbm>>) dst(%arg8 : memref<80x144xf32, #tpu.memory_space<vmem>>)
      %dma_wait3A_229 = arith.constant 0 : i32
      %dma_wait3A_230 = arith.constant 0 : i32
      %dma_wait3A_231 = tpu.memref_slice %arg3[%dma_wait3A_229, %dma_wait3A_230] : memref<10000x16xf32, #tpu.memory_space<hbm>> -> memref<10000x16xf32, #tpu.memory_space<hbm>>
      tpu.wait_indirect_dma semaphore(%arg18 : memref<!tpu.dma_semaphore, #tpu.memory_space<semaphore_mem>>) src(%dma_wait3A_231 : memref<10000x16xf32, #tpu.memory_space<hbm>>) dst(%arg10 : memref<80x16xf32, #tpu.memory_space<vmem>>)
      %scan3A_232 = arith.constant 0 : i32
      %scan3A_233 = arith.constant 80 : i32
      %scan3A_234 = arith.addi %scan3A_232, %scan3A_233 : i32
      %scan3A_235 = arith.constant 2 : i32
      scf.for %scan3A_348 = %scan3A_232 to %scan3A_234 step %scan3A_235  : i32 {
        %mul3A_349 = arith.constant 1 : i32
        %mul3A_350 = arith.muli %scan3A_348, %mul3A_349 : i32
        %add3A_351 = arith.constant 0 : i32
        %add3A_352 = arith.addi %add3A_351, %mul3A_350 : i32
        %get3A_353 = arith.index_cast %add3A_352 : i32 to index
        %get3A_354 = arith.constant 128 : index
        %get3A_355 = tpu.vector_load %arg8[%get3A_353, %get3A_354] {strides = array<i32>} : memref<80x144xf32, #tpu.memory_space<vmem>>, vector<1x16xf32>,
        %get3A_356 = vector.shape_cast %get3A_355 : vector<1x16xf32> to vector<16xf32>
        %get3A_357 = arith.index_cast %add3A_352 : i32 to index
        %get3A_358 = arith.constant 0 : index
        %get3A_359 = tpu.vector_load %arg10[%get3A_357, %get3A_358] {strides = array<i32>} : memref<80x16xf32, #tpu.memory_space<vmem>>, vector<1x16xf32>,
        %get3A_360 = vector.shape_cast %get3A_359 : vector<1x16xf32> to vector<16xf32>
        %add3A_361 = arith.addf %get3A_356, %get3A_360 : vector<16xf32>
        %mul3A_362 = arith.constant 2.000000e-01 : f32
        %mul3A_363 = vector.broadcast %mul3A_362 : f32 to vector<16xf32>
        %mul3A_364 = arith.mulf %mul3A_363, %add3A_361 : vector<16xf32>
        %max3A = arith.maximumf %add3A_361, %mul3A_364 : vector<16xf32>
        %exp3A = math.exp %max3A : vector<16xf32>
        %get3A_365 = arith.index_cast %add3A_352 : i32 to index
        %get3A_366 = arith.constant 0 : index
        %get3A_367 = tpu.vector_load %arg8[%get3A_365, %get3A_366] {strides = array<i32>} : memref<80x144xf32, #tpu.memory_space<vmem>>, vector<1x16xf32>,
        %get3A_368 = vector.shape_cast %get3A_367 : vector<1x16xf32> to vector<16xf32>
        %mul3A_369 = arith.mulf %get3A_368, %exp3A : vector<16xf32>
        %swap3A_370 = arith.index_cast %add3A_352 : i32 to index
        %swap3A_371 = arith.constant 0 : index
        %swap3A_372 = tpu.vector_load %arg8[%swap3A_370, %swap3A_371] {strides = array<i32>} : memref<80x144xf32, #tpu.memory_space<vmem>>, vector<1x16xf32>,
        %swap3A_373 = vector.shape_cast %swap3A_372 : vector<1x16xf32> to vector<16xf32>
        %swap3A_374 = vector.shape_cast %mul3A_369 : vector<16xf32> to vector<1x16xf32>
        tpu.vector_store %arg8[%swap3A_370, %swap3A_371], %swap3A_374 {strides = array<i32>} : memref<80x144xf32, #tpu.memory_space<vmem>>, vector<1x16xf32>,
        %get3A_375 = arith.index_cast %add3A_352 : i32 to index
        %get3A_376 = arith.constant 16 : index
        %get3A_377 = tpu.vector_load %arg8[%get3A_375, %get3A_376] {strides = array<i32>} : memref<80x144xf32, #tpu.memory_space<vmem>>, vector<1x16xf32>,
        %get3A_378 = vector.shape_cast %get3A_377 : vector<1x16xf32> to vector<16xf32>
        %mul3A_379 = arith.mulf %get3A_378, %exp3A : vector<16xf32>
        %swap3A_380 = arith.index_cast %add3A_352 : i32 to index
        %swap3A_381 = arith.constant 16 : index
        %swap3A_382 = tpu.vector_load %arg8[%swap3A_380, %swap3A_381] {strides = array<i32>} : memref<80x144xf32, #tpu.memory_space<vmem>>, vector<1x16xf32>,
        %swap3A_383 = vector.shape_cast %swap3A_382 : vector<1x16xf32> to vector<16xf32>
        %swap3A_384 = vector.shape_cast %mul3A_379 : vector<16xf32> to vector<1x16xf32>
        tpu.vector_store %arg8[%swap3A_380, %swap3A_381], %swap3A_384 {strides = array<i32>} : memref<80x144xf32, #tpu.memory_space<vmem>>, vector<1x16xf32>,
        %get3A_385 = arith.index_cast %add3A_352 : i32 to index
        %get3A_386 = arith.constant 32 : index
        %get3A_387 = tpu.vector_load %arg8[%get3A_385, %get3A_386] {strides = array<i32>} : memref<80x144xf32, #tpu.memory_space<vmem>>, vector<1x16xf32>,
        %get3A_388 = vector.shape_cast %get3A_387 : vector<1x16xf32> to vector<16xf32>
        %mul3A_389 = arith.mulf %get3A_388, %exp3A : vector<16xf32>
        %swap3A_390 = arith.index_cast %add3A_352 : i32 to index
        %swap3A_391 = arith.constant 32 : index
        %swap3A_392 = tpu.vector_load %arg8[%swap3A_390, %swap3A_391] {strides = array<i32>} : memref<80x144xf32, #tpu.memory_space<vmem>>, vector<1x16xf32>,
        %swap3A_393 = vector.shape_cast %swap3A_392 : vector<1x16xf32> to vector<16xf32>
        %swap3A_394 = vector.shape_cast %mul3A_389 : vector<16xf32> to vector<1x16xf32>
        tpu.vector_store %arg8[%swap3A_390, %swap3A_391], %swap3A_394 {strides = array<i32>} : memref<80x144xf32, #tpu.memory_space<vmem>>, vector<1x16xf32>,
        %get3A_395 = arith.index_cast %add3A_352 : i32 to index
        %get3A_396 = arith.constant 48 : index
        %get3A_397 = tpu.vector_load %arg8[%get3A_395, %get3A_396] {strides = array<i32>} : memref<80x144xf32, #tpu.memory_space<vmem>>, vector<1x16xf32>,
        %get3A_398 = vector.shape_cast %get3A_397 : vector<1x16xf32> to vector<16xf32>
        %mul3A_399 = arith.mulf %get3A_398, %exp3A : vector<16xf32>
        %swap3A_400 = arith.index_cast %add3A_352 : i32 to index
        %swap3A_401 = arith.constant 48 : index
        %swap3A_402 = tpu.vector_load %arg8[%swap3A_400, %swap3A_401] {strides = array<i32>} : memref<80x144xf32, #tpu.memory_space<vmem>>, vector<1x16xf32>,
        %swap3A_403 = vector.shape_cast %swap3A_402 : vector<1x16xf32> to vector<16xf32>
        %swap3A_404 = vector.shape_cast %mul3A_399 : vector<16xf32> to vector<1x16xf32>
        tpu.vector_store %arg8[%swap3A_400, %swap3A_401], %swap3A_404 {strides = array<i32>} : memref<80x144xf32, #tpu.memory_space<vmem>>, vector<1x16xf32>,
        %get3A_405 = arith.index_cast %add3A_352 : i32 to index
        %get3A_406 = arith.constant 64 : index
        %get3A_407 = tpu.vector_load %arg8[%get3A_405, %get3A_406] {strides = array<i32>} : memref<80x144xf32, #tpu.memory_space<vmem>>, vector<1x16xf32>,
        %get3A_408 = vector.shape_cast %get3A_407 : vector<1x16xf32> to vector<16xf32>
        %mul3A_409 = arith.mulf %get3A_408, %exp3A : vector<16xf32>
        %swap3A_410 = arith.index_cast %add3A_352 : i32 to index
        %swap3A_411 = arith.constant 64 : index
        %swap3A_412 = tpu.vector_load %arg8[%swap3A_410, %swap3A_411] {strides = array<i32>} : memref<80x144xf32, #tpu.memory_space<vmem>>, vector<1x16xf32>,
        %swap3A_413 = vector.shape_cast %swap3A_412 : vector<1x16xf32> to vector<16xf32>
        %swap3A_414 = vector.shape_cast %mul3A_409 : vector<16xf32> to vector<1x16xf32>
        tpu.vector_store %arg8[%swap3A_410, %swap3A_411], %swap3A_414 {strides = array<i32>} : memref<80x144xf32, #tpu.memory_space<vmem>>, vector<1x16xf32>,
        %get3A_415 = arith.index_cast %add3A_352 : i32 to index
        %get3A_416 = arith.constant 80 : index
        %get3A_417 = tpu.vector_load %arg8[%get3A_415, %get3A_416] {strides = array<i32>} : memref<80x144xf32, #tpu.memory_space<vmem>>, vector<1x16xf32>,
        %get3A_418 = vector.shape_cast %get3A_417 : vector<1x16xf32> to vector<16xf32>
        %mul3A_419 = arith.mulf %get3A_418, %exp3A : vector<16xf32>
        %swap3A_420 = arith.index_cast %add3A_352 : i32 to index
        %swap3A_421 = arith.constant 80 : index
        %swap3A_422 = tpu.vector_load %arg8[%swap3A_420, %swap3A_421] {strides = array<i32>} : memref<80x144xf32, #tpu.memory_space<vmem>>, vector<1x16xf32>,
        %swap3A_423 = vector.shape_cast %swap3A_422 : vector<1x16xf32> to vector<16xf32>
        %swap3A_424 = vector.shape_cast %mul3A_419 : vector<16xf32> to vector<1x16xf32>
        tpu.vector_store %arg8[%swap3A_420, %swap3A_421], %swap3A_424 {strides = array<i32>} : memref<80x144xf32, #tpu.memory_space<vmem>>, vector<1x16xf32>,
        %get3A_425 = arith.index_cast %add3A_352 : i32 to index
        %get3A_426 = arith.constant 96 : index
        %get3A_427 = tpu.vector_load %arg8[%get3A_425, %get3A_426] {strides = array<i32>} : memref<80x144xf32, #tpu.memory_space<vmem>>, vector<1x16xf32>,
        %get3A_428 = vector.shape_cast %get3A_427 : vector<1x16xf32> to vector<16xf32>
        %mul3A_429 = arith.mulf %get3A_428, %exp3A : vector<16xf32>
        %swap3A_430 = arith.index_cast %add3A_352 : i32 to index
        %swap3A_431 = arith.constant 96 : index
        %swap3A_432 = tpu.vector_load %arg8[%swap3A_430, %swap3A_431] {strides = array<i32>} : memref<80x144xf32, #tpu.memory_space<vmem>>, vector<1x16xf32>,
        %swap3A_433 = vector.shape_cast %swap3A_432 : vector<1x16xf32> to vector<16xf32>
        %swap3A_434 = vector.shape_cast %mul3A_429 : vector<16xf32> to vector<1x16xf32>
        tpu.vector_store %arg8[%swap3A_430, %swap3A_431], %swap3A_434 {strides = array<i32>} : memref<80x144xf32, #tpu.memory_space<vmem>>, vector<1x16xf32>,
        %get3A_435 = arith.index_cast %add3A_352 : i32 to index
        %get3A_436 = arith.constant 112 : index
        %get3A_437 = tpu.vector_load %arg8[%get3A_435, %get3A_436] {strides = array<i32>} : memref<80x144xf32, #tpu.memory_space<vmem>>, vector<1x16xf32>,
        %get3A_438 = vector.shape_cast %get3A_437 : vector<1x16xf32> to vector<16xf32>
        %mul3A_439 = arith.mulf %get3A_438, %exp3A : vector<16xf32>
        %swap3A_440 = arith.index_cast %add3A_352 : i32 to index
        %swap3A_441 = arith.constant 112 : index
        %swap3A_442 = tpu.vector_load %arg8[%swap3A_440, %swap3A_441] {strides = array<i32>} : memref<80x144xf32, #tpu.memory_space<vmem>>, vector<1x16xf32>,
        %swap3A_443 = vector.shape_cast %swap3A_442 : vector<1x16xf32> to vector<16xf32>
        %swap3A_444 = vector.shape_cast %mul3A_439 : vector<16xf32> to vector<1x16xf32>
        tpu.vector_store %arg8[%swap3A_440, %swap3A_441], %swap3A_444 {strides = array<i32>} : memref<80x144xf32, #tpu.memory_space<vmem>>, vector<1x16xf32>,
        %swap3A_445 = arith.index_cast %add3A_352 : i32 to index
        %swap3A_446 = arith.constant 128 : index
        %swap3A_447 = tpu.vector_load %arg8[%swap3A_445, %swap3A_446] {strides = array<i32>} : memref<80x144xf32, #tpu.memory_space<vmem>>, vector<1x16xf32>,
        %swap3A_448 = vector.shape_cast %swap3A_447 : vector<1x16xf32> to vector<16xf32>
        %swap3A_449 = vector.shape_cast %exp3A : vector<16xf32> to vector<1x16xf32>
        tpu.vector_store %arg8[%swap3A_445, %swap3A_446], %swap3A_449 {strides = array<i32>} : memref<80x144xf32, #tpu.memory_space<vmem>>, vector<1x16xf32>,
        %scan3A_450 = arith.constant 1 : i32
        %scan3A_451 = arith.addi %scan3A_348, %scan3A_450 : i32
        %mul3A_452 = arith.constant 1 : i32
        %mul3A_453 = arith.muli %scan3A_451, %mul3A_452 : i32
        %add3A_454 = arith.constant 0 : i32
        %add3A_455 = arith.addi %add3A_454, %mul3A_453 : i32
        %get3A_456 = arith.index_cast %add3A_455 : i32 to index
        %get3A_457 = arith.constant 128 : index
        %get3A_458 = tpu.vector_load %arg8[%get3A_456, %get3A_457] {strides = array<i32>} : memref<80x144xf32, #tpu.memory_space<vmem>>, vector<1x16xf32>,
        %get3A_459 = vector.shape_cast %get3A_458 : vector<1x16xf32> to vector<16xf32>
        %get3A_460 = arith.index_cast %add3A_455 : i32 to index
        %get3A_461 = arith.constant 0 : index
        %get3A_462 = tpu.vector_load %arg10[%get3A_460, %get3A_461] {strides = array<i32>} : memref<80x16xf32, #tpu.memory_space<vmem>>, vector<1x16xf32>,
        %get3A_463 = vector.shape_cast %get3A_462 : vector<1x16xf32> to vector<16xf32>
        %add3A_464 = arith.addf %get3A_459, %get3A_463 : vector<16xf32>
        %mul3A_465 = arith.constant 2.000000e-01 : f32
        %mul3A_466 = vector.broadcast %mul3A_465 : f32 to vector<16xf32>
        %mul3A_467 = arith.mulf %mul3A_466, %add3A_464 : vector<16xf32>
        %max3A_468 = arith.maximumf %add3A_464, %mul3A_467 : vector<16xf32>
        %exp3A_469 = math.exp %max3A_468 : vector<16xf32>
        %get3A_470 = arith.index_cast %add3A_455 : i32 to index
        %get3A_471 = arith.constant 0 : index
        %get3A_472 = tpu.vector_load %arg8[%get3A_470, %get3A_471] {strides = array<i32>} : memref<80x144xf32, #tpu.memory_space<vmem>>, vector<1x16xf32>,
        %get3A_473 = vector.shape_cast %get3A_472 : vector<1x16xf32> to vector<16xf32>
        %mul3A_474 = arith.mulf %get3A_473, %exp3A_469 : vector<16xf32>
        %swap3A_475 = arith.index_cast %add3A_455 : i32 to index
        %swap3A_476 = arith.constant 0 : index
        %swap3A_477 = tpu.vector_load %arg8[%swap3A_475, %swap3A_476] {strides = array<i32>} : memref<80x144xf32, #tpu.memory_space<vmem>>, vector<1x16xf32>,
        %swap3A_478 = vector.shape_cast %swap3A_477 : vector<1x16xf32> to vector<16xf32>
        %swap3A_479 = vector.shape_cast %mul3A_474 : vector<16xf32> to vector<1x16xf32>
        tpu.vector_store %arg8[%swap3A_475, %swap3A_476], %swap3A_479 {strides = array<i32>} : memref<80x144xf32, #tpu.memory_space<vmem>>, vector<1x16xf32>,
        %get3A_480 = arith.index_cast %add3A_455 : i32 to index
        %get3A_481 = arith.constant 16 : index
        %get3A_482 = tpu.vector_load %arg8[%get3A_480, %get3A_481] {strides = array<i32>} : memref<80x144xf32, #tpu.memory_space<vmem>>, vector<1x16xf32>,
        %get3A_483 = vector.shape_cast %get3A_482 : vector<1x16xf32> to vector<16xf32>
        %mul3A_484 = arith.mulf %get3A_483, %exp3A_469 : vector<16xf32>
        %swap3A_485 = arith.index_cast %add3A_455 : i32 to index
        %swap3A_486 = arith.constant 16 : index
        %swap3A_487 = tpu.vector_load %arg8[%swap3A_485, %swap3A_486] {strides = array<i32>} : memref<80x144xf32, #tpu.memory_space<vmem>>, vector<1x16xf32>,
        %swap3A_488 = vector.shape_cast %swap3A_487 : vector<1x16xf32> to vector<16xf32>
        %swap3A_489 = vector.shape_cast %mul3A_484 : vector<16xf32> to vector<1x16xf32>
        tpu.vector_store %arg8[%swap3A_485, %swap3A_486], %swap3A_489 {strides = array<i32>} : memref<80x144xf32, #tpu.memory_space<vmem>>, vector<1x16xf32>,
        %get3A_490 = arith.index_cast %add3A_455 : i32 to index
        %get3A_491 = arith.constant 32 : index
        %get3A_492 = tpu.vector_load %arg8[%get3A_490, %get3A_491] {strides = array<i32>} : memref<80x144xf32, #tpu.memory_space<vmem>>, vector<1x16xf32>,
        %get3A_493 = vector.shape_cast %get3A_492 : vector<1x16xf32> to vector<16xf32>
        %mul3A_494 = arith.mulf %get3A_493, %exp3A_469 : vector<16xf32>
        %swap3A_495 = arith.index_cast %add3A_455 : i32 to index
        %swap3A_496 = arith.constant 32 : index
        %swap3A_497 = tpu.vector_load %arg8[%swap3A_495, %swap3A_496] {strides = array<i32>} : memref<80x144xf32, #tpu.memory_space<vmem>>, vector<1x16xf32>,
        %swap3A_498 = vector.shape_cast %swap3A_497 : vector<1x16xf32> to vector<16xf32>
        %swap3A_499 = vector.shape_cast %mul3A_494 : vector<16xf32> to vector<1x16xf32>
        tpu.vector_store %arg8[%swap3A_495, %swap3A_496], %swap3A_499 {strides = array<i32>} : memref<80x144xf32, #tpu.memory_space<vmem>>, vector<1x16xf32>,
        %get3A_500 = arith.index_cast %add3A_455 : i32 to index
        %get3A_501 = arith.constant 48 : index
        %get3A_502 = tpu.vector_load %arg8[%get3A_500, %get3A_501] {strides = array<i32>} : memref<80x144xf32, #tpu.memory_space<vmem>>, vector<1x16xf32>,
        %get3A_503 = vector.shape_cast %get3A_502 : vector<1x16xf32> to vector<16xf32>
        %mul3A_504 = arith.mulf %get3A_503, %exp3A_469 : vector<16xf32>
        %swap3A_505 = arith.index_cast %add3A_455 : i32 to index
        %swap3A_506 = arith.constant 48 : index
        %swap3A_507 = tpu.vector_load %arg8[%swap3A_505, %swap3A_506] {strides = array<i32>} : memref<80x144xf32, #tpu.memory_space<vmem>>, vector<1x16xf32>,
        %swap3A_508 = vector.shape_cast %swap3A_507 : vector<1x16xf32> to vector<16xf32>
        %swap3A_509 = vector.shape_cast %mul3A_504 : vector<16xf32> to vector<1x16xf32>
        tpu.vector_store %arg8[%swap3A_505, %swap3A_506], %swap3A_509 {strides = array<i32>} : memref<80x144xf32, #tpu.memory_space<vmem>>, vector<1x16xf32>,
        %get3A_510 = arith.index_cast %add3A_455 : i32 to index
        %get3A_511 = arith.constant 64 : index
        %get3A_512 = tpu.vector_load %arg8[%get3A_510, %get3A_511] {strides = array<i32>} : memref<80x144xf32, #tpu.memory_space<vmem>>, vector<1x16xf32>,
        %get3A_513 = vector.shape_cast %get3A_512 : vector<1x16xf32> to vector<16xf32>
        %mul3A_514 = arith.mulf %get3A_513, %exp3A_469 : vector<16xf32>
        %swap3A_515 = arith.index_cast %add3A_455 : i32 to index
        %swap3A_516 = arith.constant 64 : index
        %swap3A_517 = tpu.vector_load %arg8[%swap3A_515, %swap3A_516] {strides = array<i32>} : memref<80x144xf32, #tpu.memory_space<vmem>>, vector<1x16xf32>,
        %swap3A_518 = vector.shape_cast %swap3A_517 : vector<1x16xf32> to vector<16xf32>
        %swap3A_519 = vector.shape_cast %mul3A_514 : vector<16xf32> to vector<1x16xf32>
        tpu.vector_store %arg8[%swap3A_515, %swap3A_516], %swap3A_519 {strides = array<i32>} : memref<80x144xf32, #tpu.memory_space<vmem>>, vector<1x16xf32>,
        %get3A_520 = arith.index_cast %add3A_455 : i32 to index
        %get3A_521 = arith.constant 80 : index
        %get3A_522 = tpu.vector_load %arg8[%get3A_520, %get3A_521] {strides = array<i32>} : memref<80x144xf32, #tpu.memory_space<vmem>>, vector<1x16xf32>,
        %get3A_523 = vector.shape_cast %get3A_522 : vector<1x16xf32> to vector<16xf32>
        %mul3A_524 = arith.mulf %get3A_523, %exp3A_469 : vector<16xf32>
        %swap3A_525 = arith.index_cast %add3A_455 : i32 to index
        %swap3A_526 = arith.constant 80 : index
        %swap3A_527 = tpu.vector_load %arg8[%swap3A_525, %swap3A_526] {strides = array<i32>} : memref<80x144xf32, #tpu.memory_space<vmem>>, vector<1x16xf32>,
        %swap3A_528 = vector.shape_cast %swap3A_527 : vector<1x16xf32> to vector<16xf32>
        %swap3A_529 = vector.shape_cast %mul3A_524 : vector<16xf32> to vector<1x16xf32>
        tpu.vector_store %arg8[%swap3A_525, %swap3A_526], %swap3A_529 {strides = array<i32>} : memref<80x144xf32, #tpu.memory_space<vmem>>, vector<1x16xf32>,
        %get3A_530 = arith.index_cast %add3A_455 : i32 to index
        %get3A_531 = arith.constant 96 : index
        %get3A_532 = tpu.vector_load %arg8[%get3A_530, %get3A_531] {strides = array<i32>} : memref<80x144xf32, #tpu.memory_space<vmem>>, vector<1x16xf32>,
        %get3A_533 = vector.shape_cast %get3A_532 : vector<1x16xf32> to vector<16xf32>
        %mul3A_534 = arith.mulf %get3A_533, %exp3A_469 : vector<16xf32>
        %swap3A_535 = arith.index_cast %add3A_455 : i32 to index
        %swap3A_536 = arith.constant 96 : index
        %swap3A_537 = tpu.vector_load %arg8[%swap3A_535, %swap3A_536] {strides = array<i32>} : memref<80x144xf32, #tpu.memory_space<vmem>>, vector<1x16xf32>,
        %swap3A_538 = vector.shape_cast %swap3A_537 : vector<1x16xf32> to vector<16xf32>
        %swap3A_539 = vector.shape_cast %mul3A_534 : vector<16xf32> to vector<1x16xf32>
        tpu.vector_store %arg8[%swap3A_535, %swap3A_536], %swap3A_539 {strides = array<i32>} : memref<80x144xf32, #tpu.memory_space<vmem>>, vector<1x16xf32>,
        %get3A_540 = arith.index_cast %add3A_455 : i32 to index
        %get3A_541 = arith.constant 112 : index
        %get3A_542 = tpu.vector_load %arg8[%get3A_540, %get3A_541] {strides = array<i32>} : memref<80x144xf32, #tpu.memory_space<vmem>>, vector<1x16xf32>,
        %get3A_543 = vector.shape_cast %get3A_542 : vector<1x16xf32> to vector<16xf32>
        %mul3A_544 = arith.mulf %get3A_543, %exp3A_469 : vector<16xf32>
        %swap3A_545 = arith.index_cast %add3A_455 : i32 to index
        %swap3A_546 = arith.constant 112 : index
        %swap3A_547 = tpu.vector_load %arg8[%swap3A_545, %swap3A_546] {strides = array<i32>} : memref<80x144xf32, #tpu.memory_space<vmem>>, vector<1x16xf32>,
        %swap3A_548 = vector.shape_cast %swap3A_547 : vector<1x16xf32> to vector<16xf32>
        %swap3A_549 = vector.shape_cast %mul3A_544 : vector<16xf32> to vector<1x16xf32>
        tpu.vector_store %arg8[%swap3A_545, %swap3A_546], %swap3A_549 {strides = array<i32>} : memref<80x144xf32, #tpu.memory_space<vmem>>, vector<1x16xf32>,
        %swap3A_550 = arith.index_cast %add3A_455 : i32 to index
        %swap3A_551 = arith.constant 128 : index
        %swap3A_552 = tpu.vector_load %arg8[%swap3A_550, %swap3A_551] {strides = array<i32>} : memref<80x144xf32, #tpu.memory_space<vmem>>, vector<1x16xf32>,
        %swap3A_553 = vector.shape_cast %swap3A_552 : vector<1x16xf32> to vector<16xf32>
        %swap3A_554 = vector.shape_cast %exp3A_469 : vector<16xf32> to vector<1x16xf32>
        tpu.vector_store %arg8[%swap3A_550, %swap3A_551], %swap3A_554 {strides = array<i32>} : memref<80x144xf32, #tpu.memory_space<vmem>>, vector<1x16xf32>,
      }
      %scan3A_236 = arith.constant 80 : i32
      "tpu.region"() ({
        %run_scoped3A = tpu.sem_alloc : memref<!tpu.dma_semaphore, #tpu.memory_space<semaphore_mem>>
        %dma_start3A_348 = arith.constant 0 : i32
        %dma_start3A_349 = arith.constant 0 : i32
        %dma_start3A_350 = tpu.memref_slice %arg17[%dma_start3A_348, %dma_start3A_349] : memref<10000x144xf32, #tpu.memory_space<vmem_shared>> -> memref<10000x144xf32, #tpu.memory_space<vmem_shared>>
        tpu.enqueue_indirect_dma source(%arg8 : memref<80x144xf32, #tpu.memory_space<vmem>>) target(%dma_start3A_350 : memref<10000x144xf32, #tpu.memory_space<vmem_shared>>) offsets(%arg15 : memref<80xi32, #tpu.memory_space<vmem>>) semaphore(%run_scoped3A : memref<!tpu.dma_semaphore, #tpu.memory_space<semaphore_mem>>) {add = true}
        %dma_wait3A_351 = arith.constant 0 : i32
        %dma_wait3A_352 = arith.constant 0 : i32
        %dma_wait3A_353 = tpu.memref_slice %arg17[%dma_wait3A_351, %dma_wait3A_352] : memref<10000x144xf32, #tpu.memory_space<vmem_shared>> -> memref<10000x144xf32, #tpu.memory_space<vmem_shared>>
        tpu.wait_indirect_dma semaphore(%run_scoped3A : memref<!tpu.dma_semaphore, #tpu.memory_space<semaphore_mem>>) src(%arg8 : memref<80x144xf32, #tpu.memory_space<vmem>>) dst(%dma_wait3A_353 : memref<10000x144xf32, #tpu.memory_space<vmem_shared>>)
        tpu.yield
      }) : () -> ()
      %add3A_237 = arith.constant 2 : i32
      %add3A_238 = arith.addi %mul3A_127, %add3A_237 : i32
      %get3A_239 = arith.index_cast %add3A_238 : i32 to index
      %get3A_240 = arith.constant 0 : index
      %get3A_241 = tpu.vector_load %arg12[%get3A_239, %get3A_240] {strides = array<i32>} : memref<125x80xi32, #tpu.memory_space<vmem>>, vector<1x16xi32>,
      %get3A_242 = vector.shape_cast %get3A_241 : vector<1x16xi32> to vector<16xi32>
      %shift_right_arithmetic3A_243 = arith.constant 14 : i32
      %shift_right_arithmetic3A_244 = vector.broadcast %shift_right_arithmetic3A_243 : i32 to vector<16xi32>
      %shift_right_arithmetic3A_245 = arith.shrsi %get3A_242, %shift_right_arithmetic3A_244 : vector<16xi32>
      %swap3A_246 = arith.constant 0 : index
      %swap3A_247 = tpu.vector_load %arg13[%swap3A_246] {strides = array<i32>} : memref<80xi32, #tpu.memory_space<vmem>>, vector<16xi32>,
      %swap3A_248 = vector.shape_cast %swap3A_247 : vector<16xi32> to vector<16xi32>
      %swap3A_249 = vector.shape_cast %shift_right_arithmetic3A_245 : vector<16xi32> to vector<16xi32>
      tpu.vector_store %arg13[%swap3A_246], %swap3A_249 {strides = array<i32>} : memref<80xi32, #tpu.memory_space<vmem>>, vector<16xi32>,
      %and3A_250 = arith.constant 16383 : i32
      %and3A_251 = vector.broadcast %and3A_250 : i32 to vector<16xi32>
      %and3A_252 = arith.andi %get3A_242, %and3A_251 : vector<16xi32>
      %swap3A_253 = arith.constant 0 : index
      %swap3A_254 = tpu.vector_load %arg15[%swap3A_253] {strides = array<i32>} : memref<80xi32, #tpu.memory_space<vmem>>, vector<16xi32>,
      %swap3A_255 = vector.shape_cast %swap3A_254 : vector<16xi32> to vector<16xi32>
      %swap3A_256 = vector.shape_cast %and3A_252 : vector<16xi32> to vector<16xi32>
      tpu.vector_store %arg15[%swap3A_253], %swap3A_256 {strides = array<i32>} : memref<80xi32, #tpu.memory_space<vmem>>, vector<16xi32>,
      %get3A_257 = arith.index_cast %add3A_238 : i32 to index
      %get3A_258 = arith.constant 16 : index
      %get3A_259 = tpu.vector_load %arg12[%get3A_257, %get3A_258] {strides = array<i32>} : memref<125x80xi32, #tpu.memory_space<vmem>>, vector<1x16xi32>,
      %get3A_260 = vector.shape_cast %get3A_259 : vector<1x16xi32> to vector<16xi32>
      %shift_right_arithmetic3A_261 = arith.constant 14 : i32
      %shift_right_arithmetic3A_262 = vector.broadcast %shift_right_arithmetic3A_261 : i32 to vector<16xi32>
      %shift_right_arithmetic3A_263 = arith.shrsi %get3A_260, %shift_right_arithmetic3A_262 : vector<16xi32>
      %swap3A_264 = arith.constant 16 : index
      %swap3A_265 = tpu.vector_load %arg13[%swap3A_264] {strides = array<i32>} : memref<80xi32, #tpu.memory_space<vmem>>, vector<16xi32>,
      %swap3A_266 = vector.shape_cast %swap3A_265 : vector<16xi32> to vector<16xi32>
      %swap3A_267 = vector.shape_cast %shift_right_arithmetic3A_263 : vector<16xi32> to vector<16xi32>
      tpu.vector_store %arg13[%swap3A_264], %swap3A_267 {strides = array<i32>} : memref<80xi32, #tpu.memory_space<vmem>>, vector<16xi32>,
      %and3A_268 = arith.constant 16383 : i32
      %and3A_269 = vector.broadcast %and3A_268 : i32 to vector<16xi32>
      %and3A_270 = arith.andi %get3A_260, %and3A_269 : vector<16xi32>
      %swap3A_271 = arith.constant 16 : index
      %swap3A_272 = tpu.vector_load %arg15[%swap3A_271] {strides = array<i32>} : memref<80xi32, #tpu.memory_space<vmem>>, vector<16xi32>,
      %swap3A_273 = vector.shape_cast %swap3A_272 : vector<16xi32> to vector<16xi32>
      %swap3A_274 = vector.shape_cast %and3A_270 : vector<16xi32> to vector<16xi32>
      tpu.vector_store %arg15[%swap3A_271], %swap3A_274 {strides = array<i32>} : memref<80xi32, #tpu.memory_space<vmem>>, vector<16xi32>,
      %get3A_275 = arith.index_cast %add3A_238 : i32 to index
      %get3A_276 = arith.constant 32 : index
      %get3A_277 = tpu.vector_load %arg12[%get3A_275, %get3A_276] {strides = array<i32>} : memref<125x80xi32, #tpu.memory_space<vmem>>, vector<1x16xi32>,
      %get3A_278 = vector.shape_cast %get3A_277 : vector<1x16xi32> to vector<16xi32>
      %shift_right_arithmetic3A_279 = arith.constant 14 : i32
      %shift_right_arithmetic3A_280 = vector.broadcast %shift_right_arithmetic3A_279 : i32 to vector<16xi32>
      %shift_right_arithmetic3A_281 = arith.shrsi %get3A_278, %shift_right_arithmetic3A_280 : vector<16xi32>
      %swap3A_282 = arith.constant 32 : index
      %swap3A_283 = tpu.vector_load %arg13[%swap3A_282] {strides = array<i32>} : memref<80xi32, #tpu.memory_space<vmem>>, vector<16xi32>,
      %swap3A_284 = vector.shape_cast %swap3A_283 : vector<16xi32> to vector<16xi32>
      %swap3A_285 = vector.shape_cast %shift_right_arithmetic3A_281 : vector<16xi32> to vector<16xi32>
      tpu.vector_store %arg13[%swap3A_282], %swap3A_285 {strides = array<i32>} : memref<80xi32, #tpu.memory_space<vmem>>, vector<16xi32>,
      %and3A_286 = arith.constant 16383 : i32
      %and3A_287 = vector.broadcast %and3A_286 : i32 to vector<16xi32>
      %and3A_288 = arith.andi %get3A_278, %and3A_287 : vector<16xi32>
      %swap3A_289 = arith.constant 32 : index
      %swap3A_290 = tpu.vector_load %arg15[%swap3A_289] {strides = array<i32>} : memref<80xi32, #tpu.memory_space<vmem>>, vector<16xi32>,
      %swap3A_291 = vector.shape_cast %swap3A_290 : vector<16xi32> to vector<16xi32>
      %swap3A_292 = vector.shape_cast %and3A_288 : vector<16xi32> to vector<16xi32>
      tpu.vector_store %arg15[%swap3A_289], %swap3A_292 {strides = array<i32>} : memref<80xi32, #tpu.memory_space<vmem>>, vector<16xi32>,
      %get3A_293 = arith.index_cast %add3A_238 : i32 to index
      %get3A_294 = arith.constant 48 : index
      %get3A_295 = tpu.vector_load %arg12[%get3A_293, %get3A_294] {strides = array<i32>} : memref<125x80xi32, #tpu.memory_space<vmem>>, vector<1x16xi32>,
      %get3A_296 = vector.shape_cast %get3A_295 : vector<1x16xi32> to vector<16xi32>
      %shift_right_arithmetic3A_297 = arith.constant 14 : i32
      %shift_right_arithmetic3A_298 = vector.broadcast %shift_right_arithmetic3A_297 : i32 to vector<16xi32>
      %shift_right_arithmetic3A_299 = arith.shrsi %get3A_296, %shift_right_arithmetic3A_298 : vector<16xi32>
      %swap3A_300 = arith.constant 48 : index
      %swap3A_301 = tpu.vector_load %arg13[%swap3A_300] {strides = array<i32>} : memref<80xi32, #tpu.memory_space<vmem>>, vector<16xi32>,
      %swap3A_302 = vector.shape_cast %swap3A_301 : vector<16xi32> to vector<16xi32>
      %swap3A_303 = vector.shape_cast %shift_right_arithmetic3A_299 : vector<16xi32> to vector<16xi32>
      tpu.vector_store %arg13[%swap3A_300], %swap3A_303 {strides = array<i32>} : memref<80xi32, #tpu.memory_space<vmem>>, vector<16xi32>,
      %and3A_304 = arith.constant 16383 : i32
      %and3A_305 = vector.broadcast %and3A_304 : i32 to vector<16xi32>
      %and3A_306 = arith.andi %get3A_296, %and3A_305 : vector<16xi32>
      %swap3A_307 = arith.constant 48 : index
      %swap3A_308 = tpu.vector_load %arg15[%swap3A_307] {strides = array<i32>} : memref<80xi32, #tpu.memory_space<vmem>>, vector<16xi32>,
      %swap3A_309 = vector.shape_cast %swap3A_308 : vector<16xi32> to vector<16xi32>
      %swap3A_310 = vector.shape_cast %and3A_306 : vector<16xi32> to vector<16xi32>
      tpu.vector_store %arg15[%swap3A_307], %swap3A_310 {strides = array<i32>} : memref<80xi32, #tpu.memory_space<vmem>>, vector<16xi32>,
      %get3A_311 = arith.index_cast %add3A_238 : i32 to index
      %get3A_312 = arith.constant 64 : index
      %get3A_313 = tpu.vector_load %arg12[%get3A_311, %get3A_312] {strides = array<i32>} : memref<125x80xi32, #tpu.memory_space<vmem>>, vector<1x16xi32>,
      %get3A_314 = vector.shape_cast %get3A_313 : vector<1x16xi32> to vector<16xi32>
      %shift_right_arithmetic3A_315 = arith.constant 14 : i32
      %shift_right_arithmetic3A_316 = vector.broadcast %shift_right_arithmetic3A_315 : i32 to vector<16xi32>
      %shift_right_arithmetic3A_317 = arith.shrsi %get3A_314, %shift_right_arithmetic3A_316 : vector<16xi32>
      %swap3A_318 = arith.constant 64 : index
      %swap3A_319 = tpu.vector_load %arg13[%swap3A_318] {strides = array<i32>} : memref<80xi32, #tpu.memory_space<vmem>>, vector<16xi32>,
      %swap3A_320 = vector.shape_cast %swap3A_319 : vector<16xi32> to vector<16xi32>
      %swap3A_321 = vector.shape_cast %shift_right_arithmetic3A_317 : vector<16xi32> to vector<16xi32>
      tpu.vector_store %arg13[%swap3A_318], %swap3A_321 {strides = array<i32>} : memref<80xi32, #tpu.memory_space<vmem>>, vector<16xi32>,
      %and3A_322 = arith.constant 16383 : i32
      %and3A_323 = vector.broadcast %and3A_322 : i32 to vector<16xi32>
      %and3A_324 = arith.andi %get3A_314, %and3A_323 : vector<16xi32>
      %swap3A_325 = arith.constant 64 : index
      %swap3A_326 = tpu.vector_load %arg15[%swap3A_325] {strides = array<i32>} : memref<80xi32, #tpu.memory_space<vmem>>, vector<16xi32>,
      %swap3A_327 = vector.shape_cast %swap3A_326 : vector<16xi32> to vector<16xi32>
      %swap3A_328 = vector.shape_cast %and3A_324 : vector<16xi32> to vector<16xi32>
      tpu.vector_store %arg15[%swap3A_325], %swap3A_328 {strides = array<i32>} : memref<80xi32, #tpu.memory_space<vmem>>, vector<16xi32>,
      %dma_start3A_329 = arith.constant 0 : i32
      %dma_start3A_330 = arith.constant 0 : i32
      %dma_start3A_331 = tpu.memref_slice %arg2[%dma_start3A_329, %dma_start3A_330] : memref<10000x144xf32, #tpu.memory_space<hbm>> -> memref<10000x144xf32, #tpu.memory_space<hbm>>
      tpu.enqueue_indirect_dma source(%dma_start3A_331 : memref<10000x144xf32, #tpu.memory_space<hbm>>) target(%arg8 : memref<80x144xf32, #tpu.memory_space<vmem>>) offsets(%arg13 : memref<80xi32, #tpu.memory_space<vmem>>) semaphore(%arg18 : memref<!tpu.dma_semaphore, #tpu.memory_space<semaphore_mem>>)
      %dma_start3A_332 = arith.constant 0 : i32
      %dma_start3A_333 = arith.constant 0 : i32
      %dma_start3A_334 = tpu.memref_slice %arg3[%dma_start3A_332, %dma_start3A_333] : memref<10000x16xf32, #tpu.memory_space<hbm>> -> memref<10000x16xf32, #tpu.memory_space<hbm>>
      tpu.enqueue_indirect_dma source(%dma_start3A_334 : memref<10000x16xf32, #tpu.memory_space<hbm>>) target(%arg10 : memref<80x16xf32, #tpu.memory_space<vmem>>) offsets(%arg15 : memref<80xi32, #tpu.memory_space<vmem>>) semaphore(%arg18 : memref<!tpu.dma_semaphore, #tpu.memory_space<semaphore_mem>>)
      %add3A_335 = arith.constant 1 : i32
      %add3A_336 = arith.addi %mul3A_127, %add3A_335 : i32
      %dma_wait3A_337 = arith.constant 0 : i32
      %dma_wait3A_338 = arith.constant 0 : i32
      %dma_wait3A_339 = tpu.memref_slice %arg2[%dma_wait3A_337, %dma_wait3A_338] : memref<10000x144xf32, #tpu.memory_space<hbm>> -> memref<10000x144xf32, #tpu.memory_space<hbm>>
      tpu.wait_indirect_dma semaphore(%arg19 : memref<!tpu.dma_semaphore, #tpu.memory_space<semaphore_mem>>) src(%dma_wait3A_339 : memref<10000x144xf32, #tpu.memory_space<hbm>>) dst(%arg9 : memref<80x144xf32, #tpu.memory_space<vmem>>)
      %dma_wait3A_340 = arith.constant 0 : i32
      %dma_wait3A_341 = arith.constant 0 : i32
      %dma_wait3A_342 = tpu.memref_slice %arg3[%dma_wait3A_340, %dma_wait3A_341] : memref<10000x16xf32, #tpu.memory_space<hbm>> -> memref<10000x16xf32, #tpu.memory_space<hbm>>
      tpu.wait_indirect_dma semaphore(%arg19 : memref<!tpu.dma_semaphore, #tpu.memory_space<semaphore_mem>>) src(%dma_wait3A_342 : memref<10000x16xf32, #tpu.memory_space<hbm>>) dst(%arg11 : memref<80x16xf32, #tpu.memory_space<vmem>>)
      %scan3A_343 = arith.constant 0 : i32
      %scan3A_344 = arith.constant 80 : i32
      %scan3A_345 = arith.addi %scan3A_343, %scan3A_344 : i32
      %scan3A_346 = arith.constant 2 : i32
      scf.for %scan3A_348 = %scan3A_343 to %scan3A_345 step %scan3A_346  : i32 {
        %mul3A_349 = arith.constant 1 : i32
        %mul3A_350 = arith.muli %scan3A_348, %mul3A_349 : i32
        %add3A_351 = arith.constant 0 : i32
        %add3A_352 = arith.addi %add3A_351, %mul3A_350 : i32
        %get3A_353 = arith.index_cast %add3A_352 : i32 to index
        %get3A_354 = arith.constant 128 : index
        %get3A_355 = tpu.vector_load %arg9[%get3A_353, %get3A_354] {strides = array<i32>} : memref<80x144xf32, #tpu.memory_space<vmem>>, vector<1x16xf32>,
        %get3A_356 = vector.shape_cast %get3A_355 : vector<1x16xf32> to vector<16xf32>
        %get3A_357 = arith.index_cast %add3A_352 : i32 to index
        %get3A_358 = arith.constant 0 : index
        %get3A_359 = tpu.vector_load %arg11[%get3A_357, %get3A_358] {strides = array<i32>} : memref<80x16xf32, #tpu.memory_space<vmem>>, vector<1x16xf32>,
        %get3A_360 = vector.shape_cast %get3A_359 : vector<1x16xf32> to vector<16xf32>
        %add3A_361 = arith.addf %get3A_356, %get3A_360 : vector<16xf32>
        %mul3A_362 = arith.constant 2.000000e-01 : f32
        %mul3A_363 = vector.broadcast %mul3A_362 : f32 to vector<16xf32>
        %mul3A_364 = arith.mulf %mul3A_363, %add3A_361 : vector<16xf32>
        %max3A = arith.maximumf %add3A_361, %mul3A_364 : vector<16xf32>
        %exp3A = math.exp %max3A : vector<16xf32>
        %get3A_365 = arith.index_cast %add3A_352 : i32 to index
        %get3A_366 = arith.constant 0 : index
        %get3A_367 = tpu.vector_load %arg9[%get3A_365, %get3A_366] {strides = array<i32>} : memref<80x144xf32, #tpu.memory_space<vmem>>, vector<1x16xf32>,
        %get3A_368 = vector.shape_cast %get3A_367 : vector<1x16xf32> to vector<16xf32>
        %mul3A_369 = arith.mulf %get3A_368, %exp3A : vector<16xf32>
        %swap3A_370 = arith.index_cast %add3A_352 : i32 to index
        %swap3A_371 = arith.constant 0 : index
        %swap3A_372 = tpu.vector_load %arg9[%swap3A_370, %swap3A_371] {strides = array<i32>} : memref<80x144xf32, #tpu.memory_space<vmem>>, vector<1x16xf32>,
        %swap3A_373 = vector.shape_cast %swap3A_372 : vector<1x16xf32> to vector<16xf32>
        %swap3A_374 = vector.shape_cast %mul3A_369 : vector<16xf32> to vector<1x16xf32>
        tpu.vector_store %arg9[%swap3A_370, %swap3A_371], %swap3A_374 {strides = array<i32>} : memref<80x144xf32, #tpu.memory_space<vmem>>, vector<1x16xf32>,
        %get3A_375 = arith.index_cast %add3A_352 : i32 to index
        %get3A_376 = arith.constant 16 : index
        %get3A_377 = tpu.vector_load %arg9[%get3A_375, %get3A_376] {strides = array<i32>} : memref<80x144xf32, #tpu.memory_space<vmem>>, vector<1x16xf32>,
        %get3A_378 = vector.shape_cast %get3A_377 : vector<1x16xf32> to vector<16xf32>
        %mul3A_379 = arith.mulf %get3A_378, %exp3A : vector<16xf32>
        %swap3A_380 = arith.index_cast %add3A_352 : i32 to index
        %swap3A_381 = arith.constant 16 : index
        %swap3A_382 = tpu.vector_load %arg9[%swap3A_380, %swap3A_381] {strides = array<i32>} : memref<80x144xf32, #tpu.memory_space<vmem>>, vector<1x16xf32>,
        %swap3A_383 = vector.shape_cast %swap3A_382 : vector<1x16xf32> to vector<16xf32>
        %swap3A_384 = vector.shape_cast %mul3A_379 : vector<16xf32> to vector<1x16xf32>
        tpu.vector_store %arg9[%swap3A_380, %swap3A_381], %swap3A_384 {strides = array<i32>} : memref<80x144xf32, #tpu.memory_space<vmem>>, vector<1x16xf32>,
        %get3A_385 = arith.index_cast %add3A_352 : i32 to index
        %get3A_386 = arith.constant 32 : index
        %get3A_387 = tpu.vector_load %arg9[%get3A_385, %get3A_386] {strides = array<i32>} : memref<80x144xf32, #tpu.memory_space<vmem>>, vector<1x16xf32>,
        %get3A_388 = vector.shape_cast %get3A_387 : vector<1x16xf32> to vector<16xf32>
        %mul3A_389 = arith.mulf %get3A_388, %exp3A : vector<16xf32>
        %swap3A_390 = arith.index_cast %add3A_352 : i32 to index
        %swap3A_391 = arith.constant 32 : index
        %swap3A_392 = tpu.vector_load %arg9[%swap3A_390, %swap3A_391] {strides = array<i32>} : memref<80x144xf32, #tpu.memory_space<vmem>>, vector<1x16xf32>,
        %swap3A_393 = vector.shape_cast %swap3A_392 : vector<1x16xf32> to vector<16xf32>
        %swap3A_394 = vector.shape_cast %mul3A_389 : vector<16xf32> to vector<1x16xf32>
        tpu.vector_store %arg9[%swap3A_390, %swap3A_391], %swap3A_394 {strides = array<i32>} : memref<80x144xf32, #tpu.memory_space<vmem>>, vector<1x16xf32>,
        %get3A_395 = arith.index_cast %add3A_352 : i32 to index
        %get3A_396 = arith.constant 48 : index
        %get3A_397 = tpu.vector_load %arg9[%get3A_395, %get3A_396] {strides = array<i32>} : memref<80x144xf32, #tpu.memory_space<vmem>>, vector<1x16xf32>,
        %get3A_398 = vector.shape_cast %get3A_397 : vector<1x16xf32> to vector<16xf32>
        %mul3A_399 = arith.mulf %get3A_398, %exp3A : vector<16xf32>
        %swap3A_400 = arith.index_cast %add3A_352 : i32 to index
        %swap3A_401 = arith.constant 48 : index
        %swap3A_402 = tpu.vector_load %arg9[%swap3A_400, %swap3A_401] {strides = array<i32>} : memref<80x144xf32, #tpu.memory_space<vmem>>, vector<1x16xf32>,
        %swap3A_403 = vector.shape_cast %swap3A_402 : vector<1x16xf32> to vector<16xf32>
        %swap3A_404 = vector.shape_cast %mul3A_399 : vector<16xf32> to vector<1x16xf32>
        tpu.vector_store %arg9[%swap3A_400, %swap3A_401], %swap3A_404 {strides = array<i32>} : memref<80x144xf32, #tpu.memory_space<vmem>>, vector<1x16xf32>,
        %get3A_405 = arith.index_cast %add3A_352 : i32 to index
        %get3A_406 = arith.constant 64 : index
        %get3A_407 = tpu.vector_load %arg9[%get3A_405, %get3A_406] {strides = array<i32>} : memref<80x144xf32, #tpu.memory_space<vmem>>, vector<1x16xf32>,
        %get3A_408 = vector.shape_cast %get3A_407 : vector<1x16xf32> to vector<16xf32>
        %mul3A_409 = arith.mulf %get3A_408, %exp3A : vector<16xf32>
        %swap3A_410 = arith.index_cast %add3A_352 : i32 to index
        %swap3A_411 = arith.constant 64 : index
        %swap3A_412 = tpu.vector_load %arg9[%swap3A_410, %swap3A_411] {strides = array<i32>} : memref<80x144xf32, #tpu.memory_space<vmem>>, vector<1x16xf32>,
        %swap3A_413 = vector.shape_cast %swap3A_412 : vector<1x16xf32> to vector<16xf32>
        %swap3A_414 = vector.shape_cast %mul3A_409 : vector<16xf32> to vector<1x16xf32>
        tpu.vector_store %arg9[%swap3A_410, %swap3A_411], %swap3A_414 {strides = array<i32>} : memref<80x144xf32, #tpu.memory_space<vmem>>, vector<1x16xf32>,
        %get3A_415 = arith.index_cast %add3A_352 : i32 to index
        %get3A_416 = arith.constant 80 : index
        %get3A_417 = tpu.vector_load %arg9[%get3A_415, %get3A_416] {strides = array<i32>} : memref<80x144xf32, #tpu.memory_space<vmem>>, vector<1x16xf32>,
        %get3A_418 = vector.shape_cast %get3A_417 : vector<1x16xf32> to vector<16xf32>
        %mul3A_419 = arith.mulf %get3A_418, %exp3A : vector<16xf32>
        %swap3A_420 = arith.index_cast %add3A_352 : i32 to index
        %swap3A_421 = arith.constant 80 : index
        %swap3A_422 = tpu.vector_load %arg9[%swap3A_420, %swap3A_421] {strides = array<i32>} : memref<80x144xf32, #tpu.memory_space<vmem>>, vector<1x16xf32>,
        %swap3A_423 = vector.shape_cast %swap3A_422 : vector<1x16xf32> to vector<16xf32>
        %swap3A_424 = vector.shape_cast %mul3A_419 : vector<16xf32> to vector<1x16xf32>
        tpu.vector_store %arg9[%swap3A_420, %swap3A_421], %swap3A_424 {strides = array<i32>} : memref<80x144xf32, #tpu.memory_space<vmem>>, vector<1x16xf32>,
        %get3A_425 = arith.index_cast %add3A_352 : i32 to index
        %get3A_426 = arith.constant 96 : index
        %get3A_427 = tpu.vector_load %arg9[%get3A_425, %get3A_426] {strides = array<i32>} : memref<80x144xf32, #tpu.memory_space<vmem>>, vector<1x16xf32>,
        %get3A_428 = vector.shape_cast %get3A_427 : vector<1x16xf32> to vector<16xf32>
        %mul3A_429 = arith.mulf %get3A_428, %exp3A : vector<16xf32>
        %swap3A_430 = arith.index_cast %add3A_352 : i32 to index
        %swap3A_431 = arith.constant 96 : index
        %swap3A_432 = tpu.vector_load %arg9[%swap3A_430, %swap3A_431] {strides = array<i32>} : memref<80x144xf32, #tpu.memory_space<vmem>>, vector<1x16xf32>,
        %swap3A_433 = vector.shape_cast %swap3A_432 : vector<1x16xf32> to vector<16xf32>
        %swap3A_434 = vector.shape_cast %mul3A_429 : vector<16xf32> to vector<1x16xf32>
        tpu.vector_store %arg9[%swap3A_430, %swap3A_431], %swap3A_434 {strides = array<i32>} : memref<80x144xf32, #tpu.memory_space<vmem>>, vector<1x16xf32>,
        %get3A_435 = arith.index_cast %add3A_352 : i32 to index
        %get3A_436 = arith.constant 112 : index
        %get3A_437 = tpu.vector_load %arg9[%get3A_435, %get3A_436] {strides = array<i32>} : memref<80x144xf32, #tpu.memory_space<vmem>>, vector<1x16xf32>,
        %get3A_438 = vector.shape_cast %get3A_437 : vector<1x16xf32> to vector<16xf32>
        %mul3A_439 = arith.mulf %get3A_438, %exp3A : vector<16xf32>
        %swap3A_440 = arith.index_cast %add3A_352 : i32 to index
        %swap3A_441 = arith.constant 112 : index
        %swap3A_442 = tpu.vector_load %arg9[%swap3A_440, %swap3A_441] {strides = array<i32>} : memref<80x144xf32, #tpu.memory_space<vmem>>, vector<1x16xf32>,
        %swap3A_443 = vector.shape_cast %swap3A_442 : vector<1x16xf32> to vector<16xf32>
        %swap3A_444 = vector.shape_cast %mul3A_439 : vector<16xf32> to vector<1x16xf32>
        tpu.vector_store %arg9[%swap3A_440, %swap3A_441], %swap3A_444 {strides = array<i32>} : memref<80x144xf32, #tpu.memory_space<vmem>>, vector<1x16xf32>,
        %swap3A_445 = arith.index_cast %add3A_352 : i32 to index
        %swap3A_446 = arith.constant 128 : index
        %swap3A_447 = tpu.vector_load %arg9[%swap3A_445, %swap3A_446] {strides = array<i32>} : memref<80x144xf32, #tpu.memory_space<vmem>>, vector<1x16xf32>,
        %swap3A_448 = vector.shape_cast %swap3A_447 : vector<1x16xf32> to vector<16xf32>
        %swap3A_449 = vector.shape_cast %exp3A : vector<16xf32> to vector<1x16xf32>
        tpu.vector_store %arg9[%swap3A_445, %swap3A_446], %swap3A_449 {strides = array<i32>} : memref<80x144xf32, #tpu.memory_space<vmem>>, vector<1x16xf32>,
        %scan3A_450 = arith.constant 1 : i32
        %scan3A_451 = arith.addi %scan3A_348, %scan3A_450 : i32
        %mul3A_452 = arith.constant 1 : i32
        %mul3A_453 = arith.muli %scan3A_451, %mul3A_452 : i32
        %add3A_454 = arith.constant 0 : i32
        %add3A_455 = arith.addi %add3A_454, %mul3A_453 : i32
        %get3A_456 = arith.index_cast %add3A_455 : i32 to index
        %get3A_457 = arith.constant 128 : index
        %get3A_458 = tpu.vector_load %arg9[%get3A_456, %get3A_457] {strides = array<i32>} : memref<80x144xf32, #tpu.memory_space<vmem>>, vector<1x16xf32>,
        %get3A_459 = vector.shape_cast %get3A_458 : vector<1x16xf32> to vector<16xf32>
        %get3A_460 = arith.index_cast %add3A_455 : i32 to index
        %get3A_461 = arith.constant 0 : index
        %get3A_462 = tpu.vector_load %arg11[%get3A_460, %get3A_461] {strides = array<i32>} : memref<80x16xf32, #tpu.memory_space<vmem>>, vector<1x16xf32>,
        %get3A_463 = vector.shape_cast %get3A_462 : vector<1x16xf32> to vector<16xf32>
        %add3A_464 = arith.addf %get3A_459, %get3A_463 : vector<16xf32>
        %mul3A_465 = arith.constant 2.000000e-01 : f32
        %mul3A_466 = vector.broadcast %mul3A_465 : f32 to vector<16xf32>
        %mul3A_467 = arith.mulf %mul3A_466, %add3A_464 : vector<16xf32>
        %max3A_468 = arith.maximumf %add3A_464, %mul3A_467 : vector<16xf32>
        %exp3A_469 = math.exp %max3A_468 : vector<16xf32>
        %get3A_470 = arith.index_cast %add3A_455 : i32 to index
        %get3A_471 = arith.constant 0 : index
        %get3A_472 = tpu.vector_load %arg9[%get3A_470, %get3A_471] {strides = array<i32>} : memref<80x144xf32, #tpu.memory_space<vmem>>, vector<1x16xf32>,
        %get3A_473 = vector.shape_cast %get3A_472 : vector<1x16xf32> to vector<16xf32>
        %mul3A_474 = arith.mulf %get3A_473, %exp3A_469 : vector<16xf32>
        %swap3A_475 = arith.index_cast %add3A_455 : i32 to index
        %swap3A_476 = arith.constant 0 : index
        %swap3A_477 = tpu.vector_load %arg9[%swap3A_475, %swap3A_476] {strides = array<i32>} : memref<80x144xf32, #tpu.memory_space<vmem>>, vector<1x16xf32>,
        %swap3A_478 = vector.shape_cast %swap3A_477 : vector<1x16xf32> to vector<16xf32>
        %swap3A_479 = vector.shape_cast %mul3A_474 : vector<16xf32> to vector<1x16xf32>
        tpu.vector_store %arg9[%swap3A_475, %swap3A_476], %swap3A_479 {strides = array<i32>} : memref<80x144xf32, #tpu.memory_space<vmem>>, vector<1x16xf32>,
        %get3A_480 = arith.index_cast %add3A_455 : i32 to index
        %get3A_481 = arith.constant 16 : index
        %get3A_482 = tpu.vector_load %arg9[%get3A_480, %get3A_481] {strides = array<i32>} : memref<80x144xf32, #tpu.memory_space<vmem>>, vector<1x16xf32>,
        %get3A_483 = vector.shape_cast %get3A_482 : vector<1x16xf32> to vector<16xf32>
        %mul3A_484 = arith.mulf %get3A_483, %exp3A_469 : vector<16xf32>
        %swap3A_485 = arith.index_cast %add3A_455 : i32 to index
        %swap3A_486 = arith.constant 16 : index
        %swap3A_487 = tpu.vector_load %arg9[%swap3A_485, %swap3A_486] {strides = array<i32>} : memref<80x144xf32, #tpu.memory_space<vmem>>, vector<1x16xf32>,
        %swap3A_488 = vector.shape_cast %swap3A_487 : vector<1x16xf32> to vector<16xf32>
        %swap3A_489 = vector.shape_cast %mul3A_484 : vector<16xf32> to vector<1x16xf32>
        tpu.vector_store %arg9[%swap3A_485, %swap3A_486], %swap3A_489 {strides = array<i32>} : memref<80x144xf32, #tpu.memory_space<vmem>>, vector<1x16xf32>,
        %get3A_490 = arith.index_cast %add3A_455 : i32 to index
        %get3A_491 = arith.constant 32 : index
        %get3A_492 = tpu.vector_load %arg9[%get3A_490, %get3A_491] {strides = array<i32>} : memref<80x144xf32, #tpu.memory_space<vmem>>, vector<1x16xf32>,
        %get3A_493 = vector.shape_cast %get3A_492 : vector<1x16xf32> to vector<16xf32>
        %mul3A_494 = arith.mulf %get3A_493, %exp3A_469 : vector<16xf32>
        %swap3A_495 = arith.index_cast %add3A_455 : i32 to index
        %swap3A_496 = arith.constant 32 : index
        %swap3A_497 = tpu.vector_load %arg9[%swap3A_495, %swap3A_496] {strides = array<i32>} : memref<80x144xf32, #tpu.memory_space<vmem>>, vector<1x16xf32>,
        %swap3A_498 = vector.shape_cast %swap3A_497 : vector<1x16xf32> to vector<16xf32>
        %swap3A_499 = vector.shape_cast %mul3A_494 : vector<16xf32> to vector<1x16xf32>
        tpu.vector_store %arg9[%swap3A_495, %swap3A_496], %swap3A_499 {strides = array<i32>} : memref<80x144xf32, #tpu.memory_space<vmem>>, vector<1x16xf32>,
        %get3A_500 = arith.index_cast %add3A_455 : i32 to index
        %get3A_501 = arith.constant 48 : index
        %get3A_502 = tpu.vector_load %arg9[%get3A_500, %get3A_501] {strides = array<i32>} : memref<80x144xf32, #tpu.memory_space<vmem>>, vector<1x16xf32>,
        %get3A_503 = vector.shape_cast %get3A_502 : vector<1x16xf32> to vector<16xf32>
        %mul3A_504 = arith.mulf %get3A_503, %exp3A_469 : vector<16xf32>
        %swap3A_505 = arith.index_cast %add3A_455 : i32 to index
        %swap3A_506 = arith.constant 48 : index
        %swap3A_507 = tpu.vector_load %arg9[%swap3A_505, %swap3A_506] {strides = array<i32>} : memref<80x144xf32, #tpu.memory_space<vmem>>, vector<1x16xf32>,
        %swap3A_508 = vector.shape_cast %swap3A_507 : vector<1x16xf32> to vector<16xf32>
        %swap3A_509 = vector.shape_cast %mul3A_504 : vector<16xf32> to vector<1x16xf32>
        tpu.vector_store %arg9[%swap3A_505, %swap3A_506], %swap3A_509 {strides = array<i32>} : memref<80x144xf32, #tpu.memory_space<vmem>>, vector<1x16xf32>,
        %get3A_510 = arith.index_cast %add3A_455 : i32 to index
        %get3A_511 = arith.constant 64 : index
        %get3A_512 = tpu.vector_load %arg9[%get3A_510, %get3A_511] {strides = array<i32>} : memref<80x144xf32, #tpu.memory_space<vmem>>, vector<1x16xf32>,
        %get3A_513 = vector.shape_cast %get3A_512 : vector<1x16xf32> to vector<16xf32>
        %mul3A_514 = arith.mulf %get3A_513, %exp3A_469 : vector<16xf32>
        %swap3A_515 = arith.index_cast %add3A_455 : i32 to index
        %swap3A_516 = arith.constant 64 : index
        %swap3A_517 = tpu.vector_load %arg9[%swap3A_515, %swap3A_516] {strides = array<i32>} : memref<80x144xf32, #tpu.memory_space<vmem>>, vector<1x16xf32>,
        %swap3A_518 = vector.shape_cast %swap3A_517 : vector<1x16xf32> to vector<16xf32>
        %swap3A_519 = vector.shape_cast %mul3A_514 : vector<16xf32> to vector<1x16xf32>
        tpu.vector_store %arg9[%swap3A_515, %swap3A_516], %swap3A_519 {strides = array<i32>} : memref<80x144xf32, #tpu.memory_space<vmem>>, vector<1x16xf32>,
        %get3A_520 = arith.index_cast %add3A_455 : i32 to index
        %get3A_521 = arith.constant 80 : index
        %get3A_522 = tpu.vector_load %arg9[%get3A_520, %get3A_521] {strides = array<i32>} : memref<80x144xf32, #tpu.memory_space<vmem>>, vector<1x16xf32>,
        %get3A_523 = vector.shape_cast %get3A_522 : vector<1x16xf32> to vector<16xf32>
        %mul3A_524 = arith.mulf %get3A_523, %exp3A_469 : vector<16xf32>
        %swap3A_525 = arith.index_cast %add3A_455 : i32 to index
        %swap3A_526 = arith.constant 80 : index
        %swap3A_527 = tpu.vector_load %arg9[%swap3A_525, %swap3A_526] {strides = array<i32>} : memref<80x144xf32, #tpu.memory_space<vmem>>, vector<1x16xf32>,
        %swap3A_528 = vector.shape_cast %swap3A_527 : vector<1x16xf32> to vector<16xf32>
        %swap3A_529 = vector.shape_cast %mul3A_524 : vector<16xf32> to vector<1x16xf32>
        tpu.vector_store %arg9[%swap3A_525, %swap3A_526], %swap3A_529 {strides = array<i32>} : memref<80x144xf32, #tpu.memory_space<vmem>>, vector<1x16xf32>,
        %get3A_530 = arith.index_cast %add3A_455 : i32 to index
        %get3A_531 = arith.constant 96 : index
        %get3A_532 = tpu.vector_load %arg9[%get3A_530, %get3A_531] {strides = array<i32>} : memref<80x144xf32, #tpu.memory_space<vmem>>, vector<1x16xf32>,
        %get3A_533 = vector.shape_cast %get3A_532 : vector<1x16xf32> to vector<16xf32>
        %mul3A_534 = arith.mulf %get3A_533, %exp3A_469 : vector<16xf32>
        %swap3A_535 = arith.index_cast %add3A_455 : i32 to index
        %swap3A_536 = arith.constant 96 : index
        %swap3A_537 = tpu.vector_load %arg9[%swap3A_535, %swap3A_536] {strides = array<i32>} : memref<80x144xf32, #tpu.memory_space<vmem>>, vector<1x16xf32>,
        %swap3A_538 = vector.shape_cast %swap3A_537 : vector<1x16xf32> to vector<16xf32>
        %swap3A_539 = vector.shape_cast %mul3A_534 : vector<16xf32> to vector<1x16xf32>
        tpu.vector_store %arg9[%swap3A_535, %swap3A_536], %swap3A_539 {strides = array<i32>} : memref<80x144xf32, #tpu.memory_space<vmem>>, vector<1x16xf32>,
        %get3A_540 = arith.index_cast %add3A_455 : i32 to index
        %get3A_541 = arith.constant 112 : index
        %get3A_542 = tpu.vector_load %arg9[%get3A_540, %get3A_541] {strides = array<i32>} : memref<80x144xf32, #tpu.memory_space<vmem>>, vector<1x16xf32>,
        %get3A_543 = vector.shape_cast %get3A_542 : vector<1x16xf32> to vector<16xf32>
        %mul3A_544 = arith.mulf %get3A_543, %exp3A_469 : vector<16xf32>
        %swap3A_545 = arith.index_cast %add3A_455 : i32 to index
        %swap3A_546 = arith.constant 112 : index
        %swap3A_547 = tpu.vector_load %arg9[%swap3A_545, %swap3A_546] {strides = array<i32>} : memref<80x144xf32, #tpu.memory_space<vmem>>, vector<1x16xf32>,
        %swap3A_548 = vector.shape_cast %swap3A_547 : vector<1x16xf32> to vector<16xf32>
        %swap3A_549 = vector.shape_cast %mul3A_544 : vector<16xf32> to vector<1x16xf32>
        tpu.vector_store %arg9[%swap3A_545, %swap3A_546], %swap3A_549 {strides = array<i32>} : memref<80x144xf32, #tpu.memory_space<vmem>>, vector<1x16xf32>,
        %swap3A_550 = arith.index_cast %add3A_455 : i32 to index
        %swap3A_551 = arith.constant 128 : index
        %swap3A_552 = tpu.vector_load %arg9[%swap3A_550, %swap3A_551] {strides = array<i32>} : memref<80x144xf32, #tpu.memory_space<vmem>>, vector<1x16xf32>,
        %swap3A_553 = vector.shape_cast %swap3A_552 : vector<1x16xf32> to vector<16xf32>
        %swap3A_554 = vector.shape_cast %exp3A_469 : vector<16xf32> to vector<1x16xf32>
        tpu.vector_store %arg9[%swap3A_550, %swap3A_551], %swap3A_554 {strides = array<i32>} : memref<80x144xf32, #tpu.memory_space<vmem>>, vector<1x16xf32>,
      }
      %scan3A_347 = arith.constant 80 : i32
      "tpu.region"() ({
        %run_scoped3A = tpu.sem_alloc : memref<!tpu.dma_semaphore, #tpu.memory_space<semaphore_mem>>
        %dma_start3A_348 = arith.constant 0 : i32
        %dma_start3A_349 = arith.constant 0 : i32
        %dma_start3A_350 = tpu.memref_slice %arg17[%dma_start3A_348, %dma_start3A_349] : memref<10000x144xf32, #tpu.memory_space<vmem_shared>> -> memref<10000x144xf32, #tpu.memory_space<vmem_shared>>
        tpu.enqueue_indirect_dma source(%arg9 : memref<80x144xf32, #tpu.memory_space<vmem>>) target(%dma_start3A_350 : memref<10000x144xf32, #tpu.memory_space<vmem_shared>>) offsets(%arg16 : memref<80xi32, #tpu.memory_space<vmem>>) semaphore(%run_scoped3A : memref<!tpu.dma_semaphore, #tpu.memory_space<semaphore_mem>>) {add = true}
        %dma_wait3A_351 = arith.constant 0 : i32
        %dma_wait3A_352 = arith.constant 0 : i32
        %dma_wait3A_353 = tpu.memref_slice %arg17[%dma_wait3A_351, %dma_wait3A_352] : memref<10000x144xf32, #tpu.memory_space<vmem_shared>> -> memref<10000x144xf32, #tpu.memory_space<vmem_shared>>
        tpu.wait_indirect_dma semaphore(%run_scoped3A : memref<!tpu.dma_semaphore, #tpu.memory_space<semaphore_mem>>) src(%arg9 : memref<80x144xf32, #tpu.memory_space<vmem>>) dst(%dma_wait3A_353 : memref<10000x144xf32, #tpu.memory_space<vmem_shared>>)
        tpu.yield
      }) : () -> ()
    }
    %scan3A_102 = arith.constant 62 : i32
    %dma_wait3A = arith.constant 0 : i32
    %dma_wait3A_103 = arith.constant 0 : i32
    %dma_wait3A_104 = tpu.memref_slice %arg2[%dma_wait3A, %dma_wait3A_103] : memref<10000x144xf32, #tpu.memory_space<hbm>> -> memref<10000x144xf32, #tpu.memory_space<hbm>>
    tpu.wait_indirect_dma semaphore(%arg18 : memref<!tpu.dma_semaphore, #tpu.memory_space<semaphore_mem>>) src(%dma_wait3A_104 : memref<10000x144xf32, #tpu.memory_space<hbm>>) dst(%arg8 : memref<80x144xf32, #tpu.memory_space<vmem>>)
    %dma_wait3A_105 = arith.constant 0 : i32
    %dma_wait3A_106 = arith.constant 0 : i32
    %dma_wait3A_107 = tpu.memref_slice %arg3[%dma_wait3A_105, %dma_wait3A_106] : memref<10000x16xf32, #tpu.memory_space<hbm>> -> memref<10000x16xf32, #tpu.memory_space<hbm>>
    tpu.wait_indirect_dma semaphore(%arg18 : memref<!tpu.dma_semaphore, #tpu.memory_space<semaphore_mem>>) src(%dma_wait3A_107 : memref<10000x16xf32, #tpu.memory_space<hbm>>) dst(%arg10 : memref<80x16xf32, #tpu.memory_space<vmem>>)
    %scan3A_108 = arith.constant 0 : i32
    %scan3A_109 = arith.constant 80 : i32
    %scan3A_110 = arith.addi %scan3A_108, %scan3A_109 : i32
    %scan3A_111 = arith.constant 2 : i32
    scf.for %scan3A_121 = %scan3A_108 to %scan3A_110 step %scan3A_111  : i32 {
      %mul3A_122 = arith.constant 1 : i32
      %mul3A_123 = arith.muli %scan3A_121, %mul3A_122 : i32
      %add3A_124 = arith.constant 0 : i32
      %add3A_125 = arith.addi %add3A_124, %mul3A_123 : i32
      %get3A_126 = arith.index_cast %add3A_125 : i32 to index
      %get3A_127 = arith.constant 128 : index
      %get3A_128 = tpu.vector_load %arg8[%get3A_126, %get3A_127] {strides = array<i32>} : memref<80x144xf32, #tpu.memory_space<vmem>>, vector<1x16xf32>,
      %get3A_129 = vector.shape_cast %get3A_128 : vector<1x16xf32> to vector<16xf32>
      %get3A_130 = arith.index_cast %add3A_125 : i32 to index
      %get3A_131 = arith.constant 0 : index
      %get3A_132 = tpu.vector_load %arg10[%get3A_130, %get3A_131] {strides = array<i32>} : memref<80x16xf32, #tpu.memory_space<vmem>>, vector<1x16xf32>,
      %get3A_133 = vector.shape_cast %get3A_132 : vector<1x16xf32> to vector<16xf32>
      %add3A_134 = arith.addf %get3A_129, %get3A_133 : vector<16xf32>
      %mul3A_135 = arith.constant 2.000000e-01 : f32
      %mul3A_136 = vector.broadcast %mul3A_135 : f32 to vector<16xf32>
      %mul3A_137 = arith.mulf %mul3A_136, %add3A_134 : vector<16xf32>
      %max3A = arith.maximumf %add3A_134, %mul3A_137 : vector<16xf32>
      %exp3A = math.exp %max3A : vector<16xf32>
      %get3A_138 = arith.index_cast %add3A_125 : i32 to index
      %get3A_139 = arith.constant 0 : index
      %get3A_140 = tpu.vector_load %arg8[%get3A_138, %get3A_139] {strides = array<i32>} : memref<80x144xf32, #tpu.memory_space<vmem>>, vector<1x16xf32>,
      %get3A_141 = vector.shape_cast %get3A_140 : vector<1x16xf32> to vector<16xf32>
      %mul3A_142 = arith.mulf %get3A_141, %exp3A : vector<16xf32>
      %swap3A_143 = arith.index_cast %add3A_125 : i32 to index
      %swap3A_144 = arith.constant 0 : index
      %swap3A_145 = tpu.vector_load %arg8[%swap3A_143, %swap3A_144] {strides = array<i32>} : memref<80x144xf32, #tpu.memory_space<vmem>>, vector<1x16xf32>,
      %swap3A_146 = vector.shape_cast %swap3A_145 : vector<1x16xf32> to vector<16xf32>
      %swap3A_147 = vector.shape_cast %mul3A_142 : vector<16xf32> to vector<1x16xf32>
      tpu.vector_store %arg8[%swap3A_143, %swap3A_144], %swap3A_147 {strides = array<i32>} : memref<80x144xf32, #tpu.memory_space<vmem>>, vector<1x16xf32>,
      %get3A_148 = arith.index_cast %add3A_125 : i32 to index
      %get3A_149 = arith.constant 16 : index
      %get3A_150 = tpu.vector_load %arg8[%get3A_148, %get3A_149] {strides = array<i32>} : memref<80x144xf32, #tpu.memory_space<vmem>>, vector<1x16xf32>,
      %get3A_151 = vector.shape_cast %get3A_150 : vector<1x16xf32> to vector<16xf32>
      %mul3A_152 = arith.mulf %get3A_151, %exp3A : vector<16xf32>
      %swap3A_153 = arith.index_cast %add3A_125 : i32 to index
      %swap3A_154 = arith.constant 16 : index
      %swap3A_155 = tpu.vector_load %arg8[%swap3A_153, %swap3A_154] {strides = array<i32>} : memref<80x144xf32, #tpu.memory_space<vmem>>, vector<1x16xf32>,
      %swap3A_156 = vector.shape_cast %swap3A_155 : vector<1x16xf32> to vector<16xf32>
      %swap3A_157 = vector.shape_cast %mul3A_152 : vector<16xf32> to vector<1x16xf32>
      tpu.vector_store %arg8[%swap3A_153, %swap3A_154], %swap3A_157 {strides = array<i32>} : memref<80x144xf32, #tpu.memory_space<vmem>>, vector<1x16xf32>,
      %get3A_158 = arith.index_cast %add3A_125 : i32 to index
      %get3A_159 = arith.constant 32 : index
      %get3A_160 = tpu.vector_load %arg8[%get3A_158, %get3A_159] {strides = array<i32>} : memref<80x144xf32, #tpu.memory_space<vmem>>, vector<1x16xf32>,
      %get3A_161 = vector.shape_cast %get3A_160 : vector<1x16xf32> to vector<16xf32>
      %mul3A_162 = arith.mulf %get3A_161, %exp3A : vector<16xf32>
      %swap3A_163 = arith.index_cast %add3A_125 : i32 to index
      %swap3A_164 = arith.constant 32 : index
      %swap3A_165 = tpu.vector_load %arg8[%swap3A_163, %swap3A_164] {strides = array<i32>} : memref<80x144xf32, #tpu.memory_space<vmem>>, vector<1x16xf32>,
      %swap3A_166 = vector.shape_cast %swap3A_165 : vector<1x16xf32> to vector<16xf32>
      %swap3A_167 = vector.shape_cast %mul3A_162 : vector<16xf32> to vector<1x16xf32>
      tpu.vector_store %arg8[%swap3A_163, %swap3A_164], %swap3A_167 {strides = array<i32>} : memref<80x144xf32, #tpu.memory_space<vmem>>, vector<1x16xf32>,
      %get3A_168 = arith.index_cast %add3A_125 : i32 to index
      %get3A_169 = arith.constant 48 : index
      %get3A_170 = tpu.vector_load %arg8[%get3A_168, %get3A_169] {strides = array<i32>} : memref<80x144xf32, #tpu.memory_space<vmem>>, vector<1x16xf32>,
      %get3A_171 = vector.shape_cast %get3A_170 : vector<1x16xf32> to vector<16xf32>
      %mul3A_172 = arith.mulf %get3A_171, %exp3A : vector<16xf32>
      %swap3A_173 = arith.index_cast %add3A_125 : i32 to index
      %swap3A_174 = arith.constant 48 : index
      %swap3A_175 = tpu.vector_load %arg8[%swap3A_173, %swap3A_174] {strides = array<i32>} : memref<80x144xf32, #tpu.memory_space<vmem>>, vector<1x16xf32>,
      %swap3A_176 = vector.shape_cast %swap3A_175 : vector<1x16xf32> to vector<16xf32>
      %swap3A_177 = vector.shape_cast %mul3A_172 : vector<16xf32> to vector<1x16xf32>
      tpu.vector_store %arg8[%swap3A_173, %swap3A_174], %swap3A_177 {strides = array<i32>} : memref<80x144xf32, #tpu.memory_space<vmem>>, vector<1x16xf32>,
      %get3A_178 = arith.index_cast %add3A_125 : i32 to index
      %get3A_179 = arith.constant 64 : index
      %get3A_180 = tpu.vector_load %arg8[%get3A_178, %get3A_179] {strides = array<i32>} : memref<80x144xf32, #tpu.memory_space<vmem>>, vector<1x16xf32>,
      %get3A_181 = vector.shape_cast %get3A_180 : vector<1x16xf32> to vector<16xf32>
      %mul3A_182 = arith.mulf %get3A_181, %exp3A : vector<16xf32>
      %swap3A_183 = arith.index_cast %add3A_125 : i32 to index
      %swap3A_184 = arith.constant 64 : index
      %swap3A_185 = tpu.vector_load %arg8[%swap3A_183, %swap3A_184] {strides = array<i32>} : memref<80x144xf32, #tpu.memory_space<vmem>>, vector<1x16xf32>,
      %swap3A_186 = vector.shape_cast %swap3A_185 : vector<1x16xf32> to vector<16xf32>
      %swap3A_187 = vector.shape_cast %mul3A_182 : vector<16xf32> to vector<1x16xf32>
      tpu.vector_store %arg8[%swap3A_183, %swap3A_184], %swap3A_187 {strides = array<i32>} : memref<80x144xf32, #tpu.memory_space<vmem>>, vector<1x16xf32>,
      %get3A_188 = arith.index_cast %add3A_125 : i32 to index
      %get3A_189 = arith.constant 80 : index
      %get3A_190 = tpu.vector_load %arg8[%get3A_188, %get3A_189] {strides = array<i32>} : memref<80x144xf32, #tpu.memory_space<vmem>>, vector<1x16xf32>,
      %get3A_191 = vector.shape_cast %get3A_190 : vector<1x16xf32> to vector<16xf32>
      %mul3A_192 = arith.mulf %get3A_191, %exp3A : vector<16xf32>
      %swap3A_193 = arith.index_cast %add3A_125 : i32 to index
      %swap3A_194 = arith.constant 80 : index
      %swap3A_195 = tpu.vector_load %arg8[%swap3A_193, %swap3A_194] {strides = array<i32>} : memref<80x144xf32, #tpu.memory_space<vmem>>, vector<1x16xf32>,
      %swap3A_196 = vector.shape_cast %swap3A_195 : vector<1x16xf32> to vector<16xf32>
      %swap3A_197 = vector.shape_cast %mul3A_192 : vector<16xf32> to vector<1x16xf32>
      tpu.vector_store %arg8[%swap3A_193, %swap3A_194], %swap3A_197 {strides = array<i32>} : memref<80x144xf32, #tpu.memory_space<vmem>>, vector<1x16xf32>,
      %get3A_198 = arith.index_cast %add3A_125 : i32 to index
      %get3A_199 = arith.constant 96 : index
      %get3A_200 = tpu.vector_load %arg8[%get3A_198, %get3A_199] {strides = array<i32>} : memref<80x144xf32, #tpu.memory_space<vmem>>, vector<1x16xf32>,
      %get3A_201 = vector.shape_cast %get3A_200 : vector<1x16xf32> to vector<16xf32>
      %mul3A_202 = arith.mulf %get3A_201, %exp3A : vector<16xf32>
      %swap3A_203 = arith.index_cast %add3A_125 : i32 to index
      %swap3A_204 = arith.constant 96 : index
      %swap3A_205 = tpu.vector_load %arg8[%swap3A_203, %swap3A_204] {strides = array<i32>} : memref<80x144xf32, #tpu.memory_space<vmem>>, vector<1x16xf32>,
      %swap3A_206 = vector.shape_cast %swap3A_205 : vector<1x16xf32> to vector<16xf32>
      %swap3A_207 = vector.shape_cast %mul3A_202 : vector<16xf32> to vector<1x16xf32>
      tpu.vector_store %arg8[%swap3A_203, %swap3A_204], %swap3A_207 {strides = array<i32>} : memref<80x144xf32, #tpu.memory_space<vmem>>, vector<1x16xf32>,
      %get3A_208 = arith.index_cast %add3A_125 : i32 to index
      %get3A_209 = arith.constant 112 : index
      %get3A_210 = tpu.vector_load %arg8[%get3A_208, %get3A_209] {strides = array<i32>} : memref<80x144xf32, #tpu.memory_space<vmem>>, vector<1x16xf32>,
      %get3A_211 = vector.shape_cast %get3A_210 : vector<1x16xf32> to vector<16xf32>
      %mul3A_212 = arith.mulf %get3A_211, %exp3A : vector<16xf32>
      %swap3A_213 = arith.index_cast %add3A_125 : i32 to index
      %swap3A_214 = arith.constant 112 : index
      %swap3A_215 = tpu.vector_load %arg8[%swap3A_213, %swap3A_214] {strides = array<i32>} : memref<80x144xf32, #tpu.memory_space<vmem>>, vector<1x16xf32>,
      %swap3A_216 = vector.shape_cast %swap3A_215 : vector<1x16xf32> to vector<16xf32>
      %swap3A_217 = vector.shape_cast %mul3A_212 : vector<16xf32> to vector<1x16xf32>
      tpu.vector_store %arg8[%swap3A_213, %swap3A_214], %swap3A_217 {strides = array<i32>} : memref<80x144xf32, #tpu.memory_space<vmem>>, vector<1x16xf32>,
      %swap3A_218 = arith.index_cast %add3A_125 : i32 to index
      %swap3A_219 = arith.constant 128 : index
      %swap3A_220 = tpu.vector_load %arg8[%swap3A_218, %swap3A_219] {strides = array<i32>} : memref<80x144xf32, #tpu.memory_space<vmem>>, vector<1x16xf32>,
      %swap3A_221 = vector.shape_cast %swap3A_220 : vector<1x16xf32> to vector<16xf32>
      %swap3A_222 = vector.shape_cast %exp3A : vector<16xf32> to vector<1x16xf32>
      tpu.vector_store %arg8[%swap3A_218, %swap3A_219], %swap3A_222 {strides = array<i32>} : memref<80x144xf32, #tpu.memory_space<vmem>>, vector<1x16xf32>,
      %scan3A_223 = arith.constant 1 : i32
      %scan3A_224 = arith.addi %scan3A_121, %scan3A_223 : i32
      %mul3A_225 = arith.constant 1 : i32
      %mul3A_226 = arith.muli %scan3A_224, %mul3A_225 : i32
      %add3A_227 = arith.constant 0 : i32
      %add3A_228 = arith.addi %add3A_227, %mul3A_226 : i32
      %get3A_229 = arith.index_cast %add3A_228 : i32 to index
      %get3A_230 = arith.constant 128 : index
      %get3A_231 = tpu.vector_load %arg8[%get3A_229, %get3A_230] {strides = array<i32>} : memref<80x144xf32, #tpu.memory_space<vmem>>, vector<1x16xf32>,
      %get3A_232 = vector.shape_cast %get3A_231 : vector<1x16xf32> to vector<16xf32>
      %get3A_233 = arith.index_cast %add3A_228 : i32 to index
      %get3A_234 = arith.constant 0 : index
      %get3A_235 = tpu.vector_load %arg10[%get3A_233, %get3A_234] {strides = array<i32>} : memref<80x16xf32, #tpu.memory_space<vmem>>, vector<1x16xf32>,
      %get3A_236 = vector.shape_cast %get3A_235 : vector<1x16xf32> to vector<16xf32>
      %add3A_237 = arith.addf %get3A_232, %get3A_236 : vector<16xf32>
      %mul3A_238 = arith.constant 2.000000e-01 : f32
      %mul3A_239 = vector.broadcast %mul3A_238 : f32 to vector<16xf32>
      %mul3A_240 = arith.mulf %mul3A_239, %add3A_237 : vector<16xf32>
      %max3A_241 = arith.maximumf %add3A_237, %mul3A_240 : vector<16xf32>
      %exp3A_242 = math.exp %max3A_241 : vector<16xf32>
      %get3A_243 = arith.index_cast %add3A_228 : i32 to index
      %get3A_244 = arith.constant 0 : index
      %get3A_245 = tpu.vector_load %arg8[%get3A_243, %get3A_244] {strides = array<i32>} : memref<80x144xf32, #tpu.memory_space<vmem>>, vector<1x16xf32>,
      %get3A_246 = vector.shape_cast %get3A_245 : vector<1x16xf32> to vector<16xf32>
      %mul3A_247 = arith.mulf %get3A_246, %exp3A_242 : vector<16xf32>
      %swap3A_248 = arith.index_cast %add3A_228 : i32 to index
      %swap3A_249 = arith.constant 0 : index
      %swap3A_250 = tpu.vector_load %arg8[%swap3A_248, %swap3A_249] {strides = array<i32>} : memref<80x144xf32, #tpu.memory_space<vmem>>, vector<1x16xf32>,
      %swap3A_251 = vector.shape_cast %swap3A_250 : vector<1x16xf32> to vector<16xf32>
      %swap3A_252 = vector.shape_cast %mul3A_247 : vector<16xf32> to vector<1x16xf32>
      tpu.vector_store %arg8[%swap3A_248, %swap3A_249], %swap3A_252 {strides = array<i32>} : memref<80x144xf32, #tpu.memory_space<vmem>>, vector<1x16xf32>,
      %get3A_253 = arith.index_cast %add3A_228 : i32 to index
      %get3A_254 = arith.constant 16 : index
      %get3A_255 = tpu.vector_load %arg8[%get3A_253, %get3A_254] {strides = array<i32>} : memref<80x144xf32, #tpu.memory_space<vmem>>, vector<1x16xf32>,
      %get3A_256 = vector.shape_cast %get3A_255 : vector<1x16xf32> to vector<16xf32>
      %mul3A_257 = arith.mulf %get3A_256, %exp3A_242 : vector<16xf32>
      %swap3A_258 = arith.index_cast %add3A_228 : i32 to index
      %swap3A_259 = arith.constant 16 : index
      %swap3A_260 = tpu.vector_load %arg8[%swap3A_258, %swap3A_259] {strides = array<i32>} : memref<80x144xf32, #tpu.memory_space<vmem>>, vector<1x16xf32>,
      %swap3A_261 = vector.shape_cast %swap3A_260 : vector<1x16xf32> to vector<16xf32>
      %swap3A_262 = vector.shape_cast %mul3A_257 : vector<16xf32> to vector<1x16xf32>
      tpu.vector_store %arg8[%swap3A_258, %swap3A_259], %swap3A_262 {strides = array<i32>} : memref<80x144xf32, #tpu.memory_space<vmem>>, vector<1x16xf32>,
      %get3A_263 = arith.index_cast %add3A_228 : i32 to index
      %get3A_264 = arith.constant 32 : index
      %get3A_265 = tpu.vector_load %arg8[%get3A_263, %get3A_264] {strides = array<i32>} : memref<80x144xf32, #tpu.memory_space<vmem>>, vector<1x16xf32>,
      %get3A_266 = vector.shape_cast %get3A_265 : vector<1x16xf32> to vector<16xf32>
      %mul3A_267 = arith.mulf %get3A_266, %exp3A_242 : vector<16xf32>
      %swap3A_268 = arith.index_cast %add3A_228 : i32 to index
      %swap3A_269 = arith.constant 32 : index
      %swap3A_270 = tpu.vector_load %arg8[%swap3A_268, %swap3A_269] {strides = array<i32>} : memref<80x144xf32, #tpu.memory_space<vmem>>, vector<1x16xf32>,
      %swap3A_271 = vector.shape_cast %swap3A_270 : vector<1x16xf32> to vector<16xf32>
      %swap3A_272 = vector.shape_cast %mul3A_267 : vector<16xf32> to vector<1x16xf32>
      tpu.vector_store %arg8[%swap3A_268, %swap3A_269], %swap3A_272 {strides = array<i32>} : memref<80x144xf32, #tpu.memory_space<vmem>>, vector<1x16xf32>,
      %get3A_273 = arith.index_cast %add3A_228 : i32 to index
      %get3A_274 = arith.constant 48 : index
      %get3A_275 = tpu.vector_load %arg8[%get3A_273, %get3A_274] {strides = array<i32>} : memref<80x144xf32, #tpu.memory_space<vmem>>, vector<1x16xf32>,
      %get3A_276 = vector.shape_cast %get3A_275 : vector<1x16xf32> to vector<16xf32>
      %mul3A_277 = arith.mulf %get3A_276, %exp3A_242 : vector<16xf32>
      %swap3A_278 = arith.index_cast %add3A_228 : i32 to index
      %swap3A_279 = arith.constant 48 : index
      %swap3A_280 = tpu.vector_load %arg8[%swap3A_278, %swap3A_279] {strides = array<i32>} : memref<80x144xf32, #tpu.memory_space<vmem>>, vector<1x16xf32>,
      %swap3A_281 = vector.shape_cast %swap3A_280 : vector<1x16xf32> to vector<16xf32>
      %swap3A_282 = vector.shape_cast %mul3A_277 : vector<16xf32> to vector<1x16xf32>
      tpu.vector_store %arg8[%swap3A_278, %swap3A_279], %swap3A_282 {strides = array<i32>} : memref<80x144xf32, #tpu.memory_space<vmem>>, vector<1x16xf32>,
      %get3A_283 = arith.index_cast %add3A_228 : i32 to index
      %get3A_284 = arith.constant 64 : index
      %get3A_285 = tpu.vector_load %arg8[%get3A_283, %get3A_284] {strides = array<i32>} : memref<80x144xf32, #tpu.memory_space<vmem>>, vector<1x16xf32>,
      %get3A_286 = vector.shape_cast %get3A_285 : vector<1x16xf32> to vector<16xf32>
      %mul3A_287 = arith.mulf %get3A_286, %exp3A_242 : vector<16xf32>
      %swap3A_288 = arith.index_cast %add3A_228 : i32 to index
      %swap3A_289 = arith.constant 64 : index
      %swap3A_290 = tpu.vector_load %arg8[%swap3A_288, %swap3A_289] {strides = array<i32>} : memref<80x144xf32, #tpu.memory_space<vmem>>, vector<1x16xf32>,
      %swap3A_291 = vector.shape_cast %swap3A_290 : vector<1x16xf32> to vector<16xf32>
      %swap3A_292 = vector.shape_cast %mul3A_287 : vector<16xf32> to vector<1x16xf32>
      tpu.vector_store %arg8[%swap3A_288, %swap3A_289], %swap3A_292 {strides = array<i32>} : memref<80x144xf32, #tpu.memory_space<vmem>>, vector<1x16xf32>,
      %get3A_293 = arith.index_cast %add3A_228 : i32 to index
      %get3A_294 = arith.constant 80 : index
      %get3A_295 = tpu.vector_load %arg8[%get3A_293, %get3A_294] {strides = array<i32>} : memref<80x144xf32, #tpu.memory_space<vmem>>, vector<1x16xf32>,
      %get3A_296 = vector.shape_cast %get3A_295 : vector<1x16xf32> to vector<16xf32>
      %mul3A_297 = arith.mulf %get3A_296, %exp3A_242 : vector<16xf32>
      %swap3A_298 = arith.index_cast %add3A_228 : i32 to index
      %swap3A_299 = arith.constant 80 : index
      %swap3A_300 = tpu.vector_load %arg8[%swap3A_298, %swap3A_299] {strides = array<i32>} : memref<80x144xf32, #tpu.memory_space<vmem>>, vector<1x16xf32>,
      %swap3A_301 = vector.shape_cast %swap3A_300 : vector<1x16xf32> to vector<16xf32>
      %swap3A_302 = vector.shape_cast %mul3A_297 : vector<16xf32> to vector<1x16xf32>
      tpu.vector_store %arg8[%swap3A_298, %swap3A_299], %swap3A_302 {strides = array<i32>} : memref<80x144xf32, #tpu.memory_space<vmem>>, vector<1x16xf32>,
      %get3A_303 = arith.index_cast %add3A_228 : i32 to index
      %get3A_304 = arith.constant 96 : index
      %get3A_305 = tpu.vector_load %arg8[%get3A_303, %get3A_304] {strides = array<i32>} : memref<80x144xf32, #tpu.memory_space<vmem>>, vector<1x16xf32>,
      %get3A_306 = vector.shape_cast %get3A_305 : vector<1x16xf32> to vector<16xf32>
      %mul3A_307 = arith.mulf %get3A_306, %exp3A_242 : vector<16xf32>
      %swap3A_308 = arith.index_cast %add3A_228 : i32 to index
      %swap3A_309 = arith.constant 96 : index
      %swap3A_310 = tpu.vector_load %arg8[%swap3A_308, %swap3A_309] {strides = array<i32>} : memref<80x144xf32, #tpu.memory_space<vmem>>, vector<1x16xf32>,
      %swap3A_311 = vector.shape_cast %swap3A_310 : vector<1x16xf32> to vector<16xf32>
      %swap3A_312 = vector.shape_cast %mul3A_307 : vector<16xf32> to vector<1x16xf32>
      tpu.vector_store %arg8[%swap3A_308, %swap3A_309], %swap3A_312 {strides = array<i32>} : memref<80x144xf32, #tpu.memory_space<vmem>>, vector<1x16xf32>,
      %get3A_313 = arith.index_cast %add3A_228 : i32 to index
      %get3A_314 = arith.constant 112 : index
      %get3A_315 = tpu.vector_load %arg8[%get3A_313, %get3A_314] {strides = array<i32>} : memref<80x144xf32, #tpu.memory_space<vmem>>, vector<1x16xf32>,
      %get3A_316 = vector.shape_cast %get3A_315 : vector<1x16xf32> to vector<16xf32>
      %mul3A_317 = arith.mulf %get3A_316, %exp3A_242 : vector<16xf32>
      %swap3A_318 = arith.index_cast %add3A_228 : i32 to index
      %swap3A_319 = arith.constant 112 : index
      %swap3A_320 = tpu.vector_load %arg8[%swap3A_318, %swap3A_319] {strides = array<i32>} : memref<80x144xf32, #tpu.memory_space<vmem>>, vector<1x16xf32>,
      %swap3A_321 = vector.shape_cast %swap3A_320 : vector<1x16xf32> to vector<16xf32>
      %swap3A_322 = vector.shape_cast %mul3A_317 : vector<16xf32> to vector<1x16xf32>
      tpu.vector_store %arg8[%swap3A_318, %swap3A_319], %swap3A_322 {strides = array<i32>} : memref<80x144xf32, #tpu.memory_space<vmem>>, vector<1x16xf32>,
      %swap3A_323 = arith.index_cast %add3A_228 : i32 to index
      %swap3A_324 = arith.constant 128 : index
      %swap3A_325 = tpu.vector_load %arg8[%swap3A_323, %swap3A_324] {strides = array<i32>} : memref<80x144xf32, #tpu.memory_space<vmem>>, vector<1x16xf32>,
      %swap3A_326 = vector.shape_cast %swap3A_325 : vector<1x16xf32> to vector<16xf32>
      %swap3A_327 = vector.shape_cast %exp3A_242 : vector<16xf32> to vector<1x16xf32>
      tpu.vector_store %arg8[%swap3A_323, %swap3A_324], %swap3A_327 {strides = array<i32>} : memref<80x144xf32, #tpu.memory_space<vmem>>, vector<1x16xf32>,
    }
    %scan3A_112 = arith.constant 80 : i32
    "tpu.region"() ({
      %run_scoped3A = tpu.sem_alloc : memref<!tpu.dma_semaphore, #tpu.memory_space<semaphore_mem>>
      %dma_start3A_121 = arith.constant 0 : i32
      %dma_start3A_122 = arith.constant 0 : i32
      %dma_start3A_123 = tpu.memref_slice %arg17[%dma_start3A_121, %dma_start3A_122] : memref<10000x144xf32, #tpu.memory_space<vmem_shared>> -> memref<10000x144xf32, #tpu.memory_space<vmem_shared>>
      tpu.enqueue_indirect_dma source(%arg8 : memref<80x144xf32, #tpu.memory_space<vmem>>) target(%dma_start3A_123 : memref<10000x144xf32, #tpu.memory_space<vmem_shared>>) offsets(%arg15 : memref<80xi32, #tpu.memory_space<vmem>>) semaphore(%run_scoped3A : memref<!tpu.dma_semaphore, #tpu.memory_space<semaphore_mem>>) {add = true}
      %dma_wait3A_124 = arith.constant 0 : i32
      %dma_wait3A_125 = arith.constant 0 : i32
      %dma_wait3A_126 = tpu.memref_slice %arg17[%dma_wait3A_124, %dma_wait3A_125] : memref<10000x144xf32, #tpu.memory_space<vmem_shared>> -> memref<10000x144xf32, #tpu.memory_space<vmem_shared>>
      tpu.wait_indirect_dma semaphore(%run_scoped3A : memref<!tpu.dma_semaphore, #tpu.memory_space<semaphore_mem>>) src(%arg8 : memref<80x144xf32, #tpu.memory_space<vmem>>) dst(%dma_wait3A_126 : memref<10000x144xf32, #tpu.memory_space<vmem_shared>>)
      tpu.yield
    }) : () -> ()
    %barrier3A_113 = arith.constant 0 : index
    tpu.barrier barrier_id(%barrier3A_113)
    %eq3A = arith.constant 0 : i32
    %eq3A_114 = arith.cmpi eq, %arg0, %eq3A : i32
    %convert_element_type3A = arith.extui %eq3A_114 : i1 to i32
    %cond3A = arith.constant 0 : i32
    %cond3A_115 = arith.cmpi ne, %convert_element_type3A, %cond3A : i32
    scf.if %cond3A_115 {
      "tpu.region"() ({
        %run_scoped3A = tpu.sem_alloc : memref<!tpu.dma_semaphore, #tpu.memory_space<semaphore_mem>>
        %dma_start3A_121 = arith.constant 0 : i32
        %dma_start3A_122 = tpu.memref_slice %arg6[%mul3A_2, %dma_start3A_121] : memref<10000x144xf32, #tpu.memory_space<hbm>> -> memref<625x144xf32, #tpu.memory_space<hbm>>
        %dma_start3A_123 = arith.constant 0 : i32
        %dma_start3A_124 = tpu.memref_slice %arg17[%mul3A_2, %dma_start3A_123] : memref<10000x144xf32, #tpu.memory_space<vmem_shared>> -> memref<625x144xf32, #tpu.memory_space<vmem_shared>>
        tpu.enqueue_dma source(%dma_start3A_124 : memref<625x144xf32, #tpu.memory_space<vmem_shared>>) target(%dma_start3A_122 : memref<625x144xf32, #tpu.memory_space<hbm>>) target_semaphore(%run_scoped3A : memref<!tpu.dma_semaphore, #tpu.memory_space<semaphore_mem>>)
        %dma_wait3A_125 = arith.constant 0 : i32
        %dma_wait3A_126 = tpu.memref_slice %arg6[%mul3A_2, %dma_wait3A_125] : memref<10000x144xf32, #tpu.memory_space<hbm>> -> memref<625x144xf32, #tpu.memory_space<hbm>>
        %dma_wait3A_127 = arith.constant 0 : i32
        %dma_wait3A_128 = tpu.memref_slice %arg17[%mul3A_2, %dma_wait3A_127] : memref<10000x144xf32, #tpu.memory_space<vmem_shared>> -> memref<625x144xf32, #tpu.memory_space<vmem_shared>>
        tpu.wait_dma2 semaphore(%run_scoped3A : memref<!tpu.dma_semaphore, #tpu.memory_space<semaphore_mem>>) src(%dma_wait3A_128 : memref<625x144xf32, #tpu.memory_space<vmem_shared>>) dst(%dma_wait3A_126 : memref<625x144xf32, #tpu.memory_space<hbm>>)
        tpu.yield
      }) : () -> ()
    } else {
    }
    %eq3A_116 = arith.constant 1 : i32
    %eq3A_117 = arith.cmpi eq, %arg0, %eq3A_116 : i32
    %convert_element_type3A_118 = arith.extui %eq3A_117 : i1 to i32
    %cond3A_119 = arith.constant 0 : i32
    %cond3A_120 = arith.cmpi ne, %convert_element_type3A_118, %cond3A_119 : i32
    scf.if %cond3A_120 {
      "tpu.region"() ({
        %run_scoped3A = tpu.sem_alloc : memref<!tpu.dma_semaphore, #tpu.memory_space<semaphore_mem>>
        %dma_start3A_121 = arith.constant 0 : i32
        %dma_start3A_122 = tpu.memref_slice %arg7[%mul3A_2, %dma_start3A_121] : memref<10000x144xf32, #tpu.memory_space<hbm>> -> memref<625x144xf32, #tpu.memory_space<hbm>>
        %dma_start3A_123 = arith.constant 0 : i32
        %dma_start3A_124 = tpu.memref_slice %arg17[%mul3A_2, %dma_start3A_123] : memref<10000x144xf32, #tpu.memory_space<vmem_shared>> -> memref<625x144xf32, #tpu.memory_space<vmem_shared>>
        tpu.enqueue_dma source(%dma_start3A_124 : memref<625x144xf32, #tpu.memory_space<vmem_shared>>) target(%dma_start3A_122 : memref<625x144xf32, #tpu.memory_space<hbm>>) target_semaphore(%run_scoped3A : memref<!tpu.dma_semaphore, #tpu.memory_space<semaphore_mem>>)
        %dma_wait3A_125 = arith.constant 0 : i32
        %dma_wait3A_126 = tpu.memref_slice %arg7[%mul3A_2, %dma_wait3A_125] : memref<10000x144xf32, #tpu.memory_space<hbm>> -> memref<625x144xf32, #tpu.memory_space<hbm>>
        %dma_wait3A_127 = arith.constant 0 : i32
        %dma_wait3A_128 = tpu.memref_slice %arg17[%mul3A_2, %dma_wait3A_127] : memref<10000x144xf32, #tpu.memory_space<vmem_shared>> -> memref<625x144xf32, #tpu.memory_space<vmem_shared>>
        tpu.wait_dma2 semaphore(%run_scoped3A : memref<!tpu.dma_semaphore, #tpu.memory_space<semaphore_mem>>) src(%dma_wait3A_128 : memref<625x144xf32, #tpu.memory_space<vmem_shared>>) dst(%dma_wait3A_126 : memref<625x144xf32, #tpu.memory_space<hbm>>)
        tpu.yield
      }) : () -> ()
    } else {
    }
    return
  }
}

#map = affine_map<(d0, d1) -> (0, 0)>
#map1 = affine_map<(d0, d1) -> (0, 0, 0)>
module attributes {stable_mosaic.version = 14 : i64} {
  func.func @k(%arg0: i32, %arg1: i32, %arg2: memref<10000x144xf32, #tpu.memory_space<hbm>>, %arg3: memref<10000x16xf32, #tpu.memory_space<hbm>>, %arg4: memref<32x125x80xi32, #tpu.memory_space<hbm>>, %arg5: memref<625x144xf32, #tpu.memory_space<hbm>>, %arg6: memref<10000x144xf32, #tpu.memory_space<hbm>>, %arg7: memref<10000x144xf32, #tpu.memory_space<hbm>>, %arg8: memref<80x144xf32, #tpu.memory_space<vmem>>, %arg9: memref<80x144xf32, #tpu.memory_space<vmem>>, %arg10: memref<80x16xf32, #tpu.memory_space<vmem>>, %arg11: memref<80x16xf32, #tpu.memory_space<vmem>>, %arg12: memref<125x80xi32, #tpu.memory_space<vmem>>, %arg13: memref<80xi32, #tpu.memory_space<vmem>>, %arg14: memref<80xi32, #tpu.memory_space<vmem>>, %arg15: memref<80xi32, #tpu.memory_space<vmem>>, %arg16: memref<80xi32, #tpu.memory_space<vmem>>, %arg17: memref<10000x144xf32, #tpu.memory_space<vmem_shared>>, %arg18: memref<!tpu.dma_semaphore, #tpu.memory_space<semaphore_mem>>, %arg19: memref<!tpu.dma_semaphore, #tpu.memory_space<semaphore_mem>>) attributes {dimension_semantics = [#tpu.dimension_semantics<core_parallel>, #tpu.dimension_semantics<subcore_parallel>], iteration_bounds = array<i64: 2, 16>, scalar_prefetch = 0 : i64, scratch_operands = 12 : i64, tpu.core_type = #tpu.core_type<sc_vector_subcore>, window_params = [{transform_indices = #map}, {transform_indices = #map}, {transform_indices = #map1}, {transform_indices = #map}, {transform_indices = #map}, {transform_indices = #map}]} {
    %mul3A = arith.constant 2 : i32
    %mul3A_0 = arith.muli %arg1, %mul3A : i32
    %add3A = arith.addi %mul3A_0, %arg0 : i32
    %mul3A_1 = arith.constant 625 : i32
    %mul3A_2 = arith.muli %arg1, %mul3A_1 : i32
    "tpu.region"() ({
      %run_scoped3A = tpu.sem_alloc : memref<!tpu.dma_semaphore, #tpu.memory_space<semaphore_mem>>
      %dma_start3A_121 = arith.constant 0 : i32
      %dma_start3A_122 = arith.constant 0 : i32
      %dma_start3A_123 = tpu.memref_slice %arg4[%add3A, %dma_start3A_121, %dma_start3A_122] : memref<32x125x80xi32, #tpu.memory_space<hbm>> -> memref<1x125x80xi32, #tpu.memory_space<hbm>>
      %dma_start3A_124 = tpu.memref_squeeze %dma_start3A_123 : memref<1x125x80xi32, #tpu.memory_space<hbm>> -> memref<125x80xi32, #tpu.memory_space<hbm>>
      %dma_start3A_125 = arith.constant 0 : i32
      %dma_start3A_126 = arith.constant 0 : i32
      %dma_start3A_127 = tpu.memref_slice %arg4[%add3A, %dma_start3A_125, %dma_start3A_126] : memref<32x125x80xi32, #tpu.memory_space<hbm>> -> memref<1x125x80xi32, #tpu.memory_space<hbm>>
      %dma_start3A_128 = tpu.memref_squeeze %dma_start3A_127 : memref<1x125x80xi32, #tpu.memory_space<hbm>> -> memref<125x80xi32, #tpu.memory_space<hbm>>
      tpu.enqueue_dma source(%dma_start3A_128 : memref<125x80xi32, #tpu.memory_space<hbm>>) target(%arg12 : memref<125x80xi32, #tpu.memory_space<vmem>>) target_semaphore(%run_scoped3A : memref<!tpu.dma_semaphore, #tpu.memory_space<semaphore_mem>>)
      %dma_wait3A_129 = arith.constant 0 : i32
      %dma_wait3A_130 = arith.constant 0 : i32
      %dma_wait3A_131 = tpu.memref_slice %arg4[%add3A, %dma_wait3A_129, %dma_wait3A_130] : memref<32x125x80xi32, #tpu.memory_space<hbm>> -> memref<1x125x80xi32, #tpu.memory_space<hbm>>
      %dma_wait3A_132 = tpu.memref_squeeze %dma_wait3A_131 : memref<1x125x80xi32, #tpu.memory_space<hbm>> -> memref<125x80xi32, #tpu.memory_space<hbm>>
      %dma_wait3A_133 = arith.constant 0 : i32
      %dma_wait3A_134 = arith.constant 0 : i32
      %dma_wait3A_135 = tpu.memref_slice %arg4[%add3A, %dma_wait3A_133, %dma_wait3A_134] : memref<32x125x80xi32, #tpu.memory_space<hbm>> -> memref<1x125x80xi32, #tpu.memory_space<hbm>>
      %dma_wait3A_136 = tpu.memref_squeeze %dma_wait3A_135 : memref<1x125x80xi32, #tpu.memory_space<hbm>> -> memref<125x80xi32, #tpu.memory_space<hbm>>
      tpu.wait_dma2 semaphore(%run_scoped3A : memref<!tpu.dma_semaphore, #tpu.memory_space<semaphore_mem>>) src(%dma_wait3A_136 : memref<125x80xi32, #tpu.memory_space<hbm>>) dst(%arg12 : memref<125x80xi32, #tpu.memory_space<vmem>>)
      tpu.yield
    }) : () -> ()
    "tpu.region"() ({
      %run_scoped3A = tpu.sem_alloc : memref<!tpu.dma_semaphore, #tpu.memory_space<semaphore_mem>>
      %dma_start3A_121 = arith.constant 0 : i32
      %dma_start3A_122 = tpu.memref_slice %arg17[%mul3A_2, %dma_start3A_121] : memref<10000x144xf32, #tpu.memory_space<vmem_shared>> -> memref<625x144xf32, #tpu.memory_space<vmem_shared>>
      tpu.enqueue_dma source(%arg5 : memref<625x144xf32, #tpu.memory_space<hbm>>) target(%dma_start3A_122 : memref<625x144xf32, #tpu.memory_space<vmem_shared>>) target_semaphore(%run_scoped3A : memref<!tpu.dma_semaphore, #tpu.memory_space<semaphore_mem>>)
      %dma_wait3A_123 = arith.constant 0 : i32
      %dma_wait3A_124 = tpu.memref_slice %arg17[%mul3A_2, %dma_wait3A_123] : memref<10000x144xf32, #tpu.memory_space<vmem_shared>> -> memref<625x144xf32, #tpu.memory_space<vmem_shared>>
      tpu.wait_dma2 semaphore(%run_scoped3A : memref<!tpu.dma_semaphore, #tpu.memory_space<semaphore_mem>>) src(%arg5 : memref<625x144xf32, #tpu.memory_space<hbm>>) dst(%dma_wait3A_124 : memref<625x144xf32, #tpu.memory_space<vmem_shared>>)
      tpu.yield
    }) : () -> ()
    %barrier3A = arith.constant 0 : index
    tpu.barrier barrier_id(%barrier3A)
    %get3A = arith.constant 0 : i32
    %get3A_3 = arith.index_cast %get3A : i32 to index
    %get3A_4 = arith.constant 0 : index
    %get3A_5 = tpu.vector_load %arg12[%get3A_3, %get3A_4] {strides = array<i32>} : memref<125x80xi32, #tpu.memory_space<vmem>>, vector<1x16xi32>,
    %get3A_6 = vector.shape_cast %get3A_5 : vector<1x16xi32> to vector<16xi32>
    %shift_right_arithmetic3A = arith.constant 14 : i32
    %shift_right_arithmetic3A_7 = vector.broadcast %shift_right_arithmetic3A : i32 to vector<16xi32>
    %shift_right_arithmetic3A_8 = arith.shrsi %get3A_6, %shift_right_arithmetic3A_7 : vector<16xi32>
    %swap3A = arith.constant 0 : index
    %swap3A_9 = tpu.vector_load %arg13[%swap3A] {strides = array<i32>} : memref<80xi32, #tpu.memory_space<vmem>>, vector<16xi32>,
    %swap3A_10 = vector.shape_cast %swap3A_9 : vector<16xi32> to vector<16xi32>
    %swap3A_11 = vector.shape_cast %shift_right_arithmetic3A_8 : vector<16xi32> to vector<16xi32>
    tpu.vector_store %arg13[%swap3A], %swap3A_11 {strides = array<i32>} : memref<80xi32, #tpu.memory_space<vmem>>, vector<16xi32>,
    %and3A = arith.constant 16383 : i32
    %and3A_12 = vector.broadcast %and3A : i32 to vector<16xi32>
    %and3A_13 = arith.andi %get3A_6, %and3A_12 : vector<16xi32>
    %swap3A_14 = arith.constant 0 : index
    %swap3A_15 = tpu.vector_load %arg15[%swap3A_14] {strides = array<i32>} : memref<80xi32, #tpu.memory_space<vmem>>, vector<16xi32>,
    %swap3A_16 = vector.shape_cast %swap3A_15 : vector<16xi32> to vector<16xi32>
    %swap3A_17 = vector.shape_cast %and3A_13 : vector<16xi32> to vector<16xi32>
    tpu.vector_store %arg15[%swap3A_14], %swap3A_17 {strides = array<i32>} : memref<80xi32, #tpu.memory_space<vmem>>, vector<16xi32>,
    %get3A_18 = arith.constant 0 : i32
    %get3A_19 = arith.index_cast %get3A_18 : i32 to index
    %get3A_20 = arith.constant 16 : index
    %get3A_21 = tpu.vector_load %arg12[%get3A_19, %get3A_20] {strides = array<i32>} : memref<125x80xi32, #tpu.memory_space<vmem>>, vector<1x16xi32>,
    %get3A_22 = vector.shape_cast %get3A_21 : vector<1x16xi32> to vector<16xi32>
    %shift_right_arithmetic3A_23 = arith.constant 14 : i32
    %shift_right_arithmetic3A_24 = vector.broadcast %shift_right_arithmetic3A_23 : i32 to vector<16xi32>
    %shift_right_arithmetic3A_25 = arith.shrsi %get3A_22, %shift_right_arithmetic3A_24 : vector<16xi32>
    %swap3A_26 = arith.constant 16 : index
    %swap3A_27 = tpu.vector_load %arg13[%swap3A_26] {strides = array<i32>} : memref<80xi32, #tpu.memory_space<vmem>>, vector<16xi32>,
    %swap3A_28 = vector.shape_cast %swap3A_27 : vector<16xi32> to vector<16xi32>
    %swap3A_29 = vector.shape_cast %shift_right_arithmetic3A_25 : vector<16xi32> to vector<16xi32>
    tpu.vector_store %arg13[%swap3A_26], %swap3A_29 {strides = array<i32>} : memref<80xi32, #tpu.memory_space<vmem>>, vector<16xi32>,
    %and3A_30 = arith.constant 16383 : i32
    %and3A_31 = vector.broadcast %and3A_30 : i32 to vector<16xi32>
    %and3A_32 = arith.andi %get3A_22, %and3A_31 : vector<16xi32>
    %swap3A_33 = arith.constant 16 : index
    %swap3A_34 = tpu.vector_load %arg15[%swap3A_33] {strides = array<i32>} : memref<80xi32, #tpu.memory_space<vmem>>, vector<16xi32>,
    %swap3A_35 = vector.shape_cast %swap3A_34 : vector<16xi32> to vector<16xi32>
    %swap3A_36 = vector.shape_cast %and3A_32 : vector<16xi32> to vector<16xi32>
    tpu.vector_store %arg15[%swap3A_33], %swap3A_36 {strides = array<i32>} : memref<80xi32, #tpu.memory_space<vmem>>, vector<16xi32>,
    %get3A_37 = arith.constant 0 : i32
    %get3A_38 = arith.index_cast %get3A_37 : i32 to index
    %get3A_39 = arith.constant 32 : index
    %get3A_40 = tpu.vector_load %arg12[%get3A_38, %get3A_39] {strides = array<i32>} : memref<125x80xi32, #tpu.memory_space<vmem>>, vector<1x16xi32>,
    %get3A_41 = vector.shape_cast %get3A_40 : vector<1x16xi32> to vector<16xi32>
    %shift_right_arithmetic3A_42 = arith.constant 14 : i32
    %shift_right_arithmetic3A_43 = vector.broadcast %shift_right_arithmetic3A_42 : i32 to vector<16xi32>
    %shift_right_arithmetic3A_44 = arith.shrsi %get3A_41, %shift_right_arithmetic3A_43 : vector<16xi32>
    %swap3A_45 = arith.constant 32 : index
    %swap3A_46 = tpu.vector_load %arg13[%swap3A_45] {strides = array<i32>} : memref<80xi32, #tpu.memory_space<vmem>>, vector<16xi32>,
    %swap3A_47 = vector.shape_cast %swap3A_46 : vector<16xi32> to vector<16xi32>
    %swap3A_48 = vector.shape_cast %shift_right_arithmetic3A_44 : vector<16xi32> to vector<16xi32>
    tpu.vector_store %arg13[%swap3A_45], %swap3A_48 {strides = array<i32>} : memref<80xi32, #tpu.memory_space<vmem>>, vector<16xi32>,
    %and3A_49 = arith.constant 16383 : i32
    %and3A_50 = vector.broadcast %and3A_49 : i32 to vector<16xi32>
    %and3A_51 = arith.andi %get3A_41, %and3A_50 : vector<16xi32>
    %swap3A_52 = arith.constant 32 : index
    %swap3A_53 = tpu.vector_load %arg15[%swap3A_52] {strides = array<i32>} : memref<80xi32, #tpu.memory_space<vmem>>, vector<16xi32>,
    %swap3A_54 = vector.shape_cast %swap3A_53 : vector<16xi32> to vector<16xi32>
    %swap3A_55 = vector.shape_cast %and3A_51 : vector<16xi32> to vector<16xi32>
    tpu.vector_store %arg15[%swap3A_52], %swap3A_55 {strides = array<i32>} : memref<80xi32, #tpu.memory_space<vmem>>, vector<16xi32>,
    %get3A_56 = arith.constant 0 : i32
    %get3A_57 = arith.index_cast %get3A_56 : i32 to index
    %get3A_58 = arith.constant 48 : index
    %get3A_59 = tpu.vector_load %arg12[%get3A_57, %get3A_58] {strides = array<i32>} : memref<125x80xi32, #tpu.memory_space<vmem>>, vector<1x16xi32>,
    %get3A_60 = vector.shape_cast %get3A_59 : vector<1x16xi32> to vector<16xi32>
    %shift_right_arithmetic3A_61 = arith.constant 14 : i32
    %shift_right_arithmetic3A_62 = vector.broadcast %shift_right_arithmetic3A_61 : i32 to vector<16xi32>
    %shift_right_arithmetic3A_63 = arith.shrsi %get3A_60, %shift_right_arithmetic3A_62 : vector<16xi32>
    %swap3A_64 = arith.constant 48 : index
    %swap3A_65 = tpu.vector_load %arg13[%swap3A_64] {strides = array<i32>} : memref<80xi32, #tpu.memory_space<vmem>>, vector<16xi32>,
    %swap3A_66 = vector.shape_cast %swap3A_65 : vector<16xi32> to vector<16xi32>
    %swap3A_67 = vector.shape_cast %shift_right_arithmetic3A_63 : vector<16xi32> to vector<16xi32>
    tpu.vector_store %arg13[%swap3A_64], %swap3A_67 {strides = array<i32>} : memref<80xi32, #tpu.memory_space<vmem>>, vector<16xi32>,
    %and3A_68 = arith.constant 16383 : i32
    %and3A_69 = vector.broadcast %and3A_68 : i32 to vector<16xi32>
    %and3A_70 = arith.andi %get3A_60, %and3A_69 : vector<16xi32>
    %swap3A_71 = arith.constant 48 : index
    %swap3A_72 = tpu.vector_load %arg15[%swap3A_71] {strides = array<i32>} : memref<80xi32, #tpu.memory_space<vmem>>, vector<16xi32>,
    %swap3A_73 = vector.shape_cast %swap3A_72 : vector<16xi32> to vector<16xi32>
    %swap3A_74 = vector.shape_cast %and3A_70 : vector<16xi32> to vector<16xi32>
    tpu.vector_store %arg15[%swap3A_71], %swap3A_74 {strides = array<i32>} : memref<80xi32, #tpu.memory_space<vmem>>, vector<16xi32>,
    %get3A_75 = arith.constant 0 : i32
    %get3A_76 = arith.index_cast %get3A_75 : i32 to index
    %get3A_77 = arith.constant 64 : index
    %get3A_78 = tpu.vector_load %arg12[%get3A_76, %get3A_77] {strides = array<i32>} : memref<125x80xi32, #tpu.memory_space<vmem>>, vector<1x16xi32>,
    %get3A_79 = vector.shape_cast %get3A_78 : vector<1x16xi32> to vector<16xi32>
    %shift_right_arithmetic3A_80 = arith.constant 14 : i32
    %shift_right_arithmetic3A_81 = vector.broadcast %shift_right_arithmetic3A_80 : i32 to vector<16xi32>
    %shift_right_arithmetic3A_82 = arith.shrsi %get3A_79, %shift_right_arithmetic3A_81 : vector<16xi32>
    %swap3A_83 = arith.constant 64 : index
    %swap3A_84 = tpu.vector_load %arg13[%swap3A_83] {strides = array<i32>} : memref<80xi32, #tpu.memory_space<vmem>>, vector<16xi32>,
    %swap3A_85 = vector.shape_cast %swap3A_84 : vector<16xi32> to vector<16xi32>
    %swap3A_86 = vector.shape_cast %shift_right_arithmetic3A_82 : vector<16xi32> to vector<16xi32>
    tpu.vector_store %arg13[%swap3A_83], %swap3A_86 {strides = array<i32>} : memref<80xi32, #tpu.memory_space<vmem>>, vector<16xi32>,
    %and3A_87 = arith.constant 16383 : i32
    %and3A_88 = vector.broadcast %and3A_87 : i32 to vector<16xi32>
    %and3A_89 = arith.andi %get3A_79, %and3A_88 : vector<16xi32>
    %swap3A_90 = arith.constant 64 : index
    %swap3A_91 = tpu.vector_load %arg15[%swap3A_90] {strides = array<i32>} : memref<80xi32, #tpu.memory_space<vmem>>, vector<16xi32>,
    %swap3A_92 = vector.shape_cast %swap3A_91 : vector<16xi32> to vector<16xi32>
    %swap3A_93 = vector.shape_cast %and3A_89 : vector<16xi32> to vector<16xi32>
    tpu.vector_store %arg15[%swap3A_90], %swap3A_93 {strides = array<i32>} : memref<80xi32, #tpu.memory_space<vmem>>, vector<16xi32>,
    %dma_start3A = arith.constant 0 : i32
    %dma_start3A_94 = arith.constant 0 : i32
    %dma_start3A_95 = tpu.memref_slice %arg2[%dma_start3A, %dma_start3A_94] : memref<10000x144xf32, #tpu.memory_space<hbm>> -> memref<10000x144xf32, #tpu.memory_space<hbm>>
    tpu.enqueue_indirect_dma source(%dma_start3A_95 : memref<10000x144xf32, #tpu.memory_space<hbm>>) target(%arg8 : memref<80x144xf32, #tpu.memory_space<vmem>>) offsets(%arg13 : memref<80xi32, #tpu.memory_space<vmem>>) semaphore(%arg18 : memref<!tpu.dma_semaphore, #tpu.memory_space<semaphore_mem>>)
    %dma_start3A_96 = arith.constant 0 : i32
    %dma_start3A_97 = arith.constant 0 : i32
    %dma_start3A_98 = tpu.memref_slice %arg3[%dma_start3A_96, %dma_start3A_97] : memref<10000x16xf32, #tpu.memory_space<hbm>> -> memref<10000x16xf32, #tpu.memory_space<hbm>>
    tpu.enqueue_indirect_dma source(%dma_start3A_98 : memref<10000x16xf32, #tpu.memory_space<hbm>>) target(%arg10 : memref<80x16xf32, #tpu.memory_space<vmem>>) offsets(%arg15 : memref<80xi32, #tpu.memory_space<vmem>>) semaphore(%arg18 : memref<!tpu.dma_semaphore, #tpu.memory_space<semaphore_mem>>)
    %scan3A = arith.constant 0 : i32
    %scan3A_99 = arith.constant 62 : i32
    %scan3A_100 = arith.addi %scan3A, %scan3A_99 : i32
    %scan3A_101 = arith.constant 1 : i32
    scf.for %scan3A_121 = %scan3A to %scan3A_100 step %scan3A_101  : i32 {
      %mul3A_122 = arith.constant 1 : i32
      %mul3A_123 = arith.muli %scan3A_121, %mul3A_122 : i32
      %add3A_124 = arith.constant 0 : i32
      %add3A_125 = arith.addi %add3A_124, %mul3A_123 : i32
      %mul3A_126 = arith.constant 2 : i32
      %mul3A_127 = arith.muli %mul3A_126, %add3A_125 : i32
      %add3A_128 = arith.constant 1 : i32
      %add3A_129 = arith.addi %mul3A_127, %add3A_128 : i32
      %get3A_130 = arith.index_cast %add3A_129 : i32 to index
      %get3A_131 = arith.constant 0 : index
      %get3A_132 = tpu.vector_load %arg12[%get3A_130, %get3A_131] {strides = array<i32>} : memref<125x80xi32, #tpu.memory_space<vmem>>, vector<1x16xi32>,
      %get3A_133 = vector.shape_cast %get3A_132 : vector<1x16xi32> to vector<16xi32>
      %shift_right_arithmetic3A_134 = arith.constant 14 : i32
      %shift_right_arithmetic3A_135 = vector.broadcast %shift_right_arithmetic3A_134 : i32 to vector<16xi32>
      %shift_right_arithmetic3A_136 = arith.shrsi %get3A_133, %shift_right_arithmetic3A_135 : vector<16xi32>
      %swap3A_137 = arith.constant 0 : index
      %swap3A_138 = tpu.vector_load %arg14[%swap3A_137] {strides = array<i32>} : memref<80xi32, #tpu.memory_space<vmem>>, vector<16xi32>,
      %swap3A_139 = vector.shape_cast %swap3A_138 : vector<16xi32> to vector<16xi32>
      %swap3A_140 = vector.shape_cast %shift_right_arithmetic3A_136 : vector<16xi32> to vector<16xi32>
      tpu.vector_store %arg14[%swap3A_137], %swap3A_140 {strides = array<i32>} : memref<80xi32, #tpu.memory_space<vmem>>, vector<16xi32>,
      %and3A_141 = arith.constant 16383 : i32
      %and3A_142 = vector.broadcast %and3A_141 : i32 to vector<16xi32>
      %and3A_143 = arith.andi %get3A_133, %and3A_142 : vector<16xi32>
      %swap3A_144 = arith.constant 0 : index
      %swap3A_145 = tpu.vector_load %arg16[%swap3A_144] {strides = array<i32>} : memref<80xi32, #tpu.memory_space<vmem>>, vector<16xi32>,
      %swap3A_146 = vector.shape_cast %swap3A_145 : vector<16xi32> to vector<16xi32>
      %swap3A_147 = vector.shape_cast %and3A_143 : vector<16xi32> to vector<16xi32>
      tpu.vector_store %arg16[%swap3A_144], %swap3A_147 {strides = array<i32>} : memref<80xi32, #tpu.memory_space<vmem>>, vector<16xi32>,
      %get3A_148 = arith.index_cast %add3A_129 : i32 to index
      %get3A_149 = arith.constant 16 : index
      %get3A_150 = tpu.vector_load %arg12[%get3A_148, %get3A_149] {strides = array<i32>} : memref<125x80xi32, #tpu.memory_space<vmem>>, vector<1x16xi32>,
      %get3A_151 = vector.shape_cast %get3A_150 : vector<1x16xi32> to vector<16xi32>
      %shift_right_arithmetic3A_152 = arith.constant 14 : i32
      %shift_right_arithmetic3A_153 = vector.broadcast %shift_right_arithmetic3A_152 : i32 to vector<16xi32>
      %shift_right_arithmetic3A_154 = arith.shrsi %get3A_151, %shift_right_arithmetic3A_153 : vector<16xi32>
      %swap3A_155 = arith.constant 16 : index
      %swap3A_156 = tpu.vector_load %arg14[%swap3A_155] {strides = array<i32>} : memref<80xi32, #tpu.memory_space<vmem>>, vector<16xi32>,
      %swap3A_157 = vector.shape_cast %swap3A_156 : vector<16xi32> to vector<16xi32>
      %swap3A_158 = vector.shape_cast %shift_right_arithmetic3A_154 : vector<16xi32> to vector<16xi32>
      tpu.vector_store %arg14[%swap3A_155], %swap3A_158 {strides = array<i32>} : memref<80xi32, #tpu.memory_space<vmem>>, vector<16xi32>,
      %and3A_159 = arith.constant 16383 : i32
      %and3A_160 = vector.broadcast %and3A_159 : i32 to vector<16xi32>
      %and3A_161 = arith.andi %get3A_151, %and3A_160 : vector<16xi32>
      %swap3A_162 = arith.constant 16 : index
      %swap3A_163 = tpu.vector_load %arg16[%swap3A_162] {strides = array<i32>} : memref<80xi32, #tpu.memory_space<vmem>>, vector<16xi32>,
      %swap3A_164 = vector.shape_cast %swap3A_163 : vector<16xi32> to vector<16xi32>
      %swap3A_165 = vector.shape_cast %and3A_161 : vector<16xi32> to vector<16xi32>
      tpu.vector_store %arg16[%swap3A_162], %swap3A_165 {strides = array<i32>} : memref<80xi32, #tpu.memory_space<vmem>>, vector<16xi32>,
      %get3A_166 = arith.index_cast %add3A_129 : i32 to index
      %get3A_167 = arith.constant 32 : index
      %get3A_168 = tpu.vector_load %arg12[%get3A_166, %get3A_167] {strides = array<i32>} : memref<125x80xi32, #tpu.memory_space<vmem>>, vector<1x16xi32>,
      %get3A_169 = vector.shape_cast %get3A_168 : vector<1x16xi32> to vector<16xi32>
      %shift_right_arithmetic3A_170 = arith.constant 14 : i32
      %shift_right_arithmetic3A_171 = vector.broadcast %shift_right_arithmetic3A_170 : i32 to vector<16xi32>
      %shift_right_arithmetic3A_172 = arith.shrsi %get3A_169, %shift_right_arithmetic3A_171 : vector<16xi32>
      %swap3A_173 = arith.constant 32 : index
      %swap3A_174 = tpu.vector_load %arg14[%swap3A_173] {strides = array<i32>} : memref<80xi32, #tpu.memory_space<vmem>>, vector<16xi32>,
      %swap3A_175 = vector.shape_cast %swap3A_174 : vector<16xi32> to vector<16xi32>
      %swap3A_176 = vector.shape_cast %shift_right_arithmetic3A_172 : vector<16xi32> to vector<16xi32>
      tpu.vector_store %arg14[%swap3A_173], %swap3A_176 {strides = array<i32>} : memref<80xi32, #tpu.memory_space<vmem>>, vector<16xi32>,
      %and3A_177 = arith.constant 16383 : i32
      %and3A_178 = vector.broadcast %and3A_177 : i32 to vector<16xi32>
      %and3A_179 = arith.andi %get3A_169, %and3A_178 : vector<16xi32>
      %swap3A_180 = arith.constant 32 : index
      %swap3A_181 = tpu.vector_load %arg16[%swap3A_180] {strides = array<i32>} : memref<80xi32, #tpu.memory_space<vmem>>, vector<16xi32>,
      %swap3A_182 = vector.shape_cast %swap3A_181 : vector<16xi32> to vector<16xi32>
      %swap3A_183 = vector.shape_cast %and3A_179 : vector<16xi32> to vector<16xi32>
      tpu.vector_store %arg16[%swap3A_180], %swap3A_183 {strides = array<i32>} : memref<80xi32, #tpu.memory_space<vmem>>, vector<16xi32>,
      %get3A_184 = arith.index_cast %add3A_129 : i32 to index
      %get3A_185 = arith.constant 48 : index
      %get3A_186 = tpu.vector_load %arg12[%get3A_184, %get3A_185] {strides = array<i32>} : memref<125x80xi32, #tpu.memory_space<vmem>>, vector<1x16xi32>,
      %get3A_187 = vector.shape_cast %get3A_186 : vector<1x16xi32> to vector<16xi32>
      %shift_right_arithmetic3A_188 = arith.constant 14 : i32
      %shift_right_arithmetic3A_189 = vector.broadcast %shift_right_arithmetic3A_188 : i32 to vector<16xi32>
      %shift_right_arithmetic3A_190 = arith.shrsi %get3A_187, %shift_right_arithmetic3A_189 : vector<16xi32>
      %swap3A_191 = arith.constant 48 : index
      %swap3A_192 = tpu.vector_load %arg14[%swap3A_191] {strides = array<i32>} : memref<80xi32, #tpu.memory_space<vmem>>, vector<16xi32>,
      %swap3A_193 = vector.shape_cast %swap3A_192 : vector<16xi32> to vector<16xi32>
      %swap3A_194 = vector.shape_cast %shift_right_arithmetic3A_190 : vector<16xi32> to vector<16xi32>
      tpu.vector_store %arg14[%swap3A_191], %swap3A_194 {strides = array<i32>} : memref<80xi32, #tpu.memory_space<vmem>>, vector<16xi32>,
      %and3A_195 = arith.constant 16383 : i32
      %and3A_196 = vector.broadcast %and3A_195 : i32 to vector<16xi32>
      %and3A_197 = arith.andi %get3A_187, %and3A_196 : vector<16xi32>
      %swap3A_198 = arith.constant 48 : index
      %swap3A_199 = tpu.vector_load %arg16[%swap3A_198] {strides = array<i32>} : memref<80xi32, #tpu.memory_space<vmem>>, vector<16xi32>,
      %swap3A_200 = vector.shape_cast %swap3A_199 : vector<16xi32> to vector<16xi32>
      %swap3A_201 = vector.shape_cast %and3A_197 : vector<16xi32> to vector<16xi32>
      tpu.vector_store %arg16[%swap3A_198], %swap3A_201 {strides = array<i32>} : memref<80xi32, #tpu.memory_space<vmem>>, vector<16xi32>,
      %get3A_202 = arith.index_cast %add3A_129 : i32 to index
      %get3A_203 = arith.constant 64 : index
      %get3A_204 = tpu.vector_load %arg12[%get3A_202, %get3A_203] {strides = array<i32>} : memref<125x80xi32, #tpu.memory_space<vmem>>, vector<1x16xi32>,
      %get3A_205 = vector.shape_cast %get3A_204 : vector<1x16xi32> to vector<16xi32>
      %shift_right_arithmetic3A_206 = arith.constant 14 : i32
      %shift_right_arithmetic3A_207 = vector.broadcast %shift_right_arithmetic3A_206 : i32 to vector<16xi32>
      %shift_right_arithmetic3A_208 = arith.shrsi %get3A_205, %shift_right_arithmetic3A_207 : vector<16xi32>
      %swap3A_209 = arith.constant 64 : index
      %swap3A_210 = tpu.vector_load %arg14[%swap3A_209] {strides = array<i32>} : memref<80xi32, #tpu.memory_space<vmem>>, vector<16xi32>,
      %swap3A_211 = vector.shape_cast %swap3A_210 : vector<16xi32> to vector<16xi32>
      %swap3A_212 = vector.shape_cast %shift_right_arithmetic3A_208 : vector<16xi32> to vector<16xi32>
      tpu.vector_store %arg14[%swap3A_209], %swap3A_212 {strides = array<i32>} : memref<80xi32, #tpu.memory_space<vmem>>, vector<16xi32>,
      %and3A_213 = arith.constant 16383 : i32
      %and3A_214 = vector.broadcast %and3A_213 : i32 to vector<16xi32>
      %and3A_215 = arith.andi %get3A_205, %and3A_214 : vector<16xi32>
      %swap3A_216 = arith.constant 64 : index
      %swap3A_217 = tpu.vector_load %arg16[%swap3A_216] {strides = array<i32>} : memref<80xi32, #tpu.memory_space<vmem>>, vector<16xi32>,
      %swap3A_218 = vector.shape_cast %swap3A_217 : vector<16xi32> to vector<16xi32>
      %swap3A_219 = vector.shape_cast %and3A_215 : vector<16xi32> to vector<16xi32>
      tpu.vector_store %arg16[%swap3A_216], %swap3A_219 {strides = array<i32>} : memref<80xi32, #tpu.memory_space<vmem>>, vector<16xi32>,
      %dma_start3A_220 = arith.constant 0 : i32
      %dma_start3A_221 = arith.constant 0 : i32
      %dma_start3A_222 = tpu.memref_slice %arg2[%dma_start3A_220, %dma_start3A_221] : memref<10000x144xf32, #tpu.memory_space<hbm>> -> memref<10000x144xf32, #tpu.memory_space<hbm>>
      tpu.enqueue_indirect_dma source(%dma_start3A_222 : memref<10000x144xf32, #tpu.memory_space<hbm>>) target(%arg9 : memref<80x144xf32, #tpu.memory_space<vmem>>) offsets(%arg14 : memref<80xi32, #tpu.memory_space<vmem>>) semaphore(%arg19 : memref<!tpu.dma_semaphore, #tpu.memory_space<semaphore_mem>>)
      %dma_start3A_223 = arith.constant 0 : i32
      %dma_start3A_224 = arith.constant 0 : i32
      %dma_start3A_225 = tpu.memref_slice %arg3[%dma_start3A_223, %dma_start3A_224] : memref<10000x16xf32, #tpu.memory_space<hbm>> -> memref<10000x16xf32, #tpu.memory_space<hbm>>
      tpu.enqueue_indirect_dma source(%dma_start3A_225 : memref<10000x16xf32, #tpu.memory_space<hbm>>) target(%arg11 : memref<80x16xf32, #tpu.memory_space<vmem>>) offsets(%arg16 : memref<80xi32, #tpu.memory_space<vmem>>) semaphore(%arg19 : memref<!tpu.dma_semaphore, #tpu.memory_space<semaphore_mem>>)
      %dma_wait3A_226 = arith.constant 0 : i32
      %dma_wait3A_227 = arith.constant 0 : i32
      %dma_wait3A_228 = tpu.memref_slice %arg2[%dma_wait3A_226, %dma_wait3A_227] : memref<10000x144xf32, #tpu.memory_space<hbm>> -> memref<10000x144xf32, #tpu.memory_space<hbm>>
      tpu.wait_indirect_dma semaphore(%arg18 : memref<!tpu.dma_semaphore, #tpu.memory_space<semaphore_mem>>) src(%dma_wait3A_228 : memref<10000x144xf32, #tpu.memory_space<hbm>>) dst(%arg8 : memref<80x144xf32, #tpu.memory_space<vmem>>)
      %dma_wait3A_229 = arith.constant 0 : i32
      %dma_wait3A_230 = arith.constant 0 : i32
      %dma_wait3A_231 = tpu.memref_slice %arg3[%dma_wait3A_229, %dma_wait3A_230] : memref<10000x16xf32, #tpu.memory_space<hbm>> -> memref<10000x16xf32, #tpu.memory_space<hbm>>
      tpu.wait_indirect_dma semaphore(%arg18 : memref<!tpu.dma_semaphore, #tpu.memory_space<semaphore_mem>>) src(%dma_wait3A_231 : memref<10000x16xf32, #tpu.memory_space<hbm>>) dst(%arg10 : memref<80x16xf32, #tpu.memory_space<vmem>>)
      %scan3A_232 = arith.constant 0 : i32
      %scan3A_233 = arith.constant 80 : i32
      %scan3A_234 = arith.addi %scan3A_232, %scan3A_233 : i32
      %scan3A_235 = arith.constant 2 : i32
      scf.for %scan3A_348 = %scan3A_232 to %scan3A_234 step %scan3A_235  : i32 {
        %mul3A_349 = arith.constant 1 : i32
        %mul3A_350 = arith.muli %scan3A_348, %mul3A_349 : i32
        %add3A_351 = arith.constant 0 : i32
        %add3A_352 = arith.addi %add3A_351, %mul3A_350 : i32
        %get3A_353 = arith.index_cast %add3A_352 : i32 to index
        %get3A_354 = arith.constant 128 : index
        %get3A_355 = tpu.vector_load %arg8[%get3A_353, %get3A_354] {strides = array<i32>} : memref<80x144xf32, #tpu.memory_space<vmem>>, vector<1x16xf32>,
        %get3A_356 = vector.shape_cast %get3A_355 : vector<1x16xf32> to vector<16xf32>
        %get3A_357 = arith.index_cast %add3A_352 : i32 to index
        %get3A_358 = arith.constant 0 : index
        %get3A_359 = tpu.vector_load %arg10[%get3A_357, %get3A_358] {strides = array<i32>} : memref<80x16xf32, #tpu.memory_space<vmem>>, vector<1x16xf32>,
        %get3A_360 = vector.shape_cast %get3A_359 : vector<1x16xf32> to vector<16xf32>
        %add3A_361 = arith.addf %get3A_356, %get3A_360 : vector<16xf32>
        %mul3A_362 = arith.constant 2.000000e-01 : f32
        %mul3A_363 = vector.broadcast %mul3A_362 : f32 to vector<16xf32>
        %mul3A_364 = arith.mulf %mul3A_363, %add3A_361 : vector<16xf32>
        %max3A = arith.maximumf %add3A_361, %mul3A_364 : vector<16xf32>
        %exp3A = math.exp %max3A : vector<16xf32>
        %get3A_365 = arith.index_cast %add3A_352 : i32 to index
        %get3A_366 = arith.constant 0 : index
        %get3A_367 = tpu.vector_load %arg8[%get3A_365, %get3A_366] {strides = array<i32>} : memref<80x144xf32, #tpu.memory_space<vmem>>, vector<1x16xf32>,
        %get3A_368 = vector.shape_cast %get3A_367 : vector<1x16xf32> to vector<16xf32>
        %mul3A_369 = arith.mulf %get3A_368, %exp3A : vector<16xf32>
        %swap3A_370 = arith.index_cast %add3A_352 : i32 to index
        %swap3A_371 = arith.constant 0 : index
        %swap3A_372 = tpu.vector_load %arg8[%swap3A_370, %swap3A_371] {strides = array<i32>} : memref<80x144xf32, #tpu.memory_space<vmem>>, vector<1x16xf32>,
        %swap3A_373 = vector.shape_cast %swap3A_372 : vector<1x16xf32> to vector<16xf32>
        %swap3A_374 = vector.shape_cast %mul3A_369 : vector<16xf32> to vector<1x16xf32>
        tpu.vector_store %arg8[%swap3A_370, %swap3A_371], %swap3A_374 {strides = array<i32>} : memref<80x144xf32, #tpu.memory_space<vmem>>, vector<1x16xf32>,
        %get3A_375 = arith.index_cast %add3A_352 : i32 to index
        %get3A_376 = arith.constant 16 : index
        %get3A_377 = tpu.vector_load %arg8[%get3A_375, %get3A_376] {strides = array<i32>} : memref<80x144xf32, #tpu.memory_space<vmem>>, vector<1x16xf32>,
        %get3A_378 = vector.shape_cast %get3A_377 : vector<1x16xf32> to vector<16xf32>
        %mul3A_379 = arith.mulf %get3A_378, %exp3A : vector<16xf32>
        %swap3A_380 = arith.index_cast %add3A_352 : i32 to index
        %swap3A_381 = arith.constant 16 : index
        %swap3A_382 = tpu.vector_load %arg8[%swap3A_380, %swap3A_381] {strides = array<i32>} : memref<80x144xf32, #tpu.memory_space<vmem>>, vector<1x16xf32>,
        %swap3A_383 = vector.shape_cast %swap3A_382 : vector<1x16xf32> to vector<16xf32>
        %swap3A_384 = vector.shape_cast %mul3A_379 : vector<16xf32> to vector<1x16xf32>
        tpu.vector_store %arg8[%swap3A_380, %swap3A_381], %swap3A_384 {strides = array<i32>} : memref<80x144xf32, #tpu.memory_space<vmem>>, vector<1x16xf32>,
        %get3A_385 = arith.index_cast %add3A_352 : i32 to index
        %get3A_386 = arith.constant 32 : index
        %get3A_387 = tpu.vector_load %arg8[%get3A_385, %get3A_386] {strides = array<i32>} : memref<80x144xf32, #tpu.memory_space<vmem>>, vector<1x16xf32>,
        %get3A_388 = vector.shape_cast %get3A_387 : vector<1x16xf32> to vector<16xf32>
        %mul3A_389 = arith.mulf %get3A_388, %exp3A : vector<16xf32>
        %swap3A_390 = arith.index_cast %add3A_352 : i32 to index
        %swap3A_391 = arith.constant 32 : index
        %swap3A_392 = tpu.vector_load %arg8[%swap3A_390, %swap3A_391] {strides = array<i32>} : memref<80x144xf32, #tpu.memory_space<vmem>>, vector<1x16xf32>,
        %swap3A_393 = vector.shape_cast %swap3A_392 : vector<1x16xf32> to vector<16xf32>
        %swap3A_394 = vector.shape_cast %mul3A_389 : vector<16xf32> to vector<1x16xf32>
        tpu.vector_store %arg8[%swap3A_390, %swap3A_391], %swap3A_394 {strides = array<i32>} : memref<80x144xf32, #tpu.memory_space<vmem>>, vector<1x16xf32>,
        %get3A_395 = arith.index_cast %add3A_352 : i32 to index
        %get3A_396 = arith.constant 48 : index
        %get3A_397 = tpu.vector_load %arg8[%get3A_395, %get3A_396] {strides = array<i32>} : memref<80x144xf32, #tpu.memory_space<vmem>>, vector<1x16xf32>,
        %get3A_398 = vector.shape_cast %get3A_397 : vector<1x16xf32> to vector<16xf32>
        %mul3A_399 = arith.mulf %get3A_398, %exp3A : vector<16xf32>
        %swap3A_400 = arith.index_cast %add3A_352 : i32 to index
        %swap3A_401 = arith.constant 48 : index
        %swap3A_402 = tpu.vector_load %arg8[%swap3A_400, %swap3A_401] {strides = array<i32>} : memref<80x144xf32, #tpu.memory_space<vmem>>, vector<1x16xf32>,
        %swap3A_403 = vector.shape_cast %swap3A_402 : vector<1x16xf32> to vector<16xf32>
        %swap3A_404 = vector.shape_cast %mul3A_399 : vector<16xf32> to vector<1x16xf32>
        tpu.vector_store %arg8[%swap3A_400, %swap3A_401], %swap3A_404 {strides = array<i32>} : memref<80x144xf32, #tpu.memory_space<vmem>>, vector<1x16xf32>,
        %get3A_405 = arith.index_cast %add3A_352 : i32 to index
        %get3A_406 = arith.constant 64 : index
        %get3A_407 = tpu.vector_load %arg8[%get3A_405, %get3A_406] {strides = array<i32>} : memref<80x144xf32, #tpu.memory_space<vmem>>, vector<1x16xf32>,
        %get3A_408 = vector.shape_cast %get3A_407 : vector<1x16xf32> to vector<16xf32>
        %mul3A_409 = arith.mulf %get3A_408, %exp3A : vector<16xf32>
        %swap3A_410 = arith.index_cast %add3A_352 : i32 to index
        %swap3A_411 = arith.constant 64 : index
        %swap3A_412 = tpu.vector_load %arg8[%swap3A_410, %swap3A_411] {strides = array<i32>} : memref<80x144xf32, #tpu.memory_space<vmem>>, vector<1x16xf32>,
        %swap3A_413 = vector.shape_cast %swap3A_412 : vector<1x16xf32> to vector<16xf32>
        %swap3A_414 = vector.shape_cast %mul3A_409 : vector<16xf32> to vector<1x16xf32>
        tpu.vector_store %arg8[%swap3A_410, %swap3A_411], %swap3A_414 {strides = array<i32>} : memref<80x144xf32, #tpu.memory_space<vmem>>, vector<1x16xf32>,
        %get3A_415 = arith.index_cast %add3A_352 : i32 to index
        %get3A_416 = arith.constant 80 : index
        %get3A_417 = tpu.vector_load %arg8[%get3A_415, %get3A_416] {strides = array<i32>} : memref<80x144xf32, #tpu.memory_space<vmem>>, vector<1x16xf32>,
        %get3A_418 = vector.shape_cast %get3A_417 : vector<1x16xf32> to vector<16xf32>
        %mul3A_419 = arith.mulf %get3A_418, %exp3A : vector<16xf32>
        %swap3A_420 = arith.index_cast %add3A_352 : i32 to index
        %swap3A_421 = arith.constant 80 : index
        %swap3A_422 = tpu.vector_load %arg8[%swap3A_420, %swap3A_421] {strides = array<i32>} : memref<80x144xf32, #tpu.memory_space<vmem>>, vector<1x16xf32>,
        %swap3A_423 = vector.shape_cast %swap3A_422 : vector<1x16xf32> to vector<16xf32>
        %swap3A_424 = vector.shape_cast %mul3A_419 : vector<16xf32> to vector<1x16xf32>
        tpu.vector_store %arg8[%swap3A_420, %swap3A_421], %swap3A_424 {strides = array<i32>} : memref<80x144xf32, #tpu.memory_space<vmem>>, vector<1x16xf32>,
        %get3A_425 = arith.index_cast %add3A_352 : i32 to index
        %get3A_426 = arith.constant 96 : index
        %get3A_427 = tpu.vector_load %arg8[%get3A_425, %get3A_426] {strides = array<i32>} : memref<80x144xf32, #tpu.memory_space<vmem>>, vector<1x16xf32>,
        %get3A_428 = vector.shape_cast %get3A_427 : vector<1x16xf32> to vector<16xf32>
        %mul3A_429 = arith.mulf %get3A_428, %exp3A : vector<16xf32>
        %swap3A_430 = arith.index_cast %add3A_352 : i32 to index
        %swap3A_431 = arith.constant 96 : index
        %swap3A_432 = tpu.vector_load %arg8[%swap3A_430, %swap3A_431] {strides = array<i32>} : memref<80x144xf32, #tpu.memory_space<vmem>>, vector<1x16xf32>,
        %swap3A_433 = vector.shape_cast %swap3A_432 : vector<1x16xf32> to vector<16xf32>
        %swap3A_434 = vector.shape_cast %mul3A_429 : vector<16xf32> to vector<1x16xf32>
        tpu.vector_store %arg8[%swap3A_430, %swap3A_431], %swap3A_434 {strides = array<i32>} : memref<80x144xf32, #tpu.memory_space<vmem>>, vector<1x16xf32>,
        %get3A_435 = arith.index_cast %add3A_352 : i32 to index
        %get3A_436 = arith.constant 112 : index
        %get3A_437 = tpu.vector_load %arg8[%get3A_435, %get3A_436] {strides = array<i32>} : memref<80x144xf32, #tpu.memory_space<vmem>>, vector<1x16xf32>,
        %get3A_438 = vector.shape_cast %get3A_437 : vector<1x16xf32> to vector<16xf32>
        %mul3A_439 = arith.mulf %get3A_438, %exp3A : vector<16xf32>
        %swap3A_440 = arith.index_cast %add3A_352 : i32 to index
        %swap3A_441 = arith.constant 112 : index
        %swap3A_442 = tpu.vector_load %arg8[%swap3A_440, %swap3A_441] {strides = array<i32>} : memref<80x144xf32, #tpu.memory_space<vmem>>, vector<1x16xf32>,
        %swap3A_443 = vector.shape_cast %swap3A_442 : vector<1x16xf32> to vector<16xf32>
        %swap3A_444 = vector.shape_cast %mul3A_439 : vector<16xf32> to vector<1x16xf32>
        tpu.vector_store %arg8[%swap3A_440, %swap3A_441], %swap3A_444 {strides = array<i32>} : memref<80x144xf32, #tpu.memory_space<vmem>>, vector<1x16xf32>,
        %swap3A_445 = arith.index_cast %add3A_352 : i32 to index
        %swap3A_446 = arith.constant 128 : index
        %swap3A_447 = tpu.vector_load %arg8[%swap3A_445, %swap3A_446] {strides = array<i32>} : memref<80x144xf32, #tpu.memory_space<vmem>>, vector<1x16xf32>,
        %swap3A_448 = vector.shape_cast %swap3A_447 : vector<1x16xf32> to vector<16xf32>
        %swap3A_449 = vector.shape_cast %exp3A : vector<16xf32> to vector<1x16xf32>
        tpu.vector_store %arg8[%swap3A_445, %swap3A_446], %swap3A_449 {strides = array<i32>} : memref<80x144xf32, #tpu.memory_space<vmem>>, vector<1x16xf32>,
        %scan3A_450 = arith.constant 1 : i32
        %scan3A_451 = arith.addi %scan3A_348, %scan3A_450 : i32
        %mul3A_452 = arith.constant 1 : i32
        %mul3A_453 = arith.muli %scan3A_451, %mul3A_452 : i32
        %add3A_454 = arith.constant 0 : i32
        %add3A_455 = arith.addi %add3A_454, %mul3A_453 : i32
        %get3A_456 = arith.index_cast %add3A_455 : i32 to index
        %get3A_457 = arith.constant 128 : index
        %get3A_458 = tpu.vector_load %arg8[%get3A_456, %get3A_457] {strides = array<i32>} : memref<80x144xf32, #tpu.memory_space<vmem>>, vector<1x16xf32>,
        %get3A_459 = vector.shape_cast %get3A_458 : vector<1x16xf32> to vector<16xf32>
        %get3A_460 = arith.index_cast %add3A_455 : i32 to index
        %get3A_461 = arith.constant 0 : index
        %get3A_462 = tpu.vector_load %arg10[%get3A_460, %get3A_461] {strides = array<i32>} : memref<80x16xf32, #tpu.memory_space<vmem>>, vector<1x16xf32>,
        %get3A_463 = vector.shape_cast %get3A_462 : vector<1x16xf32> to vector<16xf32>
        %add3A_464 = arith.addf %get3A_459, %get3A_463 : vector<16xf32>
        %mul3A_465 = arith.constant 2.000000e-01 : f32
        %mul3A_466 = vector.broadcast %mul3A_465 : f32 to vector<16xf32>
        %mul3A_467 = arith.mulf %mul3A_466, %add3A_464 : vector<16xf32>
        %max3A_468 = arith.maximumf %add3A_464, %mul3A_467 : vector<16xf32>
        %exp3A_469 = math.exp %max3A_468 : vector<16xf32>
        %get3A_470 = arith.index_cast %add3A_455 : i32 to index
        %get3A_471 = arith.constant 0 : index
        %get3A_472 = tpu.vector_load %arg8[%get3A_470, %get3A_471] {strides = array<i32>} : memref<80x144xf32, #tpu.memory_space<vmem>>, vector<1x16xf32>,
        %get3A_473 = vector.shape_cast %get3A_472 : vector<1x16xf32> to vector<16xf32>
        %mul3A_474 = arith.mulf %get3A_473, %exp3A_469 : vector<16xf32>
        %swap3A_475 = arith.index_cast %add3A_455 : i32 to index
        %swap3A_476 = arith.constant 0 : index
        %swap3A_477 = tpu.vector_load %arg8[%swap3A_475, %swap3A_476] {strides = array<i32>} : memref<80x144xf32, #tpu.memory_space<vmem>>, vector<1x16xf32>,
        %swap3A_478 = vector.shape_cast %swap3A_477 : vector<1x16xf32> to vector<16xf32>
        %swap3A_479 = vector.shape_cast %mul3A_474 : vector<16xf32> to vector<1x16xf32>
        tpu.vector_store %arg8[%swap3A_475, %swap3A_476], %swap3A_479 {strides = array<i32>} : memref<80x144xf32, #tpu.memory_space<vmem>>, vector<1x16xf32>,
        %get3A_480 = arith.index_cast %add3A_455 : i32 to index
        %get3A_481 = arith.constant 16 : index
        %get3A_482 = tpu.vector_load %arg8[%get3A_480, %get3A_481] {strides = array<i32>} : memref<80x144xf32, #tpu.memory_space<vmem>>, vector<1x16xf32>,
        %get3A_483 = vector.shape_cast %get3A_482 : vector<1x16xf32> to vector<16xf32>
        %mul3A_484 = arith.mulf %get3A_483, %exp3A_469 : vector<16xf32>
        %swap3A_485 = arith.index_cast %add3A_455 : i32 to index
        %swap3A_486 = arith.constant 16 : index
        %swap3A_487 = tpu.vector_load %arg8[%swap3A_485, %swap3A_486] {strides = array<i32>} : memref<80x144xf32, #tpu.memory_space<vmem>>, vector<1x16xf32>,
        %swap3A_488 = vector.shape_cast %swap3A_487 : vector<1x16xf32> to vector<16xf32>
        %swap3A_489 = vector.shape_cast %mul3A_484 : vector<16xf32> to vector<1x16xf32>
        tpu.vector_store %arg8[%swap3A_485, %swap3A_486], %swap3A_489 {strides = array<i32>} : memref<80x144xf32, #tpu.memory_space<vmem>>, vector<1x16xf32>,
        %get3A_490 = arith.index_cast %add3A_455 : i32 to index
        %get3A_491 = arith.constant 32 : index
        %get3A_492 = tpu.vector_load %arg8[%get3A_490, %get3A_491] {strides = array<i32>} : memref<80x144xf32, #tpu.memory_space<vmem>>, vector<1x16xf32>,
        %get3A_493 = vector.shape_cast %get3A_492 : vector<1x16xf32> to vector<16xf32>
        %mul3A_494 = arith.mulf %get3A_493, %exp3A_469 : vector<16xf32>
        %swap3A_495 = arith.index_cast %add3A_455 : i32 to index
        %swap3A_496 = arith.constant 32 : index
        %swap3A_497 = tpu.vector_load %arg8[%swap3A_495, %swap3A_496] {strides = array<i32>} : memref<80x144xf32, #tpu.memory_space<vmem>>, vector<1x16xf32>,
        %swap3A_498 = vector.shape_cast %swap3A_497 : vector<1x16xf32> to vector<16xf32>
        %swap3A_499 = vector.shape_cast %mul3A_494 : vector<16xf32> to vector<1x16xf32>
        tpu.vector_store %arg8[%swap3A_495, %swap3A_496], %swap3A_499 {strides = array<i32>} : memref<80x144xf32, #tpu.memory_space<vmem>>, vector<1x16xf32>,
        %get3A_500 = arith.index_cast %add3A_455 : i32 to index
        %get3A_501 = arith.constant 48 : index
        %get3A_502 = tpu.vector_load %arg8[%get3A_500, %get3A_501] {strides = array<i32>} : memref<80x144xf32, #tpu.memory_space<vmem>>, vector<1x16xf32>,
        %get3A_503 = vector.shape_cast %get3A_502 : vector<1x16xf32> to vector<16xf32>
        %mul3A_504 = arith.mulf %get3A_503, %exp3A_469 : vector<16xf32>
        %swap3A_505 = arith.index_cast %add3A_455 : i32 to index
        %swap3A_506 = arith.constant 48 : index
        %swap3A_507 = tpu.vector_load %arg8[%swap3A_505, %swap3A_506] {strides = array<i32>} : memref<80x144xf32, #tpu.memory_space<vmem>>, vector<1x16xf32>,
        %swap3A_508 = vector.shape_cast %swap3A_507 : vector<1x16xf32> to vector<16xf32>
        %swap3A_509 = vector.shape_cast %mul3A_504 : vector<16xf32> to vector<1x16xf32>
        tpu.vector_store %arg8[%swap3A_505, %swap3A_506], %swap3A_509 {strides = array<i32>} : memref<80x144xf32, #tpu.memory_space<vmem>>, vector<1x16xf32>,
        %get3A_510 = arith.index_cast %add3A_455 : i32 to index
        %get3A_511 = arith.constant 64 : index
        %get3A_512 = tpu.vector_load %arg8[%get3A_510, %get3A_511] {strides = array<i32>} : memref<80x144xf32, #tpu.memory_space<vmem>>, vector<1x16xf32>,
        %get3A_513 = vector.shape_cast %get3A_512 : vector<1x16xf32> to vector<16xf32>
        %mul3A_514 = arith.mulf %get3A_513, %exp3A_469 : vector<16xf32>
        %swap3A_515 = arith.index_cast %add3A_455 : i32 to index
        %swap3A_516 = arith.constant 64 : index
        %swap3A_517 = tpu.vector_load %arg8[%swap3A_515, %swap3A_516] {strides = array<i32>} : memref<80x144xf32, #tpu.memory_space<vmem>>, vector<1x16xf32>,
        %swap3A_518 = vector.shape_cast %swap3A_517 : vector<1x16xf32> to vector<16xf32>
        %swap3A_519 = vector.shape_cast %mul3A_514 : vector<16xf32> to vector<1x16xf32>
        tpu.vector_store %arg8[%swap3A_515, %swap3A_516], %swap3A_519 {strides = array<i32>} : memref<80x144xf32, #tpu.memory_space<vmem>>, vector<1x16xf32>,
        %get3A_520 = arith.index_cast %add3A_455 : i32 to index
        %get3A_521 = arith.constant 80 : index
        %get3A_522 = tpu.vector_load %arg8[%get3A_520, %get3A_521] {strides = array<i32>} : memref<80x144xf32, #tpu.memory_space<vmem>>, vector<1x16xf32>,
        %get3A_523 = vector.shape_cast %get3A_522 : vector<1x16xf32> to vector<16xf32>
        %mul3A_524 = arith.mulf %get3A_523, %exp3A_469 : vector<16xf32>
        %swap3A_525 = arith.index_cast %add3A_455 : i32 to index
        %swap3A_526 = arith.constant 80 : index
        %swap3A_527 = tpu.vector_load %arg8[%swap3A_525, %swap3A_526] {strides = array<i32>} : memref<80x144xf32, #tpu.memory_space<vmem>>, vector<1x16xf32>,
        %swap3A_528 = vector.shape_cast %swap3A_527 : vector<1x16xf32> to vector<16xf32>
        %swap3A_529 = vector.shape_cast %mul3A_524 : vector<16xf32> to vector<1x16xf32>
        tpu.vector_store %arg8[%swap3A_525, %swap3A_526], %swap3A_529 {strides = array<i32>} : memref<80x144xf32, #tpu.memory_space<vmem>>, vector<1x16xf32>,
        %get3A_530 = arith.index_cast %add3A_455 : i32 to index
        %get3A_531 = arith.constant 96 : index
        %get3A_532 = tpu.vector_load %arg8[%get3A_530, %get3A_531] {strides = array<i32>} : memref<80x144xf32, #tpu.memory_space<vmem>>, vector<1x16xf32>,
        %get3A_533 = vector.shape_cast %get3A_532 : vector<1x16xf32> to vector<16xf32>
        %mul3A_534 = arith.mulf %get3A_533, %exp3A_469 : vector<16xf32>
        %swap3A_535 = arith.index_cast %add3A_455 : i32 to index
        %swap3A_536 = arith.constant 96 : index
        %swap3A_537 = tpu.vector_load %arg8[%swap3A_535, %swap3A_536] {strides = array<i32>} : memref<80x144xf32, #tpu.memory_space<vmem>>, vector<1x16xf32>,
        %swap3A_538 = vector.shape_cast %swap3A_537 : vector<1x16xf32> to vector<16xf32>
        %swap3A_539 = vector.shape_cast %mul3A_534 : vector<16xf32> to vector<1x16xf32>
        tpu.vector_store %arg8[%swap3A_535, %swap3A_536], %swap3A_539 {strides = array<i32>} : memref<80x144xf32, #tpu.memory_space<vmem>>, vector<1x16xf32>,
        %get3A_540 = arith.index_cast %add3A_455 : i32 to index
        %get3A_541 = arith.constant 112 : index
        %get3A_542 = tpu.vector_load %arg8[%get3A_540, %get3A_541] {strides = array<i32>} : memref<80x144xf32, #tpu.memory_space<vmem>>, vector<1x16xf32>,
        %get3A_543 = vector.shape_cast %get3A_542 : vector<1x16xf32> to vector<16xf32>
        %mul3A_544 = arith.mulf %get3A_543, %exp3A_469 : vector<16xf32>
        %swap3A_545 = arith.index_cast %add3A_455 : i32 to index
        %swap3A_546 = arith.constant 112 : index
        %swap3A_547 = tpu.vector_load %arg8[%swap3A_545, %swap3A_546] {strides = array<i32>} : memref<80x144xf32, #tpu.memory_space<vmem>>, vector<1x16xf32>,
        %swap3A_548 = vector.shape_cast %swap3A_547 : vector<1x16xf32> to vector<16xf32>
        %swap3A_549 = vector.shape_cast %mul3A_544 : vector<16xf32> to vector<1x16xf32>
        tpu.vector_store %arg8[%swap3A_545, %swap3A_546], %swap3A_549 {strides = array<i32>} : memref<80x144xf32, #tpu.memory_space<vmem>>, vector<1x16xf32>,
        %swap3A_550 = arith.index_cast %add3A_455 : i32 to index
        %swap3A_551 = arith.constant 128 : index
        %swap3A_552 = tpu.vector_load %arg8[%swap3A_550, %swap3A_551] {strides = array<i32>} : memref<80x144xf32, #tpu.memory_space<vmem>>, vector<1x16xf32>,
        %swap3A_553 = vector.shape_cast %swap3A_552 : vector<1x16xf32> to vector<16xf32>
        %swap3A_554 = vector.shape_cast %exp3A_469 : vector<16xf32> to vector<1x16xf32>
        tpu.vector_store %arg8[%swap3A_550, %swap3A_551], %swap3A_554 {strides = array<i32>} : memref<80x144xf32, #tpu.memory_space<vmem>>, vector<1x16xf32>,
      }
      %scan3A_236 = arith.constant 80 : i32
      "tpu.region"() ({
        %run_scoped3A = tpu.sem_alloc : memref<!tpu.dma_semaphore, #tpu.memory_space<semaphore_mem>>
        %dma_start3A_348 = arith.constant 0 : i32
        %dma_start3A_349 = arith.constant 0 : i32
        %dma_start3A_350 = tpu.memref_slice %arg17[%dma_start3A_348, %dma_start3A_349] : memref<10000x144xf32, #tpu.memory_space<vmem_shared>> -> memref<10000x144xf32, #tpu.memory_space<vmem_shared>>
        tpu.enqueue_indirect_dma source(%arg8 : memref<80x144xf32, #tpu.memory_space<vmem>>) target(%dma_start3A_350 : memref<10000x144xf32, #tpu.memory_space<vmem_shared>>) offsets(%arg15 : memref<80xi32, #tpu.memory_space<vmem>>) semaphore(%run_scoped3A : memref<!tpu.dma_semaphore, #tpu.memory_space<semaphore_mem>>) {add = true}
        %dma_wait3A_351 = arith.constant 0 : i32
        %dma_wait3A_352 = arith.constant 0 : i32
        %dma_wait3A_353 = tpu.memref_slice %arg17[%dma_wait3A_351, %dma_wait3A_352] : memref<10000x144xf32, #tpu.memory_space<vmem_shared>> -> memref<10000x144xf32, #tpu.memory_space<vmem_shared>>
        tpu.wait_indirect_dma semaphore(%run_scoped3A : memref<!tpu.dma_semaphore, #tpu.memory_space<semaphore_mem>>) src(%arg8 : memref<80x144xf32, #tpu.memory_space<vmem>>) dst(%dma_wait3A_353 : memref<10000x144xf32, #tpu.memory_space<vmem_shared>>)
        tpu.yield
      }) : () -> ()
      %add3A_237 = arith.constant 2 : i32
      %add3A_238 = arith.addi %mul3A_127, %add3A_237 : i32
      %get3A_239 = arith.index_cast %add3A_238 : i32 to index
      %get3A_240 = arith.constant 0 : index
      %get3A_241 = tpu.vector_load %arg12[%get3A_239, %get3A_240] {strides = array<i32>} : memref<125x80xi32, #tpu.memory_space<vmem>>, vector<1x16xi32>,
      %get3A_242 = vector.shape_cast %get3A_241 : vector<1x16xi32> to vector<16xi32>
      %shift_right_arithmetic3A_243 = arith.constant 14 : i32
      %shift_right_arithmetic3A_244 = vector.broadcast %shift_right_arithmetic3A_243 : i32 to vector<16xi32>
      %shift_right_arithmetic3A_245 = arith.shrsi %get3A_242, %shift_right_arithmetic3A_244 : vector<16xi32>
      %swap3A_246 = arith.constant 0 : index
      %swap3A_247 = tpu.vector_load %arg13[%swap3A_246] {strides = array<i32>} : memref<80xi32, #tpu.memory_space<vmem>>, vector<16xi32>,
      %swap3A_248 = vector.shape_cast %swap3A_247 : vector<16xi32> to vector<16xi32>
      %swap3A_249 = vector.shape_cast %shift_right_arithmetic3A_245 : vector<16xi32> to vector<16xi32>
      tpu.vector_store %arg13[%swap3A_246], %swap3A_249 {strides = array<i32>} : memref<80xi32, #tpu.memory_space<vmem>>, vector<16xi32>,
      %and3A_250 = arith.constant 16383 : i32
      %and3A_251 = vector.broadcast %and3A_250 : i32 to vector<16xi32>
      %and3A_252 = arith.andi %get3A_242, %and3A_251 : vector<16xi32>
      %swap3A_253 = arith.constant 0 : index
      %swap3A_254 = tpu.vector_load %arg15[%swap3A_253] {strides = array<i32>} : memref<80xi32, #tpu.memory_space<vmem>>, vector<16xi32>,
      %swap3A_255 = vector.shape_cast %swap3A_254 : vector<16xi32> to vector<16xi32>
      %swap3A_256 = vector.shape_cast %and3A_252 : vector<16xi32> to vector<16xi32>
      tpu.vector_store %arg15[%swap3A_253], %swap3A_256 {strides = array<i32>} : memref<80xi32, #tpu.memory_space<vmem>>, vector<16xi32>,
      %get3A_257 = arith.index_cast %add3A_238 : i32 to index
      %get3A_258 = arith.constant 16 : index
      %get3A_259 = tpu.vector_load %arg12[%get3A_257, %get3A_258] {strides = array<i32>} : memref<125x80xi32, #tpu.memory_space<vmem>>, vector<1x16xi32>,
      %get3A_260 = vector.shape_cast %get3A_259 : vector<1x16xi32> to vector<16xi32>
      %shift_right_arithmetic3A_261 = arith.constant 14 : i32
      %shift_right_arithmetic3A_262 = vector.broadcast %shift_right_arithmetic3A_261 : i32 to vector<16xi32>
      %shift_right_arithmetic3A_263 = arith.shrsi %get3A_260, %shift_right_arithmetic3A_262 : vector<16xi32>
      %swap3A_264 = arith.constant 16 : index
      %swap3A_265 = tpu.vector_load %arg13[%swap3A_264] {strides = array<i32>} : memref<80xi32, #tpu.memory_space<vmem>>, vector<16xi32>,
      %swap3A_266 = vector.shape_cast %swap3A_265 : vector<16xi32> to vector<16xi32>
      %swap3A_267 = vector.shape_cast %shift_right_arithmetic3A_263 : vector<16xi32> to vector<16xi32>
      tpu.vector_store %arg13[%swap3A_264], %swap3A_267 {strides = array<i32>} : memref<80xi32, #tpu.memory_space<vmem>>, vector<16xi32>,
      %and3A_268 = arith.constant 16383 : i32
      %and3A_269 = vector.broadcast %and3A_268 : i32 to vector<16xi32>
      %and3A_270 = arith.andi %get3A_260, %and3A_269 : vector<16xi32>
      %swap3A_271 = arith.constant 16 : index
      %swap3A_272 = tpu.vector_load %arg15[%swap3A_271] {strides = array<i32>} : memref<80xi32, #tpu.memory_space<vmem>>, vector<16xi32>,
      %swap3A_273 = vector.shape_cast %swap3A_272 : vector<16xi32> to vector<16xi32>
      %swap3A_274 = vector.shape_cast %and3A_270 : vector<16xi32> to vector<16xi32>
      tpu.vector_store %arg15[%swap3A_271], %swap3A_274 {strides = array<i32>} : memref<80xi32, #tpu.memory_space<vmem>>, vector<16xi32>,
      %get3A_275 = arith.index_cast %add3A_238 : i32 to index
      %get3A_276 = arith.constant 32 : index
      %get3A_277 = tpu.vector_load %arg12[%get3A_275, %get3A_276] {strides = array<i32>} : memref<125x80xi32, #tpu.memory_space<vmem>>, vector<1x16xi32>,
      %get3A_278 = vector.shape_cast %get3A_277 : vector<1x16xi32> to vector<16xi32>
      %shift_right_arithmetic3A_279 = arith.constant 14 : i32
      %shift_right_arithmetic3A_280 = vector.broadcast %shift_right_arithmetic3A_279 : i32 to vector<16xi32>
      %shift_right_arithmetic3A_281 = arith.shrsi %get3A_278, %shift_right_arithmetic3A_280 : vector<16xi32>
      %swap3A_282 = arith.constant 32 : index
      %swap3A_283 = tpu.vector_load %arg13[%swap3A_282] {strides = array<i32>} : memref<80xi32, #tpu.memory_space<vmem>>, vector<16xi32>,
      %swap3A_284 = vector.shape_cast %swap3A_283 : vector<16xi32> to vector<16xi32>
      %swap3A_285 = vector.shape_cast %shift_right_arithmetic3A_281 : vector<16xi32> to vector<16xi32>
      tpu.vector_store %arg13[%swap3A_282], %swap3A_285 {strides = array<i32>} : memref<80xi32, #tpu.memory_space<vmem>>, vector<16xi32>,
      %and3A_286 = arith.constant 16383 : i32
      %and3A_287 = vector.broadcast %and3A_286 : i32 to vector<16xi32>
      %and3A_288 = arith.andi %get3A_278, %and3A_287 : vector<16xi32>
      %swap3A_289 = arith.constant 32 : index
      %swap3A_290 = tpu.vector_load %arg15[%swap3A_289] {strides = array<i32>} : memref<80xi32, #tpu.memory_space<vmem>>, vector<16xi32>,
      %swap3A_291 = vector.shape_cast %swap3A_290 : vector<16xi32> to vector<16xi32>
      %swap3A_292 = vector.shape_cast %and3A_288 : vector<16xi32> to vector<16xi32>
      tpu.vector_store %arg15[%swap3A_289], %swap3A_292 {strides = array<i32>} : memref<80xi32, #tpu.memory_space<vmem>>, vector<16xi32>,
      %get3A_293 = arith.index_cast %add3A_238 : i32 to index
      %get3A_294 = arith.constant 48 : index
      %get3A_295 = tpu.vector_load %arg12[%get3A_293, %get3A_294] {strides = array<i32>} : memref<125x80xi32, #tpu.memory_space<vmem>>, vector<1x16xi32>,
      %get3A_296 = vector.shape_cast %get3A_295 : vector<1x16xi32> to vector<16xi32>
      %shift_right_arithmetic3A_297 = arith.constant 14 : i32
      %shift_right_arithmetic3A_298 = vector.broadcast %shift_right_arithmetic3A_297 : i32 to vector<16xi32>
      %shift_right_arithmetic3A_299 = arith.shrsi %get3A_296, %shift_right_arithmetic3A_298 : vector<16xi32>
      %swap3A_300 = arith.constant 48 : index
      %swap3A_301 = tpu.vector_load %arg13[%swap3A_300] {strides = array<i32>} : memref<80xi32, #tpu.memory_space<vmem>>, vector<16xi32>,
      %swap3A_302 = vector.shape_cast %swap3A_301 : vector<16xi32> to vector<16xi32>
      %swap3A_303 = vector.shape_cast %shift_right_arithmetic3A_299 : vector<16xi32> to vector<16xi32>
      tpu.vector_store %arg13[%swap3A_300], %swap3A_303 {strides = array<i32>} : memref<80xi32, #tpu.memory_space<vmem>>, vector<16xi32>,
      %and3A_304 = arith.constant 16383 : i32
      %and3A_305 = vector.broadcast %and3A_304 : i32 to vector<16xi32>
      %and3A_306 = arith.andi %get3A_296, %and3A_305 : vector<16xi32>
      %swap3A_307 = arith.constant 48 : index
      %swap3A_308 = tpu.vector_load %arg15[%swap3A_307] {strides = array<i32>} : memref<80xi32, #tpu.memory_space<vmem>>, vector<16xi32>,
      %swap3A_309 = vector.shape_cast %swap3A_308 : vector<16xi32> to vector<16xi32>
      %swap3A_310 = vector.shape_cast %and3A_306 : vector<16xi32> to vector<16xi32>
      tpu.vector_store %arg15[%swap3A_307], %swap3A_310 {strides = array<i32>} : memref<80xi32, #tpu.memory_space<vmem>>, vector<16xi32>,
      %get3A_311 = arith.index_cast %add3A_238 : i32 to index
      %get3A_312 = arith.constant 64 : index
      %get3A_313 = tpu.vector_load %arg12[%get3A_311, %get3A_312] {strides = array<i32>} : memref<125x80xi32, #tpu.memory_space<vmem>>, vector<1x16xi32>,
      %get3A_314 = vector.shape_cast %get3A_313 : vector<1x16xi32> to vector<16xi32>
      %shift_right_arithmetic3A_315 = arith.constant 14 : i32
      %shift_right_arithmetic3A_316 = vector.broadcast %shift_right_arithmetic3A_315 : i32 to vector<16xi32>
      %shift_right_arithmetic3A_317 = arith.shrsi %get3A_314, %shift_right_arithmetic3A_316 : vector<16xi32>
      %swap3A_318 = arith.constant 64 : index
      %swap3A_319 = tpu.vector_load %arg13[%swap3A_318] {strides = array<i32>} : memref<80xi32, #tpu.memory_space<vmem>>, vector<16xi32>,
      %swap3A_320 = vector.shape_cast %swap3A_319 : vector<16xi32> to vector<16xi32>
      %swap3A_321 = vector.shape_cast %shift_right_arithmetic3A_317 : vector<16xi32> to vector<16xi32>
      tpu.vector_store %arg13[%swap3A_318], %swap3A_321 {strides = array<i32>} : memref<80xi32, #tpu.memory_space<vmem>>, vector<16xi32>,
      %and3A_322 = arith.constant 16383 : i32
      %and3A_323 = vector.broadcast %and3A_322 : i32 to vector<16xi32>
      %and3A_324 = arith.andi %get3A_314, %and3A_323 : vector<16xi32>
      %swap3A_325 = arith.constant 64 : index
      %swap3A_326 = tpu.vector_load %arg15[%swap3A_325] {strides = array<i32>} : memref<80xi32, #tpu.memory_space<vmem>>, vector<16xi32>,
      %swap3A_327 = vector.shape_cast %swap3A_326 : vector<16xi32> to vector<16xi32>
      %swap3A_328 = vector.shape_cast %and3A_324 : vector<16xi32> to vector<16xi32>
      tpu.vector_store %arg15[%swap3A_325], %swap3A_328 {strides = array<i32>} : memref<80xi32, #tpu.memory_space<vmem>>, vector<16xi32>,
      %dma_start3A_329 = arith.constant 0 : i32
      %dma_start3A_330 = arith.constant 0 : i32
      %dma_start3A_331 = tpu.memref_slice %arg2[%dma_start3A_329, %dma_start3A_330] : memref<10000x144xf32, #tpu.memory_space<hbm>> -> memref<10000x144xf32, #tpu.memory_space<hbm>>
      tpu.enqueue_indirect_dma source(%dma_start3A_331 : memref<10000x144xf32, #tpu.memory_space<hbm>>) target(%arg8 : memref<80x144xf32, #tpu.memory_space<vmem>>) offsets(%arg13 : memref<80xi32, #tpu.memory_space<vmem>>) semaphore(%arg18 : memref<!tpu.dma_semaphore, #tpu.memory_space<semaphore_mem>>)
      %dma_start3A_332 = arith.constant 0 : i32
      %dma_start3A_333 = arith.constant 0 : i32
      %dma_start3A_334 = tpu.memref_slice %arg3[%dma_start3A_332, %dma_start3A_333] : memref<10000x16xf32, #tpu.memory_space<hbm>> -> memref<10000x16xf32, #tpu.memory_space<hbm>>
      tpu.enqueue_indirect_dma source(%dma_start3A_334 : memref<10000x16xf32, #tpu.memory_space<hbm>>) target(%arg10 : memref<80x16xf32, #tpu.memory_space<vmem>>) offsets(%arg15 : memref<80xi32, #tpu.memory_space<vmem>>) semaphore(%arg18 : memref<!tpu.dma_semaphore, #tpu.memory_space<semaphore_mem>>)
      %add3A_335 = arith.constant 1 : i32
      %add3A_336 = arith.addi %mul3A_127, %add3A_335 : i32
      %dma_wait3A_337 = arith.constant 0 : i32
      %dma_wait3A_338 = arith.constant 0 : i32
      %dma_wait3A_339 = tpu.memref_slice %arg2[%dma_wait3A_337, %dma_wait3A_338] : memref<10000x144xf32, #tpu.memory_space<hbm>> -> memref<10000x144xf32, #tpu.memory_space<hbm>>
      tpu.wait_indirect_dma semaphore(%arg19 : memref<!tpu.dma_semaphore, #tpu.memory_space<semaphore_mem>>) src(%dma_wait3A_339 : memref<10000x144xf32, #tpu.memory_space<hbm>>) dst(%arg9 : memref<80x144xf32, #tpu.memory_space<vmem>>)
      %dma_wait3A_340 = arith.constant 0 : i32
      %dma_wait3A_341 = arith.constant 0 : i32
      %dma_wait3A_342 = tpu.memref_slice %arg3[%dma_wait3A_340, %dma_wait3A_341] : memref<10000x16xf32, #tpu.memory_space<hbm>> -> memref<10000x16xf32, #tpu.memory_space<hbm>>
      tpu.wait_indirect_dma semaphore(%arg19 : memref<!tpu.dma_semaphore, #tpu.memory_space<semaphore_mem>>) src(%dma_wait3A_342 : memref<10000x16xf32, #tpu.memory_space<hbm>>) dst(%arg11 : memref<80x16xf32, #tpu.memory_space<vmem>>)
      %scan3A_343 = arith.constant 0 : i32
      %scan3A_344 = arith.constant 80 : i32
      %scan3A_345 = arith.addi %scan3A_343, %scan3A_344 : i32
      %scan3A_346 = arith.constant 2 : i32
      scf.for %scan3A_348 = %scan3A_343 to %scan3A_345 step %scan3A_346  : i32 {
        %mul3A_349 = arith.constant 1 : i32
        %mul3A_350 = arith.muli %scan3A_348, %mul3A_349 : i32
        %add3A_351 = arith.constant 0 : i32
        %add3A_352 = arith.addi %add3A_351, %mul3A_350 : i32
        %get3A_353 = arith.index_cast %add3A_352 : i32 to index
        %get3A_354 = arith.constant 128 : index
        %get3A_355 = tpu.vector_load %arg9[%get3A_353, %get3A_354] {strides = array<i32>} : memref<80x144xf32, #tpu.memory_space<vmem>>, vector<1x16xf32>,
        %get3A_356 = vector.shape_cast %get3A_355 : vector<1x16xf32> to vector<16xf32>
        %get3A_357 = arith.index_cast %add3A_352 : i32 to index
        %get3A_358 = arith.constant 0 : index
        %get3A_359 = tpu.vector_load %arg11[%get3A_357, %get3A_358] {strides = array<i32>} : memref<80x16xf32, #tpu.memory_space<vmem>>, vector<1x16xf32>,
        %get3A_360 = vector.shape_cast %get3A_359 : vector<1x16xf32> to vector<16xf32>
        %add3A_361 = arith.addf %get3A_356, %get3A_360 : vector<16xf32>
        %mul3A_362 = arith.constant 2.000000e-01 : f32
        %mul3A_363 = vector.broadcast %mul3A_362 : f32 to vector<16xf32>
        %mul3A_364 = arith.mulf %mul3A_363, %add3A_361 : vector<16xf32>
        %max3A = arith.maximumf %add3A_361, %mul3A_364 : vector<16xf32>
        %exp3A = math.exp %max3A : vector<16xf32>
        %get3A_365 = arith.index_cast %add3A_352 : i32 to index
        %get3A_366 = arith.constant 0 : index
        %get3A_367 = tpu.vector_load %arg9[%get3A_365, %get3A_366] {strides = array<i32>} : memref<80x144xf32, #tpu.memory_space<vmem>>, vector<1x16xf32>,
        %get3A_368 = vector.shape_cast %get3A_367 : vector<1x16xf32> to vector<16xf32>
        %mul3A_369 = arith.mulf %get3A_368, %exp3A : vector<16xf32>
        %swap3A_370 = arith.index_cast %add3A_352 : i32 to index
        %swap3A_371 = arith.constant 0 : index
        %swap3A_372 = tpu.vector_load %arg9[%swap3A_370, %swap3A_371] {strides = array<i32>} : memref<80x144xf32, #tpu.memory_space<vmem>>, vector<1x16xf32>,
        %swap3A_373 = vector.shape_cast %swap3A_372 : vector<1x16xf32> to vector<16xf32>
        %swap3A_374 = vector.shape_cast %mul3A_369 : vector<16xf32> to vector<1x16xf32>
        tpu.vector_store %arg9[%swap3A_370, %swap3A_371], %swap3A_374 {strides = array<i32>} : memref<80x144xf32, #tpu.memory_space<vmem>>, vector<1x16xf32>,
        %get3A_375 = arith.index_cast %add3A_352 : i32 to index
        %get3A_376 = arith.constant 16 : index
        %get3A_377 = tpu.vector_load %arg9[%get3A_375, %get3A_376] {strides = array<i32>} : memref<80x144xf32, #tpu.memory_space<vmem>>, vector<1x16xf32>,
        %get3A_378 = vector.shape_cast %get3A_377 : vector<1x16xf32> to vector<16xf32>
        %mul3A_379 = arith.mulf %get3A_378, %exp3A : vector<16xf32>
        %swap3A_380 = arith.index_cast %add3A_352 : i32 to index
        %swap3A_381 = arith.constant 16 : index
        %swap3A_382 = tpu.vector_load %arg9[%swap3A_380, %swap3A_381] {strides = array<i32>} : memref<80x144xf32, #tpu.memory_space<vmem>>, vector<1x16xf32>,
        %swap3A_383 = vector.shape_cast %swap3A_382 : vector<1x16xf32> to vector<16xf32>
        %swap3A_384 = vector.shape_cast %mul3A_379 : vector<16xf32> to vector<1x16xf32>
        tpu.vector_store %arg9[%swap3A_380, %swap3A_381], %swap3A_384 {strides = array<i32>} : memref<80x144xf32, #tpu.memory_space<vmem>>, vector<1x16xf32>,
        %get3A_385 = arith.index_cast %add3A_352 : i32 to index
        %get3A_386 = arith.constant 32 : index
        %get3A_387 = tpu.vector_load %arg9[%get3A_385, %get3A_386] {strides = array<i32>} : memref<80x144xf32, #tpu.memory_space<vmem>>, vector<1x16xf32>,
        %get3A_388 = vector.shape_cast %get3A_387 : vector<1x16xf32> to vector<16xf32>
        %mul3A_389 = arith.mulf %get3A_388, %exp3A : vector<16xf32>
        %swap3A_390 = arith.index_cast %add3A_352 : i32 to index
        %swap3A_391 = arith.constant 32 : index
        %swap3A_392 = tpu.vector_load %arg9[%swap3A_390, %swap3A_391] {strides = array<i32>} : memref<80x144xf32, #tpu.memory_space<vmem>>, vector<1x16xf32>,
        %swap3A_393 = vector.shape_cast %swap3A_392 : vector<1x16xf32> to vector<16xf32>
        %swap3A_394 = vector.shape_cast %mul3A_389 : vector<16xf32> to vector<1x16xf32>
        tpu.vector_store %arg9[%swap3A_390, %swap3A_391], %swap3A_394 {strides = array<i32>} : memref<80x144xf32, #tpu.memory_space<vmem>>, vector<1x16xf32>,
        %get3A_395 = arith.index_cast %add3A_352 : i32 to index
        %get3A_396 = arith.constant 48 : index
        %get3A_397 = tpu.vector_load %arg9[%get3A_395, %get3A_396] {strides = array<i32>} : memref<80x144xf32, #tpu.memory_space<vmem>>, vector<1x16xf32>,
        %get3A_398 = vector.shape_cast %get3A_397 : vector<1x16xf32> to vector<16xf32>
        %mul3A_399 = arith.mulf %get3A_398, %exp3A : vector<16xf32>
        %swap3A_400 = arith.index_cast %add3A_352 : i32 to index
        %swap3A_401 = arith.constant 48 : index
        %swap3A_402 = tpu.vector_load %arg9[%swap3A_400, %swap3A_401] {strides = array<i32>} : memref<80x144xf32, #tpu.memory_space<vmem>>, vector<1x16xf32>,
        %swap3A_403 = vector.shape_cast %swap3A_402 : vector<1x16xf32> to vector<16xf32>
        %swap3A_404 = vector.shape_cast %mul3A_399 : vector<16xf32> to vector<1x16xf32>
        tpu.vector_store %arg9[%swap3A_400, %swap3A_401], %swap3A_404 {strides = array<i32>} : memref<80x144xf32, #tpu.memory_space<vmem>>, vector<1x16xf32>,
        %get3A_405 = arith.index_cast %add3A_352 : i32 to index
        %get3A_406 = arith.constant 64 : index
        %get3A_407 = tpu.vector_load %arg9[%get3A_405, %get3A_406] {strides = array<i32>} : memref<80x144xf32, #tpu.memory_space<vmem>>, vector<1x16xf32>,
        %get3A_408 = vector.shape_cast %get3A_407 : vector<1x16xf32> to vector<16xf32>
        %mul3A_409 = arith.mulf %get3A_408, %exp3A : vector<16xf32>
        %swap3A_410 = arith.index_cast %add3A_352 : i32 to index
        %swap3A_411 = arith.constant 64 : index
        %swap3A_412 = tpu.vector_load %arg9[%swap3A_410, %swap3A_411] {strides = array<i32>} : memref<80x144xf32, #tpu.memory_space<vmem>>, vector<1x16xf32>,
        %swap3A_413 = vector.shape_cast %swap3A_412 : vector<1x16xf32> to vector<16xf32>
        %swap3A_414 = vector.shape_cast %mul3A_409 : vector<16xf32> to vector<1x16xf32>
        tpu.vector_store %arg9[%swap3A_410, %swap3A_411], %swap3A_414 {strides = array<i32>} : memref<80x144xf32, #tpu.memory_space<vmem>>, vector<1x16xf32>,
        %get3A_415 = arith.index_cast %add3A_352 : i32 to index
        %get3A_416 = arith.constant 80 : index
        %get3A_417 = tpu.vector_load %arg9[%get3A_415, %get3A_416] {strides = array<i32>} : memref<80x144xf32, #tpu.memory_space<vmem>>, vector<1x16xf32>,
        %get3A_418 = vector.shape_cast %get3A_417 : vector<1x16xf32> to vector<16xf32>
        %mul3A_419 = arith.mulf %get3A_418, %exp3A : vector<16xf32>
        %swap3A_420 = arith.index_cast %add3A_352 : i32 to index
        %swap3A_421 = arith.constant 80 : index
        %swap3A_422 = tpu.vector_load %arg9[%swap3A_420, %swap3A_421] {strides = array<i32>} : memref<80x144xf32, #tpu.memory_space<vmem>>, vector<1x16xf32>,
        %swap3A_423 = vector.shape_cast %swap3A_422 : vector<1x16xf32> to vector<16xf32>
        %swap3A_424 = vector.shape_cast %mul3A_419 : vector<16xf32> to vector<1x16xf32>
        tpu.vector_store %arg9[%swap3A_420, %swap3A_421], %swap3A_424 {strides = array<i32>} : memref<80x144xf32, #tpu.memory_space<vmem>>, vector<1x16xf32>,
        %get3A_425 = arith.index_cast %add3A_352 : i32 to index
        %get3A_426 = arith.constant 96 : index
        %get3A_427 = tpu.vector_load %arg9[%get3A_425, %get3A_426] {strides = array<i32>} : memref<80x144xf32, #tpu.memory_space<vmem>>, vector<1x16xf32>,
        %get3A_428 = vector.shape_cast %get3A_427 : vector<1x16xf32> to vector<16xf32>
        %mul3A_429 = arith.mulf %get3A_428, %exp3A : vector<16xf32>
        %swap3A_430 = arith.index_cast %add3A_352 : i32 to index
        %swap3A_431 = arith.constant 96 : index
        %swap3A_432 = tpu.vector_load %arg9[%swap3A_430, %swap3A_431] {strides = array<i32>} : memref<80x144xf32, #tpu.memory_space<vmem>>, vector<1x16xf32>,
        %swap3A_433 = vector.shape_cast %swap3A_432 : vector<1x16xf32> to vector<16xf32>
        %swap3A_434 = vector.shape_cast %mul3A_429 : vector<16xf32> to vector<1x16xf32>
        tpu.vector_store %arg9[%swap3A_430, %swap3A_431], %swap3A_434 {strides = array<i32>} : memref<80x144xf32, #tpu.memory_space<vmem>>, vector<1x16xf32>,
        %get3A_435 = arith.index_cast %add3A_352 : i32 to index
        %get3A_436 = arith.constant 112 : index
        %get3A_437 = tpu.vector_load %arg9[%get3A_435, %get3A_436] {strides = array<i32>} : memref<80x144xf32, #tpu.memory_space<vmem>>, vector<1x16xf32>,
        %get3A_438 = vector.shape_cast %get3A_437 : vector<1x16xf32> to vector<16xf32>
        %mul3A_439 = arith.mulf %get3A_438, %exp3A : vector<16xf32>
        %swap3A_440 = arith.index_cast %add3A_352 : i32 to index
        %swap3A_441 = arith.constant 112 : index
        %swap3A_442 = tpu.vector_load %arg9[%swap3A_440, %swap3A_441] {strides = array<i32>} : memref<80x144xf32, #tpu.memory_space<vmem>>, vector<1x16xf32>,
        %swap3A_443 = vector.shape_cast %swap3A_442 : vector<1x16xf32> to vector<16xf32>
        %swap3A_444 = vector.shape_cast %mul3A_439 : vector<16xf32> to vector<1x16xf32>
        tpu.vector_store %arg9[%swap3A_440, %swap3A_441], %swap3A_444 {strides = array<i32>} : memref<80x144xf32, #tpu.memory_space<vmem>>, vector<1x16xf32>,
        %swap3A_445 = arith.index_cast %add3A_352 : i32 to index
        %swap3A_446 = arith.constant 128 : index
        %swap3A_447 = tpu.vector_load %arg9[%swap3A_445, %swap3A_446] {strides = array<i32>} : memref<80x144xf32, #tpu.memory_space<vmem>>, vector<1x16xf32>,
        %swap3A_448 = vector.shape_cast %swap3A_447 : vector<1x16xf32> to vector<16xf32>
        %swap3A_449 = vector.shape_cast %exp3A : vector<16xf32> to vector<1x16xf32>
        tpu.vector_store %arg9[%swap3A_445, %swap3A_446], %swap3A_449 {strides = array<i32>} : memref<80x144xf32, #tpu.memory_space<vmem>>, vector<1x16xf32>,
        %scan3A_450 = arith.constant 1 : i32
        %scan3A_451 = arith.addi %scan3A_348, %scan3A_450 : i32
        %mul3A_452 = arith.constant 1 : i32
        %mul3A_453 = arith.muli %scan3A_451, %mul3A_452 : i32
        %add3A_454 = arith.constant 0 : i32
        %add3A_455 = arith.addi %add3A_454, %mul3A_453 : i32
        %get3A_456 = arith.index_cast %add3A_455 : i32 to index
        %get3A_457 = arith.constant 128 : index
        %get3A_458 = tpu.vector_load %arg9[%get3A_456, %get3A_457] {strides = array<i32>} : memref<80x144xf32, #tpu.memory_space<vmem>>, vector<1x16xf32>,
        %get3A_459 = vector.shape_cast %get3A_458 : vector<1x16xf32> to vector<16xf32>
        %get3A_460 = arith.index_cast %add3A_455 : i32 to index
        %get3A_461 = arith.constant 0 : index
        %get3A_462 = tpu.vector_load %arg11[%get3A_460, %get3A_461] {strides = array<i32>} : memref<80x16xf32, #tpu.memory_space<vmem>>, vector<1x16xf32>,
        %get3A_463 = vector.shape_cast %get3A_462 : vector<1x16xf32> to vector<16xf32>
        %add3A_464 = arith.addf %get3A_459, %get3A_463 : vector<16xf32>
        %mul3A_465 = arith.constant 2.000000e-01 : f32
        %mul3A_466 = vector.broadcast %mul3A_465 : f32 to vector<16xf32>
        %mul3A_467 = arith.mulf %mul3A_466, %add3A_464 : vector<16xf32>
        %max3A_468 = arith.maximumf %add3A_464, %mul3A_467 : vector<16xf32>
        %exp3A_469 = math.exp %max3A_468 : vector<16xf32>
        %get3A_470 = arith.index_cast %add3A_455 : i32 to index
        %get3A_471 = arith.constant 0 : index
        %get3A_472 = tpu.vector_load %arg9[%get3A_470, %get3A_471] {strides = array<i32>} : memref<80x144xf32, #tpu.memory_space<vmem>>, vector<1x16xf32>,
        %get3A_473 = vector.shape_cast %get3A_472 : vector<1x16xf32> to vector<16xf32>
        %mul3A_474 = arith.mulf %get3A_473, %exp3A_469 : vector<16xf32>
        %swap3A_475 = arith.index_cast %add3A_455 : i32 to index
        %swap3A_476 = arith.constant 0 : index
        %swap3A_477 = tpu.vector_load %arg9[%swap3A_475, %swap3A_476] {strides = array<i32>} : memref<80x144xf32, #tpu.memory_space<vmem>>, vector<1x16xf32>,
        %swap3A_478 = vector.shape_cast %swap3A_477 : vector<1x16xf32> to vector<16xf32>
        %swap3A_479 = vector.shape_cast %mul3A_474 : vector<16xf32> to vector<1x16xf32>
        tpu.vector_store %arg9[%swap3A_475, %swap3A_476], %swap3A_479 {strides = array<i32>} : memref<80x144xf32, #tpu.memory_space<vmem>>, vector<1x16xf32>,
        %get3A_480 = arith.index_cast %add3A_455 : i32 to index
        %get3A_481 = arith.constant 16 : index
        %get3A_482 = tpu.vector_load %arg9[%get3A_480, %get3A_481] {strides = array<i32>} : memref<80x144xf32, #tpu.memory_space<vmem>>, vector<1x16xf32>,
        %get3A_483 = vector.shape_cast %get3A_482 : vector<1x16xf32> to vector<16xf32>
        %mul3A_484 = arith.mulf %get3A_483, %exp3A_469 : vector<16xf32>
        %swap3A_485 = arith.index_cast %add3A_455 : i32 to index
        %swap3A_486 = arith.constant 16 : index
        %swap3A_487 = tpu.vector_load %arg9[%swap3A_485, %swap3A_486] {strides = array<i32>} : memref<80x144xf32, #tpu.memory_space<vmem>>, vector<1x16xf32>,
        %swap3A_488 = vector.shape_cast %swap3A_487 : vector<1x16xf32> to vector<16xf32>
        %swap3A_489 = vector.shape_cast %mul3A_484 : vector<16xf32> to vector<1x16xf32>
        tpu.vector_store %arg9[%swap3A_485, %swap3A_486], %swap3A_489 {strides = array<i32>} : memref<80x144xf32, #tpu.memory_space<vmem>>, vector<1x16xf32>,
        %get3A_490 = arith.index_cast %add3A_455 : i32 to index
        %get3A_491 = arith.constant 32 : index
        %get3A_492 = tpu.vector_load %arg9[%get3A_490, %get3A_491] {strides = array<i32>} : memref<80x144xf32, #tpu.memory_space<vmem>>, vector<1x16xf32>,
        %get3A_493 = vector.shape_cast %get3A_492 : vector<1x16xf32> to vector<16xf32>
        %mul3A_494 = arith.mulf %get3A_493, %exp3A_469 : vector<16xf32>
        %swap3A_495 = arith.index_cast %add3A_455 : i32 to index
        %swap3A_496 = arith.constant 32 : index
        %swap3A_497 = tpu.vector_load %arg9[%swap3A_495, %swap3A_496] {strides = array<i32>} : memref<80x144xf32, #tpu.memory_space<vmem>>, vector<1x16xf32>,
        %swap3A_498 = vector.shape_cast %swap3A_497 : vector<1x16xf32> to vector<16xf32>
        %swap3A_499 = vector.shape_cast %mul3A_494 : vector<16xf32> to vector<1x16xf32>
        tpu.vector_store %arg9[%swap3A_495, %swap3A_496], %swap3A_499 {strides = array<i32>} : memref<80x144xf32, #tpu.memory_space<vmem>>, vector<1x16xf32>,
        %get3A_500 = arith.index_cast %add3A_455 : i32 to index
        %get3A_501 = arith.constant 48 : index
        %get3A_502 = tpu.vector_load %arg9[%get3A_500, %get3A_501] {strides = array<i32>} : memref<80x144xf32, #tpu.memory_space<vmem>>, vector<1x16xf32>,
        %get3A_503 = vector.shape_cast %get3A_502 : vector<1x16xf32> to vector<16xf32>
        %mul3A_504 = arith.mulf %get3A_503, %exp3A_469 : vector<16xf32>
        %swap3A_505 = arith.index_cast %add3A_455 : i32 to index
        %swap3A_506 = arith.constant 48 : index
        %swap3A_507 = tpu.vector_load %arg9[%swap3A_505, %swap3A_506] {strides = array<i32>} : memref<80x144xf32, #tpu.memory_space<vmem>>, vector<1x16xf32>,
        %swap3A_508 = vector.shape_cast %swap3A_507 : vector<1x16xf32> to vector<16xf32>
        %swap3A_509 = vector.shape_cast %mul3A_504 : vector<16xf32> to vector<1x16xf32>
        tpu.vector_store %arg9[%swap3A_505, %swap3A_506], %swap3A_509 {strides = array<i32>} : memref<80x144xf32, #tpu.memory_space<vmem>>, vector<1x16xf32>,
        %get3A_510 = arith.index_cast %add3A_455 : i32 to index
        %get3A_511 = arith.constant 64 : index
        %get3A_512 = tpu.vector_load %arg9[%get3A_510, %get3A_511] {strides = array<i32>} : memref<80x144xf32, #tpu.memory_space<vmem>>, vector<1x16xf32>,
        %get3A_513 = vector.shape_cast %get3A_512 : vector<1x16xf32> to vector<16xf32>
        %mul3A_514 = arith.mulf %get3A_513, %exp3A_469 : vector<16xf32>
        %swap3A_515 = arith.index_cast %add3A_455 : i32 to index
        %swap3A_516 = arith.constant 64 : index
        %swap3A_517 = tpu.vector_load %arg9[%swap3A_515, %swap3A_516] {strides = array<i32>} : memref<80x144xf32, #tpu.memory_space<vmem>>, vector<1x16xf32>,
        %swap3A_518 = vector.shape_cast %swap3A_517 : vector<1x16xf32> to vector<16xf32>
        %swap3A_519 = vector.shape_cast %mul3A_514 : vector<16xf32> to vector<1x16xf32>
        tpu.vector_store %arg9[%swap3A_515, %swap3A_516], %swap3A_519 {strides = array<i32>} : memref<80x144xf32, #tpu.memory_space<vmem>>, vector<1x16xf32>,
        %get3A_520 = arith.index_cast %add3A_455 : i32 to index
        %get3A_521 = arith.constant 80 : index
        %get3A_522 = tpu.vector_load %arg9[%get3A_520, %get3A_521] {strides = array<i32>} : memref<80x144xf32, #tpu.memory_space<vmem>>, vector<1x16xf32>,
        %get3A_523 = vector.shape_cast %get3A_522 : vector<1x16xf32> to vector<16xf32>
        %mul3A_524 = arith.mulf %get3A_523, %exp3A_469 : vector<16xf32>
        %swap3A_525 = arith.index_cast %add3A_455 : i32 to index
        %swap3A_526 = arith.constant 80 : index
        %swap3A_527 = tpu.vector_load %arg9[%swap3A_525, %swap3A_526] {strides = array<i32>} : memref<80x144xf32, #tpu.memory_space<vmem>>, vector<1x16xf32>,
        %swap3A_528 = vector.shape_cast %swap3A_527 : vector<1x16xf32> to vector<16xf32>
        %swap3A_529 = vector.shape_cast %mul3A_524 : vector<16xf32> to vector<1x16xf32>
        tpu.vector_store %arg9[%swap3A_525, %swap3A_526], %swap3A_529 {strides = array<i32>} : memref<80x144xf32, #tpu.memory_space<vmem>>, vector<1x16xf32>,
        %get3A_530 = arith.index_cast %add3A_455 : i32 to index
        %get3A_531 = arith.constant 96 : index
        %get3A_532 = tpu.vector_load %arg9[%get3A_530, %get3A_531] {strides = array<i32>} : memref<80x144xf32, #tpu.memory_space<vmem>>, vector<1x16xf32>,
        %get3A_533 = vector.shape_cast %get3A_532 : vector<1x16xf32> to vector<16xf32>
        %mul3A_534 = arith.mulf %get3A_533, %exp3A_469 : vector<16xf32>
        %swap3A_535 = arith.index_cast %add3A_455 : i32 to index
        %swap3A_536 = arith.constant 96 : index
        %swap3A_537 = tpu.vector_load %arg9[%swap3A_535, %swap3A_536] {strides = array<i32>} : memref<80x144xf32, #tpu.memory_space<vmem>>, vector<1x16xf32>,
        %swap3A_538 = vector.shape_cast %swap3A_537 : vector<1x16xf32> to vector<16xf32>
        %swap3A_539 = vector.shape_cast %mul3A_534 : vector<16xf32> to vector<1x16xf32>
        tpu.vector_store %arg9[%swap3A_535, %swap3A_536], %swap3A_539 {strides = array<i32>} : memref<80x144xf32, #tpu.memory_space<vmem>>, vector<1x16xf32>,
        %get3A_540 = arith.index_cast %add3A_455 : i32 to index
        %get3A_541 = arith.constant 112 : index
        %get3A_542 = tpu.vector_load %arg9[%get3A_540, %get3A_541] {strides = array<i32>} : memref<80x144xf32, #tpu.memory_space<vmem>>, vector<1x16xf32>,
        %get3A_543 = vector.shape_cast %get3A_542 : vector<1x16xf32> to vector<16xf32>
        %mul3A_544 = arith.mulf %get3A_543, %exp3A_469 : vector<16xf32>
        %swap3A_545 = arith.index_cast %add3A_455 : i32 to index
        %swap3A_546 = arith.constant 112 : index
        %swap3A_547 = tpu.vector_load %arg9[%swap3A_545, %swap3A_546] {strides = array<i32>} : memref<80x144xf32, #tpu.memory_space<vmem>>, vector<1x16xf32>,
        %swap3A_548 = vector.shape_cast %swap3A_547 : vector<1x16xf32> to vector<16xf32>
        %swap3A_549 = vector.shape_cast %mul3A_544 : vector<16xf32> to vector<1x16xf32>
        tpu.vector_store %arg9[%swap3A_545, %swap3A_546], %swap3A_549 {strides = array<i32>} : memref<80x144xf32, #tpu.memory_space<vmem>>, vector<1x16xf32>,
        %swap3A_550 = arith.index_cast %add3A_455 : i32 to index
        %swap3A_551 = arith.constant 128 : index
        %swap3A_552 = tpu.vector_load %arg9[%swap3A_550, %swap3A_551] {strides = array<i32>} : memref<80x144xf32, #tpu.memory_space<vmem>>, vector<1x16xf32>,
        %swap3A_553 = vector.shape_cast %swap3A_552 : vector<1x16xf32> to vector<16xf32>
        %swap3A_554 = vector.shape_cast %exp3A_469 : vector<16xf32> to vector<1x16xf32>
        tpu.vector_store %arg9[%swap3A_550, %swap3A_551], %swap3A_554 {strides = array<i32>} : memref<80x144xf32, #tpu.memory_space<vmem>>, vector<1x16xf32>,
      }
      %scan3A_347 = arith.constant 80 : i32
      "tpu.region"() ({
        %run_scoped3A = tpu.sem_alloc : memref<!tpu.dma_semaphore, #tpu.memory_space<semaphore_mem>>
        %dma_start3A_348 = arith.constant 0 : i32
        %dma_start3A_349 = arith.constant 0 : i32
        %dma_start3A_350 = tpu.memref_slice %arg17[%dma_start3A_348, %dma_start3A_349] : memref<10000x144xf32, #tpu.memory_space<vmem_shared>> -> memref<10000x144xf32, #tpu.memory_space<vmem_shared>>
        tpu.enqueue_indirect_dma source(%arg9 : memref<80x144xf32, #tpu.memory_space<vmem>>) target(%dma_start3A_350 : memref<10000x144xf32, #tpu.memory_space<vmem_shared>>) offsets(%arg16 : memref<80xi32, #tpu.memory_space<vmem>>) semaphore(%run_scoped3A : memref<!tpu.dma_semaphore, #tpu.memory_space<semaphore_mem>>) {add = true}
        %dma_wait3A_351 = arith.constant 0 : i32
        %dma_wait3A_352 = arith.constant 0 : i32
        %dma_wait3A_353 = tpu.memref_slice %arg17[%dma_wait3A_351, %dma_wait3A_352] : memref<10000x144xf32, #tpu.memory_space<vmem_shared>> -> memref<10000x144xf32, #tpu.memory_space<vmem_shared>>
        tpu.wait_indirect_dma semaphore(%run_scoped3A : memref<!tpu.dma_semaphore, #tpu.memory_space<semaphore_mem>>) src(%arg9 : memref<80x144xf32, #tpu.memory_space<vmem>>) dst(%dma_wait3A_353 : memref<10000x144xf32, #tpu.memory_space<vmem_shared>>)
        tpu.yield
      }) : () -> ()
    }
    %scan3A_102 = arith.constant 62 : i32
    %dma_wait3A = arith.constant 0 : i32
    %dma_wait3A_103 = arith.constant 0 : i32
    %dma_wait3A_104 = tpu.memref_slice %arg2[%dma_wait3A, %dma_wait3A_103] : memref<10000x144xf32, #tpu.memory_space<hbm>> -> memref<10000x144xf32, #tpu.memory_space<hbm>>
    tpu.wait_indirect_dma semaphore(%arg18 : memref<!tpu.dma_semaphore, #tpu.memory_space<semaphore_mem>>) src(%dma_wait3A_104 : memref<10000x144xf32, #tpu.memory_space<hbm>>) dst(%arg8 : memref<80x144xf32, #tpu.memory_space<vmem>>)
    %dma_wait3A_105 = arith.constant 0 : i32
    %dma_wait3A_106 = arith.constant 0 : i32
    %dma_wait3A_107 = tpu.memref_slice %arg3[%dma_wait3A_105, %dma_wait3A_106] : memref<10000x16xf32, #tpu.memory_space<hbm>> -> memref<10000x16xf32, #tpu.memory_space<hbm>>
    tpu.wait_indirect_dma semaphore(%arg18 : memref<!tpu.dma_semaphore, #tpu.memory_space<semaphore_mem>>) src(%dma_wait3A_107 : memref<10000x16xf32, #tpu.memory_space<hbm>>) dst(%arg10 : memref<80x16xf32, #tpu.memory_space<vmem>>)
    %scan3A_108 = arith.constant 0 : i32
    %scan3A_109 = arith.constant 80 : i32
    %scan3A_110 = arith.addi %scan3A_108, %scan3A_109 : i32
    %scan3A_111 = arith.constant 2 : i32
    scf.for %scan3A_121 = %scan3A_108 to %scan3A_110 step %scan3A_111  : i32 {
      %mul3A_122 = arith.constant 1 : i32
      %mul3A_123 = arith.muli %scan3A_121, %mul3A_122 : i32
      %add3A_124 = arith.constant 0 : i32
      %add3A_125 = arith.addi %add3A_124, %mul3A_123 : i32
      %get3A_126 = arith.index_cast %add3A_125 : i32 to index
      %get3A_127 = arith.constant 128 : index
      %get3A_128 = tpu.vector_load %arg8[%get3A_126, %get3A_127] {strides = array<i32>} : memref<80x144xf32, #tpu.memory_space<vmem>>, vector<1x16xf32>,
      %get3A_129 = vector.shape_cast %get3A_128 : vector<1x16xf32> to vector<16xf32>
      %get3A_130 = arith.index_cast %add3A_125 : i32 to index
      %get3A_131 = arith.constant 0 : index
      %get3A_132 = tpu.vector_load %arg10[%get3A_130, %get3A_131] {strides = array<i32>} : memref<80x16xf32, #tpu.memory_space<vmem>>, vector<1x16xf32>,
      %get3A_133 = vector.shape_cast %get3A_132 : vector<1x16xf32> to vector<16xf32>
      %add3A_134 = arith.addf %get3A_129, %get3A_133 : vector<16xf32>
      %mul3A_135 = arith.constant 2.000000e-01 : f32
      %mul3A_136 = vector.broadcast %mul3A_135 : f32 to vector<16xf32>
      %mul3A_137 = arith.mulf %mul3A_136, %add3A_134 : vector<16xf32>
      %max3A = arith.maximumf %add3A_134, %mul3A_137 : vector<16xf32>
      %exp3A = math.exp %max3A : vector<16xf32>
      %get3A_138 = arith.index_cast %add3A_125 : i32 to index
      %get3A_139 = arith.constant 0 : index
      %get3A_140 = tpu.vector_load %arg8[%get3A_138, %get3A_139] {strides = array<i32>} : memref<80x144xf32, #tpu.memory_space<vmem>>, vector<1x16xf32>,
      %get3A_141 = vector.shape_cast %get3A_140 : vector<1x16xf32> to vector<16xf32>
      %mul3A_142 = arith.mulf %get3A_141, %exp3A : vector<16xf32>
      %swap3A_143 = arith.index_cast %add3A_125 : i32 to index
      %swap3A_144 = arith.constant 0 : index
      %swap3A_145 = tpu.vector_load %arg8[%swap3A_143, %swap3A_144] {strides = array<i32>} : memref<80x144xf32, #tpu.memory_space<vmem>>, vector<1x16xf32>,
      %swap3A_146 = vector.shape_cast %swap3A_145 : vector<1x16xf32> to vector<16xf32>
      %swap3A_147 = vector.shape_cast %mul3A_142 : vector<16xf32> to vector<1x16xf32>
      tpu.vector_store %arg8[%swap3A_143, %swap3A_144], %swap3A_147 {strides = array<i32>} : memref<80x144xf32, #tpu.memory_space<vmem>>, vector<1x16xf32>,
      %get3A_148 = arith.index_cast %add3A_125 : i32 to index
      %get3A_149 = arith.constant 16 : index
      %get3A_150 = tpu.vector_load %arg8[%get3A_148, %get3A_149] {strides = array<i32>} : memref<80x144xf32, #tpu.memory_space<vmem>>, vector<1x16xf32>,
      %get3A_151 = vector.shape_cast %get3A_150 : vector<1x16xf32> to vector<16xf32>
      %mul3A_152 = arith.mulf %get3A_151, %exp3A : vector<16xf32>
      %swap3A_153 = arith.index_cast %add3A_125 : i32 to index
      %swap3A_154 = arith.constant 16 : index
      %swap3A_155 = tpu.vector_load %arg8[%swap3A_153, %swap3A_154] {strides = array<i32>} : memref<80x144xf32, #tpu.memory_space<vmem>>, vector<1x16xf32>,
      %swap3A_156 = vector.shape_cast %swap3A_155 : vector<1x16xf32> to vector<16xf32>
      %swap3A_157 = vector.shape_cast %mul3A_152 : vector<16xf32> to vector<1x16xf32>
      tpu.vector_store %arg8[%swap3A_153, %swap3A_154], %swap3A_157 {strides = array<i32>} : memref<80x144xf32, #tpu.memory_space<vmem>>, vector<1x16xf32>,
      %get3A_158 = arith.index_cast %add3A_125 : i32 to index
      %get3A_159 = arith.constant 32 : index
      %get3A_160 = tpu.vector_load %arg8[%get3A_158, %get3A_159] {strides = array<i32>} : memref<80x144xf32, #tpu.memory_space<vmem>>, vector<1x16xf32>,
      %get3A_161 = vector.shape_cast %get3A_160 : vector<1x16xf32> to vector<16xf32>
      %mul3A_162 = arith.mulf %get3A_161, %exp3A : vector<16xf32>
      %swap3A_163 = arith.index_cast %add3A_125 : i32 to index
      %swap3A_164 = arith.constant 32 : index
      %swap3A_165 = tpu.vector_load %arg8[%swap3A_163, %swap3A_164] {strides = array<i32>} : memref<80x144xf32, #tpu.memory_space<vmem>>, vector<1x16xf32>,
      %swap3A_166 = vector.shape_cast %swap3A_165 : vector<1x16xf32> to vector<16xf32>
      %swap3A_167 = vector.shape_cast %mul3A_162 : vector<16xf32> to vector<1x16xf32>
      tpu.vector_store %arg8[%swap3A_163, %swap3A_164], %swap3A_167 {strides = array<i32>} : memref<80x144xf32, #tpu.memory_space<vmem>>, vector<1x16xf32>,
      %get3A_168 = arith.index_cast %add3A_125 : i32 to index
      %get3A_169 = arith.constant 48 : index
      %get3A_170 = tpu.vector_load %arg8[%get3A_168, %get3A_169] {strides = array<i32>} : memref<80x144xf32, #tpu.memory_space<vmem>>, vector<1x16xf32>,
      %get3A_171 = vector.shape_cast %get3A_170 : vector<1x16xf32> to vector<16xf32>
      %mul3A_172 = arith.mulf %get3A_171, %exp3A : vector<16xf32>
      %swap3A_173 = arith.index_cast %add3A_125 : i32 to index
      %swap3A_174 = arith.constant 48 : index
      %swap3A_175 = tpu.vector_load %arg8[%swap3A_173, %swap3A_174] {strides = array<i32>} : memref<80x144xf32, #tpu.memory_space<vmem>>, vector<1x16xf32>,
      %swap3A_176 = vector.shape_cast %swap3A_175 : vector<1x16xf32> to vector<16xf32>
      %swap3A_177 = vector.shape_cast %mul3A_172 : vector<16xf32> to vector<1x16xf32>
      tpu.vector_store %arg8[%swap3A_173, %swap3A_174], %swap3A_177 {strides = array<i32>} : memref<80x144xf32, #tpu.memory_space<vmem>>, vector<1x16xf32>,
      %get3A_178 = arith.index_cast %add3A_125 : i32 to index
      %get3A_179 = arith.constant 64 : index
      %get3A_180 = tpu.vector_load %arg8[%get3A_178, %get3A_179] {strides = array<i32>} : memref<80x144xf32, #tpu.memory_space<vmem>>, vector<1x16xf32>,
      %get3A_181 = vector.shape_cast %get3A_180 : vector<1x16xf32> to vector<16xf32>
      %mul3A_182 = arith.mulf %get3A_181, %exp3A : vector<16xf32>
      %swap3A_183 = arith.index_cast %add3A_125 : i32 to index
      %swap3A_184 = arith.constant 64 : index
      %swap3A_185 = tpu.vector_load %arg8[%swap3A_183, %swap3A_184] {strides = array<i32>} : memref<80x144xf32, #tpu.memory_space<vmem>>, vector<1x16xf32>,
      %swap3A_186 = vector.shape_cast %swap3A_185 : vector<1x16xf32> to vector<16xf32>
      %swap3A_187 = vector.shape_cast %mul3A_182 : vector<16xf32> to vector<1x16xf32>
      tpu.vector_store %arg8[%swap3A_183, %swap3A_184], %swap3A_187 {strides = array<i32>} : memref<80x144xf32, #tpu.memory_space<vmem>>, vector<1x16xf32>,
      %get3A_188 = arith.index_cast %add3A_125 : i32 to index
      %get3A_189 = arith.constant 80 : index
      %get3A_190 = tpu.vector_load %arg8[%get3A_188, %get3A_189] {strides = array<i32>} : memref<80x144xf32, #tpu.memory_space<vmem>>, vector<1x16xf32>,
      %get3A_191 = vector.shape_cast %get3A_190 : vector<1x16xf32> to vector<16xf32>
      %mul3A_192 = arith.mulf %get3A_191, %exp3A : vector<16xf32>
      %swap3A_193 = arith.index_cast %add3A_125 : i32 to index
      %swap3A_194 = arith.constant 80 : index
      %swap3A_195 = tpu.vector_load %arg8[%swap3A_193, %swap3A_194] {strides = array<i32>} : memref<80x144xf32, #tpu.memory_space<vmem>>, vector<1x16xf32>,
      %swap3A_196 = vector.shape_cast %swap3A_195 : vector<1x16xf32> to vector<16xf32>
      %swap3A_197 = vector.shape_cast %mul3A_192 : vector<16xf32> to vector<1x16xf32>
      tpu.vector_store %arg8[%swap3A_193, %swap3A_194], %swap3A_197 {strides = array<i32>} : memref<80x144xf32, #tpu.memory_space<vmem>>, vector<1x16xf32>,
      %get3A_198 = arith.index_cast %add3A_125 : i32 to index
      %get3A_199 = arith.constant 96 : index
      %get3A_200 = tpu.vector_load %arg8[%get3A_198, %get3A_199] {strides = array<i32>} : memref<80x144xf32, #tpu.memory_space<vmem>>, vector<1x16xf32>,
      %get3A_201 = vector.shape_cast %get3A_200 : vector<1x16xf32> to vector<16xf32>
      %mul3A_202 = arith.mulf %get3A_201, %exp3A : vector<16xf32>
      %swap3A_203 = arith.index_cast %add3A_125 : i32 to index
      %swap3A_204 = arith.constant 96 : index
      %swap3A_205 = tpu.vector_load %arg8[%swap3A_203, %swap3A_204] {strides = array<i32>} : memref<80x144xf32, #tpu.memory_space<vmem>>, vector<1x16xf32>,
      %swap3A_206 = vector.shape_cast %swap3A_205 : vector<1x16xf32> to vector<16xf32>
      %swap3A_207 = vector.shape_cast %mul3A_202 : vector<16xf32> to vector<1x16xf32>
      tpu.vector_store %arg8[%swap3A_203, %swap3A_204], %swap3A_207 {strides = array<i32>} : memref<80x144xf32, #tpu.memory_space<vmem>>, vector<1x16xf32>,
      %get3A_208 = arith.index_cast %add3A_125 : i32 to index
      %get3A_209 = arith.constant 112 : index
      %get3A_210 = tpu.vector_load %arg8[%get3A_208, %get3A_209] {strides = array<i32>} : memref<80x144xf32, #tpu.memory_space<vmem>>, vector<1x16xf32>,
      %get3A_211 = vector.shape_cast %get3A_210 : vector<1x16xf32> to vector<16xf32>
      %mul3A_212 = arith.mulf %get3A_211, %exp3A : vector<16xf32>
      %swap3A_213 = arith.index_cast %add3A_125 : i32 to index
      %swap3A_214 = arith.constant 112 : index
      %swap3A_215 = tpu.vector_load %arg8[%swap3A_213, %swap3A_214] {strides = array<i32>} : memref<80x144xf32, #tpu.memory_space<vmem>>, vector<1x16xf32>,
      %swap3A_216 = vector.shape_cast %swap3A_215 : vector<1x16xf32> to vector<16xf32>
      %swap3A_217 = vector.shape_cast %mul3A_212 : vector<16xf32> to vector<1x16xf32>
      tpu.vector_store %arg8[%swap3A_213, %swap3A_214], %swap3A_217 {strides = array<i32>} : memref<80x144xf32, #tpu.memory_space<vmem>>, vector<1x16xf32>,
      %swap3A_218 = arith.index_cast %add3A_125 : i32 to index
      %swap3A_219 = arith.constant 128 : index
      %swap3A_220 = tpu.vector_load %arg8[%swap3A_218, %swap3A_219] {strides = array<i32>} : memref<80x144xf32, #tpu.memory_space<vmem>>, vector<1x16xf32>,
      %swap3A_221 = vector.shape_cast %swap3A_220 : vector<1x16xf32> to vector<16xf32>
      %swap3A_222 = vector.shape_cast %exp3A : vector<16xf32> to vector<1x16xf32>
      tpu.vector_store %arg8[%swap3A_218, %swap3A_219], %swap3A_222 {strides = array<i32>} : memref<80x144xf32, #tpu.memory_space<vmem>>, vector<1x16xf32>,
      %scan3A_223 = arith.constant 1 : i32
      %scan3A_224 = arith.addi %scan3A_121, %scan3A_223 : i32
      %mul3A_225 = arith.constant 1 : i32
      %mul3A_226 = arith.muli %scan3A_224, %mul3A_225 : i32
      %add3A_227 = arith.constant 0 : i32
      %add3A_228 = arith.addi %add3A_227, %mul3A_226 : i32
      %get3A_229 = arith.index_cast %add3A_228 : i32 to index
      %get3A_230 = arith.constant 128 : index
      %get3A_231 = tpu.vector_load %arg8[%get3A_229, %get3A_230] {strides = array<i32>} : memref<80x144xf32, #tpu.memory_space<vmem>>, vector<1x16xf32>,
      %get3A_232 = vector.shape_cast %get3A_231 : vector<1x16xf32> to vector<16xf32>
      %get3A_233 = arith.index_cast %add3A_228 : i32 to index
      %get3A_234 = arith.constant 0 : index
      %get3A_235 = tpu.vector_load %arg10[%get3A_233, %get3A_234] {strides = array<i32>} : memref<80x16xf32, #tpu.memory_space<vmem>>, vector<1x16xf32>,
      %get3A_236 = vector.shape_cast %get3A_235 : vector<1x16xf32> to vector<16xf32>
      %add3A_237 = arith.addf %get3A_232, %get3A_236 : vector<16xf32>
      %mul3A_238 = arith.constant 2.000000e-01 : f32
      %mul3A_239 = vector.broadcast %mul3A_238 : f32 to vector<16xf32>
      %mul3A_240 = arith.mulf %mul3A_239, %add3A_237 : vector<16xf32>
      %max3A_241 = arith.maximumf %add3A_237, %mul3A_240 : vector<16xf32>
      %exp3A_242 = math.exp %max3A_241 : vector<16xf32>
      %get3A_243 = arith.index_cast %add3A_228 : i32 to index
      %get3A_244 = arith.constant 0 : index
      %get3A_245 = tpu.vector_load %arg8[%get3A_243, %get3A_244] {strides = array<i32>} : memref<80x144xf32, #tpu.memory_space<vmem>>, vector<1x16xf32>,
      %get3A_246 = vector.shape_cast %get3A_245 : vector<1x16xf32> to vector<16xf32>
      %mul3A_247 = arith.mulf %get3A_246, %exp3A_242 : vector<16xf32>
      %swap3A_248 = arith.index_cast %add3A_228 : i32 to index
      %swap3A_249 = arith.constant 0 : index
      %swap3A_250 = tpu.vector_load %arg8[%swap3A_248, %swap3A_249] {strides = array<i32>} : memref<80x144xf32, #tpu.memory_space<vmem>>, vector<1x16xf32>,
      %swap3A_251 = vector.shape_cast %swap3A_250 : vector<1x16xf32> to vector<16xf32>
      %swap3A_252 = vector.shape_cast %mul3A_247 : vector<16xf32> to vector<1x16xf32>
      tpu.vector_store %arg8[%swap3A_248, %swap3A_249], %swap3A_252 {strides = array<i32>} : memref<80x144xf32, #tpu.memory_space<vmem>>, vector<1x16xf32>,
      %get3A_253 = arith.index_cast %add3A_228 : i32 to index
      %get3A_254 = arith.constant 16 : index
      %get3A_255 = tpu.vector_load %arg8[%get3A_253, %get3A_254] {strides = array<i32>} : memref<80x144xf32, #tpu.memory_space<vmem>>, vector<1x16xf32>,
      %get3A_256 = vector.shape_cast %get3A_255 : vector<1x16xf32> to vector<16xf32>
      %mul3A_257 = arith.mulf %get3A_256, %exp3A_242 : vector<16xf32>
      %swap3A_258 = arith.index_cast %add3A_228 : i32 to index
      %swap3A_259 = arith.constant 16 : index
      %swap3A_260 = tpu.vector_load %arg8[%swap3A_258, %swap3A_259] {strides = array<i32>} : memref<80x144xf32, #tpu.memory_space<vmem>>, vector<1x16xf32>,
      %swap3A_261 = vector.shape_cast %swap3A_260 : vector<1x16xf32> to vector<16xf32>
      %swap3A_262 = vector.shape_cast %mul3A_257 : vector<16xf32> to vector<1x16xf32>
      tpu.vector_store %arg8[%swap3A_258, %swap3A_259], %swap3A_262 {strides = array<i32>} : memref<80x144xf32, #tpu.memory_space<vmem>>, vector<1x16xf32>,
      %get3A_263 = arith.index_cast %add3A_228 : i32 to index
      %get3A_264 = arith.constant 32 : index
      %get3A_265 = tpu.vector_load %arg8[%get3A_263, %get3A_264] {strides = array<i32>} : memref<80x144xf32, #tpu.memory_space<vmem>>, vector<1x16xf32>,
      %get3A_266 = vector.shape_cast %get3A_265 : vector<1x16xf32> to vector<16xf32>
      %mul3A_267 = arith.mulf %get3A_266, %exp3A_242 : vector<16xf32>
      %swap3A_268 = arith.index_cast %add3A_228 : i32 to index
      %swap3A_269 = arith.constant 32 : index
      %swap3A_270 = tpu.vector_load %arg8[%swap3A_268, %swap3A_269] {strides = array<i32>} : memref<80x144xf32, #tpu.memory_space<vmem>>, vector<1x16xf32>,
      %swap3A_271 = vector.shape_cast %swap3A_270 : vector<1x16xf32> to vector<16xf32>
      %swap3A_272 = vector.shape_cast %mul3A_267 : vector<16xf32> to vector<1x16xf32>
      tpu.vector_store %arg8[%swap3A_268, %swap3A_269], %swap3A_272 {strides = array<i32>} : memref<80x144xf32, #tpu.memory_space<vmem>>, vector<1x16xf32>,
      %get3A_273 = arith.index_cast %add3A_228 : i32 to index
      %get3A_274 = arith.constant 48 : index
      %get3A_275 = tpu.vector_load %arg8[%get3A_273, %get3A_274] {strides = array<i32>} : memref<80x144xf32, #tpu.memory_space<vmem>>, vector<1x16xf32>,
      %get3A_276 = vector.shape_cast %get3A_275 : vector<1x16xf32> to vector<16xf32>
      %mul3A_277 = arith.mulf %get3A_276, %exp3A_242 : vector<16xf32>
      %swap3A_278 = arith.index_cast %add3A_228 : i32 to index
      %swap3A_279 = arith.constant 48 : index
      %swap3A_280 = tpu.vector_load %arg8[%swap3A_278, %swap3A_279] {strides = array<i32>} : memref<80x144xf32, #tpu.memory_space<vmem>>, vector<1x16xf32>,
      %swap3A_281 = vector.shape_cast %swap3A_280 : vector<1x16xf32> to vector<16xf32>
      %swap3A_282 = vector.shape_cast %mul3A_277 : vector<16xf32> to vector<1x16xf32>
      tpu.vector_store %arg8[%swap3A_278, %swap3A_279], %swap3A_282 {strides = array<i32>} : memref<80x144xf32, #tpu.memory_space<vmem>>, vector<1x16xf32>,
      %get3A_283 = arith.index_cast %add3A_228 : i32 to index
      %get3A_284 = arith.constant 64 : index
      %get3A_285 = tpu.vector_load %arg8[%get3A_283, %get3A_284] {strides = array<i32>} : memref<80x144xf32, #tpu.memory_space<vmem>>, vector<1x16xf32>,
      %get3A_286 = vector.shape_cast %get3A_285 : vector<1x16xf32> to vector<16xf32>
      %mul3A_287 = arith.mulf %get3A_286, %exp3A_242 : vector<16xf32>
      %swap3A_288 = arith.index_cast %add3A_228 : i32 to index
      %swap3A_289 = arith.constant 64 : index
      %swap3A_290 = tpu.vector_load %arg8[%swap3A_288, %swap3A_289] {strides = array<i32>} : memref<80x144xf32, #tpu.memory_space<vmem>>, vector<1x16xf32>,
      %swap3A_291 = vector.shape_cast %swap3A_290 : vector<1x16xf32> to vector<16xf32>
      %swap3A_292 = vector.shape_cast %mul3A_287 : vector<16xf32> to vector<1x16xf32>
      tpu.vector_store %arg8[%swap3A_288, %swap3A_289], %swap3A_292 {strides = array<i32>} : memref<80x144xf32, #tpu.memory_space<vmem>>, vector<1x16xf32>,
      %get3A_293 = arith.index_cast %add3A_228 : i32 to index
      %get3A_294 = arith.constant 80 : index
      %get3A_295 = tpu.vector_load %arg8[%get3A_293, %get3A_294] {strides = array<i32>} : memref<80x144xf32, #tpu.memory_space<vmem>>, vector<1x16xf32>,
      %get3A_296 = vector.shape_cast %get3A_295 : vector<1x16xf32> to vector<16xf32>
      %mul3A_297 = arith.mulf %get3A_296, %exp3A_242 : vector<16xf32>
      %swap3A_298 = arith.index_cast %add3A_228 : i32 to index
      %swap3A_299 = arith.constant 80 : index
      %swap3A_300 = tpu.vector_load %arg8[%swap3A_298, %swap3A_299] {strides = array<i32>} : memref<80x144xf32, #tpu.memory_space<vmem>>, vector<1x16xf32>,
      %swap3A_301 = vector.shape_cast %swap3A_300 : vector<1x16xf32> to vector<16xf32>
      %swap3A_302 = vector.shape_cast %mul3A_297 : vector<16xf32> to vector<1x16xf32>
      tpu.vector_store %arg8[%swap3A_298, %swap3A_299], %swap3A_302 {strides = array<i32>} : memref<80x144xf32, #tpu.memory_space<vmem>>, vector<1x16xf32>,
      %get3A_303 = arith.index_cast %add3A_228 : i32 to index
      %get3A_304 = arith.constant 96 : index
      %get3A_305 = tpu.vector_load %arg8[%get3A_303, %get3A_304] {strides = array<i32>} : memref<80x144xf32, #tpu.memory_space<vmem>>, vector<1x16xf32>,
      %get3A_306 = vector.shape_cast %get3A_305 : vector<1x16xf32> to vector<16xf32>
      %mul3A_307 = arith.mulf %get3A_306, %exp3A_242 : vector<16xf32>
      %swap3A_308 = arith.index_cast %add3A_228 : i32 to index
      %swap3A_309 = arith.constant 96 : index
      %swap3A_310 = tpu.vector_load %arg8[%swap3A_308, %swap3A_309] {strides = array<i32>} : memref<80x144xf32, #tpu.memory_space<vmem>>, vector<1x16xf32>,
      %swap3A_311 = vector.shape_cast %swap3A_310 : vector<1x16xf32> to vector<16xf32>
      %swap3A_312 = vector.shape_cast %mul3A_307 : vector<16xf32> to vector<1x16xf32>
      tpu.vector_store %arg8[%swap3A_308, %swap3A_309], %swap3A_312 {strides = array<i32>} : memref<80x144xf32, #tpu.memory_space<vmem>>, vector<1x16xf32>,
      %get3A_313 = arith.index_cast %add3A_228 : i32 to index
      %get3A_314 = arith.constant 112 : index
      %get3A_315 = tpu.vector_load %arg8[%get3A_313, %get3A_314] {strides = array<i32>} : memref<80x144xf32, #tpu.memory_space<vmem>>, vector<1x16xf32>,
      %get3A_316 = vector.shape_cast %get3A_315 : vector<1x16xf32> to vector<16xf32>
      %mul3A_317 = arith.mulf %get3A_316, %exp3A_242 : vector<16xf32>
      %swap3A_318 = arith.index_cast %add3A_228 : i32 to index
      %swap3A_319 = arith.constant 112 : index
      %swap3A_320 = tpu.vector_load %arg8[%swap3A_318, %swap3A_319] {strides = array<i32>} : memref<80x144xf32, #tpu.memory_space<vmem>>, vector<1x16xf32>,
      %swap3A_321 = vector.shape_cast %swap3A_320 : vector<1x16xf32> to vector<16xf32>
      %swap3A_322 = vector.shape_cast %mul3A_317 : vector<16xf32> to vector<1x16xf32>
      tpu.vector_store %arg8[%swap3A_318, %swap3A_319], %swap3A_322 {strides = array<i32>} : memref<80x144xf32, #tpu.memory_space<vmem>>, vector<1x16xf32>,
      %swap3A_323 = arith.index_cast %add3A_228 : i32 to index
      %swap3A_324 = arith.constant 128 : index
      %swap3A_325 = tpu.vector_load %arg8[%swap3A_323, %swap3A_324] {strides = array<i32>} : memref<80x144xf32, #tpu.memory_space<vmem>>, vector<1x16xf32>,
      %swap3A_326 = vector.shape_cast %swap3A_325 : vector<1x16xf32> to vector<16xf32>
      %swap3A_327 = vector.shape_cast %exp3A_242 : vector<16xf32> to vector<1x16xf32>
      tpu.vector_store %arg8[%swap3A_323, %swap3A_324], %swap3A_327 {strides = array<i32>} : memref<80x144xf32, #tpu.memory_space<vmem>>, vector<1x16xf32>,
    }
    %scan3A_112 = arith.constant 80 : i32
    "tpu.region"() ({
      %run_scoped3A = tpu.sem_alloc : memref<!tpu.dma_semaphore, #tpu.memory_space<semaphore_mem>>
      %dma_start3A_121 = arith.constant 0 : i32
      %dma_start3A_122 = arith.constant 0 : i32
      %dma_start3A_123 = tpu.memref_slice %arg17[%dma_start3A_121, %dma_start3A_122] : memref<10000x144xf32, #tpu.memory_space<vmem_shared>> -> memref<10000x144xf32, #tpu.memory_space<vmem_shared>>
      tpu.enqueue_indirect_dma source(%arg8 : memref<80x144xf32, #tpu.memory_space<vmem>>) target(%dma_start3A_123 : memref<10000x144xf32, #tpu.memory_space<vmem_shared>>) offsets(%arg15 : memref<80xi32, #tpu.memory_space<vmem>>) semaphore(%run_scoped3A : memref<!tpu.dma_semaphore, #tpu.memory_space<semaphore_mem>>) {add = true}
      %dma_wait3A_124 = arith.constant 0 : i32
      %dma_wait3A_125 = arith.constant 0 : i32
      %dma_wait3A_126 = tpu.memref_slice %arg17[%dma_wait3A_124, %dma_wait3A_125] : memref<10000x144xf32, #tpu.memory_space<vmem_shared>> -> memref<10000x144xf32, #tpu.memory_space<vmem_shared>>
      tpu.wait_indirect_dma semaphore(%run_scoped3A : memref<!tpu.dma_semaphore, #tpu.memory_space<semaphore_mem>>) src(%arg8 : memref<80x144xf32, #tpu.memory_space<vmem>>) dst(%dma_wait3A_126 : memref<10000x144xf32, #tpu.memory_space<vmem_shared>>)
      tpu.yield
    }) : () -> ()
    %barrier3A_113 = arith.constant 0 : index
    tpu.barrier barrier_id(%barrier3A_113)
    %eq3A = arith.constant 0 : i32
    %eq3A_114 = arith.cmpi eq, %arg0, %eq3A : i32
    %convert_element_type3A = arith.extui %eq3A_114 : i1 to i32
    %cond3A = arith.constant 0 : i32
    %cond3A_115 = arith.cmpi ne, %convert_element_type3A, %cond3A : i32
    scf.if %cond3A_115 {
      "tpu.region"() ({
        %run_scoped3A = tpu.sem_alloc : memref<!tpu.dma_semaphore, #tpu.memory_space<semaphore_mem>>
        %dma_start3A_121 = arith.constant 0 : i32
        %dma_start3A_122 = tpu.memref_slice %arg6[%mul3A_2, %dma_start3A_121] : memref<10000x144xf32, #tpu.memory_space<hbm>> -> memref<625x144xf32, #tpu.memory_space<hbm>>
        %dma_start3A_123 = arith.constant 0 : i32
        %dma_start3A_124 = tpu.memref_slice %arg17[%mul3A_2, %dma_start3A_123] : memref<10000x144xf32, #tpu.memory_space<vmem_shared>> -> memref<625x144xf32, #tpu.memory_space<vmem_shared>>
        tpu.enqueue_dma source(%dma_start3A_124 : memref<625x144xf32, #tpu.memory_space<vmem_shared>>) target(%dma_start3A_122 : memref<625x144xf32, #tpu.memory_space<hbm>>) target_semaphore(%run_scoped3A : memref<!tpu.dma_semaphore, #tpu.memory_space<semaphore_mem>>)
        %dma_wait3A_125 = arith.constant 0 : i32
        %dma_wait3A_126 = tpu.memref_slice %arg6[%mul3A_2, %dma_wait3A_125] : memref<10000x144xf32, #tpu.memory_space<hbm>> -> memref<625x144xf32, #tpu.memory_space<hbm>>
        %dma_wait3A_127 = arith.constant 0 : i32
        %dma_wait3A_128 = tpu.memref_slice %arg17[%mul3A_2, %dma_wait3A_127] : memref<10000x144xf32, #tpu.memory_space<vmem_shared>> -> memref<625x144xf32, #tpu.memory_space<vmem_shared>>
        tpu.wait_dma2 semaphore(%run_scoped3A : memref<!tpu.dma_semaphore, #tpu.memory_space<semaphore_mem>>) src(%dma_wait3A_128 : memref<625x144xf32, #tpu.memory_space<vmem_shared>>) dst(%dma_wait3A_126 : memref<625x144xf32, #tpu.memory_space<hbm>>)
        tpu.yield
      }) : () -> ()
    } else {
    }
    %eq3A_116 = arith.constant 1 : i32
    %eq3A_117 = arith.cmpi eq, %arg0, %eq3A_116 : i32
    %convert_element_type3A_118 = arith.extui %eq3A_117 : i1 to i32
    %cond3A_119 = arith.constant 0 : i32
    %cond3A_120 = arith.cmpi ne, %convert_element_type3A_118, %cond3A_119 : i32
    scf.if %cond3A_120 {
      "tpu.region"() ({
        %run_scoped3A = tpu.sem_alloc : memref<!tpu.dma_semaphore, #tpu.memory_space<semaphore_mem>>
        %dma_start3A_121 = arith.constant 0 : i32
        %dma_start3A_122 = tpu.memref_slice %arg7[%mul3A_2, %dma_start3A_121] : memref<10000x144xf32, #tpu.memory_space<hbm>> -> memref<625x144xf32, #tpu.memory_space<hbm>>
        %dma_start3A_123 = arith.constant 0 : i32
        %dma_start3A_124 = tpu.memref_slice %arg17[%mul3A_2, %dma_start3A_123] : memref<10000x144xf32, #tpu.memory_space<vmem_shared>> -> memref<625x144xf32, #tpu.memory_space<vmem_shared>>
        tpu.enqueue_dma source(%dma_start3A_124 : memref<625x144xf32, #tpu.memory_space<vmem_shared>>) target(%dma_start3A_122 : memref<625x144xf32, #tpu.memory_space<hbm>>) target_semaphore(%run_scoped3A : memref<!tpu.dma_semaphore, #tpu.memory_space<semaphore_mem>>)
        %dma_wait3A_125 = arith.constant 0 : i32
        %dma_wait3A_126 = tpu.memref_slice %arg7[%mul3A_2, %dma_wait3A_125] : memref<10000x144xf32, #tpu.memory_space<hbm>> -> memref<625x144xf32, #tpu.memory_space<hbm>>
        %dma_wait3A_127 = arith.constant 0 : i32
        %dma_wait3A_128 = tpu.memref_slice %arg17[%mul3A_2, %dma_wait3A_127] : memref<10000x144xf32, #tpu.memory_space<vmem_shared>> -> memref<625x144xf32, #tpu.memory_space<vmem_shared>>
        tpu.wait_dma2 semaphore(%run_scoped3A : memref<!tpu.dma_semaphore, #tpu.memory_space<semaphore_mem>>) src(%dma_wait3A_128 : memref<625x144xf32, #tpu.memory_space<vmem_shared>>) dst(%dma_wait3A_126 : memref<625x144xf32, #tpu.memory_space<hbm>>)
        tpu.yield
      }) : () -> ()
    } else {
    }
    return
  }
}

module attributes {stable_mosaic.version = 14 : i64} {
  func.func @body(%arg0: i32, %arg1: memref<1000x128xf32, #tpu.memory_space<vmem>>, %arg2: memref<128x128xf32, #tpu.memory_space<vmem>>, %arg3: memref<1x128xf32, #tpu.memory_space<vmem>>, %arg4: memref<1x128xf32, #tpu.memory_space<vmem>>, %arg5: memref<128x128xf32, #tpu.memory_space<vmem>>, %arg6: memref<128x16xf32, #tpu.memory_space<vmem>>, %arg7: memref<1000x144xf32, #tpu.memory_space<vmem>>, %arg8: memref<1000x16xf32, #tpu.memory_space<vmem>>) attributes {dimension_semantics = [#tpu.dimension_semantics<arbitrary>], iteration_bounds = array<i64: 10>, scalar_prefetch = 0 : i64, scratch_operands = 0 : i64, tpu.core_type = #tpu.core_type<tc>, window_params = [{transform_indices = @transform_0, window_bounds = array<i64: 1000, 128>}, {pipeline_mode = #tpu.pipeline_mode<synchronous>, transform_indices = @transform_1, window_bounds = array<i64: 128, 128>}, {pipeline_mode = #tpu.pipeline_mode<synchronous>, transform_indices = @transform_2, window_bounds = array<i64: 1, 128>}, {pipeline_mode = #tpu.pipeline_mode<synchronous>, transform_indices = @transform_3, window_bounds = array<i64: 1, 128>}, {pipeline_mode = #tpu.pipeline_mode<synchronous>, transform_indices = @transform_4, window_bounds = array<i64: 128, 128>}, {pipeline_mode = #tpu.pipeline_mode<synchronous>, transform_indices = @transform_5, window_bounds = array<i64: 128, 16>}, {transform_indices = @transform_6, window_bounds = array<i64: 1000, 144>}, {transform_indices = @transform_7, window_bounds = array<i64: 1000, 16>}]} {
    %get3A = arith.constant 0 : index
    %get3A_0 = arith.constant 0 : index
    %get3A_1 = vector.load %arg1[%get3A, %get3A_0] : memref<1000x128xf32, #tpu.memory_space<vmem>>, vector<1000x128xf32>
    %get3A_2 = arith.constant 0 : index
    %get3A_3 = arith.constant 0 : index
    %get3A_4 = vector.load %arg2[%get3A_2, %get3A_3] : memref<128x128xf32, #tpu.memory_space<vmem>>, vector<128x128xf32>
    %dot_general3A = arith.constant dense<0.000000e+00> : vector<1000x128xf32>
    %dot_general3A_5 = tpu.matmul %get3A_1, %get3A_4, %dot_general3A {dimension_numbers = #tpu.dot_dimension_numbers<[1], [0], [0], [1], [0, 0, 1, 1], [], []>, transpose_lhs_hint = false} : vector<1000x128xf32>, vector<128x128xf32>, vector<1000x128xf32> -> vector<1000x128xf32>
    %get3A_6 = arith.constant 0 : index
    %get3A_7 = arith.constant 0 : index
    %get3A_8 = vector.load %arg3[%get3A_6, %get3A_7] : memref<1x128xf32, #tpu.memory_space<vmem>>, vector<1x128xf32>
    %mul3A = vector.broadcast %get3A_8 : vector<1x128xf32> to vector<1000x128xf32>
    %mul3A_9 = arith.mulf %dot_general3A_5, %mul3A : vector<1000x128xf32>
    %get3A_10 = arith.constant 0 : index
    %get3A_11 = arith.constant 0 : index
    %get3A_12 = vector.load %arg6[%get3A_10, %get3A_11] : memref<128x16xf32, #tpu.memory_space<vmem>>, vector<128x16xf32>
    %dot_general3A_13 = arith.constant dense<0.000000e+00> : vector<1000x16xf32>
    %dot_general3A_14 = tpu.matmul %mul3A_9, %get3A_12, %dot_general3A_13 {dimension_numbers = #tpu.dot_dimension_numbers<[1], [0], [0], [1], [0, 0, 1, 1], [], []>, transpose_lhs_hint = false} : vector<1000x128xf32>, vector<128x16xf32>, vector<1000x16xf32> -> vector<1000x16xf32>
    %get3A_15 = arith.constant 0 : index
    %get3A_16 = arith.constant 0 : index
    %get3A_17 = vector.load %arg4[%get3A_15, %get3A_16] : memref<1x128xf32, #tpu.memory_space<vmem>>, vector<1x128xf32>
    %mul3A_18 = vector.broadcast %get3A_17 : vector<1x128xf32> to vector<1000x128xf32>
    %mul3A_19 = arith.mulf %dot_general3A_5, %mul3A_18 : vector<1000x128xf32>
    %get3A_20 = arith.constant 0 : index
    %get3A_21 = arith.constant 0 : index
    %get3A_22 = vector.load %arg6[%get3A_20, %get3A_21] : memref<128x16xf32, #tpu.memory_space<vmem>>, vector<128x16xf32>
    %dot_general3A_23 = arith.constant dense<0.000000e+00> : vector<1000x16xf32>
    %dot_general3A_24 = tpu.matmul %mul3A_19, %get3A_22, %dot_general3A_23 {dimension_numbers = #tpu.dot_dimension_numbers<[1], [0], [0], [1], [0, 0, 1, 1], [], []>, transpose_lhs_hint = false} : vector<1000x128xf32>, vector<128x16xf32>, vector<1000x16xf32> -> vector<1000x16xf32>
    %get3A_25 = arith.constant 0 : index
    %get3A_26 = arith.constant 0 : index
    %get3A_27 = vector.load %arg5[%get3A_25, %get3A_26] : memref<128x128xf32, #tpu.memory_space<vmem>>, vector<128x128xf32>
    %dot_general3A_28 = arith.constant dense<0.000000e+00> : vector<1000x128xf32>
    %dot_general3A_29 = tpu.matmul %dot_general3A_5, %get3A_27, %dot_general3A_28 {dimension_numbers = #tpu.dot_dimension_numbers<[1], [0], [0], [1], [0, 0, 1, 1], [], []>, transpose_lhs_hint = false} : vector<1000x128xf32>, vector<128x128xf32>, vector<1000x128xf32> -> vector<1000x128xf32>
    %concatenate3A = tpu.concatenate %dot_general3A_29, %dot_general3A_14 in 1 : vector<1000x128xf32>, vector<1000x16xf32> -> vector<1000x144xf32>
    %swap3A = arith.constant 0 : index
    %swap3A_30 = arith.constant 0 : index
    %swap3A_31 = vector.load %arg7[%swap3A, %swap3A_30] : memref<1000x144xf32, #tpu.memory_space<vmem>>, vector<1000x144xf32>
    tpu.vector_store %arg7[%swap3A, %swap3A_30], %concatenate3A {strides = array<i32>} : memref<1000x144xf32, #tpu.memory_space<vmem>>, vector<1000x144xf32>,
    %swap3A_32 = arith.constant 0 : index
    %swap3A_33 = arith.constant 0 : index
    %swap3A_34 = vector.load %arg8[%swap3A_32, %swap3A_33] : memref<1000x16xf32, #tpu.memory_space<vmem>>, vector<1000x16xf32>
    tpu.vector_store %arg8[%swap3A_32, %swap3A_33], %dot_general3A_24 {strides = array<i32>} : memref<1000x16xf32, #tpu.memory_space<vmem>>, vector<1000x16xf32>,
    return
  }
  func.func @transform_0(%arg0: i32) -> (i32, i32) {
    %c0_i32 = arith.constant 0 : i32
    %c0_i32_0 = arith.constant 0 : i32
    return %arg0, %c0_i32 : i32, i32
  }
  func.func @transform_1(%arg0: i32) -> (i32, i32) {
    %c0_i32 = arith.constant 0 : i32
    %c0_i32_0 = arith.constant 0 : i32
    %c0_i32_1 = arith.constant 0 : i32
    return %c0_i32, %c0_i32_0 : i32, i32
  }
  func.func @transform_2(%arg0: i32) -> (i32, i32) {
    %c0_i32 = arith.constant 0 : i32
    %c0_i32_0 = arith.constant 0 : i32
    %c0_i32_1 = arith.constant 0 : i32
    return %c0_i32, %c0_i32_0 : i32, i32
  }
  func.func @transform_3(%arg0: i32) -> (i32, i32) {
    %c0_i32 = arith.constant 0 : i32
    %c0_i32_0 = arith.constant 0 : i32
    %c0_i32_1 = arith.constant 0 : i32
    return %c0_i32, %c0_i32_0 : i32, i32
  }
  func.func @transform_4(%arg0: i32) -> (i32, i32) {
    %c0_i32 = arith.constant 0 : i32
    %c0_i32_0 = arith.constant 0 : i32
    %c0_i32_1 = arith.constant 0 : i32
    return %c0_i32, %c0_i32_0 : i32, i32
  }
  func.func @transform_5(%arg0: i32) -> (i32, i32) {
    %c0_i32 = arith.constant 0 : i32
    %c0_i32_0 = arith.constant 0 : i32
    %c0_i32_1 = arith.constant 0 : i32
    return %c0_i32, %c0_i32_0 : i32, i32
  }
  func.func @transform_6(%arg0: i32) -> (i32, i32) {
    %c0_i32 = arith.constant 0 : i32
    %c0_i32_0 = arith.constant 0 : i32
    return %arg0, %c0_i32 : i32, i32
  }
  func.func @transform_7(%arg0: i32) -> (i32, i32) {
    %c0_i32 = arith.constant 0 : i32
    %c0_i32_0 = arith.constant 0 : i32
    return %arg0, %c0_i32 : i32, i32
  }
}

module attributes {stable_mosaic.version = 14 : i64} {
  func.func @body(%arg0: i32, %arg1: memref<1000x144xf32, #tpu.memory_space<vmem>>, %arg2: memref<1000x144xf32, #tpu.memory_space<vmem>>, %arg3: memref<1x128xf32, #tpu.memory_space<vmem>>, %arg4: memref<128x128xf32, #tpu.memory_space<vmem>>, %arg5: memref<1x128xf32, #tpu.memory_space<vmem>>, %arg6: memref<1x128xf32, #tpu.memory_space<vmem>>, %arg7: memref<128x128xf32, #tpu.memory_space<vmem>>, %arg8: memref<16x128xf32, #tpu.memory_space<vmem>>, %arg9: memref<128x16xf32, #tpu.memory_space<vmem>>, %arg10: memref<1000x144xf32, #tpu.memory_space<vmem>>, %arg11: memref<1000x16xf32, #tpu.memory_space<vmem>>) attributes {dimension_semantics = [#tpu.dimension_semantics<arbitrary>], iteration_bounds = array<i64: 10>, scalar_prefetch = 0 : i64, scratch_operands = 0 : i64, tpu.core_type = #tpu.core_type<tc>, window_params = [{transform_indices = @transform_0, window_bounds = array<i64: 1000, 144>}, {transform_indices = @transform_1, window_bounds = array<i64: 1000, 144>}, {pipeline_mode = #tpu.pipeline_mode<synchronous>, transform_indices = @transform_2, window_bounds = array<i64: 1, 128>}, {pipeline_mode = #tpu.pipeline_mode<synchronous>, transform_indices = @transform_3, window_bounds = array<i64: 128, 128>}, {pipeline_mode = #tpu.pipeline_mode<synchronous>, transform_indices = @transform_4, window_bounds = array<i64: 1, 128>}, {pipeline_mode = #tpu.pipeline_mode<synchronous>, transform_indices = @transform_5, window_bounds = array<i64: 1, 128>}, {pipeline_mode = #tpu.pipeline_mode<synchronous>, transform_indices = @transform_6, window_bounds = array<i64: 128, 128>}, {pipeline_mode = #tpu.pipeline_mode<synchronous>, transform_indices = @transform_7, window_bounds = array<i64: 16, 128>}, {pipeline_mode = #tpu.pipeline_mode<synchronous>, transform_indices = @transform_8, window_bounds = array<i64: 128, 16>}, {transform_indices = @transform_9, window_bounds = array<i64: 1000, 144>}, {transform_indices = @transform_10, window_bounds = array<i64: 1000, 16>}]} {
    %get3A = arith.constant 0 : index
    %get3A_0 = arith.constant 0 : index
    %get3A_1 = vector.load %arg1[%get3A, %get3A_0] : memref<1000x144xf32, #tpu.memory_space<vmem>>, vector<1000x144xf32>
    %get3A_2 = arith.constant 0 : index
    %get3A_3 = arith.constant 0 : index
    %get3A_4 = vector.load %arg2[%get3A_2, %get3A_3] : memref<1000x144xf32, #tpu.memory_space<vmem>>, vector<1000x144xf32>
    %add3A = arith.addf %get3A_1, %get3A_4 : vector<1000x144xf32>
    %slice3A = vector.extract_strided_slice %add3A {offsets = [0, 0], sizes = [1000, 128], strides = [1, 1]} : vector<1000x144xf32> to vector<1000x128xf32>
    %get3A_5 = arith.constant 0 : index
    %get3A_6 = arith.constant 0 : index
    %get3A_7 = vector.load %arg7[%get3A_5, %get3A_6] : memref<128x128xf32, #tpu.memory_space<vmem>>, vector<128x128xf32>
    %dot_general3A = arith.constant dense<0.000000e+00> : vector<1000x128xf32>
    %dot_general3A_8 = tpu.matmul %slice3A, %get3A_7, %dot_general3A {dimension_numbers = #tpu.dot_dimension_numbers<[1], [0], [0], [1], [0, 0, 1, 1], [], []>, transpose_lhs_hint = false} : vector<1000x128xf32>, vector<128x128xf32>, vector<1000x128xf32> -> vector<1000x128xf32>
    %slice3A_9 = vector.extract_strided_slice %add3A {offsets = [0, 128], sizes = [1000, 16], strides = [1, 1]} : vector<1000x144xf32> to vector<1000x16xf32>
    %get3A_10 = arith.constant 0 : index
    %get3A_11 = arith.constant 0 : index
    %get3A_12 = vector.load %arg8[%get3A_10, %get3A_11] : memref<16x128xf32, #tpu.memory_space<vmem>>, vector<16x128xf32>
    %dot_general3A_13 = arith.constant dense<0.000000e+00> : vector<1000x128xf32>
    %dot_general3A_14 = tpu.matmul %slice3A_9, %get3A_12, %dot_general3A_13 {dimension_numbers = #tpu.dot_dimension_numbers<[1], [0], [0], [1], [0, 0, 1, 1], [], []>, transpose_lhs_hint = false} : vector<1000x16xf32>, vector<16x128xf32>, vector<1000x128xf32> -> vector<1000x128xf32>
    %add3A_15 = arith.constant 1.000000e-16 : f32
    %add3A_16 = vector.broadcast %add3A_15 : f32 to vector<1000x128xf32>
    %add3A_17 = arith.addf %dot_general3A_14, %add3A_16 : vector<1000x128xf32>
    %div3A = arith.divf %dot_general3A_8, %add3A_17 : vector<1000x128xf32>
    %get3A_18 = arith.constant 0 : index
    %get3A_19 = arith.constant 0 : index
    %get3A_20 = vector.load %arg3[%get3A_18, %get3A_19] : memref<1x128xf32, #tpu.memory_space<vmem>>, vector<1x128xf32>
    %add3A_21 = vector.broadcast %get3A_20 : vector<1x128xf32> to vector<1000x128xf32>
    %add3A_22 = arith.addf %div3A, %add3A_21 : vector<1000x128xf32>
    %gt3A = arith.constant 0.000000e+00 : f32
    %gt3A_23 = vector.broadcast %gt3A : f32 to vector<1000x128xf32>
    %gt3A_24 = arith.cmpf ogt, %add3A_22, %gt3A_23 : vector<1000x128xf32>
    %exp3A = math.exp %add3A_22 : vector<1000x128xf32>
    %sub3A = arith.constant 1.000000e+00 : f32
    %sub3A_25 = vector.broadcast %sub3A : f32 to vector<1000x128xf32>
    %sub3A_26 = arith.subf %exp3A, %sub3A_25 : vector<1000x128xf32>
    %select_n3A = arith.select %gt3A_24, %add3A_22, %sub3A_26 : vector<1000x128xi1>, vector<1000x128xf32>
    %get3A_27 = arith.constant 0 : index
    %get3A_28 = arith.constant 0 : index
    %get3A_29 = vector.load %arg4[%get3A_27, %get3A_28] : memref<128x128xf32, #tpu.memory_space<vmem>>, vector<128x128xf32>
    %dot_general3A_30 = arith.constant dense<0.000000e+00> : vector<1000x128xf32>
    %dot_general3A_31 = tpu.matmul %select_n3A, %get3A_29, %dot_general3A_30 {dimension_numbers = #tpu.dot_dimension_numbers<[1], [0], [0], [1], [0, 0, 1, 1], [], []>, transpose_lhs_hint = false} : vector<1000x128xf32>, vector<128x128xf32>, vector<1000x128xf32> -> vector<1000x128xf32>
    %get3A_32 = arith.constant 0 : index
    %get3A_33 = arith.constant 0 : index
    %get3A_34 = vector.load %arg5[%get3A_32, %get3A_33] : memref<1x128xf32, #tpu.memory_space<vmem>>, vector<1x128xf32>
    %mul3A = vector.broadcast %get3A_34 : vector<1x128xf32> to vector<1000x128xf32>
    %mul3A_35 = arith.mulf %dot_general3A_31, %mul3A : vector<1000x128xf32>
    %get3A_36 = arith.constant 0 : index
    %get3A_37 = arith.constant 0 : index
    %get3A_38 = vector.load %arg9[%get3A_36, %get3A_37] : memref<128x16xf32, #tpu.memory_space<vmem>>, vector<128x16xf32>
    %dot_general3A_39 = arith.constant dense<0.000000e+00> : vector<1000x16xf32>
    %dot_general3A_40 = tpu.matmul %mul3A_35, %get3A_38, %dot_general3A_39 {dimension_numbers = #tpu.dot_dimension_numbers<[1], [0], [0], [1], [0, 0, 1, 1], [], []>, transpose_lhs_hint = false} : vector<1000x128xf32>, vector<128x16xf32>, vector<1000x16xf32> -> vector<1000x16xf32>
    %get3A_41 = arith.constant 0 : index
    %get3A_42 = arith.constant 0 : index
    %get3A_43 = vector.load %arg6[%get3A_41, %get3A_42] : memref<1x128xf32, #tpu.memory_space<vmem>>, vector<1x128xf32>
    %mul3A_44 = vector.broadcast %get3A_43 : vector<1x128xf32> to vector<1000x128xf32>
    %mul3A_45 = arith.mulf %dot_general3A_31, %mul3A_44 : vector<1000x128xf32>
    %get3A_46 = arith.constant 0 : index
    %get3A_47 = arith.constant 0 : index
    %get3A_48 = vector.load %arg9[%get3A_46, %get3A_47] : memref<128x16xf32, #tpu.memory_space<vmem>>, vector<128x16xf32>
    %dot_general3A_49 = arith.constant dense<0.000000e+00> : vector<1000x16xf32>
    %dot_general3A_50 = tpu.matmul %mul3A_45, %get3A_48, %dot_general3A_49 {dimension_numbers = #tpu.dot_dimension_numbers<[1], [0], [0], [1], [0, 0, 1, 1], [], []>, transpose_lhs_hint = false} : vector<1000x128xf32>, vector<128x16xf32>, vector<1000x16xf32> -> vector<1000x16xf32>
    %concatenate3A = tpu.concatenate %dot_general3A_31, %dot_general3A_40 in 1 : vector<1000x128xf32>, vector<1000x16xf32> -> vector<1000x144xf32>
    %swap3A = arith.constant 0 : index
    %swap3A_51 = arith.constant 0 : index
    %swap3A_52 = vector.load %arg10[%swap3A, %swap3A_51] : memref<1000x144xf32, #tpu.memory_space<vmem>>, vector<1000x144xf32>
    tpu.vector_store %arg10[%swap3A, %swap3A_51], %concatenate3A {strides = array<i32>} : memref<1000x144xf32, #tpu.memory_space<vmem>>, vector<1000x144xf32>,
    %swap3A_53 = arith.constant 0 : index
    %swap3A_54 = arith.constant 0 : index
    %swap3A_55 = vector.load %arg11[%swap3A_53, %swap3A_54] : memref<1000x16xf32, #tpu.memory_space<vmem>>, vector<1000x16xf32>
    tpu.vector_store %arg11[%swap3A_53, %swap3A_54], %dot_general3A_50 {strides = array<i32>} : memref<1000x16xf32, #tpu.memory_space<vmem>>, vector<1000x16xf32>,
    return
  }
  func.func @transform_0(%arg0: i32) -> (i32, i32) {
    %c0_i32 = arith.constant 0 : i32
    %c0_i32_0 = arith.constant 0 : i32
    return %arg0, %c0_i32 : i32, i32
  }
  func.func @transform_1(%arg0: i32) -> (i32, i32) {
    %c0_i32 = arith.constant 0 : i32
    %c0_i32_0 = arith.constant 0 : i32
    return %arg0, %c0_i32 : i32, i32
  }
  func.func @transform_2(%arg0: i32) -> (i32, i32) {
    %c0_i32 = arith.constant 0 : i32
    %c0_i32_0 = arith.constant 0 : i32
    %c0_i32_1 = arith.constant 0 : i32
    return %c0_i32, %c0_i32_0 : i32, i32
  }
  func.func @transform_3(%arg0: i32) -> (i32, i32) {
    %c0_i32 = arith.constant 0 : i32
    %c0_i32_0 = arith.constant 0 : i32
    %c0_i32_1 = arith.constant 0 : i32
    return %c0_i32, %c0_i32_0 : i32, i32
  }
  func.func @transform_4(%arg0: i32) -> (i32, i32) {
    %c0_i32 = arith.constant 0 : i32
    %c0_i32_0 = arith.constant 0 : i32
    %c0_i32_1 = arith.constant 0 : i32
    return %c0_i32, %c0_i32_0 : i32, i32
  }
  func.func @transform_5(%arg0: i32) -> (i32, i32) {
    %c0_i32 = arith.constant 0 : i32
    %c0_i32_0 = arith.constant 0 : i32
    %c0_i32_1 = arith.constant 0 : i32
    return %c0_i32, %c0_i32_0 : i32, i32
  }
  func.func @transform_6(%arg0: i32) -> (i32, i32) {
    %c0_i32 = arith.constant 0 : i32
    %c0_i32_0 = arith.constant 0 : i32
    %c0_i32_1 = arith.constant 0 : i32
    return %c0_i32, %c0_i32_0 : i32, i32
  }
  func.func @transform_7(%arg0: i32) -> (i32, i32) {
    %c0_i32 = arith.constant 0 : i32
    %c0_i32_0 = arith.constant 0 : i32
    %c0_i32_1 = arith.constant 0 : i32
    return %c0_i32, %c0_i32_0 : i32, i32
  }
  func.func @transform_8(%arg0: i32) -> (i32, i32) {
    %c0_i32 = arith.constant 0 : i32
    %c0_i32_0 = arith.constant 0 : i32
    %c0_i32_1 = arith.constant 0 : i32
    return %c0_i32, %c0_i32_0 : i32, i32
  }
  func.func @transform_9(%arg0: i32) -> (i32, i32) {
    %c0_i32 = arith.constant 0 : i32
    %c0_i32_0 = arith.constant 0 : i32
    return %arg0, %c0_i32 : i32, i32
  }
  func.func @transform_10(%arg0: i32) -> (i32, i32) {
    %c0_i32 = arith.constant 0 : i32
    %c0_i32_0 = arith.constant 0 : i32
    return %arg0, %c0_i32 : i32, i32
  }
}

module attributes {stable_mosaic.version = 14 : i64} {
  func.func @body(%arg0: i32, %arg1: memref<1000x144xf32, #tpu.memory_space<vmem>>, %arg2: memref<1000x144xf32, #tpu.memory_space<vmem>>, %arg3: memref<1x128xf32, #tpu.memory_space<vmem>>, %arg4: memref<16x128xf32, #tpu.memory_space<vmem>>, %arg5: memref<1000x128xf32, #tpu.memory_space<vmem>>) attributes {dimension_semantics = [#tpu.dimension_semantics<arbitrary>], iteration_bounds = array<i64: 10>, scalar_prefetch = 0 : i64, scratch_operands = 0 : i64, tpu.core_type = #tpu.core_type<tc>, window_params = [{transform_indices = @transform_0, window_bounds = array<i64: 1000, 144>}, {transform_indices = @transform_1, window_bounds = array<i64: 1000, 144>}, {pipeline_mode = #tpu.pipeline_mode<synchronous>, transform_indices = @transform_2, window_bounds = array<i64: 1, 128>}, {pipeline_mode = #tpu.pipeline_mode<synchronous>, transform_indices = @transform_3, window_bounds = array<i64: 16, 128>}, {transform_indices = @transform_4, window_bounds = array<i64: 1000, 128>}]} {
    %get3A = arith.constant 0 : index
    %get3A_0 = arith.constant 0 : index
    %get3A_1 = vector.load %arg1[%get3A, %get3A_0] : memref<1000x144xf32, #tpu.memory_space<vmem>>, vector<1000x144xf32>
    %get3A_2 = arith.constant 0 : index
    %get3A_3 = arith.constant 0 : index
    %get3A_4 = vector.load %arg2[%get3A_2, %get3A_3] : memref<1000x144xf32, #tpu.memory_space<vmem>>, vector<1000x144xf32>
    %add3A = arith.addf %get3A_1, %get3A_4 : vector<1000x144xf32>
    %slice3A = vector.extract_strided_slice %add3A {offsets = [0, 128], sizes = [1000, 16], strides = [1, 1]} : vector<1000x144xf32> to vector<1000x16xf32>
    %get3A_5 = arith.constant 0 : index
    %get3A_6 = arith.constant 0 : index
    %get3A_7 = vector.load %arg4[%get3A_5, %get3A_6] : memref<16x128xf32, #tpu.memory_space<vmem>>, vector<16x128xf32>
    %dot_general3A = arith.constant dense<0.000000e+00> : vector<1000x128xf32>
    %dot_general3A_8 = tpu.matmul %slice3A, %get3A_7, %dot_general3A {dimension_numbers = #tpu.dot_dimension_numbers<[1], [0], [0], [1], [0, 0, 1, 1], [], []>, transpose_lhs_hint = false} : vector<1000x16xf32>, vector<16x128xf32>, vector<1000x128xf32> -> vector<1000x128xf32>
    %slice3A_9 = vector.extract_strided_slice %add3A {offsets = [0, 0], sizes = [1000, 128], strides = [1, 1]} : vector<1000x144xf32> to vector<1000x128xf32>
    %add3A_10 = arith.constant 1.000000e-16 : f32
    %add3A_11 = vector.broadcast %add3A_10 : f32 to vector<1000x128xf32>
    %add3A_12 = arith.addf %dot_general3A_8, %add3A_11 : vector<1000x128xf32>
    %div3A = arith.divf %slice3A_9, %add3A_12 : vector<1000x128xf32>
    %get3A_13 = arith.constant 0 : index
    %get3A_14 = arith.constant 0 : index
    %get3A_15 = vector.load %arg3[%get3A_13, %get3A_14] : memref<1x128xf32, #tpu.memory_space<vmem>>, vector<1x128xf32>
    %add3A_16 = vector.broadcast %get3A_15 : vector<1x128xf32> to vector<1000x128xf32>
    %add3A_17 = arith.addf %div3A, %add3A_16 : vector<1000x128xf32>
    %swap3A = arith.constant 0 : index
    %swap3A_18 = arith.constant 0 : index
    %swap3A_19 = vector.load %arg5[%swap3A, %swap3A_18] : memref<1000x128xf32, #tpu.memory_space<vmem>>, vector<1000x128xf32>
    tpu.vector_store %arg5[%swap3A, %swap3A_18], %add3A_17 {strides = array<i32>} : memref<1000x128xf32, #tpu.memory_space<vmem>>, vector<1000x128xf32>,
    return
  }
  func.func @transform_0(%arg0: i32) -> (i32, i32) {
    %c0_i32 = arith.constant 0 : i32
    %c0_i32_0 = arith.constant 0 : i32
    return %arg0, %c0_i32 : i32, i32
  }
  func.func @transform_1(%arg0: i32) -> (i32, i32) {
    %c0_i32 = arith.constant 0 : i32
    %c0_i32_0 = arith.constant 0 : i32
    return %arg0, %c0_i32 : i32, i32
  }
  func.func @transform_2(%arg0: i32) -> (i32, i32) {
    %c0_i32 = arith.constant 0 : i32
    %c0_i32_0 = arith.constant 0 : i32
    %c0_i32_1 = arith.constant 0 : i32
    return %c0_i32, %c0_i32_0 : i32, i32
  }
  func.func @transform_3(%arg0: i32) -> (i32, i32) {
    %c0_i32 = arith.constant 0 : i32
    %c0_i32_0 = arith.constant 0 : i32
    %c0_i32_1 = arith.constant 0 : i32
    return %c0_i32, %c0_i32_0 : i32, i32
  }
  func.func @transform_4(%arg0: i32) -> (i32, i32) {
    %c0_i32 = arith.constant 0 : i32
    %c0_i32_0 = arith.constant 0 : i32
    return %arg0, %c0_i32 : i32, i32
  }
}

</mosaic_0001>

<sc_bundles>
// kernel: kernel.10.cloned.1.call-start
scs
__scs_entry_jumppad:
0x0: {  	(pc) =	sbr.rel $0x88, $3  }
0x1: {  	(tag) =	ssettag $0x0;
	lr =	simm.s32 $0x1  }
0x2: {  	[smem:$0x3F97] =	sst lr;
	_ =	strace $0xD0000000  }
0x3: {  	_ = 	snop  }
0x4: {  	_ = 	snop  }
0x5: {  	_ = 	snop  }
0x6: {  	_ = 	snop  }
0x7: {  	_ = 	snop  }
__scs_overlays_trampoline_lowered:
0x8: {  	[smem:$0x3FA6] =	sst s0  }
0x9: {  	[smem:$0x3FA7] =	sst s1  }
0xa: {  	[smem:$0x3FA8] =	sst s2  }
0xb: {  	[smem:$0x3FA9] =	sst s3  }
0xc: {  	[smem:$0x3FAA] =	sst s4  }
0xd: {  	[smem:$0x3FAB] =	sst s5  }
0xe: {  	[smem:$0x3FAC] =	sst s6  }
0xf: {  	[smem:$0x3FAD] =	sst s7  }
0x10: {  	[smem:$0x3FAE] =	sst s8  }
0x11: {  	[smem:$0x3FAF] =	sst s9;
	s0 =	simm.s32 @!p0 $0x0  }
0x12: {  	s1 =	sld [smem:$0x3F95];
	s0 =	simm.s32 @p0 $0x1  }
0x13: {  	[smem:$0x3FB0] =	sst s0;
	s0 =	simm.s32 @!p1 $0x0  }
0x14: {  	s2 =	sld [smem:$0x3F94];
	s0 =	simm.s32 @p1 $0x1  }
0x15: {  	[smem:$0x3FB1] =	sst s0;
	s0 =	simm.s32 @!p2 $0x0  }
0x16: {  	s3 =	sld [smem:$0x3FDB];
	s0 =	simm.s32 @p2 $0x1  }
0x17: {  	s4 =	simm.s32 $0x1BF5;
	[smem:$0x3FB3] =	sst s0  }
0x18: {  	s0 =	sld [smem:$0x3F96];
	_ =	swait.ge [sflag:s4], $0x0  }
0x19: {  	s7 =	sld [smem:$0x3F97]  }
0x1a: {  	s8 =	sadd.s32 $0xFFFFE003, lr  }
0x1b: {  	s9 =	sadd.s32 $0xFFFFFEF7, lr;
	s5 =	simm.s32 $0xFFFFFFFF;
	p2 =	slt.u32 s8, $0xFFFFF086  }
0x1c: {  	p1 =	slt.u32 s9, $0xF7A;
	s5 =	simm.s32 @!p2 $0x0  }
0x1d: {  	s5 =	simm.s32 @p1 $0x1;
	p0 =	seq.s32 s7, s2  }
0x1e: {  	s7 =	smul.u32 @!p0 $0xF7A, s2;
	p2 =	seq.s32 @!p0 s5, $0x0  }
0x1f: {  	s9 =	smul.u32 $0xF7A, s1;
	s8 =	simm.s32 @!p0 $0x1BF5;
	p2 =	por !p2, p0  }
0x20: {  	[sflag:s8] =	ssyncset.s32 @!p0 $0xFFFFF086;
	s6 =	sadd.s32 @!p0 s3, s7;
	s7 =	simm.s32 @!p0 $0x108  }
0x21: {  	s3 =	sadd.s32 s3, s9;
	s6 =	sadd.s32 @!p0 $0x88, s6;
	s7 =	simm.s32 @p2 $0x1082  }
0x22: {  	[simem:s7], [sflag:s8] =	dma.local @!p0 [hbm:s6], $0xF7A  }
0x23: {  	s9 =	sor.u32 $0xD0000000, s2;
	s6 =	simm.s32 $0x108;
	_ =	swait.ge @!p0 [sflag:s8], $0x0  }
0x24: {  	s3 =	sadd.s32 $0x88, s3;
	s6 =	simm.s32 @!p1 $0x1082;
	[sflag:s4] =	ssyncset.s32 $0xFFFFF086  }
0x25: {  	[simem:s6], [sflag:s4] =	dma.local [hbm:s3], $0xF7A  }
0x26: {  	[smem:$0x3F97] =	sst s1;
	(tag) =	ssettag s2;
	_ =	strace s9  }
0x27: {  	s1 =	sld [smem:$0x3FA7]  }
0x28: {  	s2 =	sld [smem:$0x3FA8]  }
0x29: {  	s4 =	sld [smem:$0x3FAA]  }
0x2a: {  	p0 =	seq.s32 s5, $0x0;
	s5 =	sld [smem:$0x3FAB]  }
0x2b: {  	s6 =	sld [smem:$0x3FAC]  }
0x2c: {  	s7 =	sld [smem:$0x3FAD]  }
0x2d: {  	s3 =	simm.s32 $0x108;
	s8 =	sld [smem:$0x3FAE]  }
0x2e: {  	s3 =	simm.s32 @!p0 $0x1082;
	s9 =	sld [smem:$0x3FAF]  }
0x2f: {  	lr =	sadd.s32 s0, s3;
	s0 =	sld [smem:$0x3FA6]  }
0x30: {  	s3 =	sld [smem:$0x3FA9]  }
0x31: {  	[smem:$0x3FB2] =	sst s10  }
0x32: {  	s10 =	sld [smem:$0x3FB0];
	_ =	sdelay $0x3  }
0x33: {  	p0 =	seq.s32 s10, $0x1;
	s10 =	sld [smem:$0x3FB2];
	_ =	sdelay $0x3  }
0x34: {  	[smem:$0x3FB2] =	sst s10  }
0x35: {  	s10 =	sld [smem:$0x3FB1];
	_ =	sdelay $0x3  }
0x36: {  	p1 =	seq.s32 s10, $0x1;
	s10 =	sld [smem:$0x3FB2];
	_ =	sdelay $0x3  }
0x37: {  	[smem:$0x3FB2] =	sst s10  }
0x38: {  	s10 =	sld [smem:$0x3FB3]  }
0x39: {  	_ = 	snop;
	(pc) =	sbr.ind lr, $3  }
0x3a: {  	_ = 	snop  }
0x3b: {  	_ = 	snop  }
0x3c: {  	p2 =	seq.s32 s10, $0x1;
	s10 =	sld [smem:$0x3FB2]  }
0x3d: {  	_ =	shalt  }
0x3e: {  	_ =	shalt  }
0x3f: {  	_ =	shalt  }
0x40: {  	_ =	shalt  }
0x41: {  	_ =	shalt  }
0x42: {  	_ =	shalt  }
0x43: {  	_ =	shalt  }
0x44: {  	_ =	shalt  }
0x45: {  	_ =	shalt  }
0x46: {  	_ =	shalt  }
0x47: {  	_ =	shalt  }
0x48: {  	_ =	shalt  }
0x49: {  	_ =	shalt  }
0x4a: {  	_ =	shalt  }
0x4b: {  	_ =	shalt  }
0x4c: {  	_ =	shalt  }
0x4d: {  	_ =	shalt  }
0x4e: {  	_ =	shalt  }
0x4f: {  	_ =	shalt  }
0x50: {  	_ =	shalt  }
0x51: {  	_ =	shalt  }
0x52: {  	_ =	shalt  }
0x53: {  	_ =	shalt  }
0x54: {  	_ =	shalt  }
0x55: {  	_ =	shalt  }
0x56: {  	_ =	shalt  }
0x57: {  	_ =	shalt  }
0x58: {  	_ =	shalt  }
0x59: {  	_ =	shalt  }
0x5a: {  	_ =	shalt  }
0x5b: {  	_ =	shalt  }
0x5c: {  	_ =	shalt  }
0x5d: {  	_ =	shalt  }
0x5e: {  	_ =	shalt  }
0x5f: {  	_ =	shalt  }
0x60: {  	_ =	shalt  }
0x61: {  	_ =	shalt  }
0x62: {  	_ =	shalt  }
0x63: {  	_ =	shalt  }
0x64: {  	_ =	shalt  }
0x65: {  	_ =	shalt  }
0x66: {  	_ =	shalt  }
0x67: {  	_ =	shalt  }
0x68: {  	_ =	shalt  }
0x69: {  	_ =	shalt  }
0x6a: {  	_ =	shalt  }
0x6b: {  	_ =	shalt  }
0x6c: {  	_ =	shalt  }
0x6d: {  	_ =	shalt  }
0x6e: {  	_ =	shalt  }
0x6f: {  	_ =	shalt  }
0x70: {  	_ =	shalt  }
0x71: {  	_ =	shalt  }
0x72: {  	_ =	shalt  }
0x73: {  	_ =	shalt  }
0x74: {  	_ =	shalt  }
0x75: {  	_ =	shalt  }
0x76: {  	_ =	shalt  }
0x77: {  	_ =	shalt  }
0x78: {  	_ =	shalt  }
0x79: {  	_ =	shalt  }
0x7a: {  	_ =	shalt  }
0x7b: {  	_ =	shalt  }
0x7c: {  	_ =	shalt  }
0x7d: {  	_ =	shalt  }
0x7e: {  	_ =	shalt  }
0x7f: {  	_ =	shalt  }
0x80: {  	_ =	shalt  }
0x81: {  	_ =	shalt  }
0x82: {  	_ =	shalt  }
0x83: {  	_ =	shalt  }
0x84: {  	_ =	shalt  }
0x85: {  	_ =	shalt  }
0x86: {  	_ =	shalt  }
0x87: {  	_ =	shalt  }
.Lfunc_end0:
.L_simem_size_0:
called_computation.1_lowered:
.L_overlay_start_0:
0x88: {  	s2 =	sld [smem:$0x3FD9]  }
0x89: {  	s3 =	sld [smem:$0x3FFE];
	_ =	sdelay $0x1  }
0x8a: {  	s1 =	srdreg.scid  }
0x8b: {  	s0 =	sand.u32 $0x1, s1  }
0x8c: {  	s17 =	sshll.u32 s0, $0xA;
	s2 =	sadd.s32 s3, s2  }
0x8d: {  	s2 =	sadd.s32 s2, s17  }
0x8e: {  	[smem:$0x3FBE] =	sst s2  }
0x8f: {  	_ = 	snop  }
0x90: {  	s2 =	sld [smem:$0x3FD0];
	(tm) =	ssettm $0x1  }
0x91: {  	s18 =	sld [smem:$0x3FFB];
	_ =	sdelay $0x3  }
0x92: {  	_ =	strace s18  }
0x93: {  	s3 =	sld [smem:$0x3FFC];
	_ =	sdelay $0x3  }
0x94: {  	_ =	strace s3  }
0x95: {  	s3 =	sld [smem:$0x3FFD];
	_ =	sdelay $0x3  }
0x96: {  	_ =	strace s3  }
0x97: {  	_ =	strace $0x8FFFFFFF  }
0x98: {  	s19 =	sld [smem:$0x3FDB];
	_ =	sdelay $0x1  }
0x99: {  	s4 =	simm.s32 $_scs_section_size  }
0x9a: {  	s5 =	simm.s32 $_size__tile_overlayer_lowered;
	s6 =	simm.s32 $_tile_overlayer_lowered  }
0x9b: {  	s22 =	simm.s32 $0x1BFF;
	s21 =	sshll.u32 s6, $0x1;
	s3 =	sadd.s32 s4, s19  }
0x9c: {  	s7 =	simm.s32 $0x0;
	s20 =	sshll.u32 s5, $0x1;
	s5 =	sadd.s32 s21, s3  }
0x9d: {  	[timem:s7], [sflag:s22] =	dma.local [hbm:s5], s20  }
0x9e: {  	_ =	swait.ge [sflag:s22], s20  }
0x9f: {  	s4 =	ssub.s32 $0x0, s20;
	[sflag:s22] =	ssyncset.done $0x0  }
0xa0: {  	[sflag:s22] =	ssyncadd.s32 s4;
	_ =	sdelay $0x1  }
0xa1: {  	s23 =	simm.s32 $0x1B8B  }
0xa2: {  	_ =	swait.ge [sflag:s23], $0x1  }
0xa3: {  	[sflag:s23] =	ssyncset.done $0x0  }
0xa4: {  	s25 =	simm.s32 $0x1B8E;
	s24 =	sld [smem:$0x3FFE];
	[sflag:s23] =	ssyncadd.s32 $0xFFFFFFFF  }
0xa5: {  	s26 =	simm.s32 $execute0_lowered;
	[smem:$0x3FD2] =	sst s25  }
0xa6: {  	s5 =	sshll.u32 s26, $0x1;
	_ =	strace $0x80000049;
	[dreg:$0x1] =	wrdreg $0xFFFFFFFF  }
0xa7: {  	s28 =	simm.s32 $_size_execute0_lowered;
	s3 =	sadd.s32 s3, s5;
	[dreg:$0x0] =	wrdreg $0x0  }
0xa8: {  	s5 =	sshll.u32 s28, $0x1;
	[dreg:$0x2] =	wrdreg s3  }
0xa9: {  	[dreg:$0x3] =	wrdreg s5  }
0xaa: {  	[dreg:$0x4] =	wrdreg $0xC0  }
0xab: {  	_ =	task [dreg:s7], $0x5FFFF  }
0xac: {  	[dreg:$0x1] =	wrdreg $0xFFFFFFFF  }
0xad: {  	[dreg:$0x0] =	wrdreg $0x60  }
0xae: {  	[dreg:$0x2] =	wrdreg s24  }
0xaf: {  	[dreg:$0x3] =	wrdreg s2  }
0xb0: {  	[dreg:$0x4] =	wrdreg $0x8C500  }
0xb1: {  	[dreg:$0x5] =	wrdreg $0x9  }
0xb2: {  	_ =	task.clear_ibuf [dreg:s7], $0x6FFFF;
	_ =	strace $0x90000049  }
0xb3: {  	s29 =	simm.s32 $0x9;
	_ =	strace $0x8000004B  }
0xb4: {  	_ =	swait.ge [sflag:s29], $0x1  }
0xb5: {  	[sflag:s29] =	ssyncadd.s32 $0xFFFFFFFF  }
0xb6: {  	_ =	strace $0x9000004B  }
0xb7: {  	_ =	sfence  }
0xb8: {  	s30 =	sld [smem:$0x0];
	_ =	sdelay $0x2  }
0xb9: {  	s31 =	sshll.u32 s1, $0xD;
	s1 =	sshrl.u32 s1, $0x2  }
0xba: {  	s3 =	sand.u32 $0x4000, s31;
	s1 =	sadd.s32 s1, s30  }
0xbb: {  	s0 =	sor.u32 s3, s0;
	s1 =	sshll.u32 s1, $0x11  }
0xbc: {  	s0 =	sor.u32 s1, s0  }
0xbd: {  	s0 =	sadd.s32 $0x8F2B, s0  }
0xbe: {  	[sflag:s0] =	ssyncadd.remote.s32 $0x1  }
0xbf: {  	_ =	sfence.sel $0xFFFF  }
0xc0: {  	[dreg:$0x0] =	wrdreg $0xFFFFFFFF;
	(pc) =	sbr.abs _section_cstart, $3  }
0xc1: {  	[dreg:$0x1] =	wrdreg $0xFFFFFFFF  }
0xc2: {  	_ =	task.clear_ibuf [dreg:s7], $0x2FFFF;
	_ =	strace $0x9FFFFFFF  }
0xc3: {  	(tm) =	ssettm $0x7FFFFFFF  }
tec
execute0_lowered:
.L_overlay_start_1:
0x0: {  	(tag) =	ssettag $0x1  }
0x1: {  	s8 =	rddreg [dreg:$0x0]  }
0x2: {  	s7 =	rddreg [dreg:$0x1]  }
0x3: {  	s1 =	rddreg [dreg:$0x2]  }
0x4: {  	s0 =	rddreg [dreg:$0x3];
	s3 =	simm.s32 $0x0;
	s5 =	srdreg.scid  }
0x5: {  	s2 =	stileid.u32;
	s15 =	simm.s32 $0x8B10;
	s16 =	simm.s32 $0x8BB0  }
0x6: {  	s17 =	simm.s32 $0x5A00;
	s18 =	simm.s32 $0x8B60;
	s19 =	simm.s32 $0x2D00  }
0x7: {  	s20 =	simm.s32 $0x8C00;
	s21 =	simm.s32 $0x5F00;
	s22 =	simm.s32 $0x1  }
0x8: {  	s23 =	simm.s32 $0x2;
	s24 =	simm.s32 $0x0;
	[smem:$0x7FF] =	sst s3  }
0x9: {  	s4 =	sadd.s32 $0x2C00, s8;
	s9 =	sand.u32 $0x1, s5;
	s6 =	sshll.u32 s2, $0x1  }
0xa: {  	s5 =	sadd.s32 $0x2EC00, s8;
	s13 =	smul.u32 $0x15F90, s2;
	s31 =	sshll.u32 s2, $0x6  }
0xb: {  	_ =	strace $0x8000004A;
	s10 =	ssub.s32 $0x2, s9;
	s11 =	sor.u32 s9, s6  }
0xc: {  	s6 =	sadd.s32 $0x33C00, s8;
	p0 =	seq.s32 s9, $0x1;
	s9 =	simm.s32 $0x36800  }
0xd: {  	s12 =	sshrl.u32 s10, $0x1;
	s11 =	smul.u32 $0x4E2, s11;
	s9 =	simm.s32 @!p0 $0x62800  }
0xe: {  	s14 =	sadd.s32 s13, s1;
	s30 =	sshrl.u32 s13, $0x3;
	s10 =	ssub.s32 s10, s12  }
0xf: {  	s9 =	sadd.s32 s9, s8;
	s12 =	sor.u32 $0x1C03, s31;
	s13 =	sshrl.u32 s14, $0x3  }
0x10: {  	s14 =	simm.s32 $0x50;
	s7 =	sadd.s32 s7, s11;
	s8 =	smax.u32 s10, $0x1  }
0x11: {  	s9 =	sadd.s32 s9, s30;
	s10 =	simm.s32 $0x6400;
	s11 =	simm.s32 $0x3  }
.LBB2_1:
0x12: {  	[tilespmem:s10], [sflag:$0x3] =	stream.linear.gather [hbm4b:s7+s3], $0x2710, $0x38;
	[tilespmem:$0x1EBE0] =	vst v63  }
0x13: {  	_ =	swait.ge [sflag:s11], $0x2710  }
0x14: {  	[sflag:s11] =	ssyncset.done $0x0  }
0x15: {  	[sflag:s11] =	ssyncadd.s32 $0xFFFFD8F0  }
0x16: {  	[spmem:s13], [sflag:s12] =	dma.local [hbm:s6], $0x2BF2  }
0x17: {  	_ =	swait.ge [sflag:s11], $0x2BF2  }
0x18: {  	[sflag:s11] =	ssyncset.done $0x0  }
0x19: {  	[sflag:s11] =	ssyncadd.s32 $0xFFFFD40E  }
0x1a: {  	[bflag:$0x0] =	sbarrier.arrive $0xFFFF  }
0x1b: {  	v0 =	vld [tilespmem:$0x6400];
	_ =	sdelay $0x1  }
0x1c: {  	v1 =	vld [tilespmem:$0x6410];
	_ =	sdelay $0x1  }
0x1d: {  	v2 =	vld [tilespmem:$0x6420]  }
0x1e: {  	v3 =	vshra.s32 v0, $0xE  }
0x1f: {  	v54 =	vld [tilespmem:$0x6430];
	v0 =	vand.u32 $0x3FFF, v0;
	[tilespmem:$0x8B10] =	vst v3  }
0x20: {  	v55 =	vshra.s32 v1, $0xE;
	[tilespmem:$0x8BB0] =	vst v0  }
0x21: {  	v57 =	vld [tilespmem:$0x6440];
	v56 =	vand.u32 $0x3FFF, v1;
	[tilespmem:$0x8B20] =	vst v55  }
0x22: {  	v58 =	vshra.s32 v2, $0xE;
	[tilespmem:$0x8BC0] =	vst v56  }
0x23: {  	v59 =	vand.u32 $0x3FFF, v2;
	[tilespmem:$0x8B30] =	vst v58  }
0x24: {  	v60 =	vshra.s32 v54, $0xE;
	[tilespmem:$0x8BD0] =	vst v59  }
0x25: {  	v61 =	vand.u32 $0x3FFF, v54;
	[tilespmem:$0x8B40] =	vst v60  }
0x26: {  	v62 =	vshra.s32 v57, $0xE;
	[tilespmem:$0x8BE0] =	vst v61  }
0x27: {  	v63 =	vand.u32 $0x3FFF, v57;
	[tilespmem:$0x8B50] =	vst v62  }
0x28: {  	[tilespmem:$0x8BF0] =	vst v63  }
0x29: {  	[tilespmem:s3], [sflag:$0x1] =	stream.indirect.gather [hbm4b:s4+s14], $0x90, s15, s14, $0xb8;
	[tilespmem:$0x1EBE0] =	vst v63  }
0x2a: {  	s25 =	simm.s32 $0x0  }
0x2b: {  	[tilespmem:s17], [sflag:$0x1] =	stream.indirect.gather [hbm4b:s5+s14], $0x10, s16, s14, $0xb8;
	[tilespmem:$0x1EBE0] =	vst v63  }
.LBB2_2:
0x2c: {  	s26 =	smul.u32 $0x280, s25;
	_ =	sdelay $0x1  }
0x2d: {  	s26 =	sshra.s32 s26, $0x2  }
0x2e: {  	v0 =	vld [tilespmem:s26+$0x6450];
	_ =	sdelay $0x4  }
0x2f: {  	v1 =	vshra.s32 v0, $0xE  }
0x30: {  	v0 =	vand.u32 $0x3FFF, v0;
	[tilespmem:$0x8B60] =	vst v1  }
0x31: {  	[tilespmem:$0x8C00] =	vst v0  }
0x32: {  	v0 =	vld [tilespmem:s26+$0x6460];
	_ =	sdelay $0x4  }
0x33: {  	v1 =	vshra.s32 v0, $0xE  }
0x34: {  	v0 =	vand.u32 $0x3FFF, v0;
	[tilespmem:$0x8B70] =	vst v1  }
0x35: {  	[tilespmem:$0x8C10] =	vst v0  }
0x36: {  	v0 =	vld [tilespmem:s26+$0x6470];
	_ =	sdelay $0x4  }
0x37: {  	v1 =	vshra.s32 v0, $0xE  }
0x38: {  	v0 =	vand.u32 $0x3FFF, v0;
	[tilespmem:$0x8B80] =	vst v1  }
0x39: {  	[tilespmem:$0x8C20] =	vst v0  }
0x3a: {  	v0 =	vld [tilespmem:s26+$0x6480];
	_ =	sdelay $0x4  }
0x3b: {  	v1 =	vshra.s32 v0, $0xE  }
0x3c: {  	v0 =	vand.u32 $0x3FFF, v0;
	[tilespmem:$0x8B90] =	vst v1  }
0x3d: {  	[tilespmem:$0x8C30] =	vst v0  }
0x3e: {  	v0 =	vld [tilespmem:s26+$0x6490];
	_ =	sdelay $0x4  }
0x3f: {  	v1 =	vshra.s32 v0, $0xE  }
0x40: {  	v0 =	vand.u32 $0x3FFF, v0;
	[tilespmem:$0x8BA0] =	vst v1  }
0x41: {  	[tilespmem:$0x8C40] =	vst v0  }
0x42: {  	[tilespmem:s19], [sflag:$0x2] =	stream.indirect.gather [hbm4b:s4+s14], $0x90, s18, s14, $0xb8;
	[tilespmem:$0x1EBE0] =	vst v63  }
0x43: {  	_ = 	snop  }
0x44: {  	[tilespmem:s21], [sflag:$0x2] =	stream.indirect.gather [hbm4b:s5+s14], $0x10, s20, s14, $0xb8;
	[tilespmem:$0x1EBE0] =	vst v63  }
0x45: {  	_ =	swait.ge [sflag:s22], $0x2D00  }
0x46: {  	[sflag:s22] =	ssyncset.done $0x0  }
0x47: {  	[sflag:s22] =	ssyncadd.s32 $0xFFFFD300  }
0x48: {  	_ =	swait.ge [sflag:s22], $0x500  }
0x49: {  	[sflag:s22] =	ssyncset.done $0x0  }
0x4a: {  	s28 =	simm.s32 $0x90;
	[sflag:s22] =	ssyncadd.s32 $0xFFFFFB00  }
0x4b: {  	s29 =	simm.s32 $0x5A10;
	v0 =	vld [tilespmem:s28+$0xFFFFFFF0]  }
0x4c: {  	v1 =	vld [tilespmem:s29+$0xFFFFFFF0];
	_ =	sdelay $0x4  }
0x4d: {  	v0 =	vadd.f32 v1, v0;
	_ =	sdelay $0x1  }
0x4e: {  	v1 =	vmul.f32 $2.000000030e-01, v0;
	_ =	sdelay $0x1  }
0x4f: {  	v0 =	vmax.f32 v0, v1  }
0x50: {  	v0 =	vmul.f32 $1.442695020e+00, v0;
	_ =	sdelay $0x1  }
0x51: {  	(erf) = vpow2.f32 v0;
	_ =	sdelay $0x4  }
0x52: {  	v3 =	vld [tilespmem:s28+$0xFFFFFF80]  }
0x53: {  	v4 =	vld [tilespmem:s28+$0xFFFFFFE0]  }
0x54: {  	v5 =	vld [tilespmem:s28+$0xFFFFFFD0]  }
0x55: {  	v2 =	vld [tilespmem:s28+$0xFFFFFFC0]  }
0x56: {  	v6 =	vld [tilespmem:s28+$0xFFFFFF70];
	v8 =	vpop (erf)  }
0x57: {  	v7 =	vld [tilespmem:s28+$0xFFFFFFA0];
	v3 =	vmul.f32 v8, v3  }
0x58: {  	v9 =	vld [tilespmem:s28+$0xFFFFFF90];
	v4 =	vmul.f32 v4, v8;
	[tilespmem:s28+$0xFFFFFFF0] =	vst v8  }
0x59: {  	v10 =	vld [tilespmem:s28+$0xFFFFFFB0];
	v5 =	vmul.f32 v5, v8;
	[tilespmem:s28+$0xFFFFFF80] =	vst v3  }
0x5a: {  	v2 =	vmul.f32 v2, v8;
	[tilespmem:s28+$0xFFFFFFE0] =	vst v4  }
0x5b: {  	v3 =	vmul.f32 v8, v6;
	[tilespmem:s28+$0xFFFFFFD0] =	vst v5  }
0x5c: {  	v4 =	vmul.f32 v7, v8;
	[tilespmem:s28+$0xFFFFFFC0] =	vst v2  }
0x5d: {  	v5 =	vmul.f32 v8, v9;
	[tilespmem:s28+$0xFFFFFF70] =	vst v3  }
0x5e: {  	v3 =	vmul.f32 v10, v8;
	[tilespmem:s28+$0xFFFFFFA0] =	vst v4  }
0x5f: {  	[tilespmem:s28+$0xFFFFFF90] =	vst v5  }
0x60: {  	v2 =	vld [tilespmem:s28+$0x80];
	[tilespmem:s28+$0xFFFFFFB0] =	vst v3  }
0x61: {  	v3 =	vld [tilespmem:s29+$0x0];
	_ =	sdelay $0x4  }
0x62: {  	v2 =	vadd.f32 v3, v2;
	_ =	sdelay $0x1  }
0x63: {  	v3 =	vmul.f32 $2.000000030e-01, v2;
	_ =	sdelay $0x1  }
0x64: {  	v2 =	vmax.f32 v2, v3  }
0x65: {  	v3 =	vmul.f32 $1.442695020e+00, v2;
	_ =	sdelay $0x1  }
0x66: {  	(erf) = vpow2.f32 v3  }
0x67: {  	v1 =	vld [tilespmem:s28+$0x10]  }
0x68: {  	v0 =	vld [tilespmem:s28+$0x0]  }
0x69: {  	v2 =	vld [tilespmem:s28+$0x30]  }
0x6a: {  	s30 =	simm.s32 $0x0;
	s31 =	simm.s32 $0x90;
	v3 =	vld [tilespmem:s28+$0x20]  }
.LBB2_3:
0x6b: {  	s30 =	sadd.s32 $0x2, s30;
	v4 =	vld [tilespmem:s28+$0x60];
	s29 =	sadd.s32 $0x20, s29;
	s31 =	sadd.s32 $0x120, s31  }
0x6c: {  	p0 =	slt.u32 s30, $0x4E;
	v5 =	vld [tilespmem:s28+$0x50]  }
0x6d: {  	v6 =	vld [tilespmem:s28+$0x40]  }
0x6e: {  	v7 =	vld [tilespmem:s28+$0x70]  }
0x6f: {  	v8 =	vpop (erf)  }
0x70: {  	v0 =	vmul.f32 v8, v0;
	v1 =	vmul.f32 v8, v1;
	[tilespmem:s28+$0x80] =	vst v8  }
0x71: {  	v3 =	vmul.f32 v8, v3;
	v2 =	vmul.f32 v2, v8  }
0x72: {  	v5 =	vmul.f32 v5, v8;
	[tilespmem:s28+$0x0] =	vst v0;
	v6 =	vmul.f32 v6, v8  }
0x73: {  	v0 =	vld [tilespmem:s31+$0x0];
	[tilespmem:s28+$0x30] =	vst v2;
	v2 =	vmul.f32 v4, v8;
	v4 =	vmul.f32 v7, v8  }
0x74: {  	[tilespmem:s28+$0x20] =	vst v3  }
0x75: {  	[tilespmem:s28+$0x50] =	vst v5  }
0x76: {  	[tilespmem:s28+$0x60] =	vst v2  }
0x77: {  	[tilespmem:s28+$0x10] =	vst v1  }
0x78: {  	v1 =	vld [tilespmem:s31+$0x10];
	[tilespmem:s28+$0x70] =	vst v4  }
0x79: {  	v2 =	vld [tilespmem:s31+$0xFFFFFFF0];
	[tilespmem:s28+$0x40] =	vst v6;
	s28 =	smov.u32 s31  }
0x7a: {  	v3 =	vld [tilespmem:s29+$0xFFFFFFF0];
	_ =	sdelay $0x4  }
0x7b: {  	v2 =	vadd.f32 v3, v2;
	_ =	sdelay $0x1  }
0x7c: {  	v3 =	vmul.f32 $2.000000030e-01, v2;
	_ =	sdelay $0x1  }
0x7d: {  	v2 =	vmax.f32 v2, v3  }
0x7e: {  	v2 =	vmul.f32 $1.442695020e+00, v2;
	_ =	sdelay $0x1  }
0x7f: {  	(erf) = vpow2.f32 v2  }
0x80: {  	v2 =	vld [tilespmem:s31+$0xFFFFFFC0]  }
0x81: {  	v3 =	vld [tilespmem:s31+$0xFFFFFFA0]  }
0x82: {  	v4 =	vld [tilespmem:s31+$0xFFFFFFD0]  }
0x83: {  	v5 =	vld [tilespmem:s31+$0xFFFFFFE0]  }
0x84: {  	v6 =	vld [tilespmem:s31+$0xFFFFFF80]  }
0x85: {  	v7 =	vld [tilespmem:s31+$0xFFFFFF70]  }
0x86: {  	v8 =	vld [tilespmem:s31+$0xFFFFFF90]  }
0x87: {  	v9 =	vld [tilespmem:s31+$0xFFFFFFB0]  }
0x88: {  	v10 =	vpop (erf)  }
0x89: {  	v6 =	vmul.f32 v10, v6;
	v5 =	vmul.f32 v5, v10;
	[tilespmem:s31+$0xFFFFFFF0] =	vst v10  }
0x8a: {  	v4 =	vmul.f32 v4, v10;
	v7 =	vmul.f32 v10, v7  }
0x8b: {  	v3 =	vmul.f32 v3, v10;
	[tilespmem:s31+$0xFFFFFF80] =	vst v6;
	v6 =	vmul.f32 v10, v8  }
0x8c: {  	v2 =	vmul.f32 v2, v10;
	v8 =	vmul.f32 v9, v10;
	[tilespmem:s31+$0xFFFFFFE0] =	vst v5  }
0x8d: {  	[tilespmem:s31+$0xFFFFFFD0] =	vst v4  }
0x8e: {  	[tilespmem:s31+$0xFFFFFF70] =	vst v7  }
0x8f: {  	[tilespmem:s31+$0xFFFFFFA0] =	vst v3  }
0x90: {  	[tilespmem:s31+$0xFFFFFF90] =	vst v6  }
0x91: {  	[tilespmem:s31+$0xFFFFFFB0] =	vst v8  }
0x92: {  	[tilespmem:s31+$0xFFFFFFC0] =	vst v2;
	v2 =	vld [tilespmem:s31+$0x80]  }
0x93: {  	v3 =	vld [tilespmem:s29+$0x0];
	_ =	sdelay $0x4  }
0x94: {  	v2 =	vadd.f32 v3, v2;
	_ =	sdelay $0x1  }
0x95: {  	v3 =	vmul.f32 $2.000000030e-01, v2;
	_ =	sdelay $0x1  }
0x96: {  	v2 =	vmax.f32 v2, v3  }
0x97: {  	v2 =	vmul.f32 $1.442695020e+00, v2;
	_ =	sdelay $0x1  }
.Ltmp0:
0x98: {  	(erf) = vpow2.f32 v2;
	(pc) =	sbr.rel @p0 .LBB2_3-.Ltmp0, $3  }
0x99: {  	_ =	sdelay $0x1  }
0x9a: {  	v2 =	vld [tilespmem:s31+$0x30]  }
0x9b: {  	v3 =	vld [tilespmem:s31+$0x20]  }
0x9c: {  	_ =	sdelay $0x3  }
0x9d: {  	v4 =	vld [tilespmem:s28+$0x50];
	v6 =	vpop (erf)  }
0x9e: {  	v5 =	vld [tilespmem:s28+$0x60];
	v0 =	vmul.f32 v6, v0  }
0x9f: {  	v7 =	vld [tilespmem:s28+$0x70];
	[tilespmem:s28+$0x80] =	vst v6;
	v2 =	vmul.f32 v2, v6  }
0xa0: {  	v8 =	vld [tilespmem:s28+$0x40];
	v3 =	vmul.f32 v6, v3;
	[tilespmem:s28+$0x0] =	vst v0  }
0xa1: {  	v1 =	vmul.f32 v6, v1;
	[tilespmem:s28+$0x30] =	vst v2  }
0xa2: {  	v0 =	vmul.f32 v4, v6;
	[tilespmem:s28+$0x20] =	vst v3  }
0xa3: {  	v2 =	vmul.f32 v5, v6;
	[tilespmem:s28+$0x10] =	vst v1  }
0xa4: {  	[tilespmem:s28+$0x50] =	vst v0;
	v0 =	vmul.f32 v7, v6  }
0xa5: {  	[tilespmem:s28+$0x60] =	vst v2;
	v2 =	vmul.f32 v8, v6  }
0xa6: {  	[tilespmem:s28+$0x70] =	vst v0  }
0xa7: {  	[tilespmem:s28+$0x40] =	vst v2  }
0xa8: {  	[spmem:s1] =	stream.indirect.scatter.add.f32 [tilespmem:s3], [sflag:$0x3], $0x90, s16, s14, $0xb8;
	[tilespmem:$0x1EBE0] =	vst v63  }
0xa9: {  	_ =	swait.ge [sflag:s11], $0x2D00  }
0xaa: {  	[sflag:s11] =	ssyncset.done $0x0  }
0xab: {  	[sflag:s11] =	ssyncadd.s32 $0xFFFFD300  }
0xac: {  	v0 =	vld [tilespmem:s26+$0x64A0];
	_ =	sdelay $0x4  }
0xad: {  	v1 =	vshra.s32 v0, $0xE  }
0xae: {  	v0 =	vand.u32 $0x3FFF, v0;
	[tilespmem:$0x8B10] =	vst v1  }
0xaf: {  	[tilespmem:$0x8BB0] =	vst v0  }
0xb0: {  	v0 =	vld [tilespmem:s26+$0x64B0];
	_ =	sdelay $0x4  }
0xb1: {  	v1 =	vshra.s32 v0, $0xE  }
0xb2: {  	v0 =	vand.u32 $0x3FFF, v0;
	[tilespmem:$0x8B20] =	vst v1  }
0xb3: {  	[tilespmem:$0x8BC0] =	vst v0  }
0xb4: {  	v0 =	vld [tilespmem:s26+$0x64C0];
	_ =	sdelay $0x4  }
0xb5: {  	v1 =	vshra.s32 v0, $0xE  }
0xb6: {  	v0 =	vand.u32 $0x3FFF, v0;
	[tilespmem:$0x8B30] =	vst v1  }
0xb7: {  	[tilespmem:$0x8BD0] =	vst v0  }
0xb8: {  	v0 =	vld [tilespmem:s26+$0x64D0];
	_ =	sdelay $0x4  }
0xb9: {  	v1 =	vshra.s32 v0, $0xE  }
0xba: {  	v0 =	vand.u32 $0x3FFF, v0;
	[tilespmem:$0x8B40] =	vst v1  }
0xbb: {  	[tilespmem:$0x8BE0] =	vst v0  }
0xbc: {  	v0 =	vld [tilespmem:s26+$0x64E0];
	_ =	sdelay $0x4  }
0xbd: {  	v1 =	vshra.s32 v0, $0xE  }
0xbe: {  	v0 =	vand.u32 $0x3FFF, v0;
	[tilespmem:$0x8B50] =	vst v1  }
0xbf: {  	[tilespmem:$0x8BF0] =	vst v0  }
0xc0: {  	[tilespmem:s3], [sflag:$0x1] =	stream.indirect.gather [hbm4b:s4+s14], $0x90, s15, s14, $0xb8;
	[tilespmem:$0x1EBE0] =	vst v63  }
0xc1: {  	_ = 	snop  }
0xc2: {  	[tilespmem:s17], [sflag:$0x1] =	stream.indirect.gather [hbm4b:s5+s14], $0x10, s16, s14, $0xb8;
	[tilespmem:$0x1EBE0] =	vst v63  }
0xc3: {  	_ =	swait.ge [sflag:s23], $0x2D00  }
0xc4: {  	[sflag:s23] =	ssyncset.done $0x0  }
0xc5: {  	[sflag:s23] =	ssyncadd.s32 $0xFFFFD300  }
0xc6: {  	_ =	swait.ge [sflag:s23], $0x500  }
0xc7: {  	[sflag:s23] =	ssyncset.done $0x0  }
0xc8: {  	s26 =	simm.s32 $0x2D90;
	[sflag:s23] =	ssyncadd.s32 $0xFFFFFB00  }
0xc9: {  	s28 =	simm.s32 $0x5F10;
	v0 =	vld [tilespmem:s26+$0xFFFFFFF0]  }
0xca: {  	v1 =	vld [tilespmem:s28+$0xFFFFFFF0];
	_ =	sdelay $0x4  }
0xcb: {  	v0 =	vadd.f32 v1, v0;
	_ =	sdelay $0x1  }
0xcc: {  	v1 =	vmul.f32 $2.000000030e-01, v0;
	_ =	sdelay $0x1  }
0xcd: {  	v0 =	vmax.f32 v0, v1  }
0xce: {  	v0 =	vmul.f32 $1.442695020e+00, v0;
	_ =	sdelay $0x1  }
0xcf: {  	(erf) = vpow2.f32 v0;
	_ =	sdelay $0x4  }
0xd0: {  	v3 =	vld [tilespmem:s26+$0xFFFFFF80]  }
0xd1: {  	v4 =	vld [tilespmem:s26+$0xFFFFFFE0]  }
0xd2: {  	v5 =	vld [tilespmem:s26+$0xFFFFFFD0]  }
0xd3: {  	v2 =	vld [tilespmem:s26+$0xFFFFFFC0]  }
0xd4: {  	v61 =	vld [tilespmem:s26+$0xFFFFFF70];
	v63 =	vpop (erf)  }
0xd5: {  	v62 =	vld [tilespmem:s26+$0xFFFFFFA0];
	v3 =	vmul.f32 v63, v3  }
0xd6: {  	v9 =	vld [tilespmem:s26+$0xFFFFFF90];
	v4 =	vmul.f32 v4, v63;
	[tilespmem:s26+$0xFFFFFFF0] =	vst v63  }
0xd7: {  	v10 =	vld [tilespmem:s26+$0xFFFFFFB0];
	v5 =	vmul.f32 v5, v63;
	[tilespmem:s26+$0xFFFFFF80] =	vst v3  }
0xd8: {  	v2 =	vmul.f32 v2, v63;
	[tilespmem:s26+$0xFFFFFFE0] =	vst v4  }
0xd9: {  	v3 =	vmul.f32 v63, v61;
	[tilespmem:s26+$0xFFFFFFD0] =	vst v5  }
0xda: {  	v4 =	vmul.f32 v62, v63;
	[tilespmem:s26+$0xFFFFFFC0] =	vst v2  }
0xdb: {  	v5 =	vmul.f32 v63, v9;
	[tilespmem:s26+$0xFFFFFF70] =	vst v3  }
0xdc: {  	v3 =	vmul.f32 v10, v63;
	[tilespmem:s26+$0xFFFFFFA0] =	vst v4  }
0xdd: {  	[tilespmem:s26+$0xFFFFFF90] =	vst v5  }
0xde: {  	v2 =	vld [tilespmem:s26+$0x80];
	[tilespmem:s26+$0xFFFFFFB0] =	vst v3  }
0xdf: {  	v3 =	vld [tilespmem:s28+$0x0];
	_ =	sdelay $0x4  }
0xe0: {  	v2 =	vadd.f32 v3, v2;
	_ =	sdelay $0x1  }
0xe1: {  	v3 =	vmul.f32 $2.000000030e-01, v2;
	_ =	sdelay $0x1  }
0xe2: {  	v2 =	vmax.f32 v2, v3  }
0xe3: {  	v3 =	vmul.f32 $1.442695020e+00, v2;
	_ =	sdelay $0x1  }
0xe4: {  	(erf) = vpow2.f32 v3  }
0xe5: {  	v1 =	vld [tilespmem:s26+$0x10]  }
0xe6: {  	v0 =	vld [tilespmem:s26+$0x0]  }
0xe7: {  	v2 =	vld [tilespmem:s26+$0x30]  }
0xe8: {  	s29 =	simm.s32 $0x0;
	s30 =	simm.s32 $0x2D90;
	v3 =	vld [tilespmem:s26+$0x20]  }
.LBB2_5:
0xe9: {  	s29 =	sadd.s32 $0x2, s29;
	v4 =	vld [tilespmem:s26+$0x60];
	s28 =	sadd.s32 $0x20, s28;
	s30 =	sadd.s32 $0x120, s30  }
0xea: {  	p0 =	slt.u32 s29, $0x4E;
	v5 =	vld [tilespmem:s26+$0x50]  }
0xeb: {  	v6 =	vld [tilespmem:s26+$0x40]  }
0xec: {  	v7 =	vld [tilespmem:s26+$0x70]  }
0xed: {  	v8 =	vpop (erf)  }
0xee: {  	v0 =	vmul.f32 v8, v0;
	v1 =	vmul.f32 v8, v1;
	[tilespmem:s26+$0x80] =	vst v8  }
0xef: {  	v3 =	vmul.f32 v8, v3;
	v2 =	vmul.f32 v2, v8  }
0xf0: {  	v5 =	vmul.f32 v5, v8;
	[tilespmem:s26+$0x0] =	vst v0;
	v6 =	vmul.f32 v6, v8  }
0xf1: {  	v0 =	vld [tilespmem:s30+$0x0];
	[tilespmem:s26+$0x30] =	vst v2;
	v2 =	vmul.f32 v4, v8;
	v4 =	vmul.f32 v7, v8  }
0xf2: {  	[tilespmem:s26+$0x20] =	vst v3  }
0xf3: {  	[tilespmem:s26+$0x50] =	vst v5  }
0xf4: {  	[tilespmem:s26+$0x60] =	vst v2  }
0xf5: {  	[tilespmem:s26+$0x10] =	vst v1  }
0xf6: {  	v1 =	vld [tilespmem:s30+$0x10];
	[tilespmem:s26+$0x70] =	vst v4  }
0xf7: {  	v2 =	vld [tilespmem:s30+$0xFFFFFFF0];
	[tilespmem:s26+$0x40] =	vst v6;
	s26 =	smov.u32 s30  }
0xf8: {  	v3 =	vld [tilespmem:s28+$0xFFFFFFF0];
	_ =	sdelay $0x4  }
0xf9: {  	v2 =	vadd.f32 v3, v2;
	_ =	sdelay $0x1  }
0xfa: {  	v3 =	vmul.f32 $2.000000030e-01, v2;
	_ =	sdelay $0x1  }
0xfb: {  	v2 =	vmax.f32 v2, v3  }
0xfc: {  	v2 =	vmul.f32 $1.442695020e+00, v2;
	_ =	sdelay $0x1  }
0xfd: {  	(erf) = vpow2.f32 v2  }
0xfe: {  	v2 =	vld [tilespmem:s30+$0xFFFFFFC0]  }
0xff: {  	v3 =	vld [tilespmem:s30+$0xFFFFFFA0]  }
0x100: {  	v4 =	vld [tilespmem:s30+$0xFFFFFFD0]  }
0x101: {  	v5 =	vld [tilespmem:s30+$0xFFFFFFE0]  }
0x102: {  	v6 =	vld [tilespmem:s30+$0xFFFFFF80]  }
0x103: {  	v7 =	vld [tilespmem:s30+$0xFFFFFF70]  }
0x104: {  	v8 =	vld [tilespmem:s30+$0xFFFFFF90]  }
0x105: {  	v9 =	vld [tilespmem:s30+$0xFFFFFFB0]  }
0x106: {  	v10 =	vpop (erf)  }
0x107: {  	v6 =	vmul.f32 v10, v6;
	v5 =	vmul.f32 v5, v10;
	[tilespmem:s30+$0xFFFFFFF0] =	vst v10  }
0x108: {  	v4 =	vmul.f32 v4, v10;
	v7 =	vmul.f32 v10, v7  }
0x109: {  	v3 =	vmul.f32 v3, v10;
	[tilespmem:s30+$0xFFFFFF80] =	vst v6;
	v6 =	vmul.f32 v10, v8  }
0x10a: {  	v2 =	vmul.f32 v2, v10;
	v8 =	vmul.f32 v9, v10;
	[tilespmem:s30+$0xFFFFFFE0] =	vst v5  }
0x10b: {  	[tilespmem:s30+$0xFFFFFFD0] =	vst v4  }
0x10c: {  	[tilespmem:s30+$0xFFFFFF70] =	vst v7  }
0x10d: {  	[tilespmem:s30+$0xFFFFFFA0] =	vst v3  }
0x10e: {  	[tilespmem:s30+$0xFFFFFF90] =	vst v6  }
0x10f: {  	[tilespmem:s30+$0xFFFFFFB0] =	vst v8  }
0x110: {  	[tilespmem:s30+$0xFFFFFFC0] =	vst v2;
	v2 =	vld [tilespmem:s30+$0x80]  }
0x111: {  	v3 =	vld [tilespmem:s28+$0x0];
	_ =	sdelay $0x4  }
0x112: {  	v2 =	vadd.f32 v3, v2;
	_ =	sdelay $0x1  }
0x113: {  	v3 =	vmul.f32 $2.000000030e-01, v2;
	_ =	sdelay $0x1  }
0x114: {  	v2 =	vmax.f32 v2, v3  }
0x115: {  	v2 =	vmul.f32 $1.442695020e+00, v2;
	_ =	sdelay $0x1  }
.Ltmp1:
0x116: {  	(erf) = vpow2.f32 v2;
	(pc) =	sbr.rel @p0 .LBB2_5-.Ltmp1, $3  }
0x117: {  	_ =	sdelay $0x1  }
0x118: {  	v2 =	vld [tilespmem:s30+$0x30]  }
0x119: {  	v3 =	vld [tilespmem:s30+$0x20]  }
0x11a: {  	_ =	sdelay $0x2  }
0x11b: {  	v4 =	vld [tilespmem:s26+$0x50]  }
0x11c: {  	v5 =	vld [tilespmem:s26+$0x60];
	v6 =	vpop (erf)  }
0x11d: {  	v0 =	vmul.f32 v6, v0  }
0x11e: {  	v7 =	vld [tilespmem:s26+$0x70];
	[tilespmem:s26+$0x80] =	vst v6;
	v2 =	vmul.f32 v2, v6  }
0x11f: {  	v8 =	vld [tilespmem:s26+$0x40];
	v3 =	vmul.f32 v6, v3;
	[tilespmem:s26+$0x0] =	vst v0  }
0x120: {  	v60 =	vmul.f32 v4, v6;
	[tilespmem:s26+$0x30] =	vst v2  }
0x121: {  	v61 =	vmul.f32 v5, v6;
	[tilespmem:s26+$0x20] =	vst v3  }
0x122: {  	v1 =	vmul.f32 v6, v1;
	[tilespmem:s26+$0x50] =	vst v60  }
0x123: {  	v62 =	vmul.f32 v7, v6;
	[tilespmem:s26+$0x60] =	vst v61  }
0x124: {  	s25 =	sadd.s32 $0x1, s25;
	v63 =	vmul.f32 v8, v6;
	[tilespmem:s26+$0x10] =	vst v1  }
0x125: {  	p0 =	sne.s32 s25, $0x3E;
	[tilespmem:s26+$0x70] =	vst v62  }
.Ltmp2:
0x126: {  	[tilespmem:s26+$0x40] =	vst v63;
	(pc) =	sbr.rel @p0 .LBB2_2-.Ltmp2, $4  }
0x127: {  	[spmem:s1] =	stream.indirect.scatter.add.f32 [tilespmem:s19], [sflag:$0x3], $0x90, s20, s14, $0xb8;
	[tilespmem:$0x1EBE0] =	vst v63  }
0x128: {  	_ =	swait.ge [sflag:s11], $0x2D00  }
0x129: {  	[sflag:s11] =	ssyncset.done $0x0  }
0x12a: {  	[sflag:s11] =	ssyncadd.s32 $0xFFFFD300  }
0x12b: {  	_ =	swait.ge [sflag:s22], $0x2D00  }
0x12c: {  	[sflag:s22] =	ssyncset.done $0x0  }
0x12d: {  	[sflag:s22] =	ssyncadd.s32 $0xFFFFD300  }
0x12e: {  	_ =	swait.ge [sflag:s22], $0x500  }
0x12f: {  	[sflag:s22] =	ssyncset.done $0x0  }
0x130: {  	s25 =	simm.s32 $0x90;
	[sflag:s22] =	ssyncadd.s32 $0xFFFFFB00  }
0x131: {  	s26 =	simm.s32 $0x5A10;
	v0 =	vld [tilespmem:s25+$0xFFFFFFF0]  }
0x132: {  	v1 =	vld [tilespmem:s26+$0xFFFFFFF0];
	_ =	sdelay $0x4  }
0x133: {  	v0 =	vadd.f32 v1, v0;
	_ =	sdelay $0x1  }
0x134: {  	v1 =	vmul.f32 $2.000000030e-01, v0;
	_ =	sdelay $0x1  }
0x135: {  	v0 =	vmax.f32 v0, v1  }
0x136: {  	v0 =	vmul.f32 $1.442695020e+00, v0;
	_ =	sdelay $0x1  }
0x137: {  	(erf) = vpow2.f32 v0;
	_ =	sdelay $0x4  }
0x138: {  	v3 =	vld [tilespmem:s25+$0xFFFFFF80]  }
0x139: {  	v4 =	vld [tilespmem:s25+$0xFFFFFFE0]  }
0x13a: {  	v5 =	vld [tilespmem:s25+$0xFFFFFFD0]  }
0x13b: {  	v2 =	vld [tilespmem:s25+$0xFFFFFFC0]  }
0x13c: {  	v6 =	vld [tilespmem:s25+$0xFFFFFF70];
	v8 =	vpop (erf)  }
0x13d: {  	v7 =	vld [tilespmem:s25+$0xFFFFFFA0];
	v3 =	vmul.f32 v8, v3  }
0x13e: {  	v9 =	vld [tilespmem:s25+$0xFFFFFF90];
	v4 =	vmul.f32 v4, v8;
	[tilespmem:s25+$0xFFFFFFF0] =	vst v8  }
0x13f: {  	v10 =	vld [tilespmem:s25+$0xFFFFFFB0];
	v5 =	vmul.f32 v5, v8;
	[tilespmem:s25+$0xFFFFFF80] =	vst v3  }
0x140: {  	v2 =	vmul.f32 v2, v8;
	[tilespmem:s25+$0xFFFFFFE0] =	vst v4  }
0x141: {  	v3 =	vmul.f32 v8, v6;
	[tilespmem:s25+$0xFFFFFFD0] =	vst v5  }
0x142: {  	v4 =	vmul.f32 v7, v8;
	[tilespmem:s25+$0xFFFFFFC0] =	vst v2  }
0x143: {  	v5 =	vmul.f32 v8, v9;
	[tilespmem:s25+$0xFFFFFF70] =	vst v3  }
0x144: {  	v3 =	vmul.f32 v10, v8;
	[tilespmem:s25+$0xFFFFFFA0] =	vst v4  }
0x145: {  	[tilespmem:s25+$0xFFFFFF90] =	vst v5  }
0x146: {  	v2 =	vld [tilespmem:s25+$0x80];
	[tilespmem:s25+$0xFFFFFFB0] =	vst v3  }
0x147: {  	v3 =	vld [tilespmem:s26+$0x0];
	_ =	sdelay $0x4  }
0x148: {  	v2 =	vadd.f32 v3, v2;
	_ =	sdelay $0x1  }
0x149: {  	v3 =	vmul.f32 $2.000000030e-01, v2;
	_ =	sdelay $0x1  }
0x14a: {  	v2 =	vmax.f32 v2, v3  }
0x14b: {  	v3 =	vmul.f32 $1.442695020e+00, v2;
	_ =	sdelay $0x1  }
0x14c: {  	(erf) = vpow2.f32 v3  }
0x14d: {  	v1 =	vld [tilespmem:s25+$0x10]  }
0x14e: {  	v0 =	vld [tilespmem:s25+$0x0]  }
0x14f: {  	v2 =	vld [tilespmem:s25+$0x30]  }
0x150: {  	s28 =	simm.s32 $0x0;
	s29 =	simm.s32 $0x90;
	v3 =	vld [tilespmem:s25+$0x20]  }
.LBB2_8:
0x151: {  	s28 =	sadd.s32 $0x2, s28;
	v4 =	vld [tilespmem:s25+$0x60];
	s26 =	sadd.s32 $0x20, s26;
	s29 =	sadd.s32 $0x120, s29  }
0x152: {  	p0 =	slt.u32 s28, $0x4E;
	v5 =	vld [tilespmem:s25+$0x50]  }
0x153: {  	v6 =	vld [tilespmem:s25+$0x40]  }
0x154: {  	v7 =	vld [tilespmem:s25+$0x70]  }
0x155: {  	v8 =	vpop (erf)  }
0x156: {  	v0 =	vmul.f32 v8, v0;
	v1 =	vmul.f32 v8, v1;
	[tilespmem:s25+$0x80] =	vst v8  }
0x157: {  	v3 =	vmul.f32 v8, v3;
	v2 =	vmul.f32 v2, v8  }
0x158: {  	v5 =	vmul.f32 v5, v8;
	[tilespmem:s25+$0x0] =	vst v0;
	v6 =	vmul.f32 v6, v8  }
0x159: {  	v0 =	vld [tilespmem:s29+$0x0];
	[tilespmem:s25+$0x30] =	vst v2;
	v2 =	vmul.f32 v4, v8;
	v4 =	vmul.f32 v7, v8  }
0x15a: {  	[tilespmem:s25+$0x20] =	vst v3  }
0x15b: {  	[tilespmem:s25+$0x50] =	vst v5  }
0x15c: {  	[tilespmem:s25+$0x60] =	vst v2  }
0x15d: {  	[tilespmem:s25+$0x10] =	vst v1  }
0x15e: {  	v1 =	vld [tilespmem:s29+$0x10];
	[tilespmem:s25+$0x70] =	vst v4  }
0x15f: {  	v2 =	vld [tilespmem:s29+$0xFFFFFFF0];
	[tilespmem:s25+$0x40] =	vst v6;
	s25 =	smov.u32 s29  }
0x160: {  	v3 =	vld [tilespmem:s26+$0xFFFFFFF0];
	_ =	sdelay $0x4  }
0x161: {  	v2 =	vadd.f32 v3, v2;
	_ =	sdelay $0x1  }
0x162: {  	v3 =	vmul.f32 $2.000000030e-01, v2;
	_ =	sdelay $0x1  }
0x163: {  	v2 =	vmax.f32 v2, v3  }
0x164: {  	v2 =	vmul.f32 $1.442695020e+00, v2;
	_ =	sdelay $0x1  }
0x165: {  	(erf) = vpow2.f32 v2  }
0x166: {  	v2 =	vld [tilespmem:s29+$0xFFFFFFC0]  }
0x167: {  	v3 =	vld [tilespmem:s29+$0xFFFFFFA0]  }
0x168: {  	v4 =	vld [tilespmem:s29+$0xFFFFFFD0]  }
0x169: {  	v5 =	vld [tilespmem:s29+$0xFFFFFFE0]  }
0x16a: {  	v6 =	vld [tilespmem:s29+$0xFFFFFF80]  }
0x16b: {  	v7 =	vld [tilespmem:s29+$0xFFFFFF70]  }
0x16c: {  	v8 =	vld [tilespmem:s29+$0xFFFFFF90]  }
0x16d: {  	v9 =	vld [tilespmem:s29+$0xFFFFFFB0]  }
0x16e: {  	v10 =	vpop (erf)  }
0x16f: {  	v6 =	vmul.f32 v10, v6;
	v5 =	vmul.f32 v5, v10;
	[tilespmem:s29+$0xFFFFFFF0] =	vst v10  }
0x170: {  	v4 =	vmul.f32 v4, v10;
	v7 =	vmul.f32 v10, v7  }
0x171: {  	v3 =	vmul.f32 v3, v10;
	[tilespmem:s29+$0xFFFFFF80] =	vst v6;
	v6 =	vmul.f32 v10, v8  }
0x172: {  	v2 =	vmul.f32 v2, v10;
	v8 =	vmul.f32 v9, v10;
	[tilespmem:s29+$0xFFFFFFE0] =	vst v5  }
0x173: {  	[tilespmem:s29+$0xFFFFFFD0] =	vst v4  }
0x174: {  	[tilespmem:s29+$0xFFFFFF70] =	vst v7  }
0x175: {  	[tilespmem:s29+$0xFFFFFFA0] =	vst v3  }
0x176: {  	[tilespmem:s29+$0xFFFFFF90] =	vst v6  }
0x177: {  	[tilespmem:s29+$0xFFFFFFB0] =	vst v8  }
0x178: {  	[tilespmem:s29+$0xFFFFFFC0] =	vst v2;
	v2 =	vld [tilespmem:s29+$0x80]  }
0x179: {  	v3 =	vld [tilespmem:s26+$0x0];
	_ =	sdelay $0x4  }
0x17a: {  	v2 =	vadd.f32 v3, v2;
	_ =	sdelay $0x1  }
0x17b: {  	v3 =	vmul.f32 $2.000000030e-01, v2;
	_ =	sdelay $0x1  }
0x17c: {  	v2 =	vmax.f32 v2, v3  }
0x17d: {  	v2 =	vmul.f32 $1.442695020e+00, v2;
	_ =	sdelay $0x1  }
.Ltmp3:
0x17e: {  	(erf) = vpow2.f32 v2;
	(pc) =	sbr.rel @p0 .LBB2_8-.Ltmp3, $3  }
0x17f: {  	_ =	sdelay $0x1  }
0x180: {  	v2 =	vld [tilespmem:s29+$0x30]  }
0x181: {  	v3 =	vld [tilespmem:s29+$0x20]  }
0x182: {  	_ =	sdelay $0x2  }
0x183: {  	v4 =	vld [tilespmem:s25+$0x50]  }
0x184: {  	v5 =	vld [tilespmem:s25+$0x60];
	v6 =	vpop (erf)  }
0x185: {  	v0 =	vmul.f32 v6, v0  }
0x186: {  	v7 =	vld [tilespmem:s25+$0x70];
	[tilespmem:s25+$0x80] =	vst v6;
	v2 =	vmul.f32 v2, v6  }
0x187: {  	v8 =	vld [tilespmem:s25+$0x40];
	v3 =	vmul.f32 v6, v3;
	[tilespmem:s25+$0x0] =	vst v0  }
0x188: {  	v60 =	vmul.f32 v4, v6;
	[tilespmem:s25+$0x30] =	vst v2  }
0x189: {  	v61 =	vmul.f32 v5, v6;
	[tilespmem:s25+$0x20] =	vst v3  }
0x18a: {  	v1 =	vmul.f32 v6, v1;
	[tilespmem:s25+$0x50] =	vst v60  }
0x18b: {  	v62 =	vmul.f32 v7, v6;
	[tilespmem:s25+$0x60] =	vst v61  }
0x18c: {  	v63 =	vmul.f32 v8, v6;
	[tilespmem:s25+$0x10] =	vst v1  }
0x18d: {  	[tilespmem:s25+$0x70] =	vst v62  }
0x18e: {  	[tilespmem:s25+$0x40] =	vst v63  }
0x18f: {  	[spmem:s1] =	stream.indirect.scatter.add.f32 [tilespmem:s3], [sflag:$0x3], $0x90, s16, s14, $0xb8;
	[tilespmem:$0x1EBE0] =	vst v63  }
0x190: {  	_ =	swait.ge [sflag:s11], $0x2D00  }
0x191: {  	s24 =	sadd.s32 $0x1, s24;
	[sflag:s11] =	ssyncset.done $0x0  }
0x192: {  	p0 =	sne.s32 s24, s8;
	[sflag:s11] =	ssyncadd.s32 $0xFFFFD300  }
.Ltmp4:
0x193: {  	[bflag:$0x0] =	sbarrier.arrive $0xFFFF;
	(pc) =	sbr.rel @p0 .LBB2_1-.Ltmp4, $4  }
0x194: {  	[hbm:s9], [sflag:s12] =	dma.local [spmem:s13], $0x2BF2  }
0x195: {  	_ =	swait.ge [sflag:s11], $0x2BF2  }
0x196: {  	[sflag:s11] =	ssyncset.done $0x0  }
0x197: {  	[sflag:s11] =	ssyncadd.s32 $0xFFFFD40E  }
0x198: {  	_ =	sfence.sel $0x180000  }
0x199: {  	[bflag:$0x0] =	sbarrier.arrive $0xFFFF  }
0x19a: {  	p0 =	sne.s32 s2, $0x0;
	_ =	strace $0x9000004A  }
0x19b: {  	s0 =	sadd.s32 @!p0 $0x100000, s0;
	[bflag:$0x2] =	sbarrier.arrive $0xFFFF  }
0x19c: {  	[sflag:s0] =	ssyncadd.tile.s32 @!p0 $0x1;
	_ =	shalt  }
.Lfunc_end2:
_tile_overlayer_lowered:
.L_overlay_start_2:
0x19d: {  	(tag) =	ssettag $0x2  }
0x19e: {  	s0 =	rddreg [dreg:$0x0];
	s2 =	stileid.u32  }
0x19f: {  	s1 =	rddreg [dreg:$0x1];
	p0 =	sne.s32 s2, $0x0  }
0x1a0: {  	s3 =	rddreg [dreg:$0x2];
	[bflag:$0x3] =	sbarrier.arrive $0xFFFF;
	s2 =	simm.s32 @!p0 $0x1C03  }
0x1a1: {  	[timem:s3], [sflag:s2] =	dma.local @!p0 [hbm:s0], s1  }
0x1a2: {  	s0 =	simm.s32 @!p0 $0x3  }
0x1a3: {  	_ =	swait.ge @!p0 [sflag:s0], s1  }
0x1a4: {  	s1 =	ssub.s32 @!p0 $0x0, s1;
	[sflag:s0] =	ssyncset.done @!p0 $0x0  }
0x1a5: {  	[sflag:s0] =	ssyncadd.s32 @!p0 s1  }
0x1a6: {  	[bflag:$0x3] =	sbarrier.arrive $0xFFFF  }
0x1a7: {  	_ =	shalt  }

// kernel: kernel.7.cloned.1.call-start
scs
__scs_entry_jumppad:
0x0: {  	(pc) =	sbr.rel $0x88, $3  }
0x1: {  	(tag) =	ssettag $0x0;
	lr =	simm.s32 $0x1  }
0x2: {  	[smem:$0x3F97] =	sst lr;
	_ =	strace $0xD0000000  }
0x3: {  	_ = 	snop  }
0x4: {  	_ = 	snop  }
0x5: {  	_ = 	snop  }
0x6: {  	_ = 	snop  }
0x7: {  	_ = 	snop  }
__scs_overlays_trampoline_lowered:
0x8: {  	[smem:$0x3FA6] =	sst s0  }
0x9: {  	[smem:$0x3FA7] =	sst s1  }
0xa: {  	[smem:$0x3FA8] =	sst s2  }
0xb: {  	[smem:$0x3FA9] =	sst s3  }
0xc: {  	[smem:$0x3FAA] =	sst s4  }
0xd: {  	[smem:$0x3FAB] =	sst s5  }
0xe: {  	[smem:$0x3FAC] =	sst s6  }
0xf: {  	[smem:$0x3FAD] =	sst s7  }
0x10: {  	[smem:$0x3FAE] =	sst s8  }
0x11: {  	[smem:$0x3FAF] =	sst s9;
	s0 =	simm.s32 @!p0 $0x0  }
0x12: {  	s1 =	sld [smem:$0x3F95];
	s0 =	simm.s32 @p0 $0x1  }
0x13: {  	[smem:$0x3FB0] =	sst s0;
	s0 =	simm.s32 @!p1 $0x0  }
0x14: {  	s2 =	sld [smem:$0x3F94];
	s0 =	simm.s32 @p1 $0x1  }
0x15: {  	[smem:$0x3FB1] =	sst s0;
	s0 =	simm.s32 @!p2 $0x0  }
0x16: {  	s3 =	sld [smem:$0x3FDB];
	s0 =	simm.s32 @p2 $0x1  }
0x17: {  	s4 =	simm.s32 $0x1BF5;
	[smem:$0x3FB3] =	sst s0  }
0x18: {  	s0 =	sld [smem:$0x3F96];
	_ =	swait.ge [sflag:s4], $0x0  }
0x19: {  	s7 =	sld [smem:$0x3F97]  }
0x1a: {  	s8 =	sadd.s32 $0xFFFFE003, lr  }
0x1b: {  	s9 =	sadd.s32 $0xFFFFFEF7, lr;
	s5 =	simm.s32 $0xFFFFFFFF;
	p2 =	slt.u32 s8, $0xFFFFF086  }
0x1c: {  	p1 =	slt.u32 s9, $0xF7A;
	s5 =	simm.s32 @!p2 $0x0  }
0x1d: {  	s5 =	simm.s32 @p1 $0x1;
	p0 =	seq.s32 s7, s2  }
0x1e: {  	s7 =	smul.u32 @!p0 $0xF7A, s2;
	p2 =	seq.s32 @!p0 s5, $0x0  }
0x1f: {  	s9 =	smul.u32 $0xF7A, s1;
	s8 =	simm.s32 @!p0 $0x1BF5;
	p2 =	por !p2, p0  }
0x20: {  	[sflag:s8] =	ssyncset.s32 @!p0 $0xFFFFF086;
	s6 =	sadd.s32 @!p0 s3, s7;
	s7 =	simm.s32 @!p0 $0x108  }
0x21: {  	s3 =	sadd.s32 s3, s9;
	s6 =	sadd.s32 @!p0 $0x88, s6;
	s7 =	simm.s32 @p2 $0x1082  }
0x22: {  	[simem:s7], [sflag:s8] =	dma.local @!p0 [hbm:s6], $0xF7A  }
0x23: {  	s9 =	sor.u32 $0xD0000000, s2;
	s6 =	simm.s32 $0x108;
	_ =	swait.ge @!p0 [sflag:s8], $0x0  }
0x24: {  	s3 =	sadd.s32 $0x88, s3;
	s6 =	simm.s32 @!p1 $0x1082;
	[sflag:s4] =	ssyncset.s32 $0xFFFFF086  }
0x25: {  	[simem:s6], [sflag:s4] =	dma.local [hbm:s3], $0xF7A  }
0x26: {  	[smem:$0x3F97] =	sst s1;
	(tag) =	ssettag s2;
	_ =	strace s9  }
0x27: {  	s1 =	sld [smem:$0x3FA7]  }
0x28: {  	s2 =	sld [smem:$0x3FA8]  }
0x29: {  	s4 =	sld [smem:$0x3FAA]  }
0x2a: {  	p0 =	seq.s32 s5, $0x0;
	s5 =	sld [smem:$0x3FAB]  }
0x2b: {  	s6 =	sld [smem:$0x3FAC]  }
0x2c: {  	s7 =	sld [smem:$0x3FAD]  }
0x2d: {  	s3 =	simm.s32 $0x108;
	s8 =	sld [smem:$0x3FAE]  }
0x2e: {  	s3 =	simm.s32 @!p0 $0x1082;
	s9 =	sld [smem:$0x3FAF]  }
0x2f: {  	lr =	sadd.s32 s0, s3;
	s0 =	sld [smem:$0x3FA6]  }
0x30: {  	s3 =	sld [smem:$0x3FA9]  }
0x31: {  	[smem:$0x3FB2] =	sst s10  }
0x32: {  	s10 =	sld [smem:$0x3FB0];
	_ =	sdelay $0x3  }
0x33: {  	p0 =	seq.s32 s10, $0x1;
	s10 =	sld [smem:$0x3FB2];
	_ =	sdelay $0x3  }
0x34: {  	[smem:$0x3FB2] =	sst s10  }
0x35: {  	s10 =	sld [smem:$0x3FB1];
	_ =	sdelay $0x3  }
0x36: {  	p1 =	seq.s32 s10, $0x1;
	s10 =	sld [smem:$0x3FB2];
	_ =	sdelay $0x3  }
0x37: {  	[smem:$0x3FB2] =	sst s10  }
0x38: {  	s10 =	sld [smem:$0x3FB3]  }
0x39: {  	_ = 	snop;
	(pc) =	sbr.ind lr, $3  }
0x3a: {  	_ = 	snop  }
0x3b: {  	_ = 	snop  }
0x3c: {  	p2 =	seq.s32 s10, $0x1;
	s10 =	sld [smem:$0x3FB2]  }
0x3d: {  	_ =	shalt  }
0x3e: {  	_ =	shalt  }
0x3f: {  	_ =	shalt  }
0x40: {  	_ =	shalt  }
0x41: {  	_ =	shalt  }
0x42: {  	_ =	shalt  }
0x43: {  	_ =	shalt  }
0x44: {  	_ =	shalt  }
0x45: {  	_ =	shalt  }
0x46: {  	_ =	shalt  }
0x47: {  	_ =	shalt  }
0x48: {  	_ =	shalt  }
0x49: {  	_ =	shalt  }
0x4a: {  	_ =	shalt  }
0x4b: {  	_ =	shalt  }
0x4c: {  	_ =	shalt  }
0x4d: {  	_ =	shalt  }
0x4e: {  	_ =	shalt  }
0x4f: {  	_ =	shalt  }
0x50: {  	_ =	shalt  }
0x51: {  	_ =	shalt  }
0x52: {  	_ =	shalt  }
0x53: {  	_ =	shalt  }
0x54: {  	_ =	shalt  }
0x55: {  	_ =	shalt  }
0x56: {  	_ =	shalt  }
0x57: {  	_ =	shalt  }
0x58: {  	_ =	shalt  }
0x59: {  	_ =	shalt  }
0x5a: {  	_ =	shalt  }
0x5b: {  	_ =	shalt  }
0x5c: {  	_ =	shalt  }
0x5d: {  	_ =	shalt  }
0x5e: {  	_ =	shalt  }
0x5f: {  	_ =	shalt  }
0x60: {  	_ =	shalt  }
0x61: {  	_ =	shalt  }
0x62: {  	_ =	shalt  }
0x63: {  	_ =	shalt  }
0x64: {  	_ =	shalt  }
0x65: {  	_ =	shalt  }
0x66: {  	_ =	shalt  }
0x67: {  	_ =	shalt  }
0x68: {  	_ =	shalt  }
0x69: {  	_ =	shalt  }
0x6a: {  	_ =	shalt  }
0x6b: {  	_ =	shalt  }
0x6c: {  	_ =	shalt  }
0x6d: {  	_ =	shalt  }
0x6e: {  	_ =	shalt  }
0x6f: {  	_ =	shalt  }
0x70: {  	_ =	shalt  }
0x71: {  	_ =	shalt  }
0x72: {  	_ =	shalt  }
0x73: {  	_ =	shalt  }
0x74: {  	_ =	shalt  }
0x75: {  	_ =	shalt  }
0x76: {  	_ =	shalt  }
0x77: {  	_ =	shalt  }
0x78: {  	_ =	shalt  }
0x79: {  	_ =	shalt  }
0x7a: {  	_ =	shalt  }
0x7b: {  	_ =	shalt  }
0x7c: {  	_ =	shalt  }
0x7d: {  	_ =	shalt  }
0x7e: {  	_ =	shalt  }
0x7f: {  	_ =	shalt  }
0x80: {  	_ =	shalt  }
0x81: {  	_ =	shalt  }
0x82: {  	_ =	shalt  }
0x83: {  	_ =	shalt  }
0x84: {  	_ =	shalt  }
0x85: {  	_ =	shalt  }
0x86: {  	_ =	shalt  }
0x87: {  	_ =	shalt  }
.Lfunc_end0:
.L_simem_size_0:
called_computation_lowered:
.L_overlay_start_0:
0x88: {  	s2 =	sld [smem:$0x3FD9]  }
0x89: {  	s3 =	sld [smem:$0x3FFE];
	_ =	sdelay $0x1  }
0x8a: {  	s1 =	srdreg.scid  }
0x8b: {  	s0 =	sand.u32 $0x1, s1  }
0x8c: {  	s17 =	sshll.u32 s0, $0xA;
	s2 =	sadd.s32 s3, s2  }
0x8d: {  	s2 =	sadd.s32 s2, s17  }
0x8e: {  	[smem:$0x3FBE] =	sst s2  }
0x8f: {  	_ = 	snop  }
0x90: {  	s2 =	sld [smem:$0x3FD0];
	(tm) =	ssettm $0x1  }
0x91: {  	s18 =	sld [smem:$0x3FFB];
	_ =	sdelay $0x3  }
0x92: {  	_ =	strace s18  }
0x93: {  	s3 =	sld [smem:$0x3FFC];
	_ =	sdelay $0x3  }
0x94: {  	_ =	strace s3  }
0x95: {  	s3 =	sld [smem:$0x3FFD];
	_ =	sdelay $0x3  }
0x96: {  	_ =	strace s3  }
0x97: {  	_ =	strace $0x8FFFFFFF  }
0x98: {  	s19 =	sld [smem:$0x3FDB];
	_ =	sdelay $0x1  }
0x99: {  	s4 =	simm.s32 $_scs_section_size  }
0x9a: {  	s5 =	simm.s32 $_size__tile_overlayer_lowered;
	s6 =	simm.s32 $_tile_overlayer_lowered  }
0x9b: {  	s22 =	simm.s32 $0x1BFF;
	s21 =	sshll.u32 s6, $0x1;
	s3 =	sadd.s32 s4, s19  }
0x9c: {  	s7 =	simm.s32 $0x0;
	s20 =	sshll.u32 s5, $0x1;
	s5 =	sadd.s32 s21, s3  }
0x9d: {  	[timem:s7], [sflag:s22] =	dma.local [hbm:s5], s20  }
0x9e: {  	_ =	swait.ge [sflag:s22], s20  }
0x9f: {  	s4 =	ssub.s32 $0x0, s20;
	[sflag:s22] =	ssyncset.done $0x0  }
0xa0: {  	[sflag:s22] =	ssyncadd.s32 s4;
	_ =	sdelay $0x1  }
0xa1: {  	s23 =	simm.s32 $0x1B8B  }
0xa2: {  	_ =	swait.ge [sflag:s23], $0x1  }
0xa3: {  	[sflag:s23] =	ssyncset.done $0x0  }
0xa4: {  	s25 =	simm.s32 $0x1B8E;
	s24 =	sld [smem:$0x3FFE];
	[sflag:s23] =	ssyncadd.s32 $0xFFFFFFFF  }
0xa5: {  	s26 =	simm.s32 $execute0_lowered;
	[smem:$0x3FD2] =	sst s25  }
0xa6: {  	s5 =	sshll.u32 s26, $0x1;
	_ =	strace $0x80000046;
	[dreg:$0x1] =	wrdreg $0xFFFFFFFF  }
0xa7: {  	s28 =	simm.s32 $_size_execute0_lowered;
	s3 =	sadd.s32 s3, s5;
	[dreg:$0x0] =	wrdreg $0x0  }
0xa8: {  	s5 =	sshll.u32 s28, $0x1;
	[dreg:$0x2] =	wrdreg s3  }
0xa9: {  	[dreg:$0x3] =	wrdreg s5  }
0xaa: {  	[dreg:$0x4] =	wrdreg $0xC0  }
0xab: {  	_ =	task [dreg:s7], $0x5FFFF  }
0xac: {  	[dreg:$0x1] =	wrdreg $0xFFFFFFFF  }
0xad: {  	[dreg:$0x0] =	wrdreg $0x60  }
0xae: {  	[dreg:$0x2] =	wrdreg s24  }
0xaf: {  	[dreg:$0x3] =	wrdreg s2  }
0xb0: {  	[dreg:$0x4] =	wrdreg $0x8C500  }
0xb1: {  	[dreg:$0x5] =	wrdreg $0x9  }
0xb2: {  	_ =	task.clear_ibuf [dreg:s7], $0x6FFFF;
	_ =	strace $0x90000046  }
0xb3: {  	s29 =	simm.s32 $0x9;
	_ =	strace $0x80000048  }
0xb4: {  	_ =	swait.ge [sflag:s29], $0x1  }
0xb5: {  	[sflag:s29] =	ssyncadd.s32 $0xFFFFFFFF  }
0xb6: {  	_ =	strace $0x90000048  }
0xb7: {  	_ =	sfence  }
0xb8: {  	s30 =	sld [smem:$0x0];
	_ =	sdelay $0x2  }
0xb9: {  	s31 =	sshll.u32 s1, $0xD;
	s1 =	sshrl.u32 s1, $0x2  }
0xba: {  	s3 =	sand.u32 $0x4000, s31;
	s1 =	sadd.s32 s1, s30  }
0xbb: {  	s0 =	sor.u32 s3, s0;
	s1 =	sshll.u32 s1, $0x11  }
0xbc: {  	s0 =	sor.u32 s1, s0  }
0xbd: {  	s0 =	sadd.s32 $0x8F2B, s0  }
0xbe: {  	[sflag:s0] =	ssyncadd.remote.s32 $0x1  }
0xbf: {  	_ =	sfence.sel $0xFFFF  }
0xc0: {  	[dreg:$0x0] =	wrdreg $0xFFFFFFFF;
	(pc) =	sbr.abs _section_cstart, $3  }
0xc1: {  	[dreg:$0x1] =	wrdreg $0xFFFFFFFF  }
0xc2: {  	_ =	task.clear_ibuf [dreg:s7], $0x2FFFF;
	_ =	strace $0x9FFFFFFF  }
0xc3: {  	(tm) =	ssettm $0x7FFFFFFF  }
tec
execute0_lowered:
.L_overlay_start_1:
0x0: {  	(tag) =	ssettag $0x1  }
0x1: {  	s8 =	rddreg [dreg:$0x0]  }
0x2: {  	s7 =	rddreg [dreg:$0x1]  }
0x3: {  	s1 =	rddreg [dreg:$0x2]  }
0x4: {  	s0 =	rddreg [dreg:$0x3];
	s3 =	simm.s32 $0x0;
	s5 =	srdreg.scid  }
0x5: {  	s2 =	stileid.u32;
	s15 =	simm.s32 $0x8B10;
	s16 =	simm.s32 $0x8BB0  }
0x6: {  	s17 =	simm.s32 $0x5A00;
	s18 =	simm.s32 $0x8B60;
	s19 =	simm.s32 $0x2D00  }
0x7: {  	s20 =	simm.s32 $0x8C00;
	s21 =	simm.s32 $0x5F00;
	s22 =	simm.s32 $0x1  }
0x8: {  	s23 =	simm.s32 $0x2;
	s24 =	simm.s32 $0x0;
	[smem:$0x7FF] =	sst s3  }
0x9: {  	s4 =	sadd.s32 $0x2C00, s8;
	s9 =	sand.u32 $0x1, s5;
	s6 =	sshll.u32 s2, $0x1  }
0xa: {  	s5 =	sadd.s32 $0x2EC00, s8;
	s13 =	smul.u32 $0x15F90, s2;
	s31 =	sshll.u32 s2, $0x6  }
0xb: {  	_ =	strace $0x80000047;
	s10 =	ssub.s32 $0x2, s9;
	s11 =	sor.u32 s9, s6  }
0xc: {  	s6 =	sadd.s32 $0x33C00, s8;
	p0 =	seq.s32 s9, $0x1;
	s9 =	simm.s32 $0x36800  }
0xd: {  	s12 =	sshrl.u32 s10, $0x1;
	s11 =	smul.u32 $0x4E2, s11;
	s9 =	simm.s32 @!p0 $0x62800  }
0xe: {  	s14 =	sadd.s32 s13, s1;
	s30 =	sshrl.u32 s13, $0x3;
	s10 =	ssub.s32 s10, s12  }
0xf: {  	s9 =	sadd.s32 s9, s8;
	s12 =	sor.u32 $0x1C03, s31;
	s13 =	sshrl.u32 s14, $0x3  }
0x10: {  	s14 =	simm.s32 $0x50;
	s7 =	sadd.s32 s7, s11;
	s8 =	smax.u32 s10, $0x1  }
0x11: {  	s9 =	sadd.s32 s9, s30;
	s10 =	simm.s32 $0x6400;
	s11 =	simm.s32 $0x3  }
.LBB2_1:
0x12: {  	[tilespmem:s10], [sflag:$0x3] =	stream.linear.gather [hbm4b:s7+s3], $0x2710, $0x38;
	[tilespmem:$0x1EBE0] =	vst v63  }
0x13: {  	_ =	swait.ge [sflag:s11], $0x2710  }
0x14: {  	[sflag:s11] =	ssyncset.done $0x0  }
0x15: {  	[sflag:s11] =	ssyncadd.s32 $0xFFFFD8F0  }
0x16: {  	[spmem:s13], [sflag:s12] =	dma.local [hbm:s6], $0x2BF2  }
0x17: {  	_ =	swait.ge [sflag:s11], $0x2BF2  }
0x18: {  	[sflag:s11] =	ssyncset.done $0x0  }
0x19: {  	[sflag:s11] =	ssyncadd.s32 $0xFFFFD40E  }
0x1a: {  	[bflag:$0x0] =	sbarrier.arrive $0xFFFF  }
0x1b: {  	v0 =	vld [tilespmem:$0x6400];
	_ =	sdelay $0x1  }
0x1c: {  	v1 =	vld [tilespmem:$0x6410];
	_ =	sdelay $0x1  }
0x1d: {  	v2 =	vld [tilespmem:$0x6420]  }
0x1e: {  	v3 =	vshra.s32 v0, $0xE  }
0x1f: {  	v54 =	vld [tilespmem:$0x6430];
	v0 =	vand.u32 $0x3FFF, v0;
	[tilespmem:$0x8B10] =	vst v3  }
0x20: {  	v55 =	vshra.s32 v1, $0xE;
	[tilespmem:$0x8BB0] =	vst v0  }
0x21: {  	v57 =	vld [tilespmem:$0x6440];
	v56 =	vand.u32 $0x3FFF, v1;
	[tilespmem:$0x8B20] =	vst v55  }
0x22: {  	v58 =	vshra.s32 v2, $0xE;
	[tilespmem:$0x8BC0] =	vst v56  }
0x23: {  	v59 =	vand.u32 $0x3FFF, v2;
	[tilespmem:$0x8B30] =	vst v58  }
0x24: {  	v60 =	vshra.s32 v54, $0xE;
	[tilespmem:$0x8BD0] =	vst v59  }
0x25: {  	v61 =	vand.u32 $0x3FFF, v54;
	[tilespmem:$0x8B40] =	vst v60  }
0x26: {  	v62 =	vshra.s32 v57, $0xE;
	[tilespmem:$0x8BE0] =	vst v61  }
0x27: {  	v63 =	vand.u32 $0x3FFF, v57;
	[tilespmem:$0x8B50] =	vst v62  }
0x28: {  	[tilespmem:$0x8BF0] =	vst v63  }
0x29: {  	[tilespmem:s3], [sflag:$0x1] =	stream.indirect.gather [hbm4b:s4+s14], $0x90, s15, s14, $0xb8;
	[tilespmem:$0x1EBE0] =	vst v63  }
0x2a: {  	s25 =	simm.s32 $0x0  }
0x2b: {  	[tilespmem:s17], [sflag:$0x1] =	stream.indirect.gather [hbm4b:s5+s14], $0x10, s16, s14, $0xb8;
	[tilespmem:$0x1EBE0] =	vst v63  }
.LBB2_2:
0x2c: {  	s26 =	smul.u32 $0x280, s25;
	_ =	sdelay $0x1  }
0x2d: {  	s26 =	sshra.s32 s26, $0x2  }
0x2e: {  	v0 =	vld [tilespmem:s26+$0x6450];
	_ =	sdelay $0x4  }
0x2f: {  	v1 =	vshra.s32 v0, $0xE  }
0x30: {  	v0 =	vand.u32 $0x3FFF, v0;
	[tilespmem:$0x8B60] =	vst v1  }
0x31: {  	[tilespmem:$0x8C00] =	vst v0  }
0x32: {  	v0 =	vld [tilespmem:s26+$0x6460];
	_ =	sdelay $0x4  }
0x33: {  	v1 =	vshra.s32 v0, $0xE  }
0x34: {  	v0 =	vand.u32 $0x3FFF, v0;
	[tilespmem:$0x8B70] =	vst v1  }
0x35: {  	[tilespmem:$0x8C10] =	vst v0  }
0x36: {  	v0 =	vld [tilespmem:s26+$0x6470];
	_ =	sdelay $0x4  }
0x37: {  	v1 =	vshra.s32 v0, $0xE  }
0x38: {  	v0 =	vand.u32 $0x3FFF, v0;
	[tilespmem:$0x8B80] =	vst v1  }
0x39: {  	[tilespmem:$0x8C20] =	vst v0  }
0x3a: {  	v0 =	vld [tilespmem:s26+$0x6480];
	_ =	sdelay $0x4  }
0x3b: {  	v1 =	vshra.s32 v0, $0xE  }
0x3c: {  	v0 =	vand.u32 $0x3FFF, v0;
	[tilespmem:$0x8B90] =	vst v1  }
0x3d: {  	[tilespmem:$0x8C30] =	vst v0  }
0x3e: {  	v0 =	vld [tilespmem:s26+$0x6490];
	_ =	sdelay $0x4  }
0x3f: {  	v1 =	vshra.s32 v0, $0xE  }
0x40: {  	v0 =	vand.u32 $0x3FFF, v0;
	[tilespmem:$0x8BA0] =	vst v1  }
0x41: {  	[tilespmem:$0x8C40] =	vst v0  }
0x42: {  	[tilespmem:s19], [sflag:$0x2] =	stream.indirect.gather [hbm4b:s4+s14], $0x90, s18, s14, $0xb8;
	[tilespmem:$0x1EBE0] =	vst v63  }
0x43: {  	_ = 	snop  }
0x44: {  	[tilespmem:s21], [sflag:$0x2] =	stream.indirect.gather [hbm4b:s5+s14], $0x10, s20, s14, $0xb8;
	[tilespmem:$0x1EBE0] =	vst v63  }
0x45: {  	_ =	swait.ge [sflag:s22], $0x2D00  }
0x46: {  	[sflag:s22] =	ssyncset.done $0x0  }
0x47: {  	[sflag:s22] =	ssyncadd.s32 $0xFFFFD300  }
0x48: {  	_ =	swait.ge [sflag:s22], $0x500  }
0x49: {  	[sflag:s22] =	ssyncset.done $0x0  }
0x4a: {  	s28 =	simm.s32 $0x90;
	[sflag:s22] =	ssyncadd.s32 $0xFFFFFB00  }
0x4b: {  	s29 =	simm.s32 $0x5A10;
	v0 =	vld [tilespmem:s28+$0xFFFFFFF0]  }
0x4c: {  	v1 =	vld [tilespmem:s29+$0xFFFFFFF0];
	_ =	sdelay $0x4  }
0x4d: {  	v0 =	vadd.f32 v1, v0;
	_ =	sdelay $0x1  }
0x4e: {  	v1 =	vmul.f32 $2.000000030e-01, v0;
	_ =	sdelay $0x1  }
0x4f: {  	v0 =	vmax.f32 v0, v1  }
0x50: {  	v0 =	vmul.f32 $1.442695020e+00, v0;
	_ =	sdelay $0x1  }
0x51: {  	(erf) = vpow2.f32 v0;
	_ =	sdelay $0x4  }
0x52: {  	v3 =	vld [tilespmem:s28+$0xFFFFFF80]  }
0x53: {  	v4 =	vld [tilespmem:s28+$0xFFFFFFE0]  }
0x54: {  	v5 =	vld [tilespmem:s28+$0xFFFFFFD0]  }
0x55: {  	v2 =	vld [tilespmem:s28+$0xFFFFFFC0]  }
0x56: {  	v6 =	vld [tilespmem:s28+$0xFFFFFF70];
	v8 =	vpop (erf)  }
0x57: {  	v7 =	vld [tilespmem:s28+$0xFFFFFFA0];
	v3 =	vmul.f32 v8, v3  }
0x58: {  	v9 =	vld [tilespmem:s28+$0xFFFFFF90];
	v4 =	vmul.f32 v4, v8;
	[tilespmem:s28+$0xFFFFFFF0] =	vst v8  }
0x59: {  	v10 =	vld [tilespmem:s28+$0xFFFFFFB0];
	v5 =	vmul.f32 v5, v8;
	[tilespmem:s28+$0xFFFFFF80] =	vst v3  }
0x5a: {  	v2 =	vmul.f32 v2, v8;
	[tilespmem:s28+$0xFFFFFFE0] =	vst v4  }
0x5b: {  	v3 =	vmul.f32 v8, v6;
	[tilespmem:s28+$0xFFFFFFD0] =	vst v5  }
0x5c: {  	v4 =	vmul.f32 v7, v8;
	[tilespmem:s28+$0xFFFFFFC0] =	vst v2  }
0x5d: {  	v5 =	vmul.f32 v8, v9;
	[tilespmem:s28+$0xFFFFFF70] =	vst v3  }
0x5e: {  	v3 =	vmul.f32 v10, v8;
	[tilespmem:s28+$0xFFFFFFA0] =	vst v4  }
0x5f: {  	[tilespmem:s28+$0xFFFFFF90] =	vst v5  }
0x60: {  	v2 =	vld [tilespmem:s28+$0x80];
	[tilespmem:s28+$0xFFFFFFB0] =	vst v3  }
0x61: {  	v3 =	vld [tilespmem:s29+$0x0];
	_ =	sdelay $0x4  }
0x62: {  	v2 =	vadd.f32 v3, v2;
	_ =	sdelay $0x1  }
0x63: {  	v3 =	vmul.f32 $2.000000030e-01, v2;
	_ =	sdelay $0x1  }
0x64: {  	v2 =	vmax.f32 v2, v3  }
0x65: {  	v3 =	vmul.f32 $1.442695020e+00, v2;
	_ =	sdelay $0x1  }
0x66: {  	(erf) = vpow2.f32 v3  }
0x67: {  	v1 =	vld [tilespmem:s28+$0x10]  }
0x68: {  	v0 =	vld [tilespmem:s28+$0x0]  }
0x69: {  	v2 =	vld [tilespmem:s28+$0x30]  }
0x6a: {  	s30 =	simm.s32 $0x0;
	s31 =	simm.s32 $0x90;
	v3 =	vld [tilespmem:s28+$0x20]  }
.LBB2_3:
0x6b: {  	s30 =	sadd.s32 $0x2, s30;
	v4 =	vld [tilespmem:s28+$0x60];
	s29 =	sadd.s32 $0x20, s29;
	s31 =	sadd.s32 $0x120, s31  }
0x6c: {  	p0 =	slt.u32 s30, $0x4E;
	v5 =	vld [tilespmem:s28+$0x50]  }
0x6d: {  	v6 =	vld [tilespmem:s28+$0x40]  }
0x6e: {  	v7 =	vld [tilespmem:s28+$0x70]  }
0x6f: {  	v8 =	vpop (erf)  }
0x70: {  	v0 =	vmul.f32 v8, v0;
	v1 =	vmul.f32 v8, v1;
	[tilespmem:s28+$0x80] =	vst v8  }
0x71: {  	v3 =	vmul.f32 v8, v3;
	v2 =	vmul.f32 v2, v8  }
0x72: {  	v5 =	vmul.f32 v5, v8;
	[tilespmem:s28+$0x0] =	vst v0;
	v6 =	vmul.f32 v6, v8  }
0x73: {  	v0 =	vld [tilespmem:s31+$0x0];
	[tilespmem:s28+$0x30] =	vst v2;
	v2 =	vmul.f32 v4, v8;
	v4 =	vmul.f32 v7, v8  }
0x74: {  	[tilespmem:s28+$0x20] =	vst v3  }
0x75: {  	[tilespmem:s28+$0x50] =	vst v5  }
0x76: {  	[tilespmem:s28+$0x60] =	vst v2  }
0x77: {  	[tilespmem:s28+$0x10] =	vst v1  }
0x78: {  	v1 =	vld [tilespmem:s31+$0x10];
	[tilespmem:s28+$0x70] =	vst v4  }
0x79: {  	v2 =	vld [tilespmem:s31+$0xFFFFFFF0];
	[tilespmem:s28+$0x40] =	vst v6;
	s28 =	smov.u32 s31  }
0x7a: {  	v3 =	vld [tilespmem:s29+$0xFFFFFFF0];
	_ =	sdelay $0x4  }
0x7b: {  	v2 =	vadd.f32 v3, v2;
	_ =	sdelay $0x1  }
0x7c: {  	v3 =	vmul.f32 $2.000000030e-01, v2;
	_ =	sdelay $0x1  }
0x7d: {  	v2 =	vmax.f32 v2, v3  }
0x7e: {  	v2 =	vmul.f32 $1.442695020e+00, v2;
	_ =	sdelay $0x1  }
0x7f: {  	(erf) = vpow2.f32 v2  }
0x80: {  	v2 =	vld [tilespmem:s31+$0xFFFFFFC0]  }
0x81: {  	v3 =	vld [tilespmem:s31+$0xFFFFFFA0]  }
0x82: {  	v4 =	vld [tilespmem:s31+$0xFFFFFFD0]  }
0x83: {  	v5 =	vld [tilespmem:s31+$0xFFFFFFE0]  }
0x84: {  	v6 =	vld [tilespmem:s31+$0xFFFFFF80]  }
0x85: {  	v7 =	vld [tilespmem:s31+$0xFFFFFF70]  }
0x86: {  	v8 =	vld [tilespmem:s31+$0xFFFFFF90]  }
0x87: {  	v9 =	vld [tilespmem:s31+$0xFFFFFFB0]  }
0x88: {  	v10 =	vpop (erf)  }
0x89: {  	v6 =	vmul.f32 v10, v6;
	v5 =	vmul.f32 v5, v10;
	[tilespmem:s31+$0xFFFFFFF0] =	vst v10  }
0x8a: {  	v4 =	vmul.f32 v4, v10;
	v7 =	vmul.f32 v10, v7  }
0x8b: {  	v3 =	vmul.f32 v3, v10;
	[tilespmem:s31+$0xFFFFFF80] =	vst v6;
	v6 =	vmul.f32 v10, v8  }
0x8c: {  	v2 =	vmul.f32 v2, v10;
	v8 =	vmul.f32 v9, v10;
	[tilespmem:s31+$0xFFFFFFE0] =	vst v5  }
0x8d: {  	[tilespmem:s31+$0xFFFFFFD0] =	vst v4  }
0x8e: {  	[tilespmem:s31+$0xFFFFFF70] =	vst v7  }
0x8f: {  	[tilespmem:s31+$0xFFFFFFA0] =	vst v3  }
0x90: {  	[tilespmem:s31+$0xFFFFFF90] =	vst v6  }
0x91: {  	[tilespmem:s31+$0xFFFFFFB0] =	vst v8  }
0x92: {  	[tilespmem:s31+$0xFFFFFFC0] =	vst v2;
	v2 =	vld [tilespmem:s31+$0x80]  }
0x93: {  	v3 =	vld [tilespmem:s29+$0x0];
	_ =	sdelay $0x4  }
0x94: {  	v2 =	vadd.f32 v3, v2;
	_ =	sdelay $0x1  }
0x95: {  	v3 =	vmul.f32 $2.000000030e-01, v2;
	_ =	sdelay $0x1  }
0x96: {  	v2 =	vmax.f32 v2, v3  }
0x97: {  	v2 =	vmul.f32 $1.442695020e+00, v2;
	_ =	sdelay $0x1  }
.Ltmp0:
0x98: {  	(erf) = vpow2.f32 v2;
	(pc) =	sbr.rel @p0 .LBB2_3-.Ltmp0, $3  }
0x99: {  	_ =	sdelay $0x1  }
0x9a: {  	v2 =	vld [tilespmem:s31+$0x30]  }
0x9b: {  	v3 =	vld [tilespmem:s31+$0x20]  }
0x9c: {  	_ =	sdelay $0x3  }
0x9d: {  	v4 =	vld [tilespmem:s28+$0x50];
	v6 =	vpop (erf)  }
0x9e: {  	v5 =	vld [tilespmem:s28+$0x60];
	v0 =	vmul.f32 v6, v0  }
0x9f: {  	v7 =	vld [tilespmem:s28+$0x70];
	[tilespmem:s28+$0x80] =	vst v6;
	v2 =	vmul.f32 v2, v6  }
0xa0: {  	v8 =	vld [tilespmem:s28+$0x40];
	v3 =	vmul.f32 v6, v3;
	[tilespmem:s28+$0x0] =	vst v0  }
0xa1: {  	v1 =	vmul.f32 v6, v1;
	[tilespmem:s28+$0x30] =	vst v2  }
0xa2: {  	v0 =	vmul.f32 v4, v6;
	[tilespmem:s28+$0x20] =	vst v3  }
0xa3: {  	v2 =	vmul.f32 v5, v6;
	[tilespmem:s28+$0x10] =	vst v1  }
0xa4: {  	[tilespmem:s28+$0x50] =	vst v0;
	v0 =	vmul.f32 v7, v6  }
0xa5: {  	[tilespmem:s28+$0x60] =	vst v2;
	v2 =	vmul.f32 v8, v6  }
0xa6: {  	[tilespmem:s28+$0x70] =	vst v0  }
0xa7: {  	[tilespmem:s28+$0x40] =	vst v2  }
0xa8: {  	[spmem:s1] =	stream.indirect.scatter.add.f32 [tilespmem:s3], [sflag:$0x3], $0x90, s16, s14, $0xb8;
	[tilespmem:$0x1EBE0] =	vst v63  }
0xa9: {  	_ =	swait.ge [sflag:s11], $0x2D00  }
0xaa: {  	[sflag:s11] =	ssyncset.done $0x0  }
0xab: {  	[sflag:s11] =	ssyncadd.s32 $0xFFFFD300  }
0xac: {  	v0 =	vld [tilespmem:s26+$0x64A0];
	_ =	sdelay $0x4  }
0xad: {  	v1 =	vshra.s32 v0, $0xE  }
0xae: {  	v0 =	vand.u32 $0x3FFF, v0;
	[tilespmem:$0x8B10] =	vst v1  }
0xaf: {  	[tilespmem:$0x8BB0] =	vst v0  }
0xb0: {  	v0 =	vld [tilespmem:s26+$0x64B0];
	_ =	sdelay $0x4  }
0xb1: {  	v1 =	vshra.s32 v0, $0xE  }
0xb2: {  	v0 =	vand.u32 $0x3FFF, v0;
	[tilespmem:$0x8B20] =	vst v1  }
0xb3: {  	[tilespmem:$0x8BC0] =	vst v0  }
0xb4: {  	v0 =	vld [tilespmem:s26+$0x64C0];
	_ =	sdelay $0x4  }
0xb5: {  	v1 =	vshra.s32 v0, $0xE  }
0xb6: {  	v0 =	vand.u32 $0x3FFF, v0;
	[tilespmem:$0x8B30] =	vst v1  }
0xb7: {  	[tilespmem:$0x8BD0] =	vst v0  }
0xb8: {  	v0 =	vld [tilespmem:s26+$0x64D0];
	_ =	sdelay $0x4  }
0xb9: {  	v1 =	vshra.s32 v0, $0xE  }
0xba: {  	v0 =	vand.u32 $0x3FFF, v0;
	[tilespmem:$0x8B40] =	vst v1  }
0xbb: {  	[tilespmem:$0x8BE0] =	vst v0  }
0xbc: {  	v0 =	vld [tilespmem:s26+$0x64E0];
	_ =	sdelay $0x4  }
0xbd: {  	v1 =	vshra.s32 v0, $0xE  }
0xbe: {  	v0 =	vand.u32 $0x3FFF, v0;
	[tilespmem:$0x8B50] =	vst v1  }
0xbf: {  	[tilespmem:$0x8BF0] =	vst v0  }
0xc0: {  	[tilespmem:s3], [sflag:$0x1] =	stream.indirect.gather [hbm4b:s4+s14], $0x90, s15, s14, $0xb8;
	[tilespmem:$0x1EBE0] =	vst v63  }
0xc1: {  	_ = 	snop  }
0xc2: {  	[tilespmem:s17], [sflag:$0x1] =	stream.indirect.gather [hbm4b:s5+s14], $0x10, s16, s14, $0xb8;
	[tilespmem:$0x1EBE0] =	vst v63  }
0xc3: {  	_ =	swait.ge [sflag:s23], $0x2D00  }
0xc4: {  	[sflag:s23] =	ssyncset.done $0x0  }
0xc5: {  	[sflag:s23] =	ssyncadd.s32 $0xFFFFD300  }
0xc6: {  	_ =	swait.ge [sflag:s23], $0x500  }
0xc7: {  	[sflag:s23] =	ssyncset.done $0x0  }
0xc8: {  	s26 =	simm.s32 $0x2D90;
	[sflag:s23] =	ssyncadd.s32 $0xFFFFFB00  }
0xc9: {  	s28 =	simm.s32 $0x5F10;
	v0 =	vld [tilespmem:s26+$0xFFFFFFF0]  }
0xca: {  	v1 =	vld [tilespmem:s28+$0xFFFFFFF0];
	_ =	sdelay $0x4  }
0xcb: {  	v0 =	vadd.f32 v1, v0;
	_ =	sdelay $0x1  }
0xcc: {  	v1 =	vmul.f32 $2.000000030e-01, v0;
	_ =	sdelay $0x1  }
0xcd: {  	v0 =	vmax.f32 v0, v1  }
0xce: {  	v0 =	vmul.f32 $1.442695020e+00, v0;
	_ =	sdelay $0x1  }
0xcf: {  	(erf) = vpow2.f32 v0;
	_ =	sdelay $0x4  }
0xd0: {  	v3 =	vld [tilespmem:s26+$0xFFFFFF80]  }
0xd1: {  	v4 =	vld [tilespmem:s26+$0xFFFFFFE0]  }
0xd2: {  	v5 =	vld [tilespmem:s26+$0xFFFFFFD0]  }
0xd3: {  	v2 =	vld [tilespmem:s26+$0xFFFFFFC0]  }
0xd4: {  	v61 =	vld [tilespmem:s26+$0xFFFFFF70];
	v63 =	vpop (erf)  }
0xd5: {  	v62 =	vld [tilespmem:s26+$0xFFFFFFA0];
	v3 =	vmul.f32 v63, v3  }
0xd6: {  	v9 =	vld [tilespmem:s26+$0xFFFFFF90];
	v4 =	vmul.f32 v4, v63;
	[tilespmem:s26+$0xFFFFFFF0] =	vst v63  }
0xd7: {  	v10 =	vld [tilespmem:s26+$0xFFFFFFB0];
	v5 =	vmul.f32 v5, v63;
	[tilespmem:s26+$0xFFFFFF80] =	vst v3  }
0xd8: {  	v2 =	vmul.f32 v2, v63;
	[tilespmem:s26+$0xFFFFFFE0] =	vst v4  }
0xd9: {  	v3 =	vmul.f32 v63, v61;
	[tilespmem:s26+$0xFFFFFFD0] =	vst v5  }
0xda: {  	v4 =	vmul.f32 v62, v63;
	[tilespmem:s26+$0xFFFFFFC0] =	vst v2  }
0xdb: {  	v5 =	vmul.f32 v63, v9;
	[tilespmem:s26+$0xFFFFFF70] =	vst v3  }
0xdc: {  	v3 =	vmul.f32 v10, v63;
	[tilespmem:s26+$0xFFFFFFA0] =	vst v4  }
0xdd: {  	[tilespmem:s26+$0xFFFFFF90] =	vst v5  }
0xde: {  	v2 =	vld [tilespmem:s26+$0x80];
	[tilespmem:s26+$0xFFFFFFB0] =	vst v3  }
0xdf: {  	v3 =	vld [tilespmem:s28+$0x0];
	_ =	sdelay $0x4  }
0xe0: {  	v2 =	vadd.f32 v3, v2;
	_ =	sdelay $0x1  }
0xe1: {  	v3 =	vmul.f32 $2.000000030e-01, v2;
	_ =	sdelay $0x1  }
0xe2: {  	v2 =	vmax.f32 v2, v3  }
0xe3: {  	v3 =	vmul.f32 $1.442695020e+00, v2;
	_ =	sdelay $0x1  }
0xe4: {  	(erf) = vpow2.f32 v3  }
0xe5: {  	v1 =	vld [tilespmem:s26+$0x10]  }
0xe6: {  	v0 =	vld [tilespmem:s26+$0x0]  }
0xe7: {  	v2 =	vld [tilespmem:s26+$0x30]  }
0xe8: {  	s29 =	simm.s32 $0x0;
	s30 =	simm.s32 $0x2D90;
	v3 =	vld [tilespmem:s26+$0x20]  }
.LBB2_5:
0xe9: {  	s29 =	sadd.s32 $0x2, s29;
	v4 =	vld [tilespmem:s26+$0x60];
	s28 =	sadd.s32 $0x20, s28;
	s30 =	sadd.s32 $0x120, s30  }
0xea: {  	p0 =	slt.u32 s29, $0x4E;
	v5 =	vld [tilespmem:s26+$0x50]  }
0xeb: {  	v6 =	vld [tilespmem:s26+$0x40]  }
0xec: {  	v7 =	vld [tilespmem:s26+$0x70]  }
0xed: {  	v8 =	vpop (erf)  }
0xee: {  	v0 =	vmul.f32 v8, v0;
	v1 =	vmul.f32 v8, v1;
	[tilespmem:s26+$0x80] =	vst v8  }
0xef: {  	v3 =	vmul.f32 v8, v3;
	v2 =	vmul.f32 v2, v8  }
0xf0: {  	v5 =	vmul.f32 v5, v8;
	[tilespmem:s26+$0x0] =	vst v0;
	v6 =	vmul.f32 v6, v8  }
0xf1: {  	v0 =	vld [tilespmem:s30+$0x0];
	[tilespmem:s26+$0x30] =	vst v2;
	v2 =	vmul.f32 v4, v8;
	v4 =	vmul.f32 v7, v8  }
0xf2: {  	[tilespmem:s26+$0x20] =	vst v3  }
0xf3: {  	[tilespmem:s26+$0x50] =	vst v5  }
0xf4: {  	[tilespmem:s26+$0x60] =	vst v2  }
0xf5: {  	[tilespmem:s26+$0x10] =	vst v1  }
0xf6: {  	v1 =	vld [tilespmem:s30+$0x10];
	[tilespmem:s26+$0x70] =	vst v4  }
0xf7: {  	v2 =	vld [tilespmem:s30+$0xFFFFFFF0];
	[tilespmem:s26+$0x40] =	vst v6;
	s26 =	smov.u32 s30  }
0xf8: {  	v3 =	vld [tilespmem:s28+$0xFFFFFFF0];
	_ =	sdelay $0x4  }
0xf9: {  	v2 =	vadd.f32 v3, v2;
	_ =	sdelay $0x1  }
0xfa: {  	v3 =	vmul.f32 $2.000000030e-01, v2;
	_ =	sdelay $0x1  }
0xfb: {  	v2 =	vmax.f32 v2, v3  }
0xfc: {  	v2 =	vmul.f32 $1.442695020e+00, v2;
	_ =	sdelay $0x1  }
0xfd: {  	(erf) = vpow2.f32 v2  }
0xfe: {  	v2 =	vld [tilespmem:s30+$0xFFFFFFC0]  }
0xff: {  	v3 =	vld [tilespmem:s30+$0xFFFFFFA0]  }
0x100: {  	v4 =	vld [tilespmem:s30+$0xFFFFFFD0]  }
0x101: {  	v5 =	vld [tilespmem:s30+$0xFFFFFFE0]  }
0x102: {  	v6 =	vld [tilespmem:s30+$0xFFFFFF80]  }
0x103: {  	v7 =	vld [tilespmem:s30+$0xFFFFFF70]  }
0x104: {  	v8 =	vld [tilespmem:s30+$0xFFFFFF90]  }
0x105: {  	v9 =	vld [tilespmem:s30+$0xFFFFFFB0]  }
0x106: {  	v10 =	vpop (erf)  }
0x107: {  	v6 =	vmul.f32 v10, v6;
	v5 =	vmul.f32 v5, v10;
	[tilespmem:s30+$0xFFFFFFF0] =	vst v10  }
0x108: {  	v4 =	vmul.f32 v4, v10;
	v7 =	vmul.f32 v10, v7  }
0x109: {  	v3 =	vmul.f32 v3, v10;
	[tilespmem:s30+$0xFFFFFF80] =	vst v6;
	v6 =	vmul.f32 v10, v8  }
0x10a: {  	v2 =	vmul.f32 v2, v10;
	v8 =	vmul.f32 v9, v10;
	[tilespmem:s30+$0xFFFFFFE0] =	vst v5  }
0x10b: {  	[tilespmem:s30+$0xFFFFFFD0] =	vst v4  }
0x10c: {  	[tilespmem:s30+$0xFFFFFF70] =	vst v7  }
0x10d: {  	[tilespmem:s30+$0xFFFFFFA0] =	vst v3  }
0x10e: {  	[tilespmem:s30+$0xFFFFFF90] =	vst v6  }
0x10f: {  	[tilespmem:s30+$0xFFFFFFB0] =	vst v8  }
0x110: {  	[tilespmem:s30+$0xFFFFFFC0] =	vst v2;
	v2 =	vld [tilespmem:s30+$0x80]  }
0x111: {  	v3 =	vld [tilespmem:s28+$0x0];
	_ =	sdelay $0x4  }
0x112: {  	v2 =	vadd.f32 v3, v2;
	_ =	sdelay $0x1  }
0x113: {  	v3 =	vmul.f32 $2.000000030e-01, v2;
	_ =	sdelay $0x1  }
0x114: {  	v2 =	vmax.f32 v2, v3  }
0x115: {  	v2 =	vmul.f32 $1.442695020e+00, v2;
	_ =	sdelay $0x1  }
.Ltmp1:
0x116: {  	(erf) = vpow2.f32 v2;
	(pc) =	sbr.rel @p0 .LBB2_5-.Ltmp1, $3  }
0x117: {  	_ =	sdelay $0x1  }
0x118: {  	v2 =	vld [tilespmem:s30+$0x30]  }
0x119: {  	v3 =	vld [tilespmem:s30+$0x20]  }
0x11a: {  	_ =	sdelay $0x2  }
0x11b: {  	v4 =	vld [tilespmem:s26+$0x50]  }
0x11c: {  	v5 =	vld [tilespmem:s26+$0x60];
	v6 =	vpop (erf)  }
0x11d: {  	v0 =	vmul.f32 v6, v0  }
0x11e: {  	v7 =	vld [tilespmem:s26+$0x70];
	[tilespmem:s26+$0x80] =	vst v6;
	v2 =	vmul.f32 v2, v6  }
0x11f: {  	v8 =	vld [tilespmem:s26+$0x40];
	v3 =	vmul.f32 v6, v3;
	[tilespmem:s26+$0x0] =	vst v0  }
0x120: {  	v60 =	vmul.f32 v4, v6;
	[tilespmem:s26+$0x30] =	vst v2  }
0x121: {  	v61 =	vmul.f32 v5, v6;
	[tilespmem:s26+$0x20] =	vst v3  }
0x122: {  	v1 =	vmul.f32 v6, v1;
	[tilespmem:s26+$0x50] =	vst v60  }
0x123: {  	v62 =	vmul.f32 v7, v6;
	[tilespmem:s26+$0x60] =	vst v61  }
0x124: {  	s25 =	sadd.s32 $0x1, s25;
	v63 =	vmul.f32 v8, v6;
	[tilespmem:s26+$0x10] =	vst v1  }
0x125: {  	p0 =	sne.s32 s25, $0x3E;
	[tilespmem:s26+$0x70] =	vst v62  }
.Ltmp2:
0x126: {  	[tilespmem:s26+$0x40] =	vst v63;
	(pc) =	sbr.rel @p0 .LBB2_2-.Ltmp2, $4  }
0x127: {  	[spmem:s1] =	stream.indirect.scatter.add.f32 [tilespmem:s19], [sflag:$0x3], $0x90, s20, s14, $0xb8;
	[tilespmem:$0x1EBE0] =	vst v63  }
0x128: {  	_ =	swait.ge [sflag:s11], $0x2D00  }
0x129: {  	[sflag:s11] =	ssyncset.done $0x0  }
0x12a: {  	[sflag:s11] =	ssyncadd.s32 $0xFFFFD300  }
0x12b: {  	_ =	swait.ge [sflag:s22], $0x2D00  }
0x12c: {  	[sflag:s22] =	ssyncset.done $0x0  }
0x12d: {  	[sflag:s22] =	ssyncadd.s32 $0xFFFFD300  }
0x12e: {  	_ =	swait.ge [sflag:s22], $0x500  }
0x12f: {  	[sflag:s22] =	ssyncset.done $0x0  }
0x130: {  	s25 =	simm.s32 $0x90;
	[sflag:s22] =	ssyncadd.s32 $0xFFFFFB00  }
0x131: {  	s26 =	simm.s32 $0x5A10;
	v0 =	vld [tilespmem:s25+$0xFFFFFFF0]  }
0x132: {  	v1 =	vld [tilespmem:s26+$0xFFFFFFF0];
	_ =	sdelay $0x4  }
0x133: {  	v0 =	vadd.f32 v1, v0;
	_ =	sdelay $0x1  }
0x134: {  	v1 =	vmul.f32 $2.000000030e-01, v0;
	_ =	sdelay $0x1  }
0x135: {  	v0 =	vmax.f32 v0, v1  }
0x136: {  	v0 =	vmul.f32 $1.442695020e+00, v0;
	_ =	sdelay $0x1  }
0x137: {  	(erf) = vpow2.f32 v0;
	_ =	sdelay $0x4  }
0x138: {  	v3 =	vld [tilespmem:s25+$0xFFFFFF80]  }
0x139: {  	v4 =	vld [tilespmem:s25+$0xFFFFFFE0]  }
0x13a: {  	v5 =	vld [tilespmem:s25+$0xFFFFFFD0]  }
0x13b: {  	v2 =	vld [tilespmem:s25+$0xFFFFFFC0]  }
0x13c: {  	v6 =	vld [tilespmem:s25+$0xFFFFFF70];
	v8 =	vpop (erf)  }
0x13d: {  	v7 =	vld [tilespmem:s25+$0xFFFFFFA0];
	v3 =	vmul.f32 v8, v3  }
0x13e: {  	v9 =	vld [tilespmem:s25+$0xFFFFFF90];
	v4 =	vmul.f32 v4, v8;
	[tilespmem:s25+$0xFFFFFFF0] =	vst v8  }
0x13f: {  	v10 =	vld [tilespmem:s25+$0xFFFFFFB0];
	v5 =	vmul.f32 v5, v8;
	[tilespmem:s25+$0xFFFFFF80] =	vst v3  }
0x140: {  	v2 =	vmul.f32 v2, v8;
	[tilespmem:s25+$0xFFFFFFE0] =	vst v4  }
0x141: {  	v3 =	vmul.f32 v8, v6;
	[tilespmem:s25+$0xFFFFFFD0] =	vst v5  }
0x142: {  	v4 =	vmul.f32 v7, v8;
	[tilespmem:s25+$0xFFFFFFC0] =	vst v2  }
0x143: {  	v5 =	vmul.f32 v8, v9;
	[tilespmem:s25+$0xFFFFFF70] =	vst v3  }
0x144: {  	v3 =	vmul.f32 v10, v8;
	[tilespmem:s25+$0xFFFFFFA0] =	vst v4  }
0x145: {  	[tilespmem:s25+$0xFFFFFF90] =	vst v5  }
0x146: {  	v2 =	vld [tilespmem:s25+$0x80];
	[tilespmem:s25+$0xFFFFFFB0] =	vst v3  }
0x147: {  	v3 =	vld [tilespmem:s26+$0x0];
	_ =	sdelay $0x4  }
0x148: {  	v2 =	vadd.f32 v3, v2;
	_ =	sdelay $0x1  }
0x149: {  	v3 =	vmul.f32 $2.000000030e-01, v2;
	_ =	sdelay $0x1  }
0x14a: {  	v2 =	vmax.f32 v2, v3  }
0x14b: {  	v3 =	vmul.f32 $1.442695020e+00, v2;
	_ =	sdelay $0x1  }
0x14c: {  	(erf) = vpow2.f32 v3  }
0x14d: {  	v1 =	vld [tilespmem:s25+$0x10]  }
0x14e: {  	v0 =	vld [tilespmem:s25+$0x0]  }
0x14f: {  	v2 =	vld [tilespmem:s25+$0x30]  }
0x150: {  	s28 =	simm.s32 $0x0;
	s29 =	simm.s32 $0x90;
	v3 =	vld [tilespmem:s25+$0x20]  }
.LBB2_8:
0x151: {  	s28 =	sadd.s32 $0x2, s28;
	v4 =	vld [tilespmem:s25+$0x60];
	s26 =	sadd.s32 $0x20, s26;
	s29 =	sadd.s32 $0x120, s29  }
0x152: {  	p0 =	slt.u32 s28, $0x4E;
	v5 =	vld [tilespmem:s25+$0x50]  }
0x153: {  	v6 =	vld [tilespmem:s25+$0x40]  }
0x154: {  	v7 =	vld [tilespmem:s25+$0x70]  }
0x155: {  	v8 =	vpop (erf)  }
0x156: {  	v0 =	vmul.f32 v8, v0;
	v1 =	vmul.f32 v8, v1;
	[tilespmem:s25+$0x80] =	vst v8  }
0x157: {  	v3 =	vmul.f32 v8, v3;
	v2 =	vmul.f32 v2, v8  }
0x158: {  	v5 =	vmul.f32 v5, v8;
	[tilespmem:s25+$0x0] =	vst v0;
	v6 =	vmul.f32 v6, v8  }
0x159: {  	v0 =	vld [tilespmem:s29+$0x0];
	[tilespmem:s25+$0x30] =	vst v2;
	v2 =	vmul.f32 v4, v8;
	v4 =	vmul.f32 v7, v8  }
0x15a: {  	[tilespmem:s25+$0x20] =	vst v3  }
0x15b: {  	[tilespmem:s25+$0x50] =	vst v5  }
0x15c: {  	[tilespmem:s25+$0x60] =	vst v2  }
0x15d: {  	[tilespmem:s25+$0x10] =	vst v1  }
0x15e: {  	v1 =	vld [tilespmem:s29+$0x10];
	[tilespmem:s25+$0x70] =	vst v4  }
0x15f: {  	v2 =	vld [tilespmem:s29+$0xFFFFFFF0];
	[tilespmem:s25+$0x40] =	vst v6;
	s25 =	smov.u32 s29  }
0x160: {  	v3 =	vld [tilespmem:s26+$0xFFFFFFF0];
	_ =	sdelay $0x4  }
0x161: {  	v2 =	vadd.f32 v3, v2;
	_ =	sdelay $0x1  }
0x162: {  	v3 =	vmul.f32 $2.000000030e-01, v2;
	_ =	sdelay $0x1  }
0x163: {  	v2 =	vmax.f32 v2, v3  }
0x164: {  	v2 =	vmul.f32 $1.442695020e+00, v2;
	_ =	sdelay $0x1  }
0x165: {  	(erf) = vpow2.f32 v2  }
0x166: {  	v2 =	vld [tilespmem:s29+$0xFFFFFFC0]  }
0x167: {  	v3 =	vld [tilespmem:s29+$0xFFFFFFA0]  }
0x168: {  	v4 =	vld [tilespmem:s29+$0xFFFFFFD0]  }
0x169: {  	v5 =	vld [tilespmem:s29+$0xFFFFFFE0]  }
0x16a: {  	v6 =	vld [tilespmem:s29+$0xFFFFFF80]  }
0x16b: {  	v7 =	vld [tilespmem:s29+$0xFFFFFF70]  }
0x16c: {  	v8 =	vld [tilespmem:s29+$0xFFFFFF90]  }
0x16d: {  	v9 =	vld [tilespmem:s29+$0xFFFFFFB0]  }
0x16e: {  	v10 =	vpop (erf)  }
0x16f: {  	v6 =	vmul.f32 v10, v6;
	v5 =	vmul.f32 v5, v10;
	[tilespmem:s29+$0xFFFFFFF0] =	vst v10  }
0x170: {  	v4 =	vmul.f32 v4, v10;
	v7 =	vmul.f32 v10, v7  }
0x171: {  	v3 =	vmul.f32 v3, v10;
	[tilespmem:s29+$0xFFFFFF80] =	vst v6;
	v6 =	vmul.f32 v10, v8  }
0x172: {  	v2 =	vmul.f32 v2, v10;
	v8 =	vmul.f32 v9, v10;
	[tilespmem:s29+$0xFFFFFFE0] =	vst v5  }
0x173: {  	[tilespmem:s29+$0xFFFFFFD0] =	vst v4  }
0x174: {  	[tilespmem:s29+$0xFFFFFF70] =	vst v7  }
0x175: {  	[tilespmem:s29+$0xFFFFFFA0] =	vst v3  }
0x176: {  	[tilespmem:s29+$0xFFFFFF90] =	vst v6  }
0x177: {  	[tilespmem:s29+$0xFFFFFFB0] =	vst v8  }
0x178: {  	[tilespmem:s29+$0xFFFFFFC0] =	vst v2;
	v2 =	vld [tilespmem:s29+$0x80]  }
0x179: {  	v3 =	vld [tilespmem:s26+$0x0];
	_ =	sdelay $0x4  }
0x17a: {  	v2 =	vadd.f32 v3, v2;
	_ =	sdelay $0x1  }
0x17b: {  	v3 =	vmul.f32 $2.000000030e-01, v2;
	_ =	sdelay $0x1  }
0x17c: {  	v2 =	vmax.f32 v2, v3  }
0x17d: {  	v2 =	vmul.f32 $1.442695020e+00, v2;
	_ =	sdelay $0x1  }
.Ltmp3:
0x17e: {  	(erf) = vpow2.f32 v2;
	(pc) =	sbr.rel @p0 .LBB2_8-.Ltmp3, $3  }
0x17f: {  	_ =	sdelay $0x1  }
0x180: {  	v2 =	vld [tilespmem:s29+$0x30]  }
0x181: {  	v3 =	vld [tilespmem:s29+$0x20]  }
0x182: {  	_ =	sdelay $0x2  }
0x183: {  	v4 =	vld [tilespmem:s25+$0x50]  }
0x184: {  	v5 =	vld [tilespmem:s25+$0x60];
	v6 =	vpop (erf)  }
0x185: {  	v0 =	vmul.f32 v6, v0  }
0x186: {  	v7 =	vld [tilespmem:s25+$0x70];
	[tilespmem:s25+$0x80] =	vst v6;
	v2 =	vmul.f32 v2, v6  }
0x187: {  	v8 =	vld [tilespmem:s25+$0x40];
	v3 =	vmul.f32 v6, v3;
	[tilespmem:s25+$0x0] =	vst v0  }
0x188: {  	v60 =	vmul.f32 v4, v6;
	[tilespmem:s25+$0x30] =	vst v2  }
0x189: {  	v61 =	vmul.f32 v5, v6;
	[tilespmem:s25+$0x20] =	vst v3  }
0x18a: {  	v1 =	vmul.f32 v6, v1;
	[tilespmem:s25+$0x50] =	vst v60  }
0x18b: {  	v62 =	vmul.f32 v7, v6;
	[tilespmem:s25+$0x60] =	vst v61  }
0x18c: {  	v63 =	vmul.f32 v8, v6;
	[tilespmem:s25+$0x10] =	vst v1  }
0x18d: {  	[tilespmem:s25+$0x70] =	vst v62  }
0x18e: {  	[tilespmem:s25+$0x40] =	vst v63  }
0x18f: {  	[spmem:s1] =	stream.indirect.scatter.add.f32 [tilespmem:s3], [sflag:$0x3], $0x90, s16, s14, $0xb8;
	[tilespmem:$0x1EBE0] =	vst v63  }
0x190: {  	_ =	swait.ge [sflag:s11], $0x2D00  }
0x191: {  	s24 =	sadd.s32 $0x1, s24;
	[sflag:s11] =	ssyncset.done $0x0  }
0x192: {  	p0 =	sne.s32 s24, s8;
	[sflag:s11] =	ssyncadd.s32 $0xFFFFD300  }
.Ltmp4:
0x193: {  	[bflag:$0x0] =	sbarrier.arrive $0xFFFF;
	(pc) =	sbr.rel @p0 .LBB2_1-.Ltmp4, $4  }
0x194: {  	[hbm:s9], [sflag:s12] =	dma.local [spmem:s13], $0x2BF2  }
0x195: {  	_ =	swait.ge [sflag:s11], $0x2BF2  }
0x196: {  	[sflag:s11] =	ssyncset.done $0x0  }
0x197: {  	[sflag:s11] =	ssyncadd.s32 $0xFFFFD40E  }
0x198: {  	_ =	sfence.sel $0x180000  }
0x199: {  	[bflag:$0x0] =	sbarrier.arrive $0xFFFF  }
0x19a: {  	p0 =	sne.s32 s2, $0x0;
	_ =	strace $0x90000047  }
0x19b: {  	s0 =	sadd.s32 @!p0 $0x100000, s0;
	[bflag:$0x2] =	sbarrier.arrive $0xFFFF  }
0x19c: {  	[sflag:s0] =	ssyncadd.tile.s32 @!p0 $0x1;
	_ =	shalt  }
.Lfunc_end2:
_tile_overlayer_lowered:
.L_overlay_start_2:
0x19d: {  	(tag) =	ssettag $0x2  }
0x19e: {  	s0 =	rddreg [dreg:$0x0];
	s2 =	stileid.u32  }
0x19f: {  	s1 =	rddreg [dreg:$0x1];
	p0 =	sne.s32 s2, $0x0  }
0x1a0: {  	s3 =	rddreg [dreg:$0x2];
	[bflag:$0x3] =	sbarrier.arrive $0xFFFF;
	s2 =	simm.s32 @!p0 $0x1C03  }
0x1a1: {  	[timem:s3], [sflag:s2] =	dma.local @!p0 [hbm:s0], s1  }
0x1a2: {  	s0 =	simm.s32 @!p0 $0x3  }
0x1a3: {  	_ =	swait.ge @!p0 [sflag:s0], s1  }
0x1a4: {  	s1 =	ssub.s32 @!p0 $0x0, s1;
	[sflag:s0] =	ssyncset.done @!p0 $0x0  }
0x1a5: {  	[sflag:s0] =	ssyncadd.s32 @!p0 s1  }
0x1a6: {  	[bflag:$0x3] =	sbarrier.arrive $0xFFFF  }
0x1a7: {  	_ =	shalt  }

</sc_bundles>
